<compile_context>
chip_gen: v7x
topology: tpu7x:2x2x1
jax: 0.10.2.dev20260603
libtpu: 0.0.44.dev20260713+nightly
codegen_flags: <defaults>
</compile_context>

<pallas_src>
import functools

import jax
import jax.numpy as jnp
from jax import lax
from jax.experimental import pallas as pl
from jax.experimental.pallas import tpu as pltpu
from jax.experimental.pallas import tpu_sc as plsc

VOCAB = 30522
D = 768
L = 128
B = 1024
BL = B * L
NW = 32
BPW = BL // NW
PPW = L // NW
CH = 32
NCH = BPW // CH
CPP = B // CH
NG = D // 16
NBUF = 4
LA = NBUF - 2


def _make_kernel():
    mesh = plsc.VectorSubcoreMesh(core_axis_name="c", subcore_axis_name="s")

    @functools.partial(
        pl.kernel,
        mesh=mesh,
        out_type=jax.ShapeDtypeStruct((BL, D), jnp.float32),
        scratch_types=[
            pltpu.VMEM((BPW,), jnp.int32),
            pltpu.VMEM((PPW, D), jnp.float32),
            pltpu.VMEM((NBUF, CH, D), jnp.float32),
            pltpu.SemaphoreType.DMA,
            pltpu.SemaphoreType.DMA,
        ],
    )
    def emb_kernel(emb_hbm, idx_hbm, pos_hbm, out_hbm,
                   idx_v, pos_v, bufs, gsem, osem):
        wid = lax.axis_index("s") * 2 + lax.axis_index("c")
        base = wid * BPW
        pltpu.sync_copy(idx_hbm.at[pl.ds(base, BPW)], idx_v)
        pltpu.sync_copy(pos_hbm.at[pl.ds(wid * PPW, PPW)], pos_v)
        iota = lax.iota(jnp.int32, 16)

        def fire_gather(c, p):
            pltpu.async_copy(
                emb_hbm.at[idx_v.at[pl.ds(c * CH, CH)]], bufs.at[p], gsem)

        for p in range(LA):
            fire_gather(p, p)

        def outer_body(i, carry):
            c0 = i * NBUF
            for b in range(NBUF):
                c = c0 + b
                pltpu.make_async_copy(
                    emb_hbm.at[pl.ds(0, CH)], bufs.at[b], gsem).wait()
                nxt = (b + LA) % NBUF

                @pl.when(c >= NBUF - LA)
                def _():
                    pltpu.make_async_copy(
                        emb_hbm.at[pl.ds(0, CH)], bufs.at[nxt], osem).wait()

                @pl.when(c + LA < NCH)
                def _():
                    fire_gather(c + LA, nxt)

                lrow = c // CPP
                pos_regs = [pos_v[lrow, pl.ds(d * 16, 16)] for d in range(NG)]

                def row_body(j, carry2):
                    for d in range(NG):
                        sl = pl.ds(d * 16, 16)
                        bufs[b, j, sl] = bufs[b, j, sl] + pos_regs[d]
                    return carry2

                lax.fori_loop(0, CH, row_body, 0)

                pos_id = wid * PPW + lrow
                b0 = (c % CPP) * CH
                for h in range(CH // 16):
                    dst = (iota + (b0 + h * 16)) * L + pos_id
                    pltpu.async_copy(
                        bufs.at[b].at[pl.ds(h * 16, 16)],
                        out_hbm.at[dst], osem)
            return carry

        lax.fori_loop(0, NCH // NBUF, outer_body, 0)
        for p in range(LA):
            pltpu.make_async_copy(
                emb_hbm.at[pl.ds(0, CH)], bufs.at[NBUF - LA + p], osem).wait()

    return emb_kernel


_emb_kernel_cache = []


def kernel(input_ids, emb_weight, pos_weight):
    if not _emb_kernel_cache:
        _emb_kernel_cache.append(_make_kernel())
    ids_t = input_ids.astype(jnp.int32).T.reshape(BL)
    out = _emb_kernel_cache[0](emb_weight, ids_t, pos_weight)
    return out.reshape(B, L, D)

# --- scband reference (transcript-rebuilt; emitter-appended) ---
"""Pipeline reference for scband-text-token-embedder-62457414418917 (READ-ONLY COPY).

The authoritative reference and input builder live on the scoring server;
editing this copy changes nothing except your own understanding.
"""

import jax, jax.numpy as jnp
import numpy as np

VOCAB = 30522
D_MODEL = 768
MAX_LEN = 128
B = 1024
L = 128

def setup_inputs(seed: int = 0) -> dict:
    key = jax.random.key(seed)
    k1, k2, k3 = jax.random.split(key, 3)
    input_ids = jax.random.randint(k1, (B, L), 0, VOCAB, dtype=jnp.int64 if jax.config.jax_enable_x64 else jnp.int32)
    emb_weight = jax.random.normal(k2, (VOCAB, D_MODEL), dtype=jnp.float32) * 0.02
    pos_weight = jax.random.normal(k3, (MAX_LEN, D_MODEL), dtype=jnp.float32) * 0.02
    return {"input_ids": input_ids, "emb_weight": emb_weight, "pos_weight": pos_weight}

def reference(input_ids, emb_weight, pos_weight):
    # x = self.emb(input_ids)
    x = jnp.take(emb_weight, input_ids, axis=0)  # (B, L, D)
    # pos = arange(L) expanded to (B, L); self.pos(pos) broadcasts over batch
    Lcur = input_ids.shape[1]
    pos_ids = jnp.arange(Lcur)
    pos_emb = jnp.take(pos_weight, pos_ids, axis=0)  # (L, D)
    x = x + pos_emb[None, :, :]
    return x

if __name__ == "__main__":
    import jax
    _d = setup_inputs()
    print(jax.jit(kernel)(*tuple(_d.values())))

</pallas_src>

<mosaic_0001>
#map = affine_map<(d0, d1) -> (0, 0)>
#map1 = affine_map<(d0, d1) -> (0)>
module attributes {stable_mosaic.version = 14 : i64} {
  func.func @emb_kernel(%arg0: i32, %arg1: i32, %arg2: memref<30522x768xf32, #tpu.memory_space<hbm>>, %arg3: memref<131072xi32, #tpu.memory_space<hbm>>, %arg4: memref<128x768xf32, #tpu.memory_space<hbm>>, %arg5: memref<131072x768xf32, #tpu.memory_space<hbm>>, %arg6: memref<4096xi32, #tpu.memory_space<vmem>>, %arg7: memref<4x768xf32, #tpu.memory_space<vmem>>, %arg8: memref<4x32x768xf32, #tpu.memory_space<vmem>>, %arg9: memref<!tpu.dma_semaphore, #tpu.memory_space<semaphore_mem>>, %arg10: memref<!tpu.dma_semaphore, #tpu.memory_space<semaphore_mem>>) attributes {dimension_semantics = [#tpu.dimension_semantics<core_parallel>, #tpu.dimension_semantics<subcore_parallel>], iteration_bounds = array<i64: 2, 16>, scalar_prefetch = 0 : i64, scratch_operands = 5 : i64, tpu.core_type = #tpu.core_type<sc_vector_subcore>, window_params = [{transform_indices = #map}, {transform_indices = #map1}, {transform_indices = #map}, {transform_indices = #map}]} {
    %mul3A = arith.constant 2 : i32
    %mul3A_0 = arith.muli %arg1, %mul3A : i32
    %add3A = arith.addi %mul3A_0, %arg0 : i32
    %mul3A_1 = arith.constant 4096 : i32
    %mul3A_2 = arith.muli %add3A, %mul3A_1 : i32
    "tpu.region"() ({
      %run_scoped3A = tpu.sem_alloc : memref<!tpu.dma_semaphore, #tpu.memory_space<semaphore_mem>>
      %dma_start3A_58 = tpu.memref_slice %arg3[%mul3A_2] : memref<131072xi32, #tpu.memory_space<hbm>> -> memref<4096xi32, #tpu.memory_space<hbm>>
      %dma_start3A_59 = tpu.memref_slice %arg3[%mul3A_2] : memref<131072xi32, #tpu.memory_space<hbm>> -> memref<4096xi32, #tpu.memory_space<hbm>>
      tpu.enqueue_dma source(%dma_start3A_59 : memref<4096xi32, #tpu.memory_space<hbm>>) target(%arg6 : memref<4096xi32, #tpu.memory_space<vmem>>) target_semaphore(%run_scoped3A : memref<!tpu.dma_semaphore, #tpu.memory_space<semaphore_mem>>)
      %dma_wait3A_60 = tpu.memref_slice %arg3[%mul3A_2] : memref<131072xi32, #tpu.memory_space<hbm>> -> memref<4096xi32, #tpu.memory_space<hbm>>
      %dma_wait3A_61 = tpu.memref_slice %arg3[%mul3A_2] : memref<131072xi32, #tpu.memory_space<hbm>> -> memref<4096xi32, #tpu.memory_space<hbm>>
      tpu.wait_dma2 semaphore(%run_scoped3A : memref<!tpu.dma_semaphore, #tpu.memory_space<semaphore_mem>>) src(%dma_wait3A_61 : memref<4096xi32, #tpu.memory_space<hbm>>) dst(%arg6 : memref<4096xi32, #tpu.memory_space<vmem>>)
      tpu.yield
    }) : () -> ()
    %mul3A_3 = arith.constant 4 : i32
    %mul3A_4 = arith.muli %add3A, %mul3A_3 : i32
    "tpu.region"() ({
      %run_scoped3A = tpu.sem_alloc : memref<!tpu.dma_semaphore, #tpu.memory_space<semaphore_mem>>
      %dma_start3A_58 = arith.constant 0 : i32
      %dma_start3A_59 = tpu.memref_slice %arg4[%mul3A_4, %dma_start3A_58] : memref<128x768xf32, #tpu.memory_space<hbm>> -> memref<4x768xf32, #tpu.memory_space<hbm>>
      %dma_start3A_60 = arith.constant 0 : i32
      %dma_start3A_61 = tpu.memref_slice %arg4[%mul3A_4, %dma_start3A_60] : memref<128x768xf32, #tpu.memory_space<hbm>> -> memref<4x768xf32, #tpu.memory_space<hbm>>
      tpu.enqueue_dma source(%dma_start3A_61 : memref<4x768xf32, #tpu.memory_space<hbm>>) target(%arg7 : memref<4x768xf32, #tpu.memory_space<vmem>>) target_semaphore(%run_scoped3A : memref<!tpu.dma_semaphore, #tpu.memory_space<semaphore_mem>>)
      %dma_wait3A_62 = arith.constant 0 : i32
      %dma_wait3A_63 = tpu.memref_slice %arg4[%mul3A_4, %dma_wait3A_62] : memref<128x768xf32, #tpu.memory_space<hbm>> -> memref<4x768xf32, #tpu.memory_space<hbm>>
      %dma_wait3A_64 = arith.constant 0 : i32
      %dma_wait3A_65 = tpu.memref_slice %arg4[%mul3A_4, %dma_wait3A_64] : memref<128x768xf32, #tpu.memory_space<hbm>> -> memref<4x768xf32, #tpu.memory_space<hbm>>
      tpu.wait_dma2 semaphore(%run_scoped3A : memref<!tpu.dma_semaphore, #tpu.memory_space<semaphore_mem>>) src(%dma_wait3A_65 : memref<4x768xf32, #tpu.memory_space<hbm>>) dst(%arg7 : memref<4x768xf32, #tpu.memory_space<vmem>>)
      tpu.yield
    }) : () -> ()
    %iota3A = tpu.iota {dimensions = array<i32: 0>} : vector<16xi32>
    %dma_start3A = arith.constant 0 : i32
    %dma_start3A_5 = arith.constant 0 : i32
    %dma_start3A_6 = arith.constant 0 : i32
    %dma_start3A_7 = tpu.memref_slice %arg8[%dma_start3A, %dma_start3A_5, %dma_start3A_6] : memref<4x32x768xf32, #tpu.memory_space<vmem>> -> memref<1x32x768xf32, #tpu.memory_space<vmem>>
    %dma_start3A_8 = tpu.memref_squeeze %dma_start3A_7 : memref<1x32x768xf32, #tpu.memory_space<vmem>> -> memref<32x768xf32, #tpu.memory_space<vmem>>
    %dma_start3A_9 = arith.constant 0 : i32
    %dma_start3A_10 = tpu.memref_slice %arg6[%dma_start3A_9] : memref<4096xi32, #tpu.memory_space<vmem>> -> memref<32xi32, #tpu.memory_space<vmem>>
    %dma_start3A_11 = arith.constant 0 : i32
    %dma_start3A_12 = arith.constant 0 : i32
    %dma_start3A_13 = tpu.memref_slice %arg2[%dma_start3A_11, %dma_start3A_12] : memref<30522x768xf32, #tpu.memory_space<hbm>> -> memref<30522x768xf32, #tpu.memory_space<hbm>>
    tpu.enqueue_indirect_dma source(%dma_start3A_13 : memref<30522x768xf32, #tpu.memory_space<hbm>>) target(%dma_start3A_8 : memref<32x768xf32, #tpu.memory_space<vmem>>) offsets(%dma_start3A_10 : memref<32xi32, #tpu.memory_space<vmem>>) semaphore(%arg9 : memref<!tpu.dma_semaphore, #tpu.memory_space<semaphore_mem>>)
    %dma_start3A_14 = arith.constant 1 : i32
    %dma_start3A_15 = arith.constant 0 : i32
    %dma_start3A_16 = arith.constant 0 : i32
    %dma_start3A_17 = tpu.memref_slice %arg8[%dma_start3A_14, %dma_start3A_15, %dma_start3A_16] : memref<4x32x768xf32, #tpu.memory_space<vmem>> -> memref<1x32x768xf32, #tpu.memory_space<vmem>>
    %dma_start3A_18 = tpu.memref_squeeze %dma_start3A_17 : memref<1x32x768xf32, #tpu.memory_space<vmem>> -> memref<32x768xf32, #tpu.memory_space<vmem>>
    %dma_start3A_19 = arith.constant 32 : i32
    %dma_start3A_20 = tpu.memref_slice %arg6[%dma_start3A_19] : memref<4096xi32, #tpu.memory_space<vmem>> -> memref<32xi32, #tpu.memory_space<vmem>>
    %dma_start3A_21 = arith.constant 0 : i32
    %dma_start3A_22 = arith.constant 0 : i32
    %dma_start3A_23 = tpu.memref_slice %arg2[%dma_start3A_21, %dma_start3A_22] : memref<30522x768xf32, #tpu.memory_space<hbm>> -> memref<30522x768xf32, #tpu.memory_space<hbm>>
    tpu.enqueue_indirect_dma source(%dma_start3A_23 : memref<30522x768xf32, #tpu.memory_space<hbm>>) target(%dma_start3A_18 : memref<32x768xf32, #tpu.memory_space<vmem>>) offsets(%dma_start3A_20 : memref<32xi32, #tpu.memory_space<vmem>>) semaphore(%arg9 : memref<!tpu.dma_semaphore, #tpu.memory_space<semaphore_mem>>)
    %scan3A = arith.constant 0 : i32
    %scan3A_24 = arith.constant 0 : i32
    %scan3A_25 = arith.constant 32 : i32
    %scan3A_26 = arith.addi %scan3A_24, %scan3A_25 : i32
    %scan3A_27 = arith.constant 1 : i32
    scf.for %scan3A_58 = %scan3A_24 to %scan3A_26 step %scan3A_27  : i32 {
      %mul3A_59 = arith.constant 4 : i32
      %mul3A_60 = arith.muli %scan3A_58, %mul3A_59 : i32
      %add3A_61 = arith.constant 0 : i32
      %add3A_62 = arith.addi %mul3A_60, %add3A_61 : i32
      %dma_wait3A_63 = arith.constant 0 : i32
      %dma_wait3A_64 = arith.constant 0 : i32
      %dma_wait3A_65 = arith.constant 0 : i32
      %dma_wait3A_66 = tpu.memref_slice %arg8[%dma_wait3A_63, %dma_wait3A_64, %dma_wait3A_65] : memref<4x32x768xf32, #tpu.memory_space<vmem>> -> memref<1x32x768xf32, #tpu.memory_space<vmem>>
      %dma_wait3A_67 = tpu.memref_squeeze %dma_wait3A_66 : memref<1x32x768xf32, #tpu.memory_space<vmem>> -> memref<32x768xf32, #tpu.memory_space<vmem>>
      %dma_wait3A_68 = arith.constant 0 : i32
      %dma_wait3A_69 = arith.constant 0 : i32
      %dma_wait3A_70 = tpu.memref_slice %arg2[%dma_wait3A_68, %dma_wait3A_69] : memref<30522x768xf32, #tpu.memory_space<hbm>> -> memref<32x768xf32, #tpu.memory_space<hbm>>
      %dma_wait3A_71 = arith.constant 0 : i32
      %dma_wait3A_72 = arith.constant 0 : i32
      %dma_wait3A_73 = tpu.memref_slice %arg8[%dma_wait3A_63, %dma_wait3A_71, %dma_wait3A_72] : memref<4x32x768xf32, #tpu.memory_space<vmem>> -> memref<1x32x768xf32, #tpu.memory_space<vmem>>
      %dma_wait3A_74 = tpu.memref_squeeze %dma_wait3A_73 : memref<1x32x768xf32, #tpu.memory_space<vmem>> -> memref<32x768xf32, #tpu.memory_space<vmem>>
      %dma_wait3A_75 = arith.constant 0 : i32
      %dma_wait3A_76 = arith.constant 0 : i32
      %dma_wait3A_77 = tpu.memref_slice %arg2[%dma_wait3A_75, %dma_wait3A_76] : memref<30522x768xf32, #tpu.memory_space<hbm>> -> memref<32x768xf32, #tpu.memory_space<hbm>>
      tpu.wait_dma2 semaphore(%arg9 : memref<!tpu.dma_semaphore, #tpu.memory_space<semaphore_mem>>) src(%dma_wait3A_77 : memref<32x768xf32, #tpu.memory_space<hbm>>) dst(%dma_wait3A_74 : memref<32x768xf32, #tpu.memory_space<vmem>>)
      %ge3A = arith.constant 2 : i32
      %ge3A_78 = arith.cmpi sge, %add3A_62, %ge3A : i32
      %convert_element_type3A = arith.extui %ge3A_78 : i1 to i32
      %cond3A = arith.constant 0 : i32
      %cond3A_79 = arith.cmpi ne, %convert_element_type3A, %cond3A : i32
      scf.if %cond3A_79 {
        %dma_wait3A_1295 = arith.constant 2 : i32
        %dma_wait3A_1296 = arith.constant 0 : i32
        %dma_wait3A_1297 = arith.constant 0 : i32
        %dma_wait3A_1298 = tpu.memref_slice %arg8[%dma_wait3A_1295, %dma_wait3A_1296, %dma_wait3A_1297] : memref<4x32x768xf32, #tpu.memory_space<vmem>> -> memref<1x32x768xf32, #tpu.memory_space<vmem>>
        %dma_wait3A_1299 = tpu.memref_squeeze %dma_wait3A_1298 : memref<1x32x768xf32, #tpu.memory_space<vmem>> -> memref<32x768xf32, #tpu.memory_space<vmem>>
        %dma_wait3A_1300 = arith.constant 0 : i32
        %dma_wait3A_1301 = arith.constant 0 : i32
        %dma_wait3A_1302 = tpu.memref_slice %arg2[%dma_wait3A_1300, %dma_wait3A_1301] : memref<30522x768xf32, #tpu.memory_space<hbm>> -> memref<32x768xf32, #tpu.memory_space<hbm>>
        %dma_wait3A_1303 = arith.constant 0 : i32
        %dma_wait3A_1304 = arith.constant 0 : i32
        %dma_wait3A_1305 = tpu.memref_slice %arg8[%dma_wait3A_1295, %dma_wait3A_1303, %dma_wait3A_1304] : memref<4x32x768xf32, #tpu.memory_space<vmem>> -> memref<1x32x768xf32, #tpu.memory_space<vmem>>
        %dma_wait3A_1306 = tpu.memref_squeeze %dma_wait3A_1305 : memref<1x32x768xf32, #tpu.memory_space<vmem>> -> memref<32x768xf32, #tpu.memory_space<vmem>>
        %dma_wait3A_1307 = arith.constant 0 : i32
        %dma_wait3A_1308 = arith.constant 0 : i32
        %dma_wait3A_1309 = tpu.memref_slice %arg2[%dma_wait3A_1307, %dma_wait3A_1308] : memref<30522x768xf32, #tpu.memory_space<hbm>> -> memref<32x768xf32, #tpu.memory_space<hbm>>
        tpu.wait_dma2 semaphore(%arg10 : memref<!tpu.dma_semaphore, #tpu.memory_space<semaphore_mem>>) src(%dma_wait3A_1309 : memref<32x768xf32, #tpu.memory_space<hbm>>) dst(%dma_wait3A_1306 : memref<32x768xf32, #tpu.memory_space<vmem>>)
      } else {
      }
      %add3A_80 = arith.constant 2 : i32
      %add3A_81 = arith.addi %add3A_62, %add3A_80 : i32
      %lt3A = arith.constant 128 : i32
      %lt3A_82 = arith.cmpi slt, %add3A_81, %lt3A : i32
      %convert_element_type3A_83 = arith.extui %lt3A_82 : i1 to i32
      %cond3A_84 = arith.constant 0 : i32
      %cond3A_85 = arith.cmpi ne, %convert_element_type3A_83, %cond3A_84 : i32
      scf.if %cond3A_85 {
        %add3A_1295 = arith.constant 2 : i32
        %add3A_1296 = arith.addi %add3A_62, %add3A_1295 : i32
        %mul3A_1297 = arith.constant 32 : i32
        %mul3A_1298 = arith.muli %add3A_1296, %mul3A_1297 : i32
        %dma_start3A_1299 = arith.constant 2 : i32
        %dma_start3A_1300 = arith.constant 0 : i32
        %dma_start3A_1301 = arith.constant 0 : i32
        %dma_start3A_1302 = tpu.memref_slice %arg8[%dma_start3A_1299, %dma_start3A_1300, %dma_start3A_1301] : memref<4x32x768xf32, #tpu.memory_space<vmem>> -> memref<1x32x768xf32, #tpu.memory_space<vmem>>
        %dma_start3A_1303 = tpu.memref_squeeze %dma_start3A_1302 : memref<1x32x768xf32, #tpu.memory_space<vmem>> -> memref<32x768xf32, #tpu.memory_space<vmem>>
        %dma_start3A_1304 = tpu.memref_slice %arg6[%mul3A_1298] : memref<4096xi32, #tpu.memory_space<vmem>> -> memref<32xi32, #tpu.memory_space<vmem>>
        %dma_start3A_1305 = arith.constant 0 : i32
        %dma_start3A_1306 = arith.constant 0 : i32
        %dma_start3A_1307 = tpu.memref_slice %arg2[%dma_start3A_1305, %dma_start3A_1306] : memref<30522x768xf32, #tpu.memory_space<hbm>> -> memref<30522x768xf32, #tpu.memory_space<hbm>>
        tpu.enqueue_indirect_dma source(%dma_start3A_1307 : memref<30522x768xf32, #tpu.memory_space<hbm>>) target(%dma_start3A_1303 : memref<32x768xf32, #tpu.memory_space<vmem>>) offsets(%dma_start3A_1304 : memref<32xi32, #tpu.memory_space<vmem>>) semaphore(%arg9 : memref<!tpu.dma_semaphore, #tpu.memory_space<semaphore_mem>>)
      } else {
      }
      %jit3A = arith.constant 32 : i32
      %div3A = arith.divsi %add3A_62, %jit3A : i32
      %sign3A = arith.constant 0 : i32
      %sign3A_86 = arith.cmpi sgt, %add3A_62, %sign3A : i32
      %sign3A_87 = arith.extui %sign3A_86 : i1 to i32
      %sign3A_88 = arith.constant 0 : i32
      %sign3A_89 = arith.cmpi slt, %add3A_62, %sign3A_88 : i32
      %sign3A_90 = arith.extui %sign3A_89 : i1 to i32
      %sign3A_91 = arith.subi %sign3A_87, %sign3A_90 : i32
      %sign3A_92 = arith.constant 0 : i32
      %sign3A_93 = arith.cmpi sgt, %jit3A, %sign3A_92 : i32
      %sign3A_94 = arith.extui %sign3A_93 : i1 to i32
      %sign3A_95 = arith.constant 0 : i32
      %sign3A_96 = arith.cmpi slt, %jit3A, %sign3A_95 : i32
      %sign3A_97 = arith.extui %sign3A_96 : i1 to i32
      %sign3A_98 = arith.subi %sign3A_94, %sign3A_97 : i32
      %ne3A = arith.cmpi ne, %sign3A_91, %sign3A_98 : i32
      %rem3A = arith.remsi %add3A_62, %jit3A : i32
      %ne3A_99 = arith.constant 0 : i32
      %ne3A_100 = arith.cmpi ne, %rem3A, %ne3A_99 : i32
      %and3A = arith.andi %ne3A, %ne3A_100 : i1
      %sub3A = arith.constant 1 : i32
      %sub3A_101 = arith.subi %div3A, %sub3A : i32
      %select_n3A = arith.select %and3A, %sub3A_101, %div3A : i32
      %get3A = arith.index_cast %select_n3A : i32 to index
      %get3A_102 = arith.constant 0 : index
      %get3A_103 = tpu.vector_load %arg7[%get3A, %get3A_102] {strides = array<i32>} : memref<4x768xf32, #tpu.memory_space<vmem>>, vector<1x16xf32>,
      %get3A_104 = vector.shape_cast %get3A_103 : vector<1x16xf32> to vector<16xf32>
      %get3A_105 = arith.index_cast %select_n3A : i32 to index
      %get3A_106 = arith.constant 16 : index
      %get3A_107 = tpu.vector_load %arg7[%get3A_105, %get3A_106] {strides = array<i32>} : memref<4x768xf32, #tpu.memory_space<vmem>>, vector<1x16xf32>,
      %get3A_108 = vector.shape_cast %get3A_107 : vector<1x16xf32> to vector<16xf32>
      %get3A_109 = arith.index_cast %select_n3A : i32 to index
      %get3A_110 = arith.constant 32 : index
      %get3A_111 = tpu.vector_load %arg7[%get3A_109, %get3A_110] {strides = array<i32>} : memref<4x768xf32, #tpu.memory_space<vmem>>, vector<1x16xf32>,
      %get3A_112 = vector.shape_cast %get3A_111 : vector<1x16xf32> to vector<16xf32>
      %get3A_113 = arith.index_cast %select_n3A : i32 to index
      %get3A_114 = arith.constant 48 : index
      %get3A_115 = tpu.vector_load %arg7[%get3A_113, %get3A_114] {strides = array<i32>} : memref<4x768xf32, #tpu.memory_space<vmem>>, vector<1x16xf32>,
      %get3A_116 = vector.shape_cast %get3A_115 : vector<1x16xf32> to vector<16xf32>
      %get3A_117 = arith.index_cast %select_n3A : i32 to index
      %get3A_118 = arith.constant 64 : index
      %get3A_119 = tpu.vector_load %arg7[%get3A_117, %get3A_118] {strides = array<i32>} : memref<4x768xf32, #tpu.memory_space<vmem>>, vector<1x16xf32>,
      %get3A_120 = vector.shape_cast %get3A_119 : vector<1x16xf32> to vector<16xf32>
      %get3A_121 = arith.index_cast %select_n3A : i32 to index
      %get3A_122 = arith.constant 80 : index
      %get3A_123 = tpu.vector_load %arg7[%get3A_121, %get3A_122] {strides = array<i32>} : memref<4x768xf32, #tpu.memory_space<vmem>>, vector<1x16xf32>,
      %get3A_124 = vector.shape_cast %get3A_123 : vector<1x16xf32> to vector<16xf32>
      %get3A_125 = arith.index_cast %select_n3A : i32 to index
      %get3A_126 = arith.constant 96 : index
      %get3A_127 = tpu.vector_load %arg7[%get3A_125, %get3A_126] {strides = array<i32>} : memref<4x768xf32, #tpu.memory_space<vmem>>, vector<1x16xf32>,
      %get3A_128 = vector.shape_cast %get3A_127 : vector<1x16xf32> to vector<16xf32>
      %get3A_129 = arith.index_cast %select_n3A : i32 to index
      %get3A_130 = arith.constant 112 : index
      %get3A_131 = tpu.vector_load %arg7[%get3A_129, %get3A_130] {strides = array<i32>} : memref<4x768xf32, #tpu.memory_space<vmem>>, vector<1x16xf32>,
      %get3A_132 = vector.shape_cast %get3A_131 : vector<1x16xf32> to vector<16xf32>
      %get3A_133 = arith.index_cast %select_n3A : i32 to index
      %get3A_134 = arith.constant 128 : index
      %get3A_135 = tpu.vector_load %arg7[%get3A_133, %get3A_134] {strides = array<i32>} : memref<4x768xf32, #tpu.memory_space<vmem>>, vector<1x16xf32>,
      %get3A_136 = vector.shape_cast %get3A_135 : vector<1x16xf32> to vector<16xf32>
      %get3A_137 = arith.index_cast %select_n3A : i32 to index
      %get3A_138 = arith.constant 144 : index
      %get3A_139 = tpu.vector_load %arg7[%get3A_137, %get3A_138] {strides = array<i32>} : memref<4x768xf32, #tpu.memory_space<vmem>>, vector<1x16xf32>,
      %get3A_140 = vector.shape_cast %get3A_139 : vector<1x16xf32> to vector<16xf32>
      %get3A_141 = arith.index_cast %select_n3A : i32 to index
      %get3A_142 = arith.constant 160 : index
      %get3A_143 = tpu.vector_load %arg7[%get3A_141, %get3A_142] {strides = array<i32>} : memref<4x768xf32, #tpu.memory_space<vmem>>, vector<1x16xf32>,
      %get3A_144 = vector.shape_cast %get3A_143 : vector<1x16xf32> to vector<16xf32>
      %get3A_145 = arith.index_cast %select_n3A : i32 to index
      %get3A_146 = arith.constant 176 : index
      %get3A_147 = tpu.vector_load %arg7[%get3A_145, %get3A_146] {strides = array<i32>} : memref<4x768xf32, #tpu.memory_space<vmem>>, vector<1x16xf32>,
      %get3A_148 = vector.shape_cast %get3A_147 : vector<1x16xf32> to vector<16xf32>
      %get3A_149 = arith.index_cast %select_n3A : i32 to index
      %get3A_150 = arith.constant 192 : index
      %get3A_151 = tpu.vector_load %arg7[%get3A_149, %get3A_150] {strides = array<i32>} : memref<4x768xf32, #tpu.memory_space<vmem>>, vector<1x16xf32>,
      %get3A_152 = vector.shape_cast %get3A_151 : vector<1x16xf32> to vector<16xf32>
      %get3A_153 = arith.index_cast %select_n3A : i32 to index
      %get3A_154 = arith.constant 208 : index
      %get3A_155 = tpu.vector_load %arg7[%get3A_153, %get3A_154] {strides = array<i32>} : memref<4x768xf32, #tpu.memory_space<vmem>>, vector<1x16xf32>,
      %get3A_156 = vector.shape_cast %get3A_155 : vector<1x16xf32> to vector<16xf32>
      %get3A_157 = arith.index_cast %select_n3A : i32 to index
      %get3A_158 = arith.constant 224 : index
      %get3A_159 = tpu.vector_load %arg7[%get3A_157, %get3A_158] {strides = array<i32>} : memref<4x768xf32, #tpu.memory_space<vmem>>, vector<1x16xf32>,
      %get3A_160 = vector.shape_cast %get3A_159 : vector<1x16xf32> to vector<16xf32>
      %get3A_161 = arith.index_cast %select_n3A : i32 to index
      %get3A_162 = arith.constant 240 : index
      %get3A_163 = tpu.vector_load %arg7[%get3A_161, %get3A_162] {strides = array<i32>} : memref<4x768xf32, #tpu.memory_space<vmem>>, vector<1x16xf32>,
      %get3A_164 = vector.shape_cast %get3A_163 : vector<1x16xf32> to vector<16xf32>
      %get3A_165 = arith.index_cast %select_n3A : i32 to index
      %get3A_166 = arith.constant 256 : index
      %get3A_167 = tpu.vector_load %arg7[%get3A_165, %get3A_166] {strides = array<i32>} : memref<4x768xf32, #tpu.memory_space<vmem>>, vector<1x16xf32>,
      %get3A_168 = vector.shape_cast %get3A_167 : vector<1x16xf32> to vector<16xf32>
      %get3A_169 = arith.index_cast %select_n3A : i32 to index
      %get3A_170 = arith.constant 272 : index
      %get3A_171 = tpu.vector_load %arg7[%get3A_169, %get3A_170] {strides = array<i32>} : memref<4x768xf32, #tpu.memory_space<vmem>>, vector<1x16xf32>,
      %get3A_172 = vector.shape_cast %get3A_171 : vector<1x16xf32> to vector<16xf32>
      %get3A_173 = arith.index_cast %select_n3A : i32 to index
      %get3A_174 = arith.constant 288 : index
      %get3A_175 = tpu.vector_load %arg7[%get3A_173, %get3A_174] {strides = array<i32>} : memref<4x768xf32, #tpu.memory_space<vmem>>, vector<1x16xf32>,
      %get3A_176 = vector.shape_cast %get3A_175 : vector<1x16xf32> to vector<16xf32>
      %get3A_177 = arith.index_cast %select_n3A : i32 to index
      %get3A_178 = arith.constant 304 : index
      %get3A_179 = tpu.vector_load %arg7[%get3A_177, %get3A_178] {strides = array<i32>} : memref<4x768xf32, #tpu.memory_space<vmem>>, vector<1x16xf32>,
      %get3A_180 = vector.shape_cast %get3A_179 : vector<1x16xf32> to vector<16xf32>
      %get3A_181 = arith.index_cast %select_n3A : i32 to index
      %get3A_182 = arith.constant 320 : index
      %get3A_183 = tpu.vector_load %arg7[%get3A_181, %get3A_182] {strides = array<i32>} : memref<4x768xf32, #tpu.memory_space<vmem>>, vector<1x16xf32>,
      %get3A_184 = vector.shape_cast %get3A_183 : vector<1x16xf32> to vector<16xf32>
      %get3A_185 = arith.index_cast %select_n3A : i32 to index
      %get3A_186 = arith.constant 336 : index
      %get3A_187 = tpu.vector_load %arg7[%get3A_185, %get3A_186] {strides = array<i32>} : memref<4x768xf32, #tpu.memory_space<vmem>>, vector<1x16xf32>,
      %get3A_188 = vector.shape_cast %get3A_187 : vector<1x16xf32> to vector<16xf32>
      %get3A_189 = arith.index_cast %select_n3A : i32 to index
      %get3A_190 = arith.constant 352 : index
      %get3A_191 = tpu.vector_load %arg7[%get3A_189, %get3A_190] {strides = array<i32>} : memref<4x768xf32, #tpu.memory_space<vmem>>, vector<1x16xf32>,
      %get3A_192 = vector.shape_cast %get3A_191 : vector<1x16xf32> to vector<16xf32>
      %get3A_193 = arith.index_cast %select_n3A : i32 to index
      %get3A_194 = arith.constant 368 : index
      %get3A_195 = tpu.vector_load %arg7[%get3A_193, %get3A_194] {strides = array<i32>} : memref<4x768xf32, #tpu.memory_space<vmem>>, vector<1x16xf32>,
      %get3A_196 = vector.shape_cast %get3A_195 : vector<1x16xf32> to vector<16xf32>
      %get3A_197 = arith.index_cast %select_n3A : i32 to index
      %get3A_198 = arith.constant 384 : index
      %get3A_199 = tpu.vector_load %arg7[%get3A_197, %get3A_198] {strides = array<i32>} : memref<4x768xf32, #tpu.memory_space<vmem>>, vector<1x16xf32>,
      %get3A_200 = vector.shape_cast %get3A_199 : vector<1x16xf32> to vector<16xf32>
      %get3A_201 = arith.index_cast %select_n3A : i32 to index
      %get3A_202 = arith.constant 400 : index
      %get3A_203 = tpu.vector_load %arg7[%get3A_201, %get3A_202] {strides = array<i32>} : memref<4x768xf32, #tpu.memory_space<vmem>>, vector<1x16xf32>,
      %get3A_204 = vector.shape_cast %get3A_203 : vector<1x16xf32> to vector<16xf32>
      %get3A_205 = arith.index_cast %select_n3A : i32 to index
      %get3A_206 = arith.constant 416 : index
      %get3A_207 = tpu.vector_load %arg7[%get3A_205, %get3A_206] {strides = array<i32>} : memref<4x768xf32, #tpu.memory_space<vmem>>, vector<1x16xf32>,
      %get3A_208 = vector.shape_cast %get3A_207 : vector<1x16xf32> to vector<16xf32>
      %get3A_209 = arith.index_cast %select_n3A : i32 to index
      %get3A_210 = arith.constant 432 : index
      %get3A_211 = tpu.vector_load %arg7[%get3A_209, %get3A_210] {strides = array<i32>} : memref<4x768xf32, #tpu.memory_space<vmem>>, vector<1x16xf32>,
      %get3A_212 = vector.shape_cast %get3A_211 : vector<1x16xf32> to vector<16xf32>
      %get3A_213 = arith.index_cast %select_n3A : i32 to index
      %get3A_214 = arith.constant 448 : index
      %get3A_215 = tpu.vector_load %arg7[%get3A_213, %get3A_214] {strides = array<i32>} : memref<4x768xf32, #tpu.memory_space<vmem>>, vector<1x16xf32>,
      %get3A_216 = vector.shape_cast %get3A_215 : vector<1x16xf32> to vector<16xf32>
      %get3A_217 = arith.index_cast %select_n3A : i32 to index
      %get3A_218 = arith.constant 464 : index
      %get3A_219 = tpu.vector_load %arg7[%get3A_217, %get3A_218] {strides = array<i32>} : memref<4x768xf32, #tpu.memory_space<vmem>>, vector<1x16xf32>,
      %get3A_220 = vector.shape_cast %get3A_219 : vector<1x16xf32> to vector<16xf32>
      %get3A_221 = arith.index_cast %select_n3A : i32 to index
      %get3A_222 = arith.constant 480 : index
      %get3A_223 = tpu.vector_load %arg7[%get3A_221, %get3A_222] {strides = array<i32>} : memref<4x768xf32, #tpu.memory_space<vmem>>, vector<1x16xf32>,
      %get3A_224 = vector.shape_cast %get3A_223 : vector<1x16xf32> to vector<16xf32>
      %get3A_225 = arith.index_cast %select_n3A : i32 to index
      %get3A_226 = arith.constant 496 : index
      %get3A_227 = tpu.vector_load %arg7[%get3A_225, %get3A_226] {strides = array<i32>} : memref<4x768xf32, #tpu.memory_space<vmem>>, vector<1x16xf32>,
      %get3A_228 = vector.shape_cast %get3A_227 : vector<1x16xf32> to vector<16xf32>
      %get3A_229 = arith.index_cast %select_n3A : i32 to index
      %get3A_230 = arith.constant 512 : index
      %get3A_231 = tpu.vector_load %arg7[%get3A_229, %get3A_230] {strides = array<i32>} : memref<4x768xf32, #tpu.memory_space<vmem>>, vector<1x16xf32>,
      %get3A_232 = vector.shape_cast %get3A_231 : vector<1x16xf32> to vector<16xf32>
      %get3A_233 = arith.index_cast %select_n3A : i32 to index
      %get3A_234 = arith.constant 528 : index
      %get3A_235 = tpu.vector_load %arg7[%get3A_233, %get3A_234] {strides = array<i32>} : memref<4x768xf32, #tpu.memory_space<vmem>>, vector<1x16xf32>,
      %get3A_236 = vector.shape_cast %get3A_235 : vector<1x16xf32> to vector<16xf32>
      %get3A_237 = arith.index_cast %select_n3A : i32 to index
      %get3A_238 = arith.constant 544 : index
      %get3A_239 = tpu.vector_load %arg7[%get3A_237, %get3A_238] {strides = array<i32>} : memref<4x768xf32, #tpu.memory_space<vmem>>, vector<1x16xf32>,
      %get3A_240 = vector.shape_cast %get3A_239 : vector<1x16xf32> to vector<16xf32>
      %get3A_241 = arith.index_cast %select_n3A : i32 to index
      %get3A_242 = arith.constant 560 : index
      %get3A_243 = tpu.vector_load %arg7[%get3A_241, %get3A_242] {strides = array<i32>} : memref<4x768xf32, #tpu.memory_space<vmem>>, vector<1x16xf32>,
      %get3A_244 = vector.shape_cast %get3A_243 : vector<1x16xf32> to vector<16xf32>
      %get3A_245 = arith.index_cast %select_n3A : i32 to index
      %get3A_246 = arith.constant 576 : index
      %get3A_247 = tpu.vector_load %arg7[%get3A_245, %get3A_246] {strides = array<i32>} : memref<4x768xf32, #tpu.memory_space<vmem>>, vector<1x16xf32>,
      %get3A_248 = vector.shape_cast %get3A_247 : vector<1x16xf32> to vector<16xf32>
      %get3A_249 = arith.index_cast %select_n3A : i32 to index
      %get3A_250 = arith.constant 592 : index
      %get3A_251 = tpu.vector_load %arg7[%get3A_249, %get3A_250] {strides = array<i32>} : memref<4x768xf32, #tpu.memory_space<vmem>>, vector<1x16xf32>,
      %get3A_252 = vector.shape_cast %get3A_251 : vector<1x16xf32> to vector<16xf32>
      %get3A_253 = arith.index_cast %select_n3A : i32 to index
      %get3A_254 = arith.constant 608 : index
      %get3A_255 = tpu.vector_load %arg7[%get3A_253, %get3A_254] {strides = array<i32>} : memref<4x768xf32, #tpu.memory_space<vmem>>, vector<1x16xf32>,
      %get3A_256 = vector.shape_cast %get3A_255 : vector<1x16xf32> to vector<16xf32>
      %get3A_257 = arith.index_cast %select_n3A : i32 to index
      %get3A_258 = arith.constant 624 : index
      %get3A_259 = tpu.vector_load %arg7[%get3A_257, %get3A_258] {strides = array<i32>} : memref<4x768xf32, #tpu.memory_space<vmem>>, vector<1x16xf32>,
      %get3A_260 = vector.shape_cast %get3A_259 : vector<1x16xf32> to vector<16xf32>
      %get3A_261 = arith.index_cast %select_n3A : i32 to index
      %get3A_262 = arith.constant 640 : index
      %get3A_263 = tpu.vector_load %arg7[%get3A_261, %get3A_262] {strides = array<i32>} : memref<4x768xf32, #tpu.memory_space<vmem>>, vector<1x16xf32>,
      %get3A_264 = vector.shape_cast %get3A_263 : vector<1x16xf32> to vector<16xf32>
      %get3A_265 = arith.index_cast %select_n3A : i32 to index
      %get3A_266 = arith.constant 656 : index
      %get3A_267 = tpu.vector_load %arg7[%get3A_265, %get3A_266] {strides = array<i32>} : memref<4x768xf32, #tpu.memory_space<vmem>>, vector<1x16xf32>,
      %get3A_268 = vector.shape_cast %get3A_267 : vector<1x16xf32> to vector<16xf32>
      %get3A_269 = arith.index_cast %select_n3A : i32 to index
      %get3A_270 = arith.constant 672 : index
      %get3A_271 = tpu.vector_load %arg7[%get3A_269, %get3A_270] {strides = array<i32>} : memref<4x768xf32, #tpu.memory_space<vmem>>, vector<1x16xf32>,
      %get3A_272 = vector.shape_cast %get3A_271 : vector<1x16xf32> to vector<16xf32>
      %get3A_273 = arith.index_cast %select_n3A : i32 to index
      %get3A_274 = arith.constant 688 : index
      %get3A_275 = tpu.vector_load %arg7[%get3A_273, %get3A_274] {strides = array<i32>} : memref<4x768xf32, #tpu.memory_space<vmem>>, vector<1x16xf32>,
      %get3A_276 = vector.shape_cast %get3A_275 : vector<1x16xf32> to vector<16xf32>
      %get3A_277 = arith.index_cast %select_n3A : i32 to index
      %get3A_278 = arith.constant 704 : index
      %get3A_279 = tpu.vector_load %arg7[%get3A_277, %get3A_278] {strides = array<i32>} : memref<4x768xf32, #tpu.memory_space<vmem>>, vector<1x16xf32>,
      %get3A_280 = vector.shape_cast %get3A_279 : vector<1x16xf32> to vector<16xf32>
      %get3A_281 = arith.index_cast %select_n3A : i32 to index
      %get3A_282 = arith.constant 720 : index
      %get3A_283 = tpu.vector_load %arg7[%get3A_281, %get3A_282] {strides = array<i32>} : memref<4x768xf32, #tpu.memory_space<vmem>>, vector<1x16xf32>,
      %get3A_284 = vector.shape_cast %get3A_283 : vector<1x16xf32> to vector<16xf32>
      %get3A_285 = arith.index_cast %select_n3A : i32 to index
      %get3A_286 = arith.constant 736 : index
      %get3A_287 = tpu.vector_load %arg7[%get3A_285, %get3A_286] {strides = array<i32>} : memref<4x768xf32, #tpu.memory_space<vmem>>, vector<1x16xf32>,
      %get3A_288 = vector.shape_cast %get3A_287 : vector<1x16xf32> to vector<16xf32>
      %get3A_289 = arith.index_cast %select_n3A : i32 to index
      %get3A_290 = arith.constant 752 : index
      %get3A_291 = tpu.vector_load %arg7[%get3A_289, %get3A_290] {strides = array<i32>} : memref<4x768xf32, #tpu.memory_space<vmem>>, vector<1x16xf32>,
      %get3A_292 = vector.shape_cast %get3A_291 : vector<1x16xf32> to vector<16xf32>
      %scan3A_293 = arith.constant 0 : i32
      %scan3A_294 = arith.constant 0 : i32
      %scan3A_295 = arith.constant 32 : i32
      %scan3A_296 = arith.addi %scan3A_294, %scan3A_295 : i32
      %scan3A_297 = arith.constant 1 : i32
      scf.for %scan3A_1295 = %scan3A_294 to %scan3A_296 step %scan3A_297  : i32 {
        %get3A_1296 = arith.constant 0 : i32
        %get3A_1297 = arith.index_cast %get3A_1296 : i32 to index
        %get3A_1298 = arith.index_cast %scan3A_1295 : i32 to index
        %get3A_1299 = arith.constant 0 : index
        %get3A_1300 = tpu.vector_load %arg8[%get3A_1297, %get3A_1298, %get3A_1299] {strides = array<i32>} : memref<4x32x768xf32, #tpu.memory_space<vmem>>, vector<1x1x16xf32>,
        %get3A_1301 = vector.shape_cast %get3A_1300 : vector<1x1x16xf32> to vector<16xf32>
        %add3A_1302 = arith.addf %get3A_1301, %get3A_104 : vector<16xf32>
        %swap3A = arith.constant 0 : i32
        %swap3A_1303 = arith.index_cast %swap3A : i32 to index
        %swap3A_1304 = arith.index_cast %scan3A_1295 : i32 to index
        %swap3A_1305 = arith.constant 0 : index
        %swap3A_1306 = tpu.vector_load %arg8[%swap3A_1303, %swap3A_1304, %swap3A_1305] {strides = array<i32>} : memref<4x32x768xf32, #tpu.memory_space<vmem>>, vector<1x1x16xf32>,
        %swap3A_1307 = vector.shape_cast %swap3A_1306 : vector<1x1x16xf32> to vector<16xf32>
        %swap3A_1308 = vector.shape_cast %add3A_1302 : vector<16xf32> to vector<1x1x16xf32>
        tpu.vector_store %arg8[%swap3A_1303, %swap3A_1304, %swap3A_1305], %swap3A_1308 {strides = array<i32>} : memref<4x32x768xf32, #tpu.memory_space<vmem>>, vector<1x1x16xf32>,
        %get3A_1309 = arith.constant 0 : i32
        %get3A_1310 = arith.index_cast %get3A_1309 : i32 to index
        %get3A_1311 = arith.index_cast %scan3A_1295 : i32 to index
        %get3A_1312 = arith.constant 16 : index
        %get3A_1313 = tpu.vector_load %arg8[%get3A_1310, %get3A_1311, %get3A_1312] {strides = array<i32>} : memref<4x32x768xf32, #tpu.memory_space<vmem>>, vector<1x1x16xf32>,
        %get3A_1314 = vector.shape_cast %get3A_1313 : vector<1x1x16xf32> to vector<16xf32>
        %add3A_1315 = arith.addf %get3A_1314, %get3A_108 : vector<16xf32>
        %swap3A_1316 = arith.constant 0 : i32
        %swap3A_1317 = arith.index_cast %swap3A_1316 : i32 to index
        %swap3A_1318 = arith.index_cast %scan3A_1295 : i32 to index
        %swap3A_1319 = arith.constant 16 : index
        %swap3A_1320 = tpu.vector_load %arg8[%swap3A_1317, %swap3A_1318, %swap3A_1319] {strides = array<i32>} : memref<4x32x768xf32, #tpu.memory_space<vmem>>, vector<1x1x16xf32>,
        %swap3A_1321 = vector.shape_cast %swap3A_1320 : vector<1x1x16xf32> to vector<16xf32>
        %swap3A_1322 = vector.shape_cast %add3A_1315 : vector<16xf32> to vector<1x1x16xf32>
        tpu.vector_store %arg8[%swap3A_1317, %swap3A_1318, %swap3A_1319], %swap3A_1322 {strides = array<i32>} : memref<4x32x768xf32, #tpu.memory_space<vmem>>, vector<1x1x16xf32>,
        %get3A_1323 = arith.constant 0 : i32
        %get3A_1324 = arith.index_cast %get3A_1323 : i32 to index
        %get3A_1325 = arith.index_cast %scan3A_1295 : i32 to index
        %get3A_1326 = arith.constant 32 : index
        %get3A_1327 = tpu.vector_load %arg8[%get3A_1324, %get3A_1325, %get3A_1326] {strides = array<i32>} : memref<4x32x768xf32, #tpu.memory_space<vmem>>, vector<1x1x16xf32>,
        %get3A_1328 = vector.shape_cast %get3A_1327 : vector<1x1x16xf32> to vector<16xf32>
        %add3A_1329 = arith.addf %get3A_1328, %get3A_112 : vector<16xf32>
        %swap3A_1330 = arith.constant 0 : i32
        %swap3A_1331 = arith.index_cast %swap3A_1330 : i32 to index
        %swap3A_1332 = arith.index_cast %scan3A_1295 : i32 to index
        %swap3A_1333 = arith.constant 32 : index
        %swap3A_1334 = tpu.vector_load %arg8[%swap3A_1331, %swap3A_1332, %swap3A_1333] {strides = array<i32>} : memref<4x32x768xf32, #tpu.memory_space<vmem>>, vector<1x1x16xf32>,
        %swap3A_1335 = vector.shape_cast %swap3A_1334 : vector<1x1x16xf32> to vector<16xf32>
        %swap3A_1336 = vector.shape_cast %add3A_1329 : vector<16xf32> to vector<1x1x16xf32>
        tpu.vector_store %arg8[%swap3A_1331, %swap3A_1332, %swap3A_1333], %swap3A_1336 {strides = array<i32>} : memref<4x32x768xf32, #tpu.memory_space<vmem>>, vector<1x1x16xf32>,
        %get3A_1337 = arith.constant 0 : i32
        %get3A_1338 = arith.index_cast %get3A_1337 : i32 to index
        %get3A_1339 = arith.index_cast %scan3A_1295 : i32 to index
        %get3A_1340 = arith.constant 48 : index
        %get3A_1341 = tpu.vector_load %arg8[%get3A_1338, %get3A_1339, %get3A_1340] {strides = array<i32>} : memref<4x32x768xf32, #tpu.memory_space<vmem>>, vector<1x1x16xf32>,
        %get3A_1342 = vector.shape_cast %get3A_1341 : vector<1x1x16xf32> to vector<16xf32>
        %add3A_1343 = arith.addf %get3A_1342, %get3A_116 : vector<16xf32>
        %swap3A_1344 = arith.constant 0 : i32
        %swap3A_1345 = arith.index_cast %swap3A_1344 : i32 to index
        %swap3A_1346 = arith.index_cast %scan3A_1295 : i32 to index
        %swap3A_1347 = arith.constant 48 : index
        %swap3A_1348 = tpu.vector_load %arg8[%swap3A_1345, %swap3A_1346, %swap3A_1347] {strides = array<i32>} : memref<4x32x768xf32, #tpu.memory_space<vmem>>, vector<1x1x16xf32>,
        %swap3A_1349 = vector.shape_cast %swap3A_1348 : vector<1x1x16xf32> to vector<16xf32>
        %swap3A_1350 = vector.shape_cast %add3A_1343 : vector<16xf32> to vector<1x1x16xf32>
        tpu.vector_store %arg8[%swap3A_1345, %swap3A_1346, %swap3A_1347], %swap3A_1350 {strides = array<i32>} : memref<4x32x768xf32, #tpu.memory_space<vmem>>, vector<1x1x16xf32>,
        %get3A_1351 = arith.constant 0 : i32
        %get3A_1352 = arith.index_cast %get3A_1351 : i32 to index
        %get3A_1353 = arith.index_cast %scan3A_1295 : i32 to index
        %get3A_1354 = arith.constant 64 : index
        %get3A_1355 = tpu.vector_load %arg8[%get3A_1352, %get3A_1353, %get3A_1354] {strides = array<i32>} : memref<4x32x768xf32, #tpu.memory_space<vmem>>, vector<1x1x16xf32>,
        %get3A_1356 = vector.shape_cast %get3A_1355 : vector<1x1x16xf32> to vector<16xf32>
        %add3A_1357 = arith.addf %get3A_1356, %get3A_120 : vector<16xf32>
        %swap3A_1358 = arith.constant 0 : i32
        %swap3A_1359 = arith.index_cast %swap3A_1358 : i32 to index
        %swap3A_1360 = arith.index_cast %scan3A_1295 : i32 to index
        %swap3A_1361 = arith.constant 64 : index
        %swap3A_1362 = tpu.vector_load %arg8[%swap3A_1359, %swap3A_1360, %swap3A_1361] {strides = array<i32>} : memref<4x32x768xf32, #tpu.memory_space<vmem>>, vector<1x1x16xf32>,
        %swap3A_1363 = vector.shape_cast %swap3A_1362 : vector<1x1x16xf32> to vector<16xf32>
        %swap3A_1364 = vector.shape_cast %add3A_1357 : vector<16xf32> to vector<1x1x16xf32>
        tpu.vector_store %arg8[%swap3A_1359, %swap3A_1360, %swap3A_1361], %swap3A_1364 {strides = array<i32>} : memref<4x32x768xf32, #tpu.memory_space<vmem>>, vector<1x1x16xf32>,
        %get3A_1365 = arith.constant 0 : i32
        %get3A_1366 = arith.index_cast %get3A_1365 : i32 to index
        %get3A_1367 = arith.index_cast %scan3A_1295 : i32 to index
        %get3A_1368 = arith.constant 80 : index
        %get3A_1369 = tpu.vector_load %arg8[%get3A_1366, %get3A_1367, %get3A_1368] {strides = array<i32>} : memref<4x32x768xf32, #tpu.memory_space<vmem>>, vector<1x1x16xf32>,
        %get3A_1370 = vector.shape_cast %get3A_1369 : vector<1x1x16xf32> to vector<16xf32>
        %add3A_1371 = arith.addf %get3A_1370, %get3A_124 : vector<16xf32>
        %swap3A_1372 = arith.constant 0 : i32
        %swap3A_1373 = arith.index_cast %swap3A_1372 : i32 to index
        %swap3A_1374 = arith.index_cast %scan3A_1295 : i32 to index
        %swap3A_1375 = arith.constant 80 : index
        %swap3A_1376 = tpu.vector_load %arg8[%swap3A_1373, %swap3A_1374, %swap3A_1375] {strides = array<i32>} : memref<4x32x768xf32, #tpu.memory_space<vmem>>, vector<1x1x16xf32>,
        %swap3A_1377 = vector.shape_cast %swap3A_1376 : vector<1x1x16xf32> to vector<16xf32>
        %swap3A_1378 = vector.shape_cast %add3A_1371 : vector<16xf32> to vector<1x1x16xf32>
        tpu.vector_store %arg8[%swap3A_1373, %swap3A_1374, %swap3A_1375], %swap3A_1378 {strides = array<i32>} : memref<4x32x768xf32, #tpu.memory_space<vmem>>, vector<1x1x16xf32>,
        %get3A_1379 = arith.constant 0 : i32
        %get3A_1380 = arith.index_cast %get3A_1379 : i32 to index
        %get3A_1381 = arith.index_cast %scan3A_1295 : i32 to index
        %get3A_1382 = arith.constant 96 : index
        %get3A_1383 = tpu.vector_load %arg8[%get3A_1380, %get3A_1381, %get3A_1382] {strides = array<i32>} : memref<4x32x768xf32, #tpu.memory_space<vmem>>, vector<1x1x16xf32>,
        %get3A_1384 = vector.shape_cast %get3A_1383 : vector<1x1x16xf32> to vector<16xf32>
        %add3A_1385 = arith.addf %get3A_1384, %get3A_128 : vector<16xf32>
        %swap3A_1386 = arith.constant 0 : i32
        %swap3A_1387 = arith.index_cast %swap3A_1386 : i32 to index
        %swap3A_1388 = arith.index_cast %scan3A_1295 : i32 to index
        %swap3A_1389 = arith.constant 96 : index
        %swap3A_1390 = tpu.vector_load %arg8[%swap3A_1387, %swap3A_1388, %swap3A_1389] {strides = array<i32>} : memref<4x32x768xf32, #tpu.memory_space<vmem>>, vector<1x1x16xf32>,
        %swap3A_1391 = vector.shape_cast %swap3A_1390 : vector<1x1x16xf32> to vector<16xf32>
        %swap3A_1392 = vector.shape_cast %add3A_1385 : vector<16xf32> to vector<1x1x16xf32>
        tpu.vector_store %arg8[%swap3A_1387, %swap3A_1388, %swap3A_1389], %swap3A_1392 {strides = array<i32>} : memref<4x32x768xf32, #tpu.memory_space<vmem>>, vector<1x1x16xf32>,
        %get3A_1393 = arith.constant 0 : i32
        %get3A_1394 = arith.index_cast %get3A_1393 : i32 to index
        %get3A_1395 = arith.index_cast %scan3A_1295 : i32 to index
        %get3A_1396 = arith.constant 112 : index
        %get3A_1397 = tpu.vector_load %arg8[%get3A_1394, %get3A_1395, %get3A_1396] {strides = array<i32>} : memref<4x32x768xf32, #tpu.memory_space<vmem>>, vector<1x1x16xf32>,
        %get3A_1398 = vector.shape_cast %get3A_1397 : vector<1x1x16xf32> to vector<16xf32>
        %add3A_1399 = arith.addf %get3A_1398, %get3A_132 : vector<16xf32>
        %swap3A_1400 = arith.constant 0 : i32
        %swap3A_1401 = arith.index_cast %swap3A_1400 : i32 to index
        %swap3A_1402 = arith.index_cast %scan3A_1295 : i32 to index
        %swap3A_1403 = arith.constant 112 : index
        %swap3A_1404 = tpu.vector_load %arg8[%swap3A_1401, %swap3A_1402, %swap3A_1403] {strides = array<i32>} : memref<4x32x768xf32, #tpu.memory_space<vmem>>, vector<1x1x16xf32>,
        %swap3A_1405 = vector.shape_cast %swap3A_1404 : vector<1x1x16xf32> to vector<16xf32>
        %swap3A_1406 = vector.shape_cast %add3A_1399 : vector<16xf32> to vector<1x1x16xf32>
        tpu.vector_store %arg8[%swap3A_1401, %swap3A_1402, %swap3A_1403], %swap3A_1406 {strides = array<i32>} : memref<4x32x768xf32, #tpu.memory_space<vmem>>, vector<1x1x16xf32>,
        %get3A_1407 = arith.constant 0 : i32
        %get3A_1408 = arith.index_cast %get3A_1407 : i32 to index
        %get3A_1409 = arith.index_cast %scan3A_1295 : i32 to index
        %get3A_1410 = arith.constant 128 : index
        %get3A_1411 = tpu.vector_load %arg8[%get3A_1408, %get3A_1409, %get3A_1410] {strides = array<i32>} : memref<4x32x768xf32, #tpu.memory_space<vmem>>, vector<1x1x16xf32>,
        %get3A_1412 = vector.shape_cast %get3A_1411 : vector<1x1x16xf32> to vector<16xf32>
        %add3A_1413 = arith.addf %get3A_1412, %get3A_136 : vector<16xf32>
        %swap3A_1414 = arith.constant 0 : i32
        %swap3A_1415 = arith.index_cast %swap3A_1414 : i32 to index
        %swap3A_1416 = arith.index_cast %scan3A_1295 : i32 to index
        %swap3A_1417 = arith.constant 128 : index
        %swap3A_1418 = tpu.vector_load %arg8[%swap3A_1415, %swap3A_1416, %swap3A_1417] {strides = array<i32>} : memref<4x32x768xf32, #tpu.memory_space<vmem>>, vector<1x1x16xf32>,
        %swap3A_1419 = vector.shape_cast %swap3A_1418 : vector<1x1x16xf32> to vector<16xf32>
        %swap3A_1420 = vector.shape_cast %add3A_1413 : vector<16xf32> to vector<1x1x16xf32>
        tpu.vector_store %arg8[%swap3A_1415, %swap3A_1416, %swap3A_1417], %swap3A_1420 {strides = array<i32>} : memref<4x32x768xf32, #tpu.memory_space<vmem>>, vector<1x1x16xf32>,
        %get3A_1421 = arith.constant 0 : i32
        %get3A_1422 = arith.index_cast %get3A_1421 : i32 to index
        %get3A_1423 = arith.index_cast %scan3A_1295 : i32 to index
        %get3A_1424 = arith.constant 144 : index
        %get3A_1425 = tpu.vector_load %arg8[%get3A_1422, %get3A_1423, %get3A_1424] {strides = array<i32>} : memref<4x32x768xf32, #tpu.memory_space<vmem>>, vector<1x1x16xf32>,
        %get3A_1426 = vector.shape_cast %get3A_1425 : vector<1x1x16xf32> to vector<16xf32>
        %add3A_1427 = arith.addf %get3A_1426, %get3A_140 : vector<16xf32>
        %swap3A_1428 = arith.constant 0 : i32
        %swap3A_1429 = arith.index_cast %swap3A_1428 : i32 to index
        %swap3A_1430 = arith.index_cast %scan3A_1295 : i32 to index
        %swap3A_1431 = arith.constant 144 : index
        %swap3A_1432 = tpu.vector_load %arg8[%swap3A_1429, %swap3A_1430, %swap3A_1431] {strides = array<i32>} : memref<4x32x768xf32, #tpu.memory_space<vmem>>, vector<1x1x16xf32>,
        %swap3A_1433 = vector.shape_cast %swap3A_1432 : vector<1x1x16xf32> to vector<16xf32>
        %swap3A_1434 = vector.shape_cast %add3A_1427 : vector<16xf32> to vector<1x1x16xf32>
        tpu.vector_store %arg8[%swap3A_1429, %swap3A_1430, %swap3A_1431], %swap3A_1434 {strides = array<i32>} : memref<4x32x768xf32, #tpu.memory_space<vmem>>, vector<1x1x16xf32>,
        %get3A_1435 = arith.constant 0 : i32
        %get3A_1436 = arith.index_cast %get3A_1435 : i32 to index
        %get3A_1437 = arith.index_cast %scan3A_1295 : i32 to index
        %get3A_1438 = arith.constant 160 : index
        %get3A_1439 = tpu.vector_load %arg8[%get3A_1436, %get3A_1437, %get3A_1438] {strides = array<i32>} : memref<4x32x768xf32, #tpu.memory_space<vmem>>, vector<1x1x16xf32>,
        %get3A_1440 = vector.shape_cast %get3A_1439 : vector<1x1x16xf32> to vector<16xf32>
        %add3A_1441 = arith.addf %get3A_1440, %get3A_144 : vector<16xf32>
        %swap3A_1442 = arith.constant 0 : i32
        %swap3A_1443 = arith.index_cast %swap3A_1442 : i32 to index
        %swap3A_1444 = arith.index_cast %scan3A_1295 : i32 to index
        %swap3A_1445 = arith.constant 160 : index
        %swap3A_1446 = tpu.vector_load %arg8[%swap3A_1443, %swap3A_1444, %swap3A_1445] {strides = array<i32>} : memref<4x32x768xf32, #tpu.memory_space<vmem>>, vector<1x1x16xf32>,
        %swap3A_1447 = vector.shape_cast %swap3A_1446 : vector<1x1x16xf32> to vector<16xf32>
        %swap3A_1448 = vector.shape_cast %add3A_1441 : vector<16xf32> to vector<1x1x16xf32>
        tpu.vector_store %arg8[%swap3A_1443, %swap3A_1444, %swap3A_1445], %swap3A_1448 {strides = array<i32>} : memref<4x32x768xf32, #tpu.memory_space<vmem>>, vector<1x1x16xf32>,
        %get3A_1449 = arith.constant 0 : i32
        %get3A_1450 = arith.index_cast %get3A_1449 : i32 to index
        %get3A_1451 = arith.index_cast %scan3A_1295 : i32 to index
        %get3A_1452 = arith.constant 176 : index
        %get3A_1453 = tpu.vector_load %arg8[%get3A_1450, %get3A_1451, %get3A_1452] {strides = array<i32>} : memref<4x32x768xf32, #tpu.memory_space<vmem>>, vector<1x1x16xf32>,
        %get3A_1454 = vector.shape_cast %get3A_1453 : vector<1x1x16xf32> to vector<16xf32>
        %add3A_1455 = arith.addf %get3A_1454, %get3A_148 : vector<16xf32>
        %swap3A_1456 = arith.constant 0 : i32
        %swap3A_1457 = arith.index_cast %swap3A_1456 : i32 to index
        %swap3A_1458 = arith.index_cast %scan3A_1295 : i32 to index
        %swap3A_1459 = arith.constant 176 : index
        %swap3A_1460 = tpu.vector_load %arg8[%swap3A_1457, %swap3A_1458, %swap3A_1459] {strides = array<i32>} : memref<4x32x768xf32, #tpu.memory_space<vmem>>, vector<1x1x16xf32>,
        %swap3A_1461 = vector.shape_cast %swap3A_1460 : vector<1x1x16xf32> to vector<16xf32>
        %swap3A_1462 = vector.shape_cast %add3A_1455 : vector<16xf32> to vector<1x1x16xf32>
        tpu.vector_store %arg8[%swap3A_1457, %swap3A_1458, %swap3A_1459], %swap3A_1462 {strides = array<i32>} : memref<4x32x768xf32, #tpu.memory_space<vmem>>, vector<1x1x16xf32>,
        %get3A_1463 = arith.constant 0 : i32
        %get3A_1464 = arith.index_cast %get3A_1463 : i32 to index
        %get3A_1465 = arith.index_cast %scan3A_1295 : i32 to index
        %get3A_1466 = arith.constant 192 : index
        %get3A_1467 = tpu.vector_load %arg8[%get3A_1464, %get3A_1465, %get3A_1466] {strides = array<i32>} : memref<4x32x768xf32, #tpu.memory_space<vmem>>, vector<1x1x16xf32>,
        %get3A_1468 = vector.shape_cast %get3A_1467 : vector<1x1x16xf32> to vector<16xf32>
        %add3A_1469 = arith.addf %get3A_1468, %get3A_152 : vector<16xf32>
        %swap3A_1470 = arith.constant 0 : i32
        %swap3A_1471 = arith.index_cast %swap3A_1470 : i32 to index
        %swap3A_1472 = arith.index_cast %scan3A_1295 : i32 to index
        %swap3A_1473 = arith.constant 192 : index
        %swap3A_1474 = tpu.vector_load %arg8[%swap3A_1471, %swap3A_1472, %swap3A_1473] {strides = array<i32>} : memref<4x32x768xf32, #tpu.memory_space<vmem>>, vector<1x1x16xf32>,
        %swap3A_1475 = vector.shape_cast %swap3A_1474 : vector<1x1x16xf32> to vector<16xf32>
        %swap3A_1476 = vector.shape_cast %add3A_1469 : vector<16xf32> to vector<1x1x16xf32>
        tpu.vector_store %arg8[%swap3A_1471, %swap3A_1472, %swap3A_1473], %swap3A_1476 {strides = array<i32>} : memref<4x32x768xf32, #tpu.memory_space<vmem>>, vector<1x1x16xf32>,
        %get3A_1477 = arith.constant 0 : i32
        %get3A_1478 = arith.index_cast %get3A_1477 : i32 to index
        %get3A_1479 = arith.index_cast %scan3A_1295 : i32 to index
        %get3A_1480 = arith.constant 208 : index
        %get3A_1481 = tpu.vector_load %arg8[%get3A_1478, %get3A_1479, %get3A_1480] {strides = array<i32>} : memref<4x32x768xf32, #tpu.memory_space<vmem>>, vector<1x1x16xf32>,
        %get3A_1482 = vector.shape_cast %get3A_1481 : vector<1x1x16xf32> to vector<16xf32>
        %add3A_1483 = arith.addf %get3A_1482, %get3A_156 : vector<16xf32>
        %swap3A_1484 = arith.constant 0 : i32
        %swap3A_1485 = arith.index_cast %swap3A_1484 : i32 to index
        %swap3A_1486 = arith.index_cast %scan3A_1295 : i32 to index
        %swap3A_1487 = arith.constant 208 : index
        %swap3A_1488 = tpu.vector_load %arg8[%swap3A_1485, %swap3A_1486, %swap3A_1487] {strides = array<i32>} : memref<4x32x768xf32, #tpu.memory_space<vmem>>, vector<1x1x16xf32>,
        %swap3A_1489 = vector.shape_cast %swap3A_1488 : vector<1x1x16xf32> to vector<16xf32>
        %swap3A_1490 = vector.shape_cast %add3A_1483 : vector<16xf32> to vector<1x1x16xf32>
        tpu.vector_store %arg8[%swap3A_1485, %swap3A_1486, %swap3A_1487], %swap3A_1490 {strides = array<i32>} : memref<4x32x768xf32, #tpu.memory_space<vmem>>, vector<1x1x16xf32>,
        %get3A_1491 = arith.constant 0 : i32
        %get3A_1492 = arith.index_cast %get3A_1491 : i32 to index
        %get3A_1493 = arith.index_cast %scan3A_1295 : i32 to index
        %get3A_1494 = arith.constant 224 : index
        %get3A_1495 = tpu.vector_load %arg8[%get3A_1492, %get3A_1493, %get3A_1494] {strides = array<i32>} : memref<4x32x768xf32, #tpu.memory_space<vmem>>, vector<1x1x16xf32>,
        %get3A_1496 = vector.shape_cast %get3A_1495 : vector<1x1x16xf32> to vector<16xf32>
        %add3A_1497 = arith.addf %get3A_1496, %get3A_160 : vector<16xf32>
        %swap3A_1498 = arith.constant 0 : i32
        %swap3A_1499 = arith.index_cast %swap3A_1498 : i32 to index
        %swap3A_1500 = arith.index_cast %scan3A_1295 : i32 to index
        %swap3A_1501 = arith.constant 224 : index
        %swap3A_1502 = tpu.vector_load %arg8[%swap3A_1499, %swap3A_1500, %swap3A_1501] {strides = array<i32>} : memref<4x32x768xf32, #tpu.memory_space<vmem>>, vector<1x1x16xf32>,
        %swap3A_1503 = vector.shape_cast %swap3A_1502 : vector<1x1x16xf32> to vector<16xf32>
        %swap3A_1504 = vector.shape_cast %add3A_1497 : vector<16xf32> to vector<1x1x16xf32>
        tpu.vector_store %arg8[%swap3A_1499, %swap3A_1500, %swap3A_1501], %swap3A_1504 {strides = array<i32>} : memref<4x32x768xf32, #tpu.memory_space<vmem>>, vector<1x1x16xf32>,
        %get3A_1505 = arith.constant 0 : i32
        %get3A_1506 = arith.index_cast %get3A_1505 : i32 to index
        %get3A_1507 = arith.index_cast %scan3A_1295 : i32 to index
        %get3A_1508 = arith.constant 240 : index
        %get3A_1509 = tpu.vector_load %arg8[%get3A_1506, %get3A_1507, %get3A_1508] {strides = array<i32>} : memref<4x32x768xf32, #tpu.memory_space<vmem>>, vector<1x1x16xf32>,
        %get3A_1510 = vector.shape_cast %get3A_1509 : vector<1x1x16xf32> to vector<16xf32>
        %add3A_1511 = arith.addf %get3A_1510, %get3A_164 : vector<16xf32>
        %swap3A_1512 = arith.constant 0 : i32
        %swap3A_1513 = arith.index_cast %swap3A_1512 : i32 to index
        %swap3A_1514 = arith.index_cast %scan3A_1295 : i32 to index
        %swap3A_1515 = arith.constant 240 : index
        %swap3A_1516 = tpu.vector_load %arg8[%swap3A_1513, %swap3A_1514, %swap3A_1515] {strides = array<i32>} : memref<4x32x768xf32, #tpu.memory_space<vmem>>, vector<1x1x16xf32>,
        %swap3A_1517 = vector.shape_cast %swap3A_1516 : vector<1x1x16xf32> to vector<16xf32>
        %swap3A_1518 = vector.shape_cast %add3A_1511 : vector<16xf32> to vector<1x1x16xf32>
        tpu.vector_store %arg8[%swap3A_1513, %swap3A_1514, %swap3A_1515], %swap3A_1518 {strides = array<i32>} : memref<4x32x768xf32, #tpu.memory_space<vmem>>, vector<1x1x16xf32>,
        %get3A_1519 = arith.constant 0 : i32
        %get3A_1520 = arith.index_cast %get3A_1519 : i32 to index
        %get3A_1521 = arith.index_cast %scan3A_1295 : i32 to index
        %get3A_1522 = arith.constant 256 : index
        %get3A_1523 = tpu.vector_load %arg8[%get3A_1520, %get3A_1521, %get3A_1522] {strides = array<i32>} : memref<4x32x768xf32, #tpu.memory_space<vmem>>, vector<1x1x16xf32>,
        %get3A_1524 = vector.shape_cast %get3A_1523 : vector<1x1x16xf32> to vector<16xf32>
        %add3A_1525 = arith.addf %get3A_1524, %get3A_168 : vector<16xf32>
        %swap3A_1526 = arith.constant 0 : i32
        %swap3A_1527 = arith.index_cast %swap3A_1526 : i32 to index
        %swap3A_1528 = arith.index_cast %scan3A_1295 : i32 to index
        %swap3A_1529 = arith.constant 256 : index
        %swap3A_1530 = tpu.vector_load %arg8[%swap3A_1527, %swap3A_1528, %swap3A_1529] {strides = array<i32>} : memref<4x32x768xf32, #tpu.memory_space<vmem>>, vector<1x1x16xf32>,
        %swap3A_1531 = vector.shape_cast %swap3A_1530 : vector<1x1x16xf32> to vector<16xf32>
        %swap3A_1532 = vector.shape_cast %add3A_1525 : vector<16xf32> to vector<1x1x16xf32>
        tpu.vector_store %arg8[%swap3A_1527, %swap3A_1528, %swap3A_1529], %swap3A_1532 {strides = array<i32>} : memref<4x32x768xf32, #tpu.memory_space<vmem>>, vector<1x1x16xf32>,
        %get3A_1533 = arith.constant 0 : i32
        %get3A_1534 = arith.index_cast %get3A_1533 : i32 to index
        %get3A_1535 = arith.index_cast %scan3A_1295 : i32 to index
        %get3A_1536 = arith.constant 272 : index
        %get3A_1537 = tpu.vector_load %arg8[%get3A_1534, %get3A_1535, %get3A_1536] {strides = array<i32>} : memref<4x32x768xf32, #tpu.memory_space<vmem>>, vector<1x1x16xf32>,
        %get3A_1538 = vector.shape_cast %get3A_1537 : vector<1x1x16xf32> to vector<16xf32>
        %add3A_1539 = arith.addf %get3A_1538, %get3A_172 : vector<16xf32>
        %swap3A_1540 = arith.constant 0 : i32
        %swap3A_1541 = arith.index_cast %swap3A_1540 : i32 to index
        %swap3A_1542 = arith.index_cast %scan3A_1295 : i32 to index
        %swap3A_1543 = arith.constant 272 : index
        %swap3A_1544 = tpu.vector_load %arg8[%swap3A_1541, %swap3A_1542, %swap3A_1543] {strides = array<i32>} : memref<4x32x768xf32, #tpu.memory_space<vmem>>, vector<1x1x16xf32>,
        %swap3A_1545 = vector.shape_cast %swap3A_1544 : vector<1x1x16xf32> to vector<16xf32>
        %swap3A_1546 = vector.shape_cast %add3A_1539 : vector<16xf32> to vector<1x1x16xf32>
        tpu.vector_store %arg8[%swap3A_1541, %swap3A_1542, %swap3A_1543], %swap3A_1546 {strides = array<i32>} : memref<4x32x768xf32, #tpu.memory_space<vmem>>, vector<1x1x16xf32>,
        %get3A_1547 = arith.constant 0 : i32
        %get3A_1548 = arith.index_cast %get3A_1547 : i32 to index
        %get3A_1549 = arith.index_cast %scan3A_1295 : i32 to index
        %get3A_1550 = arith.constant 288 : index
        %get3A_1551 = tpu.vector_load %arg8[%get3A_1548, %get3A_1549, %get3A_1550] {strides = array<i32>} : memref<4x32x768xf32, #tpu.memory_space<vmem>>, vector<1x1x16xf32>,
        %get3A_1552 = vector.shape_cast %get3A_1551 : vector<1x1x16xf32> to vector<16xf32>
        %add3A_1553 = arith.addf %get3A_1552, %get3A_176 : vector<16xf32>
        %swap3A_1554 = arith.constant 0 : i32
        %swap3A_1555 = arith.index_cast %swap3A_1554 : i32 to index
        %swap3A_1556 = arith.index_cast %scan3A_1295 : i32 to index
        %swap3A_1557 = arith.constant 288 : index
        %swap3A_1558 = tpu.vector_load %arg8[%swap3A_1555, %swap3A_1556, %swap3A_1557] {strides = array<i32>} : memref<4x32x768xf32, #tpu.memory_space<vmem>>, vector<1x1x16xf32>,
        %swap3A_1559 = vector.shape_cast %swap3A_1558 : vector<1x1x16xf32> to vector<16xf32>
        %swap3A_1560 = vector.shape_cast %add3A_1553 : vector<16xf32> to vector<1x1x16xf32>
        tpu.vector_store %arg8[%swap3A_1555, %swap3A_1556, %swap3A_1557], %swap3A_1560 {strides = array<i32>} : memref<4x32x768xf32, #tpu.memory_space<vmem>>, vector<1x1x16xf32>,
        %get3A_1561 = arith.constant 0 : i32
        %get3A_1562 = arith.index_cast %get3A_1561 : i32 to index
        %get3A_1563 = arith.index_cast %scan3A_1295 : i32 to index
        %get3A_1564 = arith.constant 304 : index
        %get3A_1565 = tpu.vector_load %arg8[%get3A_1562, %get3A_1563, %get3A_1564] {strides = array<i32>} : memref<4x32x768xf32, #tpu.memory_space<vmem>>, vector<1x1x16xf32>,
        %get3A_1566 = vector.shape_cast %get3A_1565 : vector<1x1x16xf32> to vector<16xf32>
        %add3A_1567 = arith.addf %get3A_1566, %get3A_180 : vector<16xf32>
        %swap3A_1568 = arith.constant 0 : i32
        %swap3A_1569 = arith.index_cast %swap3A_1568 : i32 to index
        %swap3A_1570 = arith.index_cast %scan3A_1295 : i32 to index
        %swap3A_1571 = arith.constant 304 : index
        %swap3A_1572 = tpu.vector_load %arg8[%swap3A_1569, %swap3A_1570, %swap3A_1571] {strides = array<i32>} : memref<4x32x768xf32, #tpu.memory_space<vmem>>, vector<1x1x16xf32>,
        %swap3A_1573 = vector.shape_cast %swap3A_1572 : vector<1x1x16xf32> to vector<16xf32>
        %swap3A_1574 = vector.shape_cast %add3A_1567 : vector<16xf32> to vector<1x1x16xf32>
        tpu.vector_store %arg8[%swap3A_1569, %swap3A_1570, %swap3A_1571], %swap3A_1574 {strides = array<i32>} : memref<4x32x768xf32, #tpu.memory_space<vmem>>, vector<1x1x16xf32>,
        %get3A_1575 = arith.constant 0 : i32
        %get3A_1576 = arith.index_cast %get3A_1575 : i32 to index
        %get3A_1577 = arith.index_cast %scan3A_1295 : i32 to index
        %get3A_1578 = arith.constant 320 : index
        %get3A_1579 = tpu.vector_load %arg8[%get3A_1576, %get3A_1577, %get3A_1578] {strides = array<i32>} : memref<4x32x768xf32, #tpu.memory_space<vmem>>, vector<1x1x16xf32>,
        %get3A_1580 = vector.shape_cast %get3A_1579 : vector<1x1x16xf32> to vector<16xf32>
        %add3A_1581 = arith.addf %get3A_1580, %get3A_184 : vector<16xf32>
        %swap3A_1582 = arith.constant 0 : i32
        %swap3A_1583 = arith.index_cast %swap3A_1582 : i32 to index
        %swap3A_1584 = arith.index_cast %scan3A_1295 : i32 to index
        %swap3A_1585 = arith.constant 320 : index
        %swap3A_1586 = tpu.vector_load %arg8[%swap3A_1583, %swap3A_1584, %swap3A_1585] {strides = array<i32>} : memref<4x32x768xf32, #tpu.memory_space<vmem>>, vector<1x1x16xf32>,
        %swap3A_1587 = vector.shape_cast %swap3A_1586 : vector<1x1x16xf32> to vector<16xf32>
        %swap3A_1588 = vector.shape_cast %add3A_1581 : vector<16xf32> to vector<1x1x16xf32>
        tpu.vector_store %arg8[%swap3A_1583, %swap3A_1584, %swap3A_1585], %swap3A_1588 {strides = array<i32>} : memref<4x32x768xf32, #tpu.memory_space<vmem>>, vector<1x1x16xf32>,
        %get3A_1589 = arith.constant 0 : i32
        %get3A_1590 = arith.index_cast %get3A_1589 : i32 to index
        %get3A_1591 = arith.index_cast %scan3A_1295 : i32 to index
        %get3A_1592 = arith.constant 336 : index
        %get3A_1593 = tpu.vector_load %arg8[%get3A_1590, %get3A_1591, %get3A_1592] {strides = array<i32>} : memref<4x32x768xf32, #tpu.memory_space<vmem>>, vector<1x1x16xf32>,
        %get3A_1594 = vector.shape_cast %get3A_1593 : vector<1x1x16xf32> to vector<16xf32>
        %add3A_1595 = arith.addf %get3A_1594, %get3A_188 : vector<16xf32>
        %swap3A_1596 = arith.constant 0 : i32
        %swap3A_1597 = arith.index_cast %swap3A_1596 : i32 to index
        %swap3A_1598 = arith.index_cast %scan3A_1295 : i32 to index
        %swap3A_1599 = arith.constant 336 : index
        %swap3A_1600 = tpu.vector_load %arg8[%swap3A_1597, %swap3A_1598, %swap3A_1599] {strides = array<i32>} : memref<4x32x768xf32, #tpu.memory_space<vmem>>, vector<1x1x16xf32>,
        %swap3A_1601 = vector.shape_cast %swap3A_1600 : vector<1x1x16xf32> to vector<16xf32>
        %swap3A_1602 = vector.shape_cast %add3A_1595 : vector<16xf32> to vector<1x1x16xf32>
        tpu.vector_store %arg8[%swap3A_1597, %swap3A_1598, %swap3A_1599], %swap3A_1602 {strides = array<i32>} : memref<4x32x768xf32, #tpu.memory_space<vmem>>, vector<1x1x16xf32>,
        %get3A_1603 = arith.constant 0 : i32
        %get3A_1604 = arith.index_cast %get3A_1603 : i32 to index
        %get3A_1605 = arith.index_cast %scan3A_1295 : i32 to index
        %get3A_1606 = arith.constant 352 : index
        %get3A_1607 = tpu.vector_load %arg8[%get3A_1604, %get3A_1605, %get3A_1606] {strides = array<i32>} : memref<4x32x768xf32, #tpu.memory_space<vmem>>, vector<1x1x16xf32>,
        %get3A_1608 = vector.shape_cast %get3A_1607 : vector<1x1x16xf32> to vector<16xf32>
        %add3A_1609 = arith.addf %get3A_1608, %get3A_192 : vector<16xf32>
        %swap3A_1610 = arith.constant 0 : i32
        %swap3A_1611 = arith.index_cast %swap3A_1610 : i32 to index
        %swap3A_1612 = arith.index_cast %scan3A_1295 : i32 to index
        %swap3A_1613 = arith.constant 352 : index
        %swap3A_1614 = tpu.vector_load %arg8[%swap3A_1611, %swap3A_1612, %swap3A_1613] {strides = array<i32>} : memref<4x32x768xf32, #tpu.memory_space<vmem>>, vector<1x1x16xf32>,
        %swap3A_1615 = vector.shape_cast %swap3A_1614 : vector<1x1x16xf32> to vector<16xf32>
        %swap3A_1616 = vector.shape_cast %add3A_1609 : vector<16xf32> to vector<1x1x16xf32>
        tpu.vector_store %arg8[%swap3A_1611, %swap3A_1612, %swap3A_1613], %swap3A_1616 {strides = array<i32>} : memref<4x32x768xf32, #tpu.memory_space<vmem>>, vector<1x1x16xf32>,
        %get3A_1617 = arith.constant 0 : i32
        %get3A_1618 = arith.index_cast %get3A_1617 : i32 to index
        %get3A_1619 = arith.index_cast %scan3A_1295 : i32 to index
        %get3A_1620 = arith.constant 368 : index
        %get3A_1621 = tpu.vector_load %arg8[%get3A_1618, %get3A_1619, %get3A_1620] {strides = array<i32>} : memref<4x32x768xf32, #tpu.memory_space<vmem>>, vector<1x1x16xf32>,
        %get3A_1622 = vector.shape_cast %get3A_1621 : vector<1x1x16xf32> to vector<16xf32>
        %add3A_1623 = arith.addf %get3A_1622, %get3A_196 : vector<16xf32>
        %swap3A_1624 = arith.constant 0 : i32
        %swap3A_1625 = arith.index_cast %swap3A_1624 : i32 to index
        %swap3A_1626 = arith.index_cast %scan3A_1295 : i32 to index
        %swap3A_1627 = arith.constant 368 : index
        %swap3A_1628 = tpu.vector_load %arg8[%swap3A_1625, %swap3A_1626, %swap3A_1627] {strides = array<i32>} : memref<4x32x768xf32, #tpu.memory_space<vmem>>, vector<1x1x16xf32>,
        %swap3A_1629 = vector.shape_cast %swap3A_1628 : vector<1x1x16xf32> to vector<16xf32>
        %swap3A_1630 = vector.shape_cast %add3A_1623 : vector<16xf32> to vector<1x1x16xf32>
        tpu.vector_store %arg8[%swap3A_1625, %swap3A_1626, %swap3A_1627], %swap3A_1630 {strides = array<i32>} : memref<4x32x768xf32, #tpu.memory_space<vmem>>, vector<1x1x16xf32>,
        %get3A_1631 = arith.constant 0 : i32
        %get3A_1632 = arith.index_cast %get3A_1631 : i32 to index
        %get3A_1633 = arith.index_cast %scan3A_1295 : i32 to index
        %get3A_1634 = arith.constant 384 : index
        %get3A_1635 = tpu.vector_load %arg8[%get3A_1632, %get3A_1633, %get3A_1634] {strides = array<i32>} : memref<4x32x768xf32, #tpu.memory_space<vmem>>, vector<1x1x16xf32>,
        %get3A_1636 = vector.shape_cast %get3A_1635 : vector<1x1x16xf32> to vector<16xf32>
        %add3A_1637 = arith.addf %get3A_1636, %get3A_200 : vector<16xf32>
        %swap3A_1638 = arith.constant 0 : i32
        %swap3A_1639 = arith.index_cast %swap3A_1638 : i32 to index
        %swap3A_1640 = arith.index_cast %scan3A_1295 : i32 to index
        %swap3A_1641 = arith.constant 384 : index
        %swap3A_1642 = tpu.vector_load %arg8[%swap3A_1639, %swap3A_1640, %swap3A_1641] {strides = array<i32>} : memref<4x32x768xf32, #tpu.memory_space<vmem>>, vector<1x1x16xf32>,
        %swap3A_1643 = vector.shape_cast %swap3A_1642 : vector<1x1x16xf32> to vector<16xf32>
        %swap3A_1644 = vector.shape_cast %add3A_1637 : vector<16xf32> to vector<1x1x16xf32>
        tpu.vector_store %arg8[%swap3A_1639, %swap3A_1640, %swap3A_1641], %swap3A_1644 {strides = array<i32>} : memref<4x32x768xf32, #tpu.memory_space<vmem>>, vector<1x1x16xf32>,
        %get3A_1645 = arith.constant 0 : i32
        %get3A_1646 = arith.index_cast %get3A_1645 : i32 to index
        %get3A_1647 = arith.index_cast %scan3A_1295 : i32 to index
        %get3A_1648 = arith.constant 400 : index
        %get3A_1649 = tpu.vector_load %arg8[%get3A_1646, %get3A_1647, %get3A_1648] {strides = array<i32>} : memref<4x32x768xf32, #tpu.memory_space<vmem>>, vector<1x1x16xf32>,
        %get3A_1650 = vector.shape_cast %get3A_1649 : vector<1x1x16xf32> to vector<16xf32>
        %add3A_1651 = arith.addf %get3A_1650, %get3A_204 : vector<16xf32>
        %swap3A_1652 = arith.constant 0 : i32
        %swap3A_1653 = arith.index_cast %swap3A_1652 : i32 to index
        %swap3A_1654 = arith.index_cast %scan3A_1295 : i32 to index
        %swap3A_1655 = arith.constant 400 : index
        %swap3A_1656 = tpu.vector_load %arg8[%swap3A_1653, %swap3A_1654, %swap3A_1655] {strides = array<i32>} : memref<4x32x768xf32, #tpu.memory_space<vmem>>, vector<1x1x16xf32>,
        %swap3A_1657 = vector.shape_cast %swap3A_1656 : vector<1x1x16xf32> to vector<16xf32>
        %swap3A_1658 = vector.shape_cast %add3A_1651 : vector<16xf32> to vector<1x1x16xf32>
        tpu.vector_store %arg8[%swap3A_1653, %swap3A_1654, %swap3A_1655], %swap3A_1658 {strides = array<i32>} : memref<4x32x768xf32, #tpu.memory_space<vmem>>, vector<1x1x16xf32>,
        %get3A_1659 = arith.constant 0 : i32
        %get3A_1660 = arith.index_cast %get3A_1659 : i32 to index
        %get3A_1661 = arith.index_cast %scan3A_1295 : i32 to index
        %get3A_1662 = arith.constant 416 : index
        %get3A_1663 = tpu.vector_load %arg8[%get3A_1660, %get3A_1661, %get3A_1662] {strides = array<i32>} : memref<4x32x768xf32, #tpu.memory_space<vmem>>, vector<1x1x16xf32>,
        %get3A_1664 = vector.shape_cast %get3A_1663 : vector<1x1x16xf32> to vector<16xf32>
        %add3A_1665 = arith.addf %get3A_1664, %get3A_208 : vector<16xf32>
        %swap3A_1666 = arith.constant 0 : i32
        %swap3A_1667 = arith.index_cast %swap3A_1666 : i32 to index
        %swap3A_1668 = arith.index_cast %scan3A_1295 : i32 to index
        %swap3A_1669 = arith.constant 416 : index
        %swap3A_1670 = tpu.vector_load %arg8[%swap3A_1667, %swap3A_1668, %swap3A_1669] {strides = array<i32>} : memref<4x32x768xf32, #tpu.memory_space<vmem>>, vector<1x1x16xf32>,
        %swap3A_1671 = vector.shape_cast %swap3A_1670 : vector<1x1x16xf32> to vector<16xf32>
        %swap3A_1672 = vector.shape_cast %add3A_1665 : vector<16xf32> to vector<1x1x16xf32>
        tpu.vector_store %arg8[%swap3A_1667, %swap3A_1668, %swap3A_1669], %swap3A_1672 {strides = array<i32>} : memref<4x32x768xf32, #tpu.memory_space<vmem>>, vector<1x1x16xf32>,
        %get3A_1673 = arith.constant 0 : i32
        %get3A_1674 = arith.index_cast %get3A_1673 : i32 to index
        %get3A_1675 = arith.index_cast %scan3A_1295 : i32 to index
        %get3A_1676 = arith.constant 432 : index
        %get3A_1677 = tpu.vector_load %arg8[%get3A_1674, %get3A_1675, %get3A_1676] {strides = array<i32>} : memref<4x32x768xf32, #tpu.memory_space<vmem>>, vector<1x1x16xf32>,
        %get3A_1678 = vector.shape_cast %get3A_1677 : vector<1x1x16xf32> to vector<16xf32>
        %add3A_1679 = arith.addf %get3A_1678, %get3A_212 : vector<16xf32>
        %swap3A_1680 = arith.constant 0 : i32
        %swap3A_1681 = arith.index_cast %swap3A_1680 : i32 to index
        %swap3A_1682 = arith.index_cast %scan3A_1295 : i32 to index
        %swap3A_1683 = arith.constant 432 : index
        %swap3A_1684 = tpu.vector_load %arg8[%swap3A_1681, %swap3A_1682, %swap3A_1683] {strides = array<i32>} : memref<4x32x768xf32, #tpu.memory_space<vmem>>, vector<1x1x16xf32>,
        %swap3A_1685 = vector.shape_cast %swap3A_1684 : vector<1x1x16xf32> to vector<16xf32>
        %swap3A_1686 = vector.shape_cast %add3A_1679 : vector<16xf32> to vector<1x1x16xf32>
        tpu.vector_store %arg8[%swap3A_1681, %swap3A_1682, %swap3A_1683], %swap3A_1686 {strides = array<i32>} : memref<4x32x768xf32, #tpu.memory_space<vmem>>, vector<1x1x16xf32>,
        %get3A_1687 = arith.constant 0 : i32
        %get3A_1688 = arith.index_cast %get3A_1687 : i32 to index
        %get3A_1689 = arith.index_cast %scan3A_1295 : i32 to index
        %get3A_1690 = arith.constant 448 : index
        %get3A_1691 = tpu.vector_load %arg8[%get3A_1688, %get3A_1689, %get3A_1690] {strides = array<i32>} : memref<4x32x768xf32, #tpu.memory_space<vmem>>, vector<1x1x16xf32>,
        %get3A_1692 = vector.shape_cast %get3A_1691 : vector<1x1x16xf32> to vector<16xf32>
        %add3A_1693 = arith.addf %get3A_1692, %get3A_216 : vector<16xf32>
        %swap3A_1694 = arith.constant 0 : i32
        %swap3A_1695 = arith.index_cast %swap3A_1694 : i32 to index
        %swap3A_1696 = arith.index_cast %scan3A_1295 : i32 to index
        %swap3A_1697 = arith.constant 448 : index
        %swap3A_1698 = tpu.vector_load %arg8[%swap3A_1695, %swap3A_1696, %swap3A_1697] {strides = array<i32>} : memref<4x32x768xf32, #tpu.memory_space<vmem>>, vector<1x1x16xf32>,
        %swap3A_1699 = vector.shape_cast %swap3A_1698 : vector<1x1x16xf32> to vector<16xf32>
        %swap3A_1700 = vector.shape_cast %add3A_1693 : vector<16xf32> to vector<1x1x16xf32>
        tpu.vector_store %arg8[%swap3A_1695, %swap3A_1696, %swap3A_1697], %swap3A_1700 {strides = array<i32>} : memref<4x32x768xf32, #tpu.memory_space<vmem>>, vector<1x1x16xf32>,
        %get3A_1701 = arith.constant 0 : i32
        %get3A_1702 = arith.index_cast %get3A_1701 : i32 to index
        %get3A_1703 = arith.index_cast %scan3A_1295 : i32 to index
        %get3A_1704 = arith.constant 464 : index
        %get3A_1705 = tpu.vector_load %arg8[%get3A_1702, %get3A_1703, %get3A_1704] {strides = array<i32>} : memref<4x32x768xf32, #tpu.memory_space<vmem>>, vector<1x1x16xf32>,
        %get3A_1706 = vector.shape_cast %get3A_1705 : vector<1x1x16xf32> to vector<16xf32>
        %add3A_1707 = arith.addf %get3A_1706, %get3A_220 : vector<16xf32>
        %swap3A_1708 = arith.constant 0 : i32
        %swap3A_1709 = arith.index_cast %swap3A_1708 : i32 to index
        %swap3A_1710 = arith.index_cast %scan3A_1295 : i32 to index
        %swap3A_1711 = arith.constant 464 : index
        %swap3A_1712 = tpu.vector_load %arg8[%swap3A_1709, %swap3A_1710, %swap3A_1711] {strides = array<i32>} : memref<4x32x768xf32, #tpu.memory_space<vmem>>, vector<1x1x16xf32>,
        %swap3A_1713 = vector.shape_cast %swap3A_1712 : vector<1x1x16xf32> to vector<16xf32>
        %swap3A_1714 = vector.shape_cast %add3A_1707 : vector<16xf32> to vector<1x1x16xf32>
        tpu.vector_store %arg8[%swap3A_1709, %swap3A_1710, %swap3A_1711], %swap3A_1714 {strides = array<i32>} : memref<4x32x768xf32, #tpu.memory_space<vmem>>, vector<1x1x16xf32>,
        %get3A_1715 = arith.constant 0 : i32
        %get3A_1716 = arith.index_cast %get3A_1715 : i32 to index
        %get3A_1717 = arith.index_cast %scan3A_1295 : i32 to index
        %get3A_1718 = arith.constant 480 : index
        %get3A_1719 = tpu.vector_load %arg8[%get3A_1716, %get3A_1717, %get3A_1718] {strides = array<i32>} : memref<4x32x768xf32, #tpu.memory_space<vmem>>, vector<1x1x16xf32>,
        %get3A_1720 = vector.shape_cast %get3A_1719 : vector<1x1x16xf32> to vector<16xf32>
        %add3A_1721 = arith.addf %get3A_1720, %get3A_224 : vector<16xf32>
        %swap3A_1722 = arith.constant 0 : i32
        %swap3A_1723 = arith.index_cast %swap3A_1722 : i32 to index
        %swap3A_1724 = arith.index_cast %scan3A_1295 : i32 to index
        %swap3A_1725 = arith.constant 480 : index
        %swap3A_1726 = tpu.vector_load %arg8[%swap3A_1723, %swap3A_1724, %swap3A_1725] {strides = array<i32>} : memref<4x32x768xf32, #tpu.memory_space<vmem>>, vector<1x1x16xf32>,
        %swap3A_1727 = vector.shape_cast %swap3A_1726 : vector<1x1x16xf32> to vector<16xf32>
        %swap3A_1728 = vector.shape_cast %add3A_1721 : vector<16xf32> to vector<1x1x16xf32>
        tpu.vector_store %arg8[%swap3A_1723, %swap3A_1724, %swap3A_1725], %swap3A_1728 {strides = array<i32>} : memref<4x32x768xf32, #tpu.memory_space<vmem>>, vector<1x1x16xf32>,
        %get3A_1729 = arith.constant 0 : i32
        %get3A_1730 = arith.index_cast %get3A_1729 : i32 to index
        %get3A_1731 = arith.index_cast %scan3A_1295 : i32 to index
        %get3A_1732 = arith.constant 496 : index
        %get3A_1733 = tpu.vector_load %arg8[%get3A_1730, %get3A_1731, %get3A_1732] {strides = array<i32>} : memref<4x32x768xf32, #tpu.memory_space<vmem>>, vector<1x1x16xf32>,
        %get3A_1734 = vector.shape_cast %get3A_1733 : vector<1x1x16xf32> to vector<16xf32>
        %add3A_1735 = arith.addf %get3A_1734, %get3A_228 : vector<16xf32>
        %swap3A_1736 = arith.constant 0 : i32
        %swap3A_1737 = arith.index_cast %swap3A_1736 : i32 to index
        %swap3A_1738 = arith.index_cast %scan3A_1295 : i32 to index
        %swap3A_1739 = arith.constant 496 : index
        %swap3A_1740 = tpu.vector_load %arg8[%swap3A_1737, %swap3A_1738, %swap3A_1739] {strides = array<i32>} : memref<4x32x768xf32, #tpu.memory_space<vmem>>, vector<1x1x16xf32>,
        %swap3A_1741 = vector.shape_cast %swap3A_1740 : vector<1x1x16xf32> to vector<16xf32>
        %swap3A_1742 = vector.shape_cast %add3A_1735 : vector<16xf32> to vector<1x1x16xf32>
        tpu.vector_store %arg8[%swap3A_1737, %swap3A_1738, %swap3A_1739], %swap3A_1742 {strides = array<i32>} : memref<4x32x768xf32, #tpu.memory_space<vmem>>, vector<1x1x16xf32>,
        %get3A_1743 = arith.constant 0 : i32
        %get3A_1744 = arith.index_cast %get3A_1743 : i32 to index
        %get3A_1745 = arith.index_cast %scan3A_1295 : i32 to index
        %get3A_1746 = arith.constant 512 : index
        %get3A_1747 = tpu.vector_load %arg8[%get3A_1744, %get3A_1745, %get3A_1746] {strides = array<i32>} : memref<4x32x768xf32, #tpu.memory_space<vmem>>, vector<1x1x16xf32>,
        %get3A_1748 = vector.shape_cast %get3A_1747 : vector<1x1x16xf32> to vector<16xf32>
        %add3A_1749 = arith.addf %get3A_1748, %get3A_232 : vector<16xf32>
        %swap3A_1750 = arith.constant 0 : i32
        %swap3A_1751 = arith.index_cast %swap3A_1750 : i32 to index
        %swap3A_1752 = arith.index_cast %scan3A_1295 : i32 to index
        %swap3A_1753 = arith.constant 512 : index
        %swap3A_1754 = tpu.vector_load %arg8[%swap3A_1751, %swap3A_1752, %swap3A_1753] {strides = array<i32>} : memref<4x32x768xf32, #tpu.memory_space<vmem>>, vector<1x1x16xf32>,
        %swap3A_1755 = vector.shape_cast %swap3A_1754 : vector<1x1x16xf32> to vector<16xf32>
        %swap3A_1756 = vector.shape_cast %add3A_1749 : vector<16xf32> to vector<1x1x16xf32>
        tpu.vector_store %arg8[%swap3A_1751, %swap3A_1752, %swap3A_1753], %swap3A_1756 {strides = array<i32>} : memref<4x32x768xf32, #tpu.memory_space<vmem>>, vector<1x1x16xf32>,
        %get3A_1757 = arith.constant 0 : i32
        %get3A_1758 = arith.index_cast %get3A_1757 : i32 to index
        %get3A_1759 = arith.index_cast %scan3A_1295 : i32 to index
        %get3A_1760 = arith.constant 528 : index
        %get3A_1761 = tpu.vector_load %arg8[%get3A_1758, %get3A_1759, %get3A_1760] {strides = array<i32>} : memref<4x32x768xf32, #tpu.memory_space<vmem>>, vector<1x1x16xf32>,
        %get3A_1762 = vector.shape_cast %get3A_1761 : vector<1x1x16xf32> to vector<16xf32>
        %add3A_1763 = arith.addf %get3A_1762, %get3A_236 : vector<16xf32>
        %swap3A_1764 = arith.constant 0 : i32
        %swap3A_1765 = arith.index_cast %swap3A_1764 : i32 to index
        %swap3A_1766 = arith.index_cast %scan3A_1295 : i32 to index
        %swap3A_1767 = arith.constant 528 : index
        %swap3A_1768 = tpu.vector_load %arg8[%swap3A_1765, %swap3A_1766, %swap3A_1767] {strides = array<i32>} : memref<4x32x768xf32, #tpu.memory_space<vmem>>, vector<1x1x16xf32>,
        %swap3A_1769 = vector.shape_cast %swap3A_1768 : vector<1x1x16xf32> to vector<16xf32>
        %swap3A_1770 = vector.shape_cast %add3A_1763 : vector<16xf32> to vector<1x1x16xf32>
        tpu.vector_store %arg8[%swap3A_1765, %swap3A_1766, %swap3A_1767], %swap3A_1770 {strides = array<i32>} : memref<4x32x768xf32, #tpu.memory_space<vmem>>, vector<1x1x16xf32>,
        %get3A_1771 = arith.constant 0 : i32
        %get3A_1772 = arith.index_cast %get3A_1771 : i32 to index
        %get3A_1773 = arith.index_cast %scan3A_1295 : i32 to index
        %get3A_1774 = arith.constant 544 : index
        %get3A_1775 = tpu.vector_load %arg8[%get3A_1772, %get3A_1773, %get3A_1774] {strides = array<i32>} : memref<4x32x768xf32, #tpu.memory_space<vmem>>, vector<1x1x16xf32>,
        %get3A_1776 = vector.shape_cast %get3A_1775 : vector<1x1x16xf32> to vector<16xf32>
        %add3A_1777 = arith.addf %get3A_1776, %get3A_240 : vector<16xf32>
        %swap3A_1778 = arith.constant 0 : i32
        %swap3A_1779 = arith.index_cast %swap3A_1778 : i32 to index
        %swap3A_1780 = arith.index_cast %scan3A_1295 : i32 to index
        %swap3A_1781 = arith.constant 544 : index
        %swap3A_1782 = tpu.vector_load %arg8[%swap3A_1779, %swap3A_1780, %swap3A_1781] {strides = array<i32>} : memref<4x32x768xf32, #tpu.memory_space<vmem>>, vector<1x1x16xf32>,
        %swap3A_1783 = vector.shape_cast %swap3A_1782 : vector<1x1x16xf32> to vector<16xf32>
        %swap3A_1784 = vector.shape_cast %add3A_1777 : vector<16xf32> to vector<1x1x16xf32>
        tpu.vector_store %arg8[%swap3A_1779, %swap3A_1780, %swap3A_1781], %swap3A_1784 {strides = array<i32>} : memref<4x32x768xf32, #tpu.memory_space<vmem>>, vector<1x1x16xf32>,
        %get3A_1785 = arith.constant 0 : i32
        %get3A_1786 = arith.index_cast %get3A_1785 : i32 to index
        %get3A_1787 = arith.index_cast %scan3A_1295 : i32 to index
        %get3A_1788 = arith.constant 560 : index
        %get3A_1789 = tpu.vector_load %arg8[%get3A_1786, %get3A_1787, %get3A_1788] {strides = array<i32>} : memref<4x32x768xf32, #tpu.memory_space<vmem>>, vector<1x1x16xf32>,
        %get3A_1790 = vector.shape_cast %get3A_1789 : vector<1x1x16xf32> to vector<16xf32>
        %add3A_1791 = arith.addf %get3A_1790, %get3A_244 : vector<16xf32>
        %swap3A_1792 = arith.constant 0 : i32
        %swap3A_1793 = arith.index_cast %swap3A_1792 : i32 to index
        %swap3A_1794 = arith.index_cast %scan3A_1295 : i32 to index
        %swap3A_1795 = arith.constant 560 : index
        %swap3A_1796 = tpu.vector_load %arg8[%swap3A_1793, %swap3A_1794, %swap3A_1795] {strides = array<i32>} : memref<4x32x768xf32, #tpu.memory_space<vmem>>, vector<1x1x16xf32>,
        %swap3A_1797 = vector.shape_cast %swap3A_1796 : vector<1x1x16xf32> to vector<16xf32>
        %swap3A_1798 = vector.shape_cast %add3A_1791 : vector<16xf32> to vector<1x1x16xf32>
        tpu.vector_store %arg8[%swap3A_1793, %swap3A_1794, %swap3A_1795], %swap3A_1798 {strides = array<i32>} : memref<4x32x768xf32, #tpu.memory_space<vmem>>, vector<1x1x16xf32>,
        %get3A_1799 = arith.constant 0 : i32
        %get3A_1800 = arith.index_cast %get3A_1799 : i32 to index
        %get3A_1801 = arith.index_cast %scan3A_1295 : i32 to index
        %get3A_1802 = arith.constant 576 : index
        %get3A_1803 = tpu.vector_load %arg8[%get3A_1800, %get3A_1801, %get3A_1802] {strides = array<i32>} : memref<4x32x768xf32, #tpu.memory_space<vmem>>, vector<1x1x16xf32>,
        %get3A_1804 = vector.shape_cast %get3A_1803 : vector<1x1x16xf32> to vector<16xf32>
        %add3A_1805 = arith.addf %get3A_1804, %get3A_248 : vector<16xf32>
        %swap3A_1806 = arith.constant 0 : i32
        %swap3A_1807 = arith.index_cast %swap3A_1806 : i32 to index
        %swap3A_1808 = arith.index_cast %scan3A_1295 : i32 to index
        %swap3A_1809 = arith.constant 576 : index
        %swap3A_1810 = tpu.vector_load %arg8[%swap3A_1807, %swap3A_1808, %swap3A_1809] {strides = array<i32>} : memref<4x32x768xf32, #tpu.memory_space<vmem>>, vector<1x1x16xf32>,
        %swap3A_1811 = vector.shape_cast %swap3A_1810 : vector<1x1x16xf32> to vector<16xf32>
        %swap3A_1812 = vector.shape_cast %add3A_1805 : vector<16xf32> to vector<1x1x16xf32>
        tpu.vector_store %arg8[%swap3A_1807, %swap3A_1808, %swap3A_1809], %swap3A_1812 {strides = array<i32>} : memref<4x32x768xf32, #tpu.memory_space<vmem>>, vector<1x1x16xf32>,
        %get3A_1813 = arith.constant 0 : i32
        %get3A_1814 = arith.index_cast %get3A_1813 : i32 to index
        %get3A_1815 = arith.index_cast %scan3A_1295 : i32 to index
        %get3A_1816 = arith.constant 592 : index
        %get3A_1817 = tpu.vector_load %arg8[%get3A_1814, %get3A_1815, %get3A_1816] {strides = array<i32>} : memref<4x32x768xf32, #tpu.memory_space<vmem>>, vector<1x1x16xf32>,
        %get3A_1818 = vector.shape_cast %get3A_1817 : vector<1x1x16xf32> to vector<16xf32>
        %add3A_1819 = arith.addf %get3A_1818, %get3A_252 : vector<16xf32>
        %swap3A_1820 = arith.constant 0 : i32
        %swap3A_1821 = arith.index_cast %swap3A_1820 : i32 to index
        %swap3A_1822 = arith.index_cast %scan3A_1295 : i32 to index
        %swap3A_1823 = arith.constant 592 : index
        %swap3A_1824 = tpu.vector_load %arg8[%swap3A_1821, %swap3A_1822, %swap3A_1823] {strides = array<i32>} : memref<4x32x768xf32, #tpu.memory_space<vmem>>, vector<1x1x16xf32>,
        %swap3A_1825 = vector.shape_cast %swap3A_1824 : vector<1x1x16xf32> to vector<16xf32>
        %swap3A_1826 = vector.shape_cast %add3A_1819 : vector<16xf32> to vector<1x1x16xf32>
        tpu.vector_store %arg8[%swap3A_1821, %swap3A_1822, %swap3A_1823], %swap3A_1826 {strides = array<i32>} : memref<4x32x768xf32, #tpu.memory_space<vmem>>, vector<1x1x16xf32>,
        %get3A_1827 = arith.constant 0 : i32
        %get3A_1828 = arith.index_cast %get3A_1827 : i32 to index
        %get3A_1829 = arith.index_cast %scan3A_1295 : i32 to index
        %get3A_1830 = arith.constant 608 : index
        %get3A_1831 = tpu.vector_load %arg8[%get3A_1828, %get3A_1829, %get3A_1830] {strides = array<i32>} : memref<4x32x768xf32, #tpu.memory_space<vmem>>, vector<1x1x16xf32>,
        %get3A_1832 = vector.shape_cast %get3A_1831 : vector<1x1x16xf32> to vector<16xf32>
        %add3A_1833 = arith.addf %get3A_1832, %get3A_256 : vector<16xf32>
        %swap3A_1834 = arith.constant 0 : i32
        %swap3A_1835 = arith.index_cast %swap3A_1834 : i32 to index
        %swap3A_1836 = arith.index_cast %scan3A_1295 : i32 to index
        %swap3A_1837 = arith.constant 608 : index
        %swap3A_1838 = tpu.vector_load %arg8[%swap3A_1835, %swap3A_1836, %swap3A_1837] {strides = array<i32>} : memref<4x32x768xf32, #tpu.memory_space<vmem>>, vector<1x1x16xf32>,
        %swap3A_1839 = vector.shape_cast %swap3A_1838 : vector<1x1x16xf32> to vector<16xf32>
        %swap3A_1840 = vector.shape_cast %add3A_1833 : vector<16xf32> to vector<1x1x16xf32>
        tpu.vector_store %arg8[%swap3A_1835, %swap3A_1836, %swap3A_1837], %swap3A_1840 {strides = array<i32>} : memref<4x32x768xf32, #tpu.memory_space<vmem>>, vector<1x1x16xf32>,
        %get3A_1841 = arith.constant 0 : i32
        %get3A_1842 = arith.index_cast %get3A_1841 : i32 to index
        %get3A_1843 = arith.index_cast %scan3A_1295 : i32 to index
        %get3A_1844 = arith.constant 624 : index
        %get3A_1845 = tpu.vector_load %arg8[%get3A_1842, %get3A_1843, %get3A_1844] {strides = array<i32>} : memref<4x32x768xf32, #tpu.memory_space<vmem>>, vector<1x1x16xf32>,
        %get3A_1846 = vector.shape_cast %get3A_1845 : vector<1x1x16xf32> to vector<16xf32>
        %add3A_1847 = arith.addf %get3A_1846, %get3A_260 : vector<16xf32>
        %swap3A_1848 = arith.constant 0 : i32
        %swap3A_1849 = arith.index_cast %swap3A_1848 : i32 to index
        %swap3A_1850 = arith.index_cast %scan3A_1295 : i32 to index
        %swap3A_1851 = arith.constant 624 : index
        %swap3A_1852 = tpu.vector_load %arg8[%swap3A_1849, %swap3A_1850, %swap3A_1851] {strides = array<i32>} : memref<4x32x768xf32, #tpu.memory_space<vmem>>, vector<1x1x16xf32>,
        %swap3A_1853 = vector.shape_cast %swap3A_1852 : vector<1x1x16xf32> to vector<16xf32>
        %swap3A_1854 = vector.shape_cast %add3A_1847 : vector<16xf32> to vector<1x1x16xf32>
        tpu.vector_store %arg8[%swap3A_1849, %swap3A_1850, %swap3A_1851], %swap3A_1854 {strides = array<i32>} : memref<4x32x768xf32, #tpu.memory_space<vmem>>, vector<1x1x16xf32>,
        %get3A_1855 = arith.constant 0 : i32
        %get3A_1856 = arith.index_cast %get3A_1855 : i32 to index
        %get3A_1857 = arith.index_cast %scan3A_1295 : i32 to index
        %get3A_1858 = arith.constant 640 : index
        %get3A_1859 = tpu.vector_load %arg8[%get3A_1856, %get3A_1857, %get3A_1858] {strides = array<i32>} : memref<4x32x768xf32, #tpu.memory_space<vmem>>, vector<1x1x16xf32>,
        %get3A_1860 = vector.shape_cast %get3A_1859 : vector<1x1x16xf32> to vector<16xf32>
        %add3A_1861 = arith.addf %get3A_1860, %get3A_264 : vector<16xf32>
        %swap3A_1862 = arith.constant 0 : i32
        %swap3A_1863 = arith.index_cast %swap3A_1862 : i32 to index
        %swap3A_1864 = arith.index_cast %scan3A_1295 : i32 to index
        %swap3A_1865 = arith.constant 640 : index
        %swap3A_1866 = tpu.vector_load %arg8[%swap3A_1863, %swap3A_1864, %swap3A_1865] {strides = array<i32>} : memref<4x32x768xf32, #tpu.memory_space<vmem>>, vector<1x1x16xf32>,
        %swap3A_1867 = vector.shape_cast %swap3A_1866 : vector<1x1x16xf32> to vector<16xf32>
        %swap3A_1868 = vector.shape_cast %add3A_1861 : vector<16xf32> to vector<1x1x16xf32>
        tpu.vector_store %arg8[%swap3A_1863, %swap3A_1864, %swap3A_1865], %swap3A_1868 {strides = array<i32>} : memref<4x32x768xf32, #tpu.memory_space<vmem>>, vector<1x1x16xf32>,
        %get3A_1869 = arith.constant 0 : i32
        %get3A_1870 = arith.index_cast %get3A_1869 : i32 to index
        %get3A_1871 = arith.index_cast %scan3A_1295 : i32 to index
        %get3A_1872 = arith.constant 656 : index
        %get3A_1873 = tpu.vector_load %arg8[%get3A_1870, %get3A_1871, %get3A_1872] {strides = array<i32>} : memref<4x32x768xf32, #tpu.memory_space<vmem>>, vector<1x1x16xf32>,
        %get3A_1874 = vector.shape_cast %get3A_1873 : vector<1x1x16xf32> to vector<16xf32>
        %add3A_1875 = arith.addf %get3A_1874, %get3A_268 : vector<16xf32>
        %swap3A_1876 = arith.constant 0 : i32
        %swap3A_1877 = arith.index_cast %swap3A_1876 : i32 to index
        %swap3A_1878 = arith.index_cast %scan3A_1295 : i32 to index
        %swap3A_1879 = arith.constant 656 : index
        %swap3A_1880 = tpu.vector_load %arg8[%swap3A_1877, %swap3A_1878, %swap3A_1879] {strides = array<i32>} : memref<4x32x768xf32, #tpu.memory_space<vmem>>, vector<1x1x16xf32>,
        %swap3A_1881 = vector.shape_cast %swap3A_1880 : vector<1x1x16xf32> to vector<16xf32>
        %swap3A_1882 = vector.shape_cast %add3A_1875 : vector<16xf32> to vector<1x1x16xf32>
        tpu.vector_store %arg8[%swap3A_1877, %swap3A_1878, %swap3A_1879], %swap3A_1882 {strides = array<i32>} : memref<4x32x768xf32, #tpu.memory_space<vmem>>, vector<1x1x16xf32>,
        %get3A_1883 = arith.constant 0 : i32
        %get3A_1884 = arith.index_cast %get3A_1883 : i32 to index
        %get3A_1885 = arith.index_cast %scan3A_1295 : i32 to index
        %get3A_1886 = arith.constant 672 : index
        %get3A_1887 = tpu.vector_load %arg8[%get3A_1884, %get3A_1885, %get3A_1886] {strides = array<i32>} : memref<4x32x768xf32, #tpu.memory_space<vmem>>, vector<1x1x16xf32>,
        %get3A_1888 = vector.shape_cast %get3A_1887 : vector<1x1x16xf32> to vector<16xf32>
        %add3A_1889 = arith.addf %get3A_1888, %get3A_272 : vector<16xf32>
        %swap3A_1890 = arith.constant 0 : i32
        %swap3A_1891 = arith.index_cast %swap3A_1890 : i32 to index
        %swap3A_1892 = arith.index_cast %scan3A_1295 : i32 to index
        %swap3A_1893 = arith.constant 672 : index
        %swap3A_1894 = tpu.vector_load %arg8[%swap3A_1891, %swap3A_1892, %swap3A_1893] {strides = array<i32>} : memref<4x32x768xf32, #tpu.memory_space<vmem>>, vector<1x1x16xf32>,
        %swap3A_1895 = vector.shape_cast %swap3A_1894 : vector<1x1x16xf32> to vector<16xf32>
        %swap3A_1896 = vector.shape_cast %add3A_1889 : vector<16xf32> to vector<1x1x16xf32>
        tpu.vector_store %arg8[%swap3A_1891, %swap3A_1892, %swap3A_1893], %swap3A_1896 {strides = array<i32>} : memref<4x32x768xf32, #tpu.memory_space<vmem>>, vector<1x1x16xf32>,
        %get3A_1897 = arith.constant 0 : i32
        %get3A_1898 = arith.index_cast %get3A_1897 : i32 to index
        %get3A_1899 = arith.index_cast %scan3A_1295 : i32 to index
        %get3A_1900 = arith.constant 688 : index
        %get3A_1901 = tpu.vector_load %arg8[%get3A_1898, %get3A_1899, %get3A_1900] {strides = array<i32>} : memref<4x32x768xf32, #tpu.memory_space<vmem>>, vector<1x1x16xf32>,
        %get3A_1902 = vector.shape_cast %get3A_1901 : vector<1x1x16xf32> to vector<16xf32>
        %add3A_1903 = arith.addf %get3A_1902, %get3A_276 : vector<16xf32>
        %swap3A_1904 = arith.constant 0 : i32
        %swap3A_1905 = arith.index_cast %swap3A_1904 : i32 to index
        %swap3A_1906 = arith.index_cast %scan3A_1295 : i32 to index
        %swap3A_1907 = arith.constant 688 : index
        %swap3A_1908 = tpu.vector_load %arg8[%swap3A_1905, %swap3A_1906, %swap3A_1907] {strides = array<i32>} : memref<4x32x768xf32, #tpu.memory_space<vmem>>, vector<1x1x16xf32>,
        %swap3A_1909 = vector.shape_cast %swap3A_1908 : vector<1x1x16xf32> to vector<16xf32>
        %swap3A_1910 = vector.shape_cast %add3A_1903 : vector<16xf32> to vector<1x1x16xf32>
        tpu.vector_store %arg8[%swap3A_1905, %swap3A_1906, %swap3A_1907], %swap3A_1910 {strides = array<i32>} : memref<4x32x768xf32, #tpu.memory_space<vmem>>, vector<1x1x16xf32>,
        %get3A_1911 = arith.constant 0 : i32
        %get3A_1912 = arith.index_cast %get3A_1911 : i32 to index
        %get3A_1913 = arith.index_cast %scan3A_1295 : i32 to index
        %get3A_1914 = arith.constant 704 : index
        %get3A_1915 = tpu.vector_load %arg8[%get3A_1912, %get3A_1913, %get3A_1914] {strides = array<i32>} : memref<4x32x768xf32, #tpu.memory_space<vmem>>, vector<1x1x16xf32>,
        %get3A_1916 = vector.shape_cast %get3A_1915 : vector<1x1x16xf32> to vector<16xf32>
        %add3A_1917 = arith.addf %get3A_1916, %get3A_280 : vector<16xf32>
        %swap3A_1918 = arith.constant 0 : i32
        %swap3A_1919 = arith.index_cast %swap3A_1918 : i32 to index
        %swap3A_1920 = arith.index_cast %scan3A_1295 : i32 to index
        %swap3A_1921 = arith.constant 704 : index
        %swap3A_1922 = tpu.vector_load %arg8[%swap3A_1919, %swap3A_1920, %swap3A_1921] {strides = array<i32>} : memref<4x32x768xf32, #tpu.memory_space<vmem>>, vector<1x1x16xf32>,
        %swap3A_1923 = vector.shape_cast %swap3A_1922 : vector<1x1x16xf32> to vector<16xf32>
        %swap3A_1924 = vector.shape_cast %add3A_1917 : vector<16xf32> to vector<1x1x16xf32>
        tpu.vector_store %arg8[%swap3A_1919, %swap3A_1920, %swap3A_1921], %swap3A_1924 {strides = array<i32>} : memref<4x32x768xf32, #tpu.memory_space<vmem>>, vector<1x1x16xf32>,
        %get3A_1925 = arith.constant 0 : i32
        %get3A_1926 = arith.index_cast %get3A_1925 : i32 to index
        %get3A_1927 = arith.index_cast %scan3A_1295 : i32 to index
        %get3A_1928 = arith.constant 720 : index
        %get3A_1929 = tpu.vector_load %arg8[%get3A_1926, %get3A_1927, %get3A_1928] {strides = array<i32>} : memref<4x32x768xf32, #tpu.memory_space<vmem>>, vector<1x1x16xf32>,
        %get3A_1930 = vector.shape_cast %get3A_1929 : vector<1x1x16xf32> to vector<16xf32>
        %add3A_1931 = arith.addf %get3A_1930, %get3A_284 : vector<16xf32>
        %swap3A_1932 = arith.constant 0 : i32
        %swap3A_1933 = arith.index_cast %swap3A_1932 : i32 to index
        %swap3A_1934 = arith.index_cast %scan3A_1295 : i32 to index
        %swap3A_1935 = arith.constant 720 : index
        %swap3A_1936 = tpu.vector_load %arg8[%swap3A_1933, %swap3A_1934, %swap3A_1935] {strides = array<i32>} : memref<4x32x768xf32, #tpu.memory_space<vmem>>, vector<1x1x16xf32>,
        %swap3A_1937 = vector.shape_cast %swap3A_1936 : vector<1x1x16xf32> to vector<16xf32>
        %swap3A_1938 = vector.shape_cast %add3A_1931 : vector<16xf32> to vector<1x1x16xf32>
        tpu.vector_store %arg8[%swap3A_1933, %swap3A_1934, %swap3A_1935], %swap3A_1938 {strides = array<i32>} : memref<4x32x768xf32, #tpu.memory_space<vmem>>, vector<1x1x16xf32>,
        %get3A_1939 = arith.constant 0 : i32
        %get3A_1940 = arith.index_cast %get3A_1939 : i32 to index
        %get3A_1941 = arith.index_cast %scan3A_1295 : i32 to index
        %get3A_1942 = arith.constant 736 : index
        %get3A_1943 = tpu.vector_load %arg8[%get3A_1940, %get3A_1941, %get3A_1942] {strides = array<i32>} : memref<4x32x768xf32, #tpu.memory_space<vmem>>, vector<1x1x16xf32>,
        %get3A_1944 = vector.shape_cast %get3A_1943 : vector<1x1x16xf32> to vector<16xf32>
        %add3A_1945 = arith.addf %get3A_1944, %get3A_288 : vector<16xf32>
        %swap3A_1946 = arith.constant 0 : i32
        %swap3A_1947 = arith.index_cast %swap3A_1946 : i32 to index
        %swap3A_1948 = arith.index_cast %scan3A_1295 : i32 to index
        %swap3A_1949 = arith.constant 736 : index
        %swap3A_1950 = tpu.vector_load %arg8[%swap3A_1947, %swap3A_1948, %swap3A_1949] {strides = array<i32>} : memref<4x32x768xf32, #tpu.memory_space<vmem>>, vector<1x1x16xf32>,
        %swap3A_1951 = vector.shape_cast %swap3A_1950 : vector<1x1x16xf32> to vector<16xf32>
        %swap3A_1952 = vector.shape_cast %add3A_1945 : vector<16xf32> to vector<1x1x16xf32>
        tpu.vector_store %arg8[%swap3A_1947, %swap3A_1948, %swap3A_1949], %swap3A_1952 {strides = array<i32>} : memref<4x32x768xf32, #tpu.memory_space<vmem>>, vector<1x1x16xf32>,
        %get3A_1953 = arith.constant 0 : i32
        %get3A_1954 = arith.index_cast %get3A_1953 : i32 to index
        %get3A_1955 = arith.index_cast %scan3A_1295 : i32 to index
        %get3A_1956 = arith.constant 752 : index
        %get3A_1957 = tpu.vector_load %arg8[%get3A_1954, %get3A_1955, %get3A_1956] {strides = array<i32>} : memref<4x32x768xf32, #tpu.memory_space<vmem>>, vector<1x1x16xf32>,
        %get3A_1958 = vector.shape_cast %get3A_1957 : vector<1x1x16xf32> to vector<16xf32>
        %add3A_1959 = arith.addf %get3A_1958, %get3A_292 : vector<16xf32>
        %swap3A_1960 = arith.constant 0 : i32
        %swap3A_1961 = arith.index_cast %swap3A_1960 : i32 to index
        %swap3A_1962 = arith.index_cast %scan3A_1295 : i32 to index
        %swap3A_1963 = arith.constant 752 : index
        %swap3A_1964 = tpu.vector_load %arg8[%swap3A_1961, %swap3A_1962, %swap3A_1963] {strides = array<i32>} : memref<4x32x768xf32, #tpu.memory_space<vmem>>, vector<1x1x16xf32>,
        %swap3A_1965 = vector.shape_cast %swap3A_1964 : vector<1x1x16xf32> to vector<16xf32>
        %swap3A_1966 = vector.shape_cast %add3A_1959 : vector<16xf32> to vector<1x1x16xf32>
        tpu.vector_store %arg8[%swap3A_1961, %swap3A_1962, %swap3A_1963], %swap3A_1966 {strides = array<i32>} : memref<4x32x768xf32, #tpu.memory_space<vmem>>, vector<1x1x16xf32>,
      }
      %scan3A_298 = arith.constant 32 : i32
      %mul3A_299 = arith.constant 4 : i32
      %mul3A_300 = arith.muli %add3A, %mul3A_299 : i32
      %add3A_301 = arith.addi %mul3A_300, %select_n3A : i32
      %jit3A_302 = arith.constant 32 : i32
      %eq3A = arith.constant 0 : i32
      %eq3A_303 = arith.cmpi eq, %jit3A_302, %eq3A : i32
      %jit3A_304 = arith.constant 1 : i32
      %select_n3A_305 = arith.select %eq3A_303, %jit3A_304, %jit3A_302 : i32
      %rem3A_306 = arith.remsi %add3A_62, %select_n3A_305 : i32
      %ne3A_307 = arith.constant 0 : i32
      %ne3A_308 = arith.cmpi ne, %rem3A_306, %ne3A_307 : i32
      %lt3A_309 = arith.constant 0 : i32
      %lt3A_310 = arith.cmpi slt, %rem3A_306, %lt3A_309 : i32
      %lt3A_311 = arith.constant 0 : i32
      %lt3A_312 = arith.cmpi slt, %select_n3A_305, %lt3A_311 : i32
      %ne3A_313 = arith.xori %lt3A_310, %lt3A_312 : i1
      %and3A_314 = arith.andi %ne3A_313, %ne3A_308 : i1
      %add3A_315 = arith.addi %rem3A_306, %select_n3A_305 : i32
      %select_n3A_316 = arith.select %and3A_314, %add3A_315, %rem3A_306 : i32
      %mul3A_317 = arith.constant 32 : i32
      %mul3A_318 = arith.muli %select_n3A_316, %mul3A_317 : i32
      %add3A_319 = arith.constant 0 : i32
      %add3A_320 = arith.addi %mul3A_318, %add3A_319 : i32
      %add3A_321 = vector.broadcast %add3A_320 : i32 to vector<16xi32>
      %add3A_322 = arith.addi %iota3A, %add3A_321 : vector<16xi32>
      %mul3A_323 = arith.constant 128 : i32
      %mul3A_324 = vector.broadcast %mul3A_323 : i32 to vector<16xi32>
      %mul3A_325 = arith.muli %add3A_322, %mul3A_324 : vector<16xi32>
      %add3A_326 = vector.broadcast %add3A_301 : i32 to vector<16xi32>
      %add3A_327 = arith.addi %mul3A_325, %add3A_326 : vector<16xi32>
      %dma_start3A_328 = arith.constant 0 : i32
      %dma_start3A_329 = arith.constant 0 : i32
      %dma_start3A_330 = arith.constant 0 : i32
      %dma_start3A_331 = tpu.memref_slice %arg8[%dma_start3A_328, %dma_start3A_329, %dma_start3A_330] : memref<4x32x768xf32, #tpu.memory_space<vmem>> -> memref<1x32x768xf32, #tpu.memory_space<vmem>>
      %dma_start3A_332 = tpu.memref_squeeze %dma_start3A_331 : memref<1x32x768xf32, #tpu.memory_space<vmem>> -> memref<32x768xf32, #tpu.memory_space<vmem>>
      %dma_start3A_333 = arith.constant 0 : i32
      %dma_start3A_334 = arith.constant 0 : i32
      %dma_start3A_335 = tpu.memref_slice %dma_start3A_332[%dma_start3A_333, %dma_start3A_334] : memref<32x768xf32, #tpu.memory_space<vmem>> -> memref<16x768xf32, #tpu.memory_space<vmem>>
      %dma_start3A_336 = arith.constant 0 : i32
      %dma_start3A_337 = arith.constant 0 : i32
      %dma_start3A_338 = tpu.memref_slice %arg5[%dma_start3A_336, %dma_start3A_337] : memref<131072x768xf32, #tpu.memory_space<hbm>> -> memref<131072x768xf32, #tpu.memory_space<hbm>>
      tpu.enqueue_indirect_dma source(%dma_start3A_335 : memref<16x768xf32, #tpu.memory_space<vmem>>) target(%dma_start3A_338 : memref<131072x768xf32, #tpu.memory_space<hbm>>) offsets(%add3A_327 : vector<16xi32>) semaphore(%arg10 : memref<!tpu.dma_semaphore, #tpu.memory_space<semaphore_mem>>)
      %add3A_339 = arith.constant 16 : i32
      %add3A_340 = arith.addi %mul3A_318, %add3A_339 : i32
      %add3A_341 = vector.broadcast %add3A_340 : i32 to vector<16xi32>
      %add3A_342 = arith.addi %iota3A, %add3A_341 : vector<16xi32>
      %mul3A_343 = arith.constant 128 : i32
      %mul3A_344 = vector.broadcast %mul3A_343 : i32 to vector<16xi32>
      %mul3A_345 = arith.muli %add3A_342, %mul3A_344 : vector<16xi32>
      %add3A_346 = vector.broadcast %add3A_301 : i32 to vector<16xi32>
      %add3A_347 = arith.addi %mul3A_345, %add3A_346 : vector<16xi32>
      %dma_start3A_348 = arith.constant 0 : i32
      %dma_start3A_349 = arith.constant 0 : i32
      %dma_start3A_350 = arith.constant 0 : i32
      %dma_start3A_351 = tpu.memref_slice %arg8[%dma_start3A_348, %dma_start3A_349, %dma_start3A_350] : memref<4x32x768xf32, #tpu.memory_space<vmem>> -> memref<1x32x768xf32, #tpu.memory_space<vmem>>
      %dma_start3A_352 = tpu.memref_squeeze %dma_start3A_351 : memref<1x32x768xf32, #tpu.memory_space<vmem>> -> memref<32x768xf32, #tpu.memory_space<vmem>>
      %dma_start3A_353 = arith.constant 16 : i32
      %dma_start3A_354 = arith.constant 0 : i32
      %dma_start3A_355 = tpu.memref_slice %dma_start3A_352[%dma_start3A_353, %dma_start3A_354] : memref<32x768xf32, #tpu.memory_space<vmem>> -> memref<16x768xf32, #tpu.memory_space<vmem>>
      %dma_start3A_356 = arith.constant 0 : i32
      %dma_start3A_357 = arith.constant 0 : i32
      %dma_start3A_358 = tpu.memref_slice %arg5[%dma_start3A_356, %dma_start3A_357] : memref<131072x768xf32, #tpu.memory_space<hbm>> -> memref<131072x768xf32, #tpu.memory_space<hbm>>
      tpu.enqueue_indirect_dma source(%dma_start3A_355 : memref<16x768xf32, #tpu.memory_space<vmem>>) target(%dma_start3A_358 : memref<131072x768xf32, #tpu.memory_space<hbm>>) offsets(%add3A_347 : vector<16xi32>) semaphore(%arg10 : memref<!tpu.dma_semaphore, #tpu.memory_space<semaphore_mem>>)
      %add3A_359 = arith.constant 1 : i32
      %add3A_360 = arith.addi %mul3A_60, %add3A_359 : i32
      %dma_wait3A_361 = arith.constant 1 : i32
      %dma_wait3A_362 = arith.constant 0 : i32
      %dma_wait3A_363 = arith.constant 0 : i32
      %dma_wait3A_364 = tpu.memref_slice %arg8[%dma_wait3A_361, %dma_wait3A_362, %dma_wait3A_363] : memref<4x32x768xf32, #tpu.memory_space<vmem>> -> memref<1x32x768xf32, #tpu.memory_space<vmem>>
      %dma_wait3A_365 = tpu.memref_squeeze %dma_wait3A_364 : memref<1x32x768xf32, #tpu.memory_space<vmem>> -> memref<32x768xf32, #tpu.memory_space<vmem>>
      %dma_wait3A_366 = arith.constant 0 : i32
      %dma_wait3A_367 = arith.constant 0 : i32
      %dma_wait3A_368 = tpu.memref_slice %arg2[%dma_wait3A_366, %dma_wait3A_367] : memref<30522x768xf32, #tpu.memory_space<hbm>> -> memref<32x768xf32, #tpu.memory_space<hbm>>
      %dma_wait3A_369 = arith.constant 0 : i32
      %dma_wait3A_370 = arith.constant 0 : i32
      %dma_wait3A_371 = tpu.memref_slice %arg8[%dma_wait3A_361, %dma_wait3A_369, %dma_wait3A_370] : memref<4x32x768xf32, #tpu.memory_space<vmem>> -> memref<1x32x768xf32, #tpu.memory_space<vmem>>
      %dma_wait3A_372 = tpu.memref_squeeze %dma_wait3A_371 : memref<1x32x768xf32, #tpu.memory_space<vmem>> -> memref<32x768xf32, #tpu.memory_space<vmem>>
      %dma_wait3A_373 = arith.constant 0 : i32
      %dma_wait3A_374 = arith.constant 0 : i32
      %dma_wait3A_375 = tpu.memref_slice %arg2[%dma_wait3A_373, %dma_wait3A_374] : memref<30522x768xf32, #tpu.memory_space<hbm>> -> memref<32x768xf32, #tpu.memory_space<hbm>>
      tpu.wait_dma2 semaphore(%arg9 : memref<!tpu.dma_semaphore, #tpu.memory_space<semaphore_mem>>) src(%dma_wait3A_375 : memref<32x768xf32, #tpu.memory_space<hbm>>) dst(%dma_wait3A_372 : memref<32x768xf32, #tpu.memory_space<vmem>>)
      %ge3A_376 = arith.constant 2 : i32
      %ge3A_377 = arith.cmpi sge, %add3A_360, %ge3A_376 : i32
      %convert_element_type3A_378 = arith.extui %ge3A_377 : i1 to i32
      %cond3A_379 = arith.constant 0 : i32
      %cond3A_380 = arith.cmpi ne, %convert_element_type3A_378, %cond3A_379 : i32
      scf.if %cond3A_380 {
        %dma_wait3A_1295 = arith.constant 3 : i32
        %dma_wait3A_1296 = arith.constant 0 : i32
        %dma_wait3A_1297 = arith.constant 0 : i32
        %dma_wait3A_1298 = tpu.memref_slice %arg8[%dma_wait3A_1295, %dma_wait3A_1296, %dma_wait3A_1297] : memref<4x32x768xf32, #tpu.memory_space<vmem>> -> memref<1x32x768xf32, #tpu.memory_space<vmem>>
        %dma_wait3A_1299 = tpu.memref_squeeze %dma_wait3A_1298 : memref<1x32x768xf32, #tpu.memory_space<vmem>> -> memref<32x768xf32, #tpu.memory_space<vmem>>
        %dma_wait3A_1300 = arith.constant 0 : i32
        %dma_wait3A_1301 = arith.constant 0 : i32
        %dma_wait3A_1302 = tpu.memref_slice %arg2[%dma_wait3A_1300, %dma_wait3A_1301] : memref<30522x768xf32, #tpu.memory_space<hbm>> -> memref<32x768xf32, #tpu.memory_space<hbm>>
        %dma_wait3A_1303 = arith.constant 0 : i32
        %dma_wait3A_1304 = arith.constant 0 : i32
        %dma_wait3A_1305 = tpu.memref_slice %arg8[%dma_wait3A_1295, %dma_wait3A_1303, %dma_wait3A_1304] : memref<4x32x768xf32, #tpu.memory_space<vmem>> -> memref<1x32x768xf32, #tpu.memory_space<vmem>>
        %dma_wait3A_1306 = tpu.memref_squeeze %dma_wait3A_1305 : memref<1x32x768xf32, #tpu.memory_space<vmem>> -> memref<32x768xf32, #tpu.memory_space<vmem>>
        %dma_wait3A_1307 = arith.constant 0 : i32
        %dma_wait3A_1308 = arith.constant 0 : i32
        %dma_wait3A_1309 = tpu.memref_slice %arg2[%dma_wait3A_1307, %dma_wait3A_1308] : memref<30522x768xf32, #tpu.memory_space<hbm>> -> memref<32x768xf32, #tpu.memory_space<hbm>>
        tpu.wait_dma2 semaphore(%arg10 : memref<!tpu.dma_semaphore, #tpu.memory_space<semaphore_mem>>) src(%dma_wait3A_1309 : memref<32x768xf32, #tpu.memory_space<hbm>>) dst(%dma_wait3A_1306 : memref<32x768xf32, #tpu.memory_space<vmem>>)
      } else {
      }
      %add3A_381 = arith.constant 2 : i32
      %add3A_382 = arith.addi %add3A_360, %add3A_381 : i32
      %lt3A_383 = arith.constant 128 : i32
      %lt3A_384 = arith.cmpi slt, %add3A_382, %lt3A_383 : i32
      %convert_element_type3A_385 = arith.extui %lt3A_384 : i1 to i32
      %cond3A_386 = arith.constant 0 : i32
      %cond3A_387 = arith.cmpi ne, %convert_element_type3A_385, %cond3A_386 : i32
      scf.if %cond3A_387 {
        %add3A_1295 = arith.constant 2 : i32
        %add3A_1296 = arith.addi %add3A_360, %add3A_1295 : i32
        %mul3A_1297 = arith.constant 32 : i32
        %mul3A_1298 = arith.muli %add3A_1296, %mul3A_1297 : i32
        %dma_start3A_1299 = arith.constant 3 : i32
        %dma_start3A_1300 = arith.constant 0 : i32
        %dma_start3A_1301 = arith.constant 0 : i32
        %dma_start3A_1302 = tpu.memref_slice %arg8[%dma_start3A_1299, %dma_start3A_1300, %dma_start3A_1301] : memref<4x32x768xf32, #tpu.memory_space<vmem>> -> memref<1x32x768xf32, #tpu.memory_space<vmem>>
        %dma_start3A_1303 = tpu.memref_squeeze %dma_start3A_1302 : memref<1x32x768xf32, #tpu.memory_space<vmem>> -> memref<32x768xf32, #tpu.memory_space<vmem>>
        %dma_start3A_1304 = tpu.memref_slice %arg6[%mul3A_1298] : memref<4096xi32, #tpu.memory_space<vmem>> -> memref<32xi32, #tpu.memory_space<vmem>>
        %dma_start3A_1305 = arith.constant 0 : i32
        %dma_start3A_1306 = arith.constant 0 : i32
        %dma_start3A_1307 = tpu.memref_slice %arg2[%dma_start3A_1305, %dma_start3A_1306] : memref<30522x768xf32, #tpu.memory_space<hbm>> -> memref<30522x768xf32, #tpu.memory_space<hbm>>
        tpu.enqueue_indirect_dma source(%dma_start3A_1307 : memref<30522x768xf32, #tpu.memory_space<hbm>>) target(%dma_start3A_1303 : memref<32x768xf32, #tpu.memory_space<vmem>>) offsets(%dma_start3A_1304 : memref<32xi32, #tpu.memory_space<vmem>>) semaphore(%arg9 : memref<!tpu.dma_semaphore, #tpu.memory_space<semaphore_mem>>)
      } else {
      }
      %jit3A_388 = arith.constant 32 : i32
      %div3A_389 = arith.divsi %add3A_360, %jit3A_388 : i32
      %sign3A_390 = arith.constant 0 : i32
      %sign3A_391 = arith.cmpi sgt, %add3A_360, %sign3A_390 : i32
      %sign3A_392 = arith.extui %sign3A_391 : i1 to i32
      %sign3A_393 = arith.constant 0 : i32
      %sign3A_394 = arith.cmpi slt, %add3A_360, %sign3A_393 : i32
      %sign3A_395 = arith.extui %sign3A_394 : i1 to i32
      %sign3A_396 = arith.subi %sign3A_392, %sign3A_395 : i32
      %sign3A_397 = arith.constant 0 : i32
      %sign3A_398 = arith.cmpi sgt, %jit3A_388, %sign3A_397 : i32
      %sign3A_399 = arith.extui %sign3A_398 : i1 to i32
      %sign3A_400 = arith.constant 0 : i32
      %sign3A_401 = arith.cmpi slt, %jit3A_388, %sign3A_400 : i32
      %sign3A_402 = arith.extui %sign3A_401 : i1 to i32
      %sign3A_403 = arith.subi %sign3A_399, %sign3A_402 : i32
      %ne3A_404 = arith.cmpi ne, %sign3A_396, %sign3A_403 : i32
      %rem3A_405 = arith.remsi %add3A_360, %jit3A_388 : i32
      %ne3A_406 = arith.constant 0 : i32
      %ne3A_407 = arith.cmpi ne, %rem3A_405, %ne3A_406 : i32
      %and3A_408 = arith.andi %ne3A_404, %ne3A_407 : i1
      %sub3A_409 = arith.constant 1 : i32
      %sub3A_410 = arith.subi %div3A_389, %sub3A_409 : i32
      %select_n3A_411 = arith.select %and3A_408, %sub3A_410, %div3A_389 : i32
      %get3A_412 = arith.index_cast %select_n3A_411 : i32 to index
      %get3A_413 = arith.constant 0 : index
      %get3A_414 = tpu.vector_load %arg7[%get3A_412, %get3A_413] {strides = array<i32>} : memref<4x768xf32, #tpu.memory_space<vmem>>, vector<1x16xf32>,
      %get3A_415 = vector.shape_cast %get3A_414 : vector<1x16xf32> to vector<16xf32>
      %get3A_416 = arith.index_cast %select_n3A_411 : i32 to index
      %get3A_417 = arith.constant 16 : index
      %get3A_418 = tpu.vector_load %arg7[%get3A_416, %get3A_417] {strides = array<i32>} : memref<4x768xf32, #tpu.memory_space<vmem>>, vector<1x16xf32>,
      %get3A_419 = vector.shape_cast %get3A_418 : vector<1x16xf32> to vector<16xf32>
      %get3A_420 = arith.index_cast %select_n3A_411 : i32 to index
      %get3A_421 = arith.constant 32 : index
      %get3A_422 = tpu.vector_load %arg7[%get3A_420, %get3A_421] {strides = array<i32>} : memref<4x768xf32, #tpu.memory_space<vmem>>, vector<1x16xf32>,
      %get3A_423 = vector.shape_cast %get3A_422 : vector<1x16xf32> to vector<16xf32>
      %get3A_424 = arith.index_cast %select_n3A_411 : i32 to index
      %get3A_425 = arith.constant 48 : index
      %get3A_426 = tpu.vector_load %arg7[%get3A_424, %get3A_425] {strides = array<i32>} : memref<4x768xf32, #tpu.memory_space<vmem>>, vector<1x16xf32>,
      %get3A_427 = vector.shape_cast %get3A_426 : vector<1x16xf32> to vector<16xf32>
      %get3A_428 = arith.index_cast %select_n3A_411 : i32 to index
      %get3A_429 = arith.constant 64 : index
      %get3A_430 = tpu.vector_load %arg7[%get3A_428, %get3A_429] {strides = array<i32>} : memref<4x768xf32, #tpu.memory_space<vmem>>, vector<1x16xf32>,
      %get3A_431 = vector.shape_cast %get3A_430 : vector<1x16xf32> to vector<16xf32>
      %get3A_432 = arith.index_cast %select_n3A_411 : i32 to index
      %get3A_433 = arith.constant 80 : index
      %get3A_434 = tpu.vector_load %arg7[%get3A_432, %get3A_433] {strides = array<i32>} : memref<4x768xf32, #tpu.memory_space<vmem>>, vector<1x16xf32>,
      %get3A_435 = vector.shape_cast %get3A_434 : vector<1x16xf32> to vector<16xf32>
      %get3A_436 = arith.index_cast %select_n3A_411 : i32 to index
      %get3A_437 = arith.constant 96 : index
      %get3A_438 = tpu.vector_load %arg7[%get3A_436, %get3A_437] {strides = array<i32>} : memref<4x768xf32, #tpu.memory_space<vmem>>, vector<1x16xf32>,
      %get3A_439 = vector.shape_cast %get3A_438 : vector<1x16xf32> to vector<16xf32>
      %get3A_440 = arith.index_cast %select_n3A_411 : i32 to index
      %get3A_441 = arith.constant 112 : index
      %get3A_442 = tpu.vector_load %arg7[%get3A_440, %get3A_441] {strides = array<i32>} : memref<4x768xf32, #tpu.memory_space<vmem>>, vector<1x16xf32>,
      %get3A_443 = vector.shape_cast %get3A_442 : vector<1x16xf32> to vector<16xf32>
      %get3A_444 = arith.index_cast %select_n3A_411 : i32 to index
      %get3A_445 = arith.constant 128 : index
      %get3A_446 = tpu.vector_load %arg7[%get3A_444, %get3A_445] {strides = array<i32>} : memref<4x768xf32, #tpu.memory_space<vmem>>, vector<1x16xf32>,
      %get3A_447 = vector.shape_cast %get3A_446 : vector<1x16xf32> to vector<16xf32>
      %get3A_448 = arith.index_cast %select_n3A_411 : i32 to index
      %get3A_449 = arith.constant 144 : index
      %get3A_450 = tpu.vector_load %arg7[%get3A_448, %get3A_449] {strides = array<i32>} : memref<4x768xf32, #tpu.memory_space<vmem>>, vector<1x16xf32>,
      %get3A_451 = vector.shape_cast %get3A_450 : vector<1x16xf32> to vector<16xf32>
      %get3A_452 = arith.index_cast %select_n3A_411 : i32 to index
      %get3A_453 = arith.constant 160 : index
      %get3A_454 = tpu.vector_load %arg7[%get3A_452, %get3A_453] {strides = array<i32>} : memref<4x768xf32, #tpu.memory_space<vmem>>, vector<1x16xf32>,
      %get3A_455 = vector.shape_cast %get3A_454 : vector<1x16xf32> to vector<16xf32>
      %get3A_456 = arith.index_cast %select_n3A_411 : i32 to index
      %get3A_457 = arith.constant 176 : index
      %get3A_458 = tpu.vector_load %arg7[%get3A_456, %get3A_457] {strides = array<i32>} : memref<4x768xf32, #tpu.memory_space<vmem>>, vector<1x16xf32>,
      %get3A_459 = vector.shape_cast %get3A_458 : vector<1x16xf32> to vector<16xf32>
      %get3A_460 = arith.index_cast %select_n3A_411 : i32 to index
      %get3A_461 = arith.constant 192 : index
      %get3A_462 = tpu.vector_load %arg7[%get3A_460, %get3A_461] {strides = array<i32>} : memref<4x768xf32, #tpu.memory_space<vmem>>, vector<1x16xf32>,
      %get3A_463 = vector.shape_cast %get3A_462 : vector<1x16xf32> to vector<16xf32>
      %get3A_464 = arith.index_cast %select_n3A_411 : i32 to index
      %get3A_465 = arith.constant 208 : index
      %get3A_466 = tpu.vector_load %arg7[%get3A_464, %get3A_465] {strides = array<i32>} : memref<4x768xf32, #tpu.memory_space<vmem>>, vector<1x16xf32>,
      %get3A_467 = vector.shape_cast %get3A_466 : vector<1x16xf32> to vector<16xf32>
      %get3A_468 = arith.index_cast %select_n3A_411 : i32 to index
      %get3A_469 = arith.constant 224 : index
      %get3A_470 = tpu.vector_load %arg7[%get3A_468, %get3A_469] {strides = array<i32>} : memref<4x768xf32, #tpu.memory_space<vmem>>, vector<1x16xf32>,
      %get3A_471 = vector.shape_cast %get3A_470 : vector<1x16xf32> to vector<16xf32>
      %get3A_472 = arith.index_cast %select_n3A_411 : i32 to index
      %get3A_473 = arith.constant 240 : index
      %get3A_474 = tpu.vector_load %arg7[%get3A_472, %get3A_473] {strides = array<i32>} : memref<4x768xf32, #tpu.memory_space<vmem>>, vector<1x16xf32>,
      %get3A_475 = vector.shape_cast %get3A_474 : vector<1x16xf32> to vector<16xf32>
      %get3A_476 = arith.index_cast %select_n3A_411 : i32 to index
      %get3A_477 = arith.constant 256 : index
      %get3A_478 = tpu.vector_load %arg7[%get3A_476, %get3A_477] {strides = array<i32>} : memref<4x768xf32, #tpu.memory_space<vmem>>, vector<1x16xf32>,
      %get3A_479 = vector.shape_cast %get3A_478 : vector<1x16xf32> to vector<16xf32>
      %get3A_480 = arith.index_cast %select_n3A_411 : i32 to index
      %get3A_481 = arith.constant 272 : index
      %get3A_482 = tpu.vector_load %arg7[%get3A_480, %get3A_481] {strides = array<i32>} : memref<4x768xf32, #tpu.memory_space<vmem>>, vector<1x16xf32>,
      %get3A_483 = vector.shape_cast %get3A_482 : vector<1x16xf32> to vector<16xf32>
      %get3A_484 = arith.index_cast %select_n3A_411 : i32 to index
      %get3A_485 = arith.constant 288 : index
      %get3A_486 = tpu.vector_load %arg7[%get3A_484, %get3A_485] {strides = array<i32>} : memref<4x768xf32, #tpu.memory_space<vmem>>, vector<1x16xf32>,
      %get3A_487 = vector.shape_cast %get3A_486 : vector<1x16xf32> to vector<16xf32>
      %get3A_488 = arith.index_cast %select_n3A_411 : i32 to index
      %get3A_489 = arith.constant 304 : index
      %get3A_490 = tpu.vector_load %arg7[%get3A_488, %get3A_489] {strides = array<i32>} : memref<4x768xf32, #tpu.memory_space<vmem>>, vector<1x16xf32>,
      %get3A_491 = vector.shape_cast %get3A_490 : vector<1x16xf32> to vector<16xf32>
      %get3A_492 = arith.index_cast %select_n3A_411 : i32 to index
      %get3A_493 = arith.constant 320 : index
      %get3A_494 = tpu.vector_load %arg7[%get3A_492, %get3A_493] {strides = array<i32>} : memref<4x768xf32, #tpu.memory_space<vmem>>, vector<1x16xf32>,
      %get3A_495 = vector.shape_cast %get3A_494 : vector<1x16xf32> to vector<16xf32>
      %get3A_496 = arith.index_cast %select_n3A_411 : i32 to index
      %get3A_497 = arith.constant 336 : index
      %get3A_498 = tpu.vector_load %arg7[%get3A_496, %get3A_497] {strides = array<i32>} : memref<4x768xf32, #tpu.memory_space<vmem>>, vector<1x16xf32>,
      %get3A_499 = vector.shape_cast %get3A_498 : vector<1x16xf32> to vector<16xf32>
      %get3A_500 = arith.index_cast %select_n3A_411 : i32 to index
      %get3A_501 = arith.constant 352 : index
      %get3A_502 = tpu.vector_load %arg7[%get3A_500, %get3A_501] {strides = array<i32>} : memref<4x768xf32, #tpu.memory_space<vmem>>, vector<1x16xf32>,
      %get3A_503 = vector.shape_cast %get3A_502 : vector<1x16xf32> to vector<16xf32>
      %get3A_504 = arith.index_cast %select_n3A_411 : i32 to index
      %get3A_505 = arith.constant 368 : index
      %get3A_506 = tpu.vector_load %arg7[%get3A_504, %get3A_505] {strides = array<i32>} : memref<4x768xf32, #tpu.memory_space<vmem>>, vector<1x16xf32>,
      %get3A_507 = vector.shape_cast %get3A_506 : vector<1x16xf32> to vector<16xf32>
      %get3A_508 = arith.index_cast %select_n3A_411 : i32 to index
      %get3A_509 = arith.constant 384 : index
      %get3A_510 = tpu.vector_load %arg7[%get3A_508, %get3A_509] {strides = array<i32>} : memref<4x768xf32, #tpu.memory_space<vmem>>, vector<1x16xf32>,
      %get3A_511 = vector.shape_cast %get3A_510 : vector<1x16xf32> to vector<16xf32>
      %get3A_512 = arith.index_cast %select_n3A_411 : i32 to index
      %get3A_513 = arith.constant 400 : index
      %get3A_514 = tpu.vector_load %arg7[%get3A_512, %get3A_513] {strides = array<i32>} : memref<4x768xf32, #tpu.memory_space<vmem>>, vector<1x16xf32>,
      %get3A_515 = vector.shape_cast %get3A_514 : vector<1x16xf32> to vector<16xf32>
      %get3A_516 = arith.index_cast %select_n3A_411 : i32 to index
      %get3A_517 = arith.constant 416 : index
      %get3A_518 = tpu.vector_load %arg7[%get3A_516, %get3A_517] {strides = array<i32>} : memref<4x768xf32, #tpu.memory_space<vmem>>, vector<1x16xf32>,
      %get3A_519 = vector.shape_cast %get3A_518 : vector<1x16xf32> to vector<16xf32>
      %get3A_520 = arith.index_cast %select_n3A_411 : i32 to index
      %get3A_521 = arith.constant 432 : index
      %get3A_522 = tpu.vector_load %arg7[%get3A_520, %get3A_521] {strides = array<i32>} : memref<4x768xf32, #tpu.memory_space<vmem>>, vector<1x16xf32>,
      %get3A_523 = vector.shape_cast %get3A_522 : vector<1x16xf32> to vector<16xf32>
      %get3A_524 = arith.index_cast %select_n3A_411 : i32 to index
      %get3A_525 = arith.constant 448 : index
      %get3A_526 = tpu.vector_load %arg7[%get3A_524, %get3A_525] {strides = array<i32>} : memref<4x768xf32, #tpu.memory_space<vmem>>, vector<1x16xf32>,
      %get3A_527 = vector.shape_cast %get3A_526 : vector<1x16xf32> to vector<16xf32>
      %get3A_528 = arith.index_cast %select_n3A_411 : i32 to index
      %get3A_529 = arith.constant 464 : index
      %get3A_530 = tpu.vector_load %arg7[%get3A_528, %get3A_529] {strides = array<i32>} : memref<4x768xf32, #tpu.memory_space<vmem>>, vector<1x16xf32>,
      %get3A_531 = vector.shape_cast %get3A_530 : vector<1x16xf32> to vector<16xf32>
      %get3A_532 = arith.index_cast %select_n3A_411 : i32 to index
      %get3A_533 = arith.constant 480 : index
      %get3A_534 = tpu.vector_load %arg7[%get3A_532, %get3A_533] {strides = array<i32>} : memref<4x768xf32, #tpu.memory_space<vmem>>, vector<1x16xf32>,
      %get3A_535 = vector.shape_cast %get3A_534 : vector<1x16xf32> to vector<16xf32>
      %get3A_536 = arith.index_cast %select_n3A_411 : i32 to index
      %get3A_537 = arith.constant 496 : index
      %get3A_538 = tpu.vector_load %arg7[%get3A_536, %get3A_537] {strides = array<i32>} : memref<4x768xf32, #tpu.memory_space<vmem>>, vector<1x16xf32>,
      %get3A_539 = vector.shape_cast %get3A_538 : vector<1x16xf32> to vector<16xf32>
      %get3A_540 = arith.index_cast %select_n3A_411 : i32 to index
      %get3A_541 = arith.constant 512 : index
      %get3A_542 = tpu.vector_load %arg7[%get3A_540, %get3A_541] {strides = array<i32>} : memref<4x768xf32, #tpu.memory_space<vmem>>, vector<1x16xf32>,
      %get3A_543 = vector.shape_cast %get3A_542 : vector<1x16xf32> to vector<16xf32>
      %get3A_544 = arith.index_cast %select_n3A_411 : i32 to index
      %get3A_545 = arith.constant 528 : index
      %get3A_546 = tpu.vector_load %arg7[%get3A_544, %get3A_545] {strides = array<i32>} : memref<4x768xf32, #tpu.memory_space<vmem>>, vector<1x16xf32>,
      %get3A_547 = vector.shape_cast %get3A_546 : vector<1x16xf32> to vector<16xf32>
      %get3A_548 = arith.index_cast %select_n3A_411 : i32 to index
      %get3A_549 = arith.constant 544 : index
      %get3A_550 = tpu.vector_load %arg7[%get3A_548, %get3A_549] {strides = array<i32>} : memref<4x768xf32, #tpu.memory_space<vmem>>, vector<1x16xf32>,
      %get3A_551 = vector.shape_cast %get3A_550 : vector<1x16xf32> to vector<16xf32>
      %get3A_552 = arith.index_cast %select_n3A_411 : i32 to index
      %get3A_553 = arith.constant 560 : index
      %get3A_554 = tpu.vector_load %arg7[%get3A_552, %get3A_553] {strides = array<i32>} : memref<4x768xf32, #tpu.memory_space<vmem>>, vector<1x16xf32>,
      %get3A_555 = vector.shape_cast %get3A_554 : vector<1x16xf32> to vector<16xf32>
      %get3A_556 = arith.index_cast %select_n3A_411 : i32 to index
      %get3A_557 = arith.constant 576 : index
      %get3A_558 = tpu.vector_load %arg7[%get3A_556, %get3A_557] {strides = array<i32>} : memref<4x768xf32, #tpu.memory_space<vmem>>, vector<1x16xf32>,
      %get3A_559 = vector.shape_cast %get3A_558 : vector<1x16xf32> to vector<16xf32>
      %get3A_560 = arith.index_cast %select_n3A_411 : i32 to index
      %get3A_561 = arith.constant 592 : index
      %get3A_562 = tpu.vector_load %arg7[%get3A_560, %get3A_561] {strides = array<i32>} : memref<4x768xf32, #tpu.memory_space<vmem>>, vector<1x16xf32>,
      %get3A_563 = vector.shape_cast %get3A_562 : vector<1x16xf32> to vector<16xf32>
      %get3A_564 = arith.index_cast %select_n3A_411 : i32 to index
      %get3A_565 = arith.constant 608 : index
      %get3A_566 = tpu.vector_load %arg7[%get3A_564, %get3A_565] {strides = array<i32>} : memref<4x768xf32, #tpu.memory_space<vmem>>, vector<1x16xf32>,
      %get3A_567 = vector.shape_cast %get3A_566 : vector<1x16xf32> to vector<16xf32>
      %get3A_568 = arith.index_cast %select_n3A_411 : i32 to index
      %get3A_569 = arith.constant 624 : index
      %get3A_570 = tpu.vector_load %arg7[%get3A_568, %get3A_569] {strides = array<i32>} : memref<4x768xf32, #tpu.memory_space<vmem>>, vector<1x16xf32>,
      %get3A_571 = vector.shape_cast %get3A_570 : vector<1x16xf32> to vector<16xf32>
      %get3A_572 = arith.index_cast %select_n3A_411 : i32 to index
      %get3A_573 = arith.constant 640 : index
      %get3A_574 = tpu.vector_load %arg7[%get3A_572, %get3A_573] {strides = array<i32>} : memref<4x768xf32, #tpu.memory_space<vmem>>, vector<1x16xf32>,
      %get3A_575 = vector.shape_cast %get3A_574 : vector<1x16xf32> to vector<16xf32>
      %get3A_576 = arith.index_cast %select_n3A_411 : i32 to index
      %get3A_577 = arith.constant 656 : index
      %get3A_578 = tpu.vector_load %arg7[%get3A_576, %get3A_577] {strides = array<i32>} : memref<4x768xf32, #tpu.memory_space<vmem>>, vector<1x16xf32>,
      %get3A_579 = vector.shape_cast %get3A_578 : vector<1x16xf32> to vector<16xf32>
      %get3A_580 = arith.index_cast %select_n3A_411 : i32 to index
      %get3A_581 = arith.constant 672 : index
      %get3A_582 = tpu.vector_load %arg7[%get3A_580, %get3A_581] {strides = array<i32>} : memref<4x768xf32, #tpu.memory_space<vmem>>, vector<1x16xf32>,
      %get3A_583 = vector.shape_cast %get3A_582 : vector<1x16xf32> to vector<16xf32>
      %get3A_584 = arith.index_cast %select_n3A_411 : i32 to index
      %get3A_585 = arith.constant 688 : index
      %get3A_586 = tpu.vector_load %arg7[%get3A_584, %get3A_585] {strides = array<i32>} : memref<4x768xf32, #tpu.memory_space<vmem>>, vector<1x16xf32>,
      %get3A_587 = vector.shape_cast %get3A_586 : vector<1x16xf32> to vector<16xf32>
      %get3A_588 = arith.index_cast %select_n3A_411 : i32 to index
      %get3A_589 = arith.constant 704 : index
      %get3A_590 = tpu.vector_load %arg7[%get3A_588, %get3A_589] {strides = array<i32>} : memref<4x768xf32, #tpu.memory_space<vmem>>, vector<1x16xf32>,
      %get3A_591 = vector.shape_cast %get3A_590 : vector<1x16xf32> to vector<16xf32>
      %get3A_592 = arith.index_cast %select_n3A_411 : i32 to index
      %get3A_593 = arith.constant 720 : index
      %get3A_594 = tpu.vector_load %arg7[%get3A_592, %get3A_593] {strides = array<i32>} : memref<4x768xf32, #tpu.memory_space<vmem>>, vector<1x16xf32>,
      %get3A_595 = vector.shape_cast %get3A_594 : vector<1x16xf32> to vector<16xf32>
      %get3A_596 = arith.index_cast %select_n3A_411 : i32 to index
      %get3A_597 = arith.constant 736 : index
      %get3A_598 = tpu.vector_load %arg7[%get3A_596, %get3A_597] {strides = array<i32>} : memref<4x768xf32, #tpu.memory_space<vmem>>, vector<1x16xf32>,
      %get3A_599 = vector.shape_cast %get3A_598 : vector<1x16xf32> to vector<16xf32>
      %get3A_600 = arith.index_cast %select_n3A_411 : i32 to index
      %get3A_601 = arith.constant 752 : index
      %get3A_602 = tpu.vector_load %arg7[%get3A_600, %get3A_601] {strides = array<i32>} : memref<4x768xf32, #tpu.memory_space<vmem>>, vector<1x16xf32>,
      %get3A_603 = vector.shape_cast %get3A_602 : vector<1x16xf32> to vector<16xf32>
      %scan3A_604 = arith.constant 0 : i32
      %scan3A_605 = arith.constant 0 : i32
      %scan3A_606 = arith.constant 32 : i32
      %scan3A_607 = arith.addi %scan3A_605, %scan3A_606 : i32
      %scan3A_608 = arith.constant 1 : i32
      scf.for %scan3A_1295 = %scan3A_605 to %scan3A_607 step %scan3A_608  : i32 {
        %get3A_1296 = arith.constant 1 : i32
        %get3A_1297 = arith.index_cast %get3A_1296 : i32 to index
        %get3A_1298 = arith.index_cast %scan3A_1295 : i32 to index
        %get3A_1299 = arith.constant 0 : index
        %get3A_1300 = tpu.vector_load %arg8[%get3A_1297, %get3A_1298, %get3A_1299] {strides = array<i32>} : memref<4x32x768xf32, #tpu.memory_space<vmem>>, vector<1x1x16xf32>,
        %get3A_1301 = vector.shape_cast %get3A_1300 : vector<1x1x16xf32> to vector<16xf32>
        %add3A_1302 = arith.addf %get3A_1301, %get3A_415 : vector<16xf32>
        %swap3A = arith.constant 1 : i32
        %swap3A_1303 = arith.index_cast %swap3A : i32 to index
        %swap3A_1304 = arith.index_cast %scan3A_1295 : i32 to index
        %swap3A_1305 = arith.constant 0 : index
        %swap3A_1306 = tpu.vector_load %arg8[%swap3A_1303, %swap3A_1304, %swap3A_1305] {strides = array<i32>} : memref<4x32x768xf32, #tpu.memory_space<vmem>>, vector<1x1x16xf32>,
        %swap3A_1307 = vector.shape_cast %swap3A_1306 : vector<1x1x16xf32> to vector<16xf32>
        %swap3A_1308 = vector.shape_cast %add3A_1302 : vector<16xf32> to vector<1x1x16xf32>
        tpu.vector_store %arg8[%swap3A_1303, %swap3A_1304, %swap3A_1305], %swap3A_1308 {strides = array<i32>} : memref<4x32x768xf32, #tpu.memory_space<vmem>>, vector<1x1x16xf32>,
        %get3A_1309 = arith.constant 1 : i32
        %get3A_1310 = arith.index_cast %get3A_1309 : i32 to index
        %get3A_1311 = arith.index_cast %scan3A_1295 : i32 to index
        %get3A_1312 = arith.constant 16 : index
        %get3A_1313 = tpu.vector_load %arg8[%get3A_1310, %get3A_1311, %get3A_1312] {strides = array<i32>} : memref<4x32x768xf32, #tpu.memory_space<vmem>>, vector<1x1x16xf32>,
        %get3A_1314 = vector.shape_cast %get3A_1313 : vector<1x1x16xf32> to vector<16xf32>
        %add3A_1315 = arith.addf %get3A_1314, %get3A_419 : vector<16xf32>
        %swap3A_1316 = arith.constant 1 : i32
        %swap3A_1317 = arith.index_cast %swap3A_1316 : i32 to index
        %swap3A_1318 = arith.index_cast %scan3A_1295 : i32 to index
        %swap3A_1319 = arith.constant 16 : index
        %swap3A_1320 = tpu.vector_load %arg8[%swap3A_1317, %swap3A_1318, %swap3A_1319] {strides = array<i32>} : memref<4x32x768xf32, #tpu.memory_space<vmem>>, vector<1x1x16xf32>,
        %swap3A_1321 = vector.shape_cast %swap3A_1320 : vector<1x1x16xf32> to vector<16xf32>
        %swap3A_1322 = vector.shape_cast %add3A_1315 : vector<16xf32> to vector<1x1x16xf32>
        tpu.vector_store %arg8[%swap3A_1317, %swap3A_1318, %swap3A_1319], %swap3A_1322 {strides = array<i32>} : memref<4x32x768xf32, #tpu.memory_space<vmem>>, vector<1x1x16xf32>,
        %get3A_1323 = arith.constant 1 : i32
        %get3A_1324 = arith.index_cast %get3A_1323 : i32 to index
        %get3A_1325 = arith.index_cast %scan3A_1295 : i32 to index
        %get3A_1326 = arith.constant 32 : index
        %get3A_1327 = tpu.vector_load %arg8[%get3A_1324, %get3A_1325, %get3A_1326] {strides = array<i32>} : memref<4x32x768xf32, #tpu.memory_space<vmem>>, vector<1x1x16xf32>,
        %get3A_1328 = vector.shape_cast %get3A_1327 : vector<1x1x16xf32> to vector<16xf32>
        %add3A_1329 = arith.addf %get3A_1328, %get3A_423 : vector<16xf32>
        %swap3A_1330 = arith.constant 1 : i32
        %swap3A_1331 = arith.index_cast %swap3A_1330 : i32 to index
        %swap3A_1332 = arith.index_cast %scan3A_1295 : i32 to index
        %swap3A_1333 = arith.constant 32 : index
        %swap3A_1334 = tpu.vector_load %arg8[%swap3A_1331, %swap3A_1332, %swap3A_1333] {strides = array<i32>} : memref<4x32x768xf32, #tpu.memory_space<vmem>>, vector<1x1x16xf32>,
        %swap3A_1335 = vector.shape_cast %swap3A_1334 : vector<1x1x16xf32> to vector<16xf32>
        %swap3A_1336 = vector.shape_cast %add3A_1329 : vector<16xf32> to vector<1x1x16xf32>
        tpu.vector_store %arg8[%swap3A_1331, %swap3A_1332, %swap3A_1333], %swap3A_1336 {strides = array<i32>} : memref<4x32x768xf32, #tpu.memory_space<vmem>>, vector<1x1x16xf32>,
        %get3A_1337 = arith.constant 1 : i32
        %get3A_1338 = arith.index_cast %get3A_1337 : i32 to index
        %get3A_1339 = arith.index_cast %scan3A_1295 : i32 to index
        %get3A_1340 = arith.constant 48 : index
        %get3A_1341 = tpu.vector_load %arg8[%get3A_1338, %get3A_1339, %get3A_1340] {strides = array<i32>} : memref<4x32x768xf32, #tpu.memory_space<vmem>>, vector<1x1x16xf32>,
        %get3A_1342 = vector.shape_cast %get3A_1341 : vector<1x1x16xf32> to vector<16xf32>
        %add3A_1343 = arith.addf %get3A_1342, %get3A_427 : vector<16xf32>
        %swap3A_1344 = arith.constant 1 : i32
        %swap3A_1345 = arith.index_cast %swap3A_1344 : i32 to index
        %swap3A_1346 = arith.index_cast %scan3A_1295 : i32 to index
        %swap3A_1347 = arith.constant 48 : index
        %swap3A_1348 = tpu.vector_load %arg8[%swap3A_1345, %swap3A_1346, %swap3A_1347] {strides = array<i32>} : memref<4x32x768xf32, #tpu.memory_space<vmem>>, vector<1x1x16xf32>,
        %swap3A_1349 = vector.shape_cast %swap3A_1348 : vector<1x1x16xf32> to vector<16xf32>
        %swap3A_1350 = vector.shape_cast %add3A_1343 : vector<16xf32> to vector<1x1x16xf32>
        tpu.vector_store %arg8[%swap3A_1345, %swap3A_1346, %swap3A_1347], %swap3A_1350 {strides = array<i32>} : memref<4x32x768xf32, #tpu.memory_space<vmem>>, vector<1x1x16xf32>,
        %get3A_1351 = arith.constant 1 : i32
        %get3A_1352 = arith.index_cast %get3A_1351 : i32 to index
        %get3A_1353 = arith.index_cast %scan3A_1295 : i32 to index
        %get3A_1354 = arith.constant 64 : index
        %get3A_1355 = tpu.vector_load %arg8[%get3A_1352, %get3A_1353, %get3A_1354] {strides = array<i32>} : memref<4x32x768xf32, #tpu.memory_space<vmem>>, vector<1x1x16xf32>,
        %get3A_1356 = vector.shape_cast %get3A_1355 : vector<1x1x16xf32> to vector<16xf32>
        %add3A_1357 = arith.addf %get3A_1356, %get3A_431 : vector<16xf32>
        %swap3A_1358 = arith.constant 1 : i32
        %swap3A_1359 = arith.index_cast %swap3A_1358 : i32 to index
        %swap3A_1360 = arith.index_cast %scan3A_1295 : i32 to index
        %swap3A_1361 = arith.constant 64 : index
        %swap3A_1362 = tpu.vector_load %arg8[%swap3A_1359, %swap3A_1360, %swap3A_1361] {strides = array<i32>} : memref<4x32x768xf32, #tpu.memory_space<vmem>>, vector<1x1x16xf32>,
        %swap3A_1363 = vector.shape_cast %swap3A_1362 : vector<1x1x16xf32> to vector<16xf32>
        %swap3A_1364 = vector.shape_cast %add3A_1357 : vector<16xf32> to vector<1x1x16xf32>
        tpu.vector_store %arg8[%swap3A_1359, %swap3A_1360, %swap3A_1361], %swap3A_1364 {strides = array<i32>} : memref<4x32x768xf32, #tpu.memory_space<vmem>>, vector<1x1x16xf32>,
        %get3A_1365 = arith.constant 1 : i32
        %get3A_1366 = arith.index_cast %get3A_1365 : i32 to index
        %get3A_1367 = arith.index_cast %scan3A_1295 : i32 to index
        %get3A_1368 = arith.constant 80 : index
        %get3A_1369 = tpu.vector_load %arg8[%get3A_1366, %get3A_1367, %get3A_1368] {strides = array<i32>} : memref<4x32x768xf32, #tpu.memory_space<vmem>>, vector<1x1x16xf32>,
        %get3A_1370 = vector.shape_cast %get3A_1369 : vector<1x1x16xf32> to vector<16xf32>
        %add3A_1371 = arith.addf %get3A_1370, %get3A_435 : vector<16xf32>
        %swap3A_1372 = arith.constant 1 : i32
        %swap3A_1373 = arith.index_cast %swap3A_1372 : i32 to index
        %swap3A_1374 = arith.index_cast %scan3A_1295 : i32 to index
        %swap3A_1375 = arith.constant 80 : index
        %swap3A_1376 = tpu.vector_load %arg8[%swap3A_1373, %swap3A_1374, %swap3A_1375] {strides = array<i32>} : memref<4x32x768xf32, #tpu.memory_space<vmem>>, vector<1x1x16xf32>,
        %swap3A_1377 = vector.shape_cast %swap3A_1376 : vector<1x1x16xf32> to vector<16xf32>
        %swap3A_1378 = vector.shape_cast %add3A_1371 : vector<16xf32> to vector<1x1x16xf32>
        tpu.vector_store %arg8[%swap3A_1373, %swap3A_1374, %swap3A_1375], %swap3A_1378 {strides = array<i32>} : memref<4x32x768xf32, #tpu.memory_space<vmem>>, vector<1x1x16xf32>,
        %get3A_1379 = arith.constant 1 : i32
        %get3A_1380 = arith.index_cast %get3A_1379 : i32 to index
        %get3A_1381 = arith.index_cast %scan3A_1295 : i32 to index
        %get3A_1382 = arith.constant 96 : index
        %get3A_1383 = tpu.vector_load %arg8[%get3A_1380, %get3A_1381, %get3A_1382] {strides = array<i32>} : memref<4x32x768xf32, #tpu.memory_space<vmem>>, vector<1x1x16xf32>,
        %get3A_1384 = vector.shape_cast %get3A_1383 : vector<1x1x16xf32> to vector<16xf32>
        %add3A_1385 = arith.addf %get3A_1384, %get3A_439 : vector<16xf32>
        %swap3A_1386 = arith.constant 1 : i32
        %swap3A_1387 = arith.index_cast %swap3A_1386 : i32 to index
        %swap3A_1388 = arith.index_cast %scan3A_1295 : i32 to index
        %swap3A_1389 = arith.constant 96 : index
        %swap3A_1390 = tpu.vector_load %arg8[%swap3A_1387, %swap3A_1388, %swap3A_1389] {strides = array<i32>} : memref<4x32x768xf32, #tpu.memory_space<vmem>>, vector<1x1x16xf32>,
        %swap3A_1391 = vector.shape_cast %swap3A_1390 : vector<1x1x16xf32> to vector<16xf32>
        %swap3A_1392 = vector.shape_cast %add3A_1385 : vector<16xf32> to vector<1x1x16xf32>
        tpu.vector_store %arg8[%swap3A_1387, %swap3A_1388, %swap3A_1389], %swap3A_1392 {strides = array<i32>} : memref<4x32x768xf32, #tpu.memory_space<vmem>>, vector<1x1x16xf32>,
        %get3A_1393 = arith.constant 1 : i32
        %get3A_1394 = arith.index_cast %get3A_1393 : i32 to index
        %get3A_1395 = arith.index_cast %scan3A_1295 : i32 to index
        %get3A_1396 = arith.constant 112 : index
        %get3A_1397 = tpu.vector_load %arg8[%get3A_1394, %get3A_1395, %get3A_1396] {strides = array<i32>} : memref<4x32x768xf32, #tpu.memory_space<vmem>>, vector<1x1x16xf32>,
        %get3A_1398 = vector.shape_cast %get3A_1397 : vector<1x1x16xf32> to vector<16xf32>
        %add3A_1399 = arith.addf %get3A_1398, %get3A_443 : vector<16xf32>
        %swap3A_1400 = arith.constant 1 : i32
        %swap3A_1401 = arith.index_cast %swap3A_1400 : i32 to index
        %swap3A_1402 = arith.index_cast %scan3A_1295 : i32 to index
        %swap3A_1403 = arith.constant 112 : index
        %swap3A_1404 = tpu.vector_load %arg8[%swap3A_1401, %swap3A_1402, %swap3A_1403] {strides = array<i32>} : memref<4x32x768xf32, #tpu.memory_space<vmem>>, vector<1x1x16xf32>,
        %swap3A_1405 = vector.shape_cast %swap3A_1404 : vector<1x1x16xf32> to vector<16xf32>
        %swap3A_1406 = vector.shape_cast %add3A_1399 : vector<16xf32> to vector<1x1x16xf32>
        tpu.vector_store %arg8[%swap3A_1401, %swap3A_1402, %swap3A_1403], %swap3A_1406 {strides = array<i32>} : memref<4x32x768xf32, #tpu.memory_space<vmem>>, vector<1x1x16xf32>,
        %get3A_1407 = arith.constant 1 : i32
        %get3A_1408 = arith.index_cast %get3A_1407 : i32 to index
        %get3A_1409 = arith.index_cast %scan3A_1295 : i32 to index
        %get3A_1410 = arith.constant 128 : index
        %get3A_1411 = tpu.vector_load %arg8[%get3A_1408, %get3A_1409, %get3A_1410] {strides = array<i32>} : memref<4x32x768xf32, #tpu.memory_space<vmem>>, vector<1x1x16xf32>,
        %get3A_1412 = vector.shape_cast %get3A_1411 : vector<1x1x16xf32> to vector<16xf32>
        %add3A_1413 = arith.addf %get3A_1412, %get3A_447 : vector<16xf32>
        %swap3A_1414 = arith.constant 1 : i32
        %swap3A_1415 = arith.index_cast %swap3A_1414 : i32 to index
        %swap3A_1416 = arith.index_cast %scan3A_1295 : i32 to index
        %swap3A_1417 = arith.constant 128 : index
        %swap3A_1418 = tpu.vector_load %arg8[%swap3A_1415, %swap3A_1416, %swap3A_1417] {strides = array<i32>} : memref<4x32x768xf32, #tpu.memory_space<vmem>>, vector<1x1x16xf32>,
        %swap3A_1419 = vector.shape_cast %swap3A_1418 : vector<1x1x16xf32> to vector<16xf32>
        %swap3A_1420 = vector.shape_cast %add3A_1413 : vector<16xf32> to vector<1x1x16xf32>
        tpu.vector_store %arg8[%swap3A_1415, %swap3A_1416, %swap3A_1417], %swap3A_1420 {strides = array<i32>} : memref<4x32x768xf32, #tpu.memory_space<vmem>>, vector<1x1x16xf32>,
        %get3A_1421 = arith.constant 1 : i32
        %get3A_1422 = arith.index_cast %get3A_1421 : i32 to index
        %get3A_1423 = arith.index_cast %scan3A_1295 : i32 to index
        %get3A_1424 = arith.constant 144 : index
        %get3A_1425 = tpu.vector_load %arg8[%get3A_1422, %get3A_1423, %get3A_1424] {strides = array<i32>} : memref<4x32x768xf32, #tpu.memory_space<vmem>>, vector<1x1x16xf32>,
        %get3A_1426 = vector.shape_cast %get3A_1425 : vector<1x1x16xf32> to vector<16xf32>
        %add3A_1427 = arith.addf %get3A_1426, %get3A_451 : vector<16xf32>
        %swap3A_1428 = arith.constant 1 : i32
        %swap3A_1429 = arith.index_cast %swap3A_1428 : i32 to index
        %swap3A_1430 = arith.index_cast %scan3A_1295 : i32 to index
        %swap3A_1431 = arith.constant 144 : index
        %swap3A_1432 = tpu.vector_load %arg8[%swap3A_1429, %swap3A_1430, %swap3A_1431] {strides = array<i32>} : memref<4x32x768xf32, #tpu.memory_space<vmem>>, vector<1x1x16xf32>,
        %swap3A_1433 = vector.shape_cast %swap3A_1432 : vector<1x1x16xf32> to vector<16xf32>
        %swap3A_1434 = vector.shape_cast %add3A_1427 : vector<16xf32> to vector<1x1x16xf32>
        tpu.vector_store %arg8[%swap3A_1429, %swap3A_1430, %swap3A_1431], %swap3A_1434 {strides = array<i32>} : memref<4x32x768xf32, #tpu.memory_space<vmem>>, vector<1x1x16xf32>,
        %get3A_1435 = arith.constant 1 : i32
        %get3A_1436 = arith.index_cast %get3A_1435 : i32 to index
        %get3A_1437 = arith.index_cast %scan3A_1295 : i32 to index
        %get3A_1438 = arith.constant 160 : index
        %get3A_1439 = tpu.vector_load %arg8[%get3A_1436, %get3A_1437, %get3A_1438] {strides = array<i32>} : memref<4x32x768xf32, #tpu.memory_space<vmem>>, vector<1x1x16xf32>,
        %get3A_1440 = vector.shape_cast %get3A_1439 : vector<1x1x16xf32> to vector<16xf32>
        %add3A_1441 = arith.addf %get3A_1440, %get3A_455 : vector<16xf32>
        %swap3A_1442 = arith.constant 1 : i32
        %swap3A_1443 = arith.index_cast %swap3A_1442 : i32 to index
        %swap3A_1444 = arith.index_cast %scan3A_1295 : i32 to index
        %swap3A_1445 = arith.constant 160 : index
        %swap3A_1446 = tpu.vector_load %arg8[%swap3A_1443, %swap3A_1444, %swap3A_1445] {strides = array<i32>} : memref<4x32x768xf32, #tpu.memory_space<vmem>>, vector<1x1x16xf32>,
        %swap3A_1447 = vector.shape_cast %swap3A_1446 : vector<1x1x16xf32> to vector<16xf32>
        %swap3A_1448 = vector.shape_cast %add3A_1441 : vector<16xf32> to vector<1x1x16xf32>
        tpu.vector_store %arg8[%swap3A_1443, %swap3A_1444, %swap3A_1445], %swap3A_1448 {strides = array<i32>} : memref<4x32x768xf32, #tpu.memory_space<vmem>>, vector<1x1x16xf32>,
        %get3A_1449 = arith.constant 1 : i32
        %get3A_1450 = arith.index_cast %get3A_1449 : i32 to index
        %get3A_1451 = arith.index_cast %scan3A_1295 : i32 to index
        %get3A_1452 = arith.constant 176 : index
        %get3A_1453 = tpu.vector_load %arg8[%get3A_1450, %get3A_1451, %get3A_1452] {strides = array<i32>} : memref<4x32x768xf32, #tpu.memory_space<vmem>>, vector<1x1x16xf32>,
        %get3A_1454 = vector.shape_cast %get3A_1453 : vector<1x1x16xf32> to vector<16xf32>
        %add3A_1455 = arith.addf %get3A_1454, %get3A_459 : vector<16xf32>
        %swap3A_1456 = arith.constant 1 : i32
        %swap3A_1457 = arith.index_cast %swap3A_1456 : i32 to index
        %swap3A_1458 = arith.index_cast %scan3A_1295 : i32 to index
        %swap3A_1459 = arith.constant 176 : index
        %swap3A_1460 = tpu.vector_load %arg8[%swap3A_1457, %swap3A_1458, %swap3A_1459] {strides = array<i32>} : memref<4x32x768xf32, #tpu.memory_space<vmem>>, vector<1x1x16xf32>,
        %swap3A_1461 = vector.shape_cast %swap3A_1460 : vector<1x1x16xf32> to vector<16xf32>
        %swap3A_1462 = vector.shape_cast %add3A_1455 : vector<16xf32> to vector<1x1x16xf32>
        tpu.vector_store %arg8[%swap3A_1457, %swap3A_1458, %swap3A_1459], %swap3A_1462 {strides = array<i32>} : memref<4x32x768xf32, #tpu.memory_space<vmem>>, vector<1x1x16xf32>,
        %get3A_1463 = arith.constant 1 : i32
        %get3A_1464 = arith.index_cast %get3A_1463 : i32 to index
        %get3A_1465 = arith.index_cast %scan3A_1295 : i32 to index
        %get3A_1466 = arith.constant 192 : index
        %get3A_1467 = tpu.vector_load %arg8[%get3A_1464, %get3A_1465, %get3A_1466] {strides = array<i32>} : memref<4x32x768xf32, #tpu.memory_space<vmem>>, vector<1x1x16xf32>,
        %get3A_1468 = vector.shape_cast %get3A_1467 : vector<1x1x16xf32> to vector<16xf32>
        %add3A_1469 = arith.addf %get3A_1468, %get3A_463 : vector<16xf32>
        %swap3A_1470 = arith.constant 1 : i32
        %swap3A_1471 = arith.index_cast %swap3A_1470 : i32 to index
        %swap3A_1472 = arith.index_cast %scan3A_1295 : i32 to index
        %swap3A_1473 = arith.constant 192 : index
        %swap3A_1474 = tpu.vector_load %arg8[%swap3A_1471, %swap3A_1472, %swap3A_1473] {strides = array<i32>} : memref<4x32x768xf32, #tpu.memory_space<vmem>>, vector<1x1x16xf32>,
        %swap3A_1475 = vector.shape_cast %swap3A_1474 : vector<1x1x16xf32> to vector<16xf32>
        %swap3A_1476 = vector.shape_cast %add3A_1469 : vector<16xf32> to vector<1x1x16xf32>
        tpu.vector_store %arg8[%swap3A_1471, %swap3A_1472, %swap3A_1473], %swap3A_1476 {strides = array<i32>} : memref<4x32x768xf32, #tpu.memory_space<vmem>>, vector<1x1x16xf32>,
        %get3A_1477 = arith.constant 1 : i32
        %get3A_1478 = arith.index_cast %get3A_1477 : i32 to index
        %get3A_1479 = arith.index_cast %scan3A_1295 : i32 to index
        %get3A_1480 = arith.constant 208 : index
        %get3A_1481 = tpu.vector_load %arg8[%get3A_1478, %get3A_1479, %get3A_1480] {strides = array<i32>} : memref<4x32x768xf32, #tpu.memory_space<vmem>>, vector<1x1x16xf32>,
        %get3A_1482 = vector.shape_cast %get3A_1481 : vector<1x1x16xf32> to vector<16xf32>
        %add3A_1483 = arith.addf %get3A_1482, %get3A_467 : vector<16xf32>
        %swap3A_1484 = arith.constant 1 : i32
        %swap3A_1485 = arith.index_cast %swap3A_1484 : i32 to index
        %swap3A_1486 = arith.index_cast %scan3A_1295 : i32 to index
        %swap3A_1487 = arith.constant 208 : index
        %swap3A_1488 = tpu.vector_load %arg8[%swap3A_1485, %swap3A_1486, %swap3A_1487] {strides = array<i32>} : memref<4x32x768xf32, #tpu.memory_space<vmem>>, vector<1x1x16xf32>,
        %swap3A_1489 = vector.shape_cast %swap3A_1488 : vector<1x1x16xf32> to vector<16xf32>
        %swap3A_1490 = vector.shape_cast %add3A_1483 : vector<16xf32> to vector<1x1x16xf32>
        tpu.vector_store %arg8[%swap3A_1485, %swap3A_1486, %swap3A_1487], %swap3A_1490 {strides = array<i32>} : memref<4x32x768xf32, #tpu.memory_space<vmem>>, vector<1x1x16xf32>,
        %get3A_1491 = arith.constant 1 : i32
        %get3A_1492 = arith.index_cast %get3A_1491 : i32 to index
        %get3A_1493 = arith.index_cast %scan3A_1295 : i32 to index
        %get3A_1494 = arith.constant 224 : index
        %get3A_1495 = tpu.vector_load %arg8[%get3A_1492, %get3A_1493, %get3A_1494] {strides = array<i32>} : memref<4x32x768xf32, #tpu.memory_space<vmem>>, vector<1x1x16xf32>,
        %get3A_1496 = vector.shape_cast %get3A_1495 : vector<1x1x16xf32> to vector<16xf32>
        %add3A_1497 = arith.addf %get3A_1496, %get3A_471 : vector<16xf32>
        %swap3A_1498 = arith.constant 1 : i32
        %swap3A_1499 = arith.index_cast %swap3A_1498 : i32 to index
        %swap3A_1500 = arith.index_cast %scan3A_1295 : i32 to index
        %swap3A_1501 = arith.constant 224 : index
        %swap3A_1502 = tpu.vector_load %arg8[%swap3A_1499, %swap3A_1500, %swap3A_1501] {strides = array<i32>} : memref<4x32x768xf32, #tpu.memory_space<vmem>>, vector<1x1x16xf32>,
        %swap3A_1503 = vector.shape_cast %swap3A_1502 : vector<1x1x16xf32> to vector<16xf32>
        %swap3A_1504 = vector.shape_cast %add3A_1497 : vector<16xf32> to vector<1x1x16xf32>
        tpu.vector_store %arg8[%swap3A_1499, %swap3A_1500, %swap3A_1501], %swap3A_1504 {strides = array<i32>} : memref<4x32x768xf32, #tpu.memory_space<vmem>>, vector<1x1x16xf32>,
        %get3A_1505 = arith.constant 1 : i32
        %get3A_1506 = arith.index_cast %get3A_1505 : i32 to index
        %get3A_1507 = arith.index_cast %scan3A_1295 : i32 to index
        %get3A_1508 = arith.constant 240 : index
        %get3A_1509 = tpu.vector_load %arg8[%get3A_1506, %get3A_1507, %get3A_1508] {strides = array<i32>} : memref<4x32x768xf32, #tpu.memory_space<vmem>>, vector<1x1x16xf32>,
        %get3A_1510 = vector.shape_cast %get3A_1509 : vector<1x1x16xf32> to vector<16xf32>
        %add3A_1511 = arith.addf %get3A_1510, %get3A_475 : vector<16xf32>
        %swap3A_1512 = arith.constant 1 : i32
        %swap3A_1513 = arith.index_cast %swap3A_1512 : i32 to index
        %swap3A_1514 = arith.index_cast %scan3A_1295 : i32 to index
        %swap3A_1515 = arith.constant 240 : index
        %swap3A_1516 = tpu.vector_load %arg8[%swap3A_1513, %swap3A_1514, %swap3A_1515] {strides = array<i32>} : memref<4x32x768xf32, #tpu.memory_space<vmem>>, vector<1x1x16xf32>,
        %swap3A_1517 = vector.shape_cast %swap3A_1516 : vector<1x1x16xf32> to vector<16xf32>
        %swap3A_1518 = vector.shape_cast %add3A_1511 : vector<16xf32> to vector<1x1x16xf32>
        tpu.vector_store %arg8[%swap3A_1513, %swap3A_1514, %swap3A_1515], %swap3A_1518 {strides = array<i32>} : memref<4x32x768xf32, #tpu.memory_space<vmem>>, vector<1x1x16xf32>,
        %get3A_1519 = arith.constant 1 : i32
        %get3A_1520 = arith.index_cast %get3A_1519 : i32 to index
        %get3A_1521 = arith.index_cast %scan3A_1295 : i32 to index
        %get3A_1522 = arith.constant 256 : index
        %get3A_1523 = tpu.vector_load %arg8[%get3A_1520, %get3A_1521, %get3A_1522] {strides = array<i32>} : memref<4x32x768xf32, #tpu.memory_space<vmem>>, vector<1x1x16xf32>,
        %get3A_1524 = vector.shape_cast %get3A_1523 : vector<1x1x16xf32> to vector<16xf32>
        %add3A_1525 = arith.addf %get3A_1524, %get3A_479 : vector<16xf32>
        %swap3A_1526 = arith.constant 1 : i32
        %swap3A_1527 = arith.index_cast %swap3A_1526 : i32 to index
        %swap3A_1528 = arith.index_cast %scan3A_1295 : i32 to index
        %swap3A_1529 = arith.constant 256 : index
        %swap3A_1530 = tpu.vector_load %arg8[%swap3A_1527, %swap3A_1528, %swap3A_1529] {strides = array<i32>} : memref<4x32x768xf32, #tpu.memory_space<vmem>>, vector<1x1x16xf32>,
        %swap3A_1531 = vector.shape_cast %swap3A_1530 : vector<1x1x16xf32> to vector<16xf32>
        %swap3A_1532 = vector.shape_cast %add3A_1525 : vector<16xf32> to vector<1x1x16xf32>
        tpu.vector_store %arg8[%swap3A_1527, %swap3A_1528, %swap3A_1529], %swap3A_1532 {strides = array<i32>} : memref<4x32x768xf32, #tpu.memory_space<vmem>>, vector<1x1x16xf32>,
        %get3A_1533 = arith.constant 1 : i32
        %get3A_1534 = arith.index_cast %get3A_1533 : i32 to index
        %get3A_1535 = arith.index_cast %scan3A_1295 : i32 to index
        %get3A_1536 = arith.constant 272 : index
        %get3A_1537 = tpu.vector_load %arg8[%get3A_1534, %get3A_1535, %get3A_1536] {strides = array<i32>} : memref<4x32x768xf32, #tpu.memory_space<vmem>>, vector<1x1x16xf32>,
        %get3A_1538 = vector.shape_cast %get3A_1537 : vector<1x1x16xf32> to vector<16xf32>
        %add3A_1539 = arith.addf %get3A_1538, %get3A_483 : vector<16xf32>
        %swap3A_1540 = arith.constant 1 : i32
        %swap3A_1541 = arith.index_cast %swap3A_1540 : i32 to index
        %swap3A_1542 = arith.index_cast %scan3A_1295 : i32 to index
        %swap3A_1543 = arith.constant 272 : index
        %swap3A_1544 = tpu.vector_load %arg8[%swap3A_1541, %swap3A_1542, %swap3A_1543] {strides = array<i32>} : memref<4x32x768xf32, #tpu.memory_space<vmem>>, vector<1x1x16xf32>,
        %swap3A_1545 = vector.shape_cast %swap3A_1544 : vector<1x1x16xf32> to vector<16xf32>
        %swap3A_1546 = vector.shape_cast %add3A_1539 : vector<16xf32> to vector<1x1x16xf32>
        tpu.vector_store %arg8[%swap3A_1541, %swap3A_1542, %swap3A_1543], %swap3A_1546 {strides = array<i32>} : memref<4x32x768xf32, #tpu.memory_space<vmem>>, vector<1x1x16xf32>,
        %get3A_1547 = arith.constant 1 : i32
        %get3A_1548 = arith.index_cast %get3A_1547 : i32 to index
        %get3A_1549 = arith.index_cast %scan3A_1295 : i32 to index
        %get3A_1550 = arith.constant 288 : index
        %get3A_1551 = tpu.vector_load %arg8[%get3A_1548, %get3A_1549, %get3A_1550] {strides = array<i32>} : memref<4x32x768xf32, #tpu.memory_space<vmem>>, vector<1x1x16xf32>,
        %get3A_1552 = vector.shape_cast %get3A_1551 : vector<1x1x16xf32> to vector<16xf32>
        %add3A_1553 = arith.addf %get3A_1552, %get3A_487 : vector<16xf32>
        %swap3A_1554 = arith.constant 1 : i32
        %swap3A_1555 = arith.index_cast %swap3A_1554 : i32 to index
        %swap3A_1556 = arith.index_cast %scan3A_1295 : i32 to index
        %swap3A_1557 = arith.constant 288 : index
        %swap3A_1558 = tpu.vector_load %arg8[%swap3A_1555, %swap3A_1556, %swap3A_1557] {strides = array<i32>} : memref<4x32x768xf32, #tpu.memory_space<vmem>>, vector<1x1x16xf32>,
        %swap3A_1559 = vector.shape_cast %swap3A_1558 : vector<1x1x16xf32> to vector<16xf32>
        %swap3A_1560 = vector.shape_cast %add3A_1553 : vector<16xf32> to vector<1x1x16xf32>
        tpu.vector_store %arg8[%swap3A_1555, %swap3A_1556, %swap3A_1557], %swap3A_1560 {strides = array<i32>} : memref<4x32x768xf32, #tpu.memory_space<vmem>>, vector<1x1x16xf32>,
        %get3A_1561 = arith.constant 1 : i32
        %get3A_1562 = arith.index_cast %get3A_1561 : i32 to index
        %get3A_1563 = arith.index_cast %scan3A_1295 : i32 to index
        %get3A_1564 = arith.constant 304 : index
        %get3A_1565 = tpu.vector_load %arg8[%get3A_1562, %get3A_1563, %get3A_1564] {strides = array<i32>} : memref<4x32x768xf32, #tpu.memory_space<vmem>>, vector<1x1x16xf32>,
        %get3A_1566 = vector.shape_cast %get3A_1565 : vector<1x1x16xf32> to vector<16xf32>
        %add3A_1567 = arith.addf %get3A_1566, %get3A_491 : vector<16xf32>
        %swap3A_1568 = arith.constant 1 : i32
        %swap3A_1569 = arith.index_cast %swap3A_1568 : i32 to index
        %swap3A_1570 = arith.index_cast %scan3A_1295 : i32 to index
        %swap3A_1571 = arith.constant 304 : index
        %swap3A_1572 = tpu.vector_load %arg8[%swap3A_1569, %swap3A_1570, %swap3A_1571] {strides = array<i32>} : memref<4x32x768xf32, #tpu.memory_space<vmem>>, vector<1x1x16xf32>,
        %swap3A_1573 = vector.shape_cast %swap3A_1572 : vector<1x1x16xf32> to vector<16xf32>
        %swap3A_1574 = vector.shape_cast %add3A_1567 : vector<16xf32> to vector<1x1x16xf32>
        tpu.vector_store %arg8[%swap3A_1569, %swap3A_1570, %swap3A_1571], %swap3A_1574 {strides = array<i32>} : memref<4x32x768xf32, #tpu.memory_space<vmem>>, vector<1x1x16xf32>,
        %get3A_1575 = arith.constant 1 : i32
        %get3A_1576 = arith.index_cast %get3A_1575 : i32 to index
        %get3A_1577 = arith.index_cast %scan3A_1295 : i32 to index
        %get3A_1578 = arith.constant 320 : index
        %get3A_1579 = tpu.vector_load %arg8[%get3A_1576, %get3A_1577, %get3A_1578] {strides = array<i32>} : memref<4x32x768xf32, #tpu.memory_space<vmem>>, vector<1x1x16xf32>,
        %get3A_1580 = vector.shape_cast %get3A_1579 : vector<1x1x16xf32> to vector<16xf32>
        %add3A_1581 = arith.addf %get3A_1580, %get3A_495 : vector<16xf32>
        %swap3A_1582 = arith.constant 1 : i32
        %swap3A_1583 = arith.index_cast %swap3A_1582 : i32 to index
        %swap3A_1584 = arith.index_cast %scan3A_1295 : i32 to index
        %swap3A_1585 = arith.constant 320 : index
        %swap3A_1586 = tpu.vector_load %arg8[%swap3A_1583, %swap3A_1584, %swap3A_1585] {strides = array<i32>} : memref<4x32x768xf32, #tpu.memory_space<vmem>>, vector<1x1x16xf32>,
        %swap3A_1587 = vector.shape_cast %swap3A_1586 : vector<1x1x16xf32> to vector<16xf32>
        %swap3A_1588 = vector.shape_cast %add3A_1581 : vector<16xf32> to vector<1x1x16xf32>
        tpu.vector_store %arg8[%swap3A_1583, %swap3A_1584, %swap3A_1585], %swap3A_1588 {strides = array<i32>} : memref<4x32x768xf32, #tpu.memory_space<vmem>>, vector<1x1x16xf32>,
        %get3A_1589 = arith.constant 1 : i32
        %get3A_1590 = arith.index_cast %get3A_1589 : i32 to index
        %get3A_1591 = arith.index_cast %scan3A_1295 : i32 to index
        %get3A_1592 = arith.constant 336 : index
        %get3A_1593 = tpu.vector_load %arg8[%get3A_1590, %get3A_1591, %get3A_1592] {strides = array<i32>} : memref<4x32x768xf32, #tpu.memory_space<vmem>>, vector<1x1x16xf32>,
        %get3A_1594 = vector.shape_cast %get3A_1593 : vector<1x1x16xf32> to vector<16xf32>
        %add3A_1595 = arith.addf %get3A_1594, %get3A_499 : vector<16xf32>
        %swap3A_1596 = arith.constant 1 : i32
        %swap3A_1597 = arith.index_cast %swap3A_1596 : i32 to index
        %swap3A_1598 = arith.index_cast %scan3A_1295 : i32 to index
        %swap3A_1599 = arith.constant 336 : index
        %swap3A_1600 = tpu.vector_load %arg8[%swap3A_1597, %swap3A_1598, %swap3A_1599] {strides = array<i32>} : memref<4x32x768xf32, #tpu.memory_space<vmem>>, vector<1x1x16xf32>,
        %swap3A_1601 = vector.shape_cast %swap3A_1600 : vector<1x1x16xf32> to vector<16xf32>
        %swap3A_1602 = vector.shape_cast %add3A_1595 : vector<16xf32> to vector<1x1x16xf32>
        tpu.vector_store %arg8[%swap3A_1597, %swap3A_1598, %swap3A_1599], %swap3A_1602 {strides = array<i32>} : memref<4x32x768xf32, #tpu.memory_space<vmem>>, vector<1x1x16xf32>,
        %get3A_1603 = arith.constant 1 : i32
        %get3A_1604 = arith.index_cast %get3A_1603 : i32 to index
        %get3A_1605 = arith.index_cast %scan3A_1295 : i32 to index
        %get3A_1606 = arith.constant 352 : index
        %get3A_1607 = tpu.vector_load %arg8[%get3A_1604, %get3A_1605, %get3A_1606] {strides = array<i32>} : memref<4x32x768xf32, #tpu.memory_space<vmem>>, vector<1x1x16xf32>,
        %get3A_1608 = vector.shape_cast %get3A_1607 : vector<1x1x16xf32> to vector<16xf32>
        %add3A_1609 = arith.addf %get3A_1608, %get3A_503 : vector<16xf32>
        %swap3A_1610 = arith.constant 1 : i32
        %swap3A_1611 = arith.index_cast %swap3A_1610 : i32 to index
        %swap3A_1612 = arith.index_cast %scan3A_1295 : i32 to index
        %swap3A_1613 = arith.constant 352 : index
        %swap3A_1614 = tpu.vector_load %arg8[%swap3A_1611, %swap3A_1612, %swap3A_1613] {strides = array<i32>} : memref<4x32x768xf32, #tpu.memory_space<vmem>>, vector<1x1x16xf32>,
        %swap3A_1615 = vector.shape_cast %swap3A_1614 : vector<1x1x16xf32> to vector<16xf32>
        %swap3A_1616 = vector.shape_cast %add3A_1609 : vector<16xf32> to vector<1x1x16xf32>
        tpu.vector_store %arg8[%swap3A_1611, %swap3A_1612, %swap3A_1613], %swap3A_1616 {strides = array<i32>} : memref<4x32x768xf32, #tpu.memory_space<vmem>>, vector<1x1x16xf32>,
        %get3A_1617 = arith.constant 1 : i32
        %get3A_1618 = arith.index_cast %get3A_1617 : i32 to index
        %get3A_1619 = arith.index_cast %scan3A_1295 : i32 to index
        %get3A_1620 = arith.constant 368 : index
        %get3A_1621 = tpu.vector_load %arg8[%get3A_1618, %get3A_1619, %get3A_1620] {strides = array<i32>} : memref<4x32x768xf32, #tpu.memory_space<vmem>>, vector<1x1x16xf32>,
        %get3A_1622 = vector.shape_cast %get3A_1621 : vector<1x1x16xf32> to vector<16xf32>
        %add3A_1623 = arith.addf %get3A_1622, %get3A_507 : vector<16xf32>
        %swap3A_1624 = arith.constant 1 : i32
        %swap3A_1625 = arith.index_cast %swap3A_1624 : i32 to index
        %swap3A_1626 = arith.index_cast %scan3A_1295 : i32 to index
        %swap3A_1627 = arith.constant 368 : index
        %swap3A_1628 = tpu.vector_load %arg8[%swap3A_1625, %swap3A_1626, %swap3A_1627] {strides = array<i32>} : memref<4x32x768xf32, #tpu.memory_space<vmem>>, vector<1x1x16xf32>,
        %swap3A_1629 = vector.shape_cast %swap3A_1628 : vector<1x1x16xf32> to vector<16xf32>
        %swap3A_1630 = vector.shape_cast %add3A_1623 : vector<16xf32> to vector<1x1x16xf32>
        tpu.vector_store %arg8[%swap3A_1625, %swap3A_1626, %swap3A_1627], %swap3A_1630 {strides = array<i32>} : memref<4x32x768xf32, #tpu.memory_space<vmem>>, vector<1x1x16xf32>,
        %get3A_1631 = arith.constant 1 : i32
        %get3A_1632 = arith.index_cast %get3A_1631 : i32 to index
        %get3A_1633 = arith.index_cast %scan3A_1295 : i32 to index
        %get3A_1634 = arith.constant 384 : index
        %get3A_1635 = tpu.vector_load %arg8[%get3A_1632, %get3A_1633, %get3A_1634] {strides = array<i32>} : memref<4x32x768xf32, #tpu.memory_space<vmem>>, vector<1x1x16xf32>,
        %get3A_1636 = vector.shape_cast %get3A_1635 : vector<1x1x16xf32> to vector<16xf32>
        %add3A_1637 = arith.addf %get3A_1636, %get3A_511 : vector<16xf32>
        %swap3A_1638 = arith.constant 1 : i32
        %swap3A_1639 = arith.index_cast %swap3A_1638 : i32 to index
        %swap3A_1640 = arith.index_cast %scan3A_1295 : i32 to index
        %swap3A_1641 = arith.constant 384 : index
        %swap3A_1642 = tpu.vector_load %arg8[%swap3A_1639, %swap3A_1640, %swap3A_1641] {strides = array<i32>} : memref<4x32x768xf32, #tpu.memory_space<vmem>>, vector<1x1x16xf32>,
        %swap3A_1643 = vector.shape_cast %swap3A_1642 : vector<1x1x16xf32> to vector<16xf32>
        %swap3A_1644 = vector.shape_cast %add3A_1637 : vector<16xf32> to vector<1x1x16xf32>
        tpu.vector_store %arg8[%swap3A_1639, %swap3A_1640, %swap3A_1641], %swap3A_1644 {strides = array<i32>} : memref<4x32x768xf32, #tpu.memory_space<vmem>>, vector<1x1x16xf32>,
        %get3A_1645 = arith.constant 1 : i32
        %get3A_1646 = arith.index_cast %get3A_1645 : i32 to index
        %get3A_1647 = arith.index_cast %scan3A_1295 : i32 to index
        %get3A_1648 = arith.constant 400 : index
        %get3A_1649 = tpu.vector_load %arg8[%get3A_1646, %get3A_1647, %get3A_1648] {strides = array<i32>} : memref<4x32x768xf32, #tpu.memory_space<vmem>>, vector<1x1x16xf32>,
        %get3A_1650 = vector.shape_cast %get3A_1649 : vector<1x1x16xf32> to vector<16xf32>
        %add3A_1651 = arith.addf %get3A_1650, %get3A_515 : vector<16xf32>
        %swap3A_1652 = arith.constant 1 : i32
        %swap3A_1653 = arith.index_cast %swap3A_1652 : i32 to index
        %swap3A_1654 = arith.index_cast %scan3A_1295 : i32 to index
        %swap3A_1655 = arith.constant 400 : index
        %swap3A_1656 = tpu.vector_load %arg8[%swap3A_1653, %swap3A_1654, %swap3A_1655] {strides = array<i32>} : memref<4x32x768xf32, #tpu.memory_space<vmem>>, vector<1x1x16xf32>,
        %swap3A_1657 = vector.shape_cast %swap3A_1656 : vector<1x1x16xf32> to vector<16xf32>
        %swap3A_1658 = vector.shape_cast %add3A_1651 : vector<16xf32> to vector<1x1x16xf32>
        tpu.vector_store %arg8[%swap3A_1653, %swap3A_1654, %swap3A_1655], %swap3A_1658 {strides = array<i32>} : memref<4x32x768xf32, #tpu.memory_space<vmem>>, vector<1x1x16xf32>,
        %get3A_1659 = arith.constant 1 : i32
        %get3A_1660 = arith.index_cast %get3A_1659 : i32 to index
        %get3A_1661 = arith.index_cast %scan3A_1295 : i32 to index
        %get3A_1662 = arith.constant 416 : index
        %get3A_1663 = tpu.vector_load %arg8[%get3A_1660, %get3A_1661, %get3A_1662] {strides = array<i32>} : memref<4x32x768xf32, #tpu.memory_space<vmem>>, vector<1x1x16xf32>,
        %get3A_1664 = vector.shape_cast %get3A_1663 : vector<1x1x16xf32> to vector<16xf32>
        %add3A_1665 = arith.addf %get3A_1664, %get3A_519 : vector<16xf32>
        %swap3A_1666 = arith.constant 1 : i32
        %swap3A_1667 = arith.index_cast %swap3A_1666 : i32 to index
        %swap3A_1668 = arith.index_cast %scan3A_1295 : i32 to index
        %swap3A_1669 = arith.constant 416 : index
        %swap3A_1670 = tpu.vector_load %arg8[%swap3A_1667, %swap3A_1668, %swap3A_1669] {strides = array<i32>} : memref<4x32x768xf32, #tpu.memory_space<vmem>>, vector<1x1x16xf32>,
        %swap3A_1671 = vector.shape_cast %swap3A_1670 : vector<1x1x16xf32> to vector<16xf32>
        %swap3A_1672 = vector.shape_cast %add3A_1665 : vector<16xf32> to vector<1x1x16xf32>
        tpu.vector_store %arg8[%swap3A_1667, %swap3A_1668, %swap3A_1669], %swap3A_1672 {strides = array<i32>} : memref<4x32x768xf32, #tpu.memory_space<vmem>>, vector<1x1x16xf32>,
        %get3A_1673 = arith.constant 1 : i32
        %get3A_1674 = arith.index_cast %get3A_1673 : i32 to index
        %get3A_1675 = arith.index_cast %scan3A_1295 : i32 to index
        %get3A_1676 = arith.constant 432 : index
        %get3A_1677 = tpu.vector_load %arg8[%get3A_1674, %get3A_1675, %get3A_1676] {strides = array<i32>} : memref<4x32x768xf32, #tpu.memory_space<vmem>>, vector<1x1x16xf32>,
        %get3A_1678 = vector.shape_cast %get3A_1677 : vector<1x1x16xf32> to vector<16xf32>
        %add3A_1679 = arith.addf %get3A_1678, %get3A_523 : vector<16xf32>
        %swap3A_1680 = arith.constant 1 : i32
        %swap3A_1681 = arith.index_cast %swap3A_1680 : i32 to index
        %swap3A_1682 = arith.index_cast %scan3A_1295 : i32 to index
        %swap3A_1683 = arith.constant 432 : index
        %swap3A_1684 = tpu.vector_load %arg8[%swap3A_1681, %swap3A_1682, %swap3A_1683] {strides = array<i32>} : memref<4x32x768xf32, #tpu.memory_space<vmem>>, vector<1x1x16xf32>,
        %swap3A_1685 = vector.shape_cast %swap3A_1684 : vector<1x1x16xf32> to vector<16xf32>
        %swap3A_1686 = vector.shape_cast %add3A_1679 : vector<16xf32> to vector<1x1x16xf32>
        tpu.vector_store %arg8[%swap3A_1681, %swap3A_1682, %swap3A_1683], %swap3A_1686 {strides = array<i32>} : memref<4x32x768xf32, #tpu.memory_space<vmem>>, vector<1x1x16xf32>,
        %get3A_1687 = arith.constant 1 : i32
        %get3A_1688 = arith.index_cast %get3A_1687 : i32 to index
        %get3A_1689 = arith.index_cast %scan3A_1295 : i32 to index
        %get3A_1690 = arith.constant 448 : index
        %get3A_1691 = tpu.vector_load %arg8[%get3A_1688, %get3A_1689, %get3A_1690] {strides = array<i32>} : memref<4x32x768xf32, #tpu.memory_space<vmem>>, vector<1x1x16xf32>,
        %get3A_1692 = vector.shape_cast %get3A_1691 : vector<1x1x16xf32> to vector<16xf32>
        %add3A_1693 = arith.addf %get3A_1692, %get3A_527 : vector<16xf32>
        %swap3A_1694 = arith.constant 1 : i32
        %swap3A_1695 = arith.index_cast %swap3A_1694 : i32 to index
        %swap3A_1696 = arith.index_cast %scan3A_1295 : i32 to index
        %swap3A_1697 = arith.constant 448 : index
        %swap3A_1698 = tpu.vector_load %arg8[%swap3A_1695, %swap3A_1696, %swap3A_1697] {strides = array<i32>} : memref<4x32x768xf32, #tpu.memory_space<vmem>>, vector<1x1x16xf32>,
        %swap3A_1699 = vector.shape_cast %swap3A_1698 : vector<1x1x16xf32> to vector<16xf32>
        %swap3A_1700 = vector.shape_cast %add3A_1693 : vector<16xf32> to vector<1x1x16xf32>
        tpu.vector_store %arg8[%swap3A_1695, %swap3A_1696, %swap3A_1697], %swap3A_1700 {strides = array<i32>} : memref<4x32x768xf32, #tpu.memory_space<vmem>>, vector<1x1x16xf32>,
        %get3A_1701 = arith.constant 1 : i32
        %get3A_1702 = arith.index_cast %get3A_1701 : i32 to index
        %get3A_1703 = arith.index_cast %scan3A_1295 : i32 to index
        %get3A_1704 = arith.constant 464 : index
        %get3A_1705 = tpu.vector_load %arg8[%get3A_1702, %get3A_1703, %get3A_1704] {strides = array<i32>} : memref<4x32x768xf32, #tpu.memory_space<vmem>>, vector<1x1x16xf32>,
        %get3A_1706 = vector.shape_cast %get3A_1705 : vector<1x1x16xf32> to vector<16xf32>
        %add3A_1707 = arith.addf %get3A_1706, %get3A_531 : vector<16xf32>
        %swap3A_1708 = arith.constant 1 : i32
        %swap3A_1709 = arith.index_cast %swap3A_1708 : i32 to index
        %swap3A_1710 = arith.index_cast %scan3A_1295 : i32 to index
        %swap3A_1711 = arith.constant 464 : index
        %swap3A_1712 = tpu.vector_load %arg8[%swap3A_1709, %swap3A_1710, %swap3A_1711] {strides = array<i32>} : memref<4x32x768xf32, #tpu.memory_space<vmem>>, vector<1x1x16xf32>,
        %swap3A_1713 = vector.shape_cast %swap3A_1712 : vector<1x1x16xf32> to vector<16xf32>
        %swap3A_1714 = vector.shape_cast %add3A_1707 : vector<16xf32> to vector<1x1x16xf32>
        tpu.vector_store %arg8[%swap3A_1709, %swap3A_1710, %swap3A_1711], %swap3A_1714 {strides = array<i32>} : memref<4x32x768xf32, #tpu.memory_space<vmem>>, vector<1x1x16xf32>,
        %get3A_1715 = arith.constant 1 : i32
        %get3A_1716 = arith.index_cast %get3A_1715 : i32 to index
        %get3A_1717 = arith.index_cast %scan3A_1295 : i32 to index
        %get3A_1718 = arith.constant 480 : index
        %get3A_1719 = tpu.vector_load %arg8[%get3A_1716, %get3A_1717, %get3A_1718] {strides = array<i32>} : memref<4x32x768xf32, #tpu.memory_space<vmem>>, vector<1x1x16xf32>,
        %get3A_1720 = vector.shape_cast %get3A_1719 : vector<1x1x16xf32> to vector<16xf32>
        %add3A_1721 = arith.addf %get3A_1720, %get3A_535 : vector<16xf32>
        %swap3A_1722 = arith.constant 1 : i32
        %swap3A_1723 = arith.index_cast %swap3A_1722 : i32 to index
        %swap3A_1724 = arith.index_cast %scan3A_1295 : i32 to index
        %swap3A_1725 = arith.constant 480 : index
        %swap3A_1726 = tpu.vector_load %arg8[%swap3A_1723, %swap3A_1724, %swap3A_1725] {strides = array<i32>} : memref<4x32x768xf32, #tpu.memory_space<vmem>>, vector<1x1x16xf32>,
        %swap3A_1727 = vector.shape_cast %swap3A_1726 : vector<1x1x16xf32> to vector<16xf32>
        %swap3A_1728 = vector.shape_cast %add3A_1721 : vector<16xf32> to vector<1x1x16xf32>
        tpu.vector_store %arg8[%swap3A_1723, %swap3A_1724, %swap3A_1725], %swap3A_1728 {strides = array<i32>} : memref<4x32x768xf32, #tpu.memory_space<vmem>>, vector<1x1x16xf32>,
        %get3A_1729 = arith.constant 1 : i32
        %get3A_1730 = arith.index_cast %get3A_1729 : i32 to index
        %get3A_1731 = arith.index_cast %scan3A_1295 : i32 to index
        %get3A_1732 = arith.constant 496 : index
        %get3A_1733 = tpu.vector_load %arg8[%get3A_1730, %get3A_1731, %get3A_1732] {strides = array<i32>} : memref<4x32x768xf32, #tpu.memory_space<vmem>>, vector<1x1x16xf32>,
        %get3A_1734 = vector.shape_cast %get3A_1733 : vector<1x1x16xf32> to vector<16xf32>
        %add3A_1735 = arith.addf %get3A_1734, %get3A_539 : vector<16xf32>
        %swap3A_1736 = arith.constant 1 : i32
        %swap3A_1737 = arith.index_cast %swap3A_1736 : i32 to index
        %swap3A_1738 = arith.index_cast %scan3A_1295 : i32 to index
        %swap3A_1739 = arith.constant 496 : index
        %swap3A_1740 = tpu.vector_load %arg8[%swap3A_1737, %swap3A_1738, %swap3A_1739] {strides = array<i32>} : memref<4x32x768xf32, #tpu.memory_space<vmem>>, vector<1x1x16xf32>,
        %swap3A_1741 = vector.shape_cast %swap3A_1740 : vector<1x1x16xf32> to vector<16xf32>
        %swap3A_1742 = vector.shape_cast %add3A_1735 : vector<16xf32> to vector<1x1x16xf32>
        tpu.vector_store %arg8[%swap3A_1737, %swap3A_1738, %swap3A_1739], %swap3A_1742 {strides = array<i32>} : memref<4x32x768xf32, #tpu.memory_space<vmem>>, vector<1x1x16xf32>,
        %get3A_1743 = arith.constant 1 : i32
        %get3A_1744 = arith.index_cast %get3A_1743 : i32 to index
        %get3A_1745 = arith.index_cast %scan3A_1295 : i32 to index
        %get3A_1746 = arith.constant 512 : index
        %get3A_1747 = tpu.vector_load %arg8[%get3A_1744, %get3A_1745, %get3A_1746] {strides = array<i32>} : memref<4x32x768xf32, #tpu.memory_space<vmem>>, vector<1x1x16xf32>,
        %get3A_1748 = vector.shape_cast %get3A_1747 : vector<1x1x16xf32> to vector<16xf32>
        %add3A_1749 = arith.addf %get3A_1748, %get3A_543 : vector<16xf32>
        %swap3A_1750 = arith.constant 1 : i32
        %swap3A_1751 = arith.index_cast %swap3A_1750 : i32 to index
        %swap3A_1752 = arith.index_cast %scan3A_1295 : i32 to index
        %swap3A_1753 = arith.constant 512 : index
        %swap3A_1754 = tpu.vector_load %arg8[%swap3A_1751, %swap3A_1752, %swap3A_1753] {strides = array<i32>} : memref<4x32x768xf32, #tpu.memory_space<vmem>>, vector<1x1x16xf32>,
        %swap3A_1755 = vector.shape_cast %swap3A_1754 : vector<1x1x16xf32> to vector<16xf32>
        %swap3A_1756 = vector.shape_cast %add3A_1749 : vector<16xf32> to vector<1x1x16xf32>
        tpu.vector_store %arg8[%swap3A_1751, %swap3A_1752, %swap3A_1753], %swap3A_1756 {strides = array<i32>} : memref<4x32x768xf32, #tpu.memory_space<vmem>>, vector<1x1x16xf32>,
        %get3A_1757 = arith.constant 1 : i32
        %get3A_1758 = arith.index_cast %get3A_1757 : i32 to index
        %get3A_1759 = arith.index_cast %scan3A_1295 : i32 to index
        %get3A_1760 = arith.constant 528 : index
        %get3A_1761 = tpu.vector_load %arg8[%get3A_1758, %get3A_1759, %get3A_1760] {strides = array<i32>} : memref<4x32x768xf32, #tpu.memory_space<vmem>>, vector<1x1x16xf32>,
        %get3A_1762 = vector.shape_cast %get3A_1761 : vector<1x1x16xf32> to vector<16xf32>
        %add3A_1763 = arith.addf %get3A_1762, %get3A_547 : vector<16xf32>
        %swap3A_1764 = arith.constant 1 : i32
        %swap3A_1765 = arith.index_cast %swap3A_1764 : i32 to index
        %swap3A_1766 = arith.index_cast %scan3A_1295 : i32 to index
        %swap3A_1767 = arith.constant 528 : index
        %swap3A_1768 = tpu.vector_load %arg8[%swap3A_1765, %swap3A_1766, %swap3A_1767] {strides = array<i32>} : memref<4x32x768xf32, #tpu.memory_space<vmem>>, vector<1x1x16xf32>,
        %swap3A_1769 = vector.shape_cast %swap3A_1768 : vector<1x1x16xf32> to vector<16xf32>
        %swap3A_1770 = vector.shape_cast %add3A_1763 : vector<16xf32> to vector<1x1x16xf32>
        tpu.vector_store %arg8[%swap3A_1765, %swap3A_1766, %swap3A_1767], %swap3A_1770 {strides = array<i32>} : memref<4x32x768xf32, #tpu.memory_space<vmem>>, vector<1x1x16xf32>,
        %get3A_1771 = arith.constant 1 : i32
        %get3A_1772 = arith.index_cast %get3A_1771 : i32 to index
        %get3A_1773 = arith.index_cast %scan3A_1295 : i32 to index
        %get3A_1774 = arith.constant 544 : index
        %get3A_1775 = tpu.vector_load %arg8[%get3A_1772, %get3A_1773, %get3A_1774] {strides = array<i32>} : memref<4x32x768xf32, #tpu.memory_space<vmem>>, vector<1x1x16xf32>,
        %get3A_1776 = vector.shape_cast %get3A_1775 : vector<1x1x16xf32> to vector<16xf32>
        %add3A_1777 = arith.addf %get3A_1776, %get3A_551 : vector<16xf32>
        %swap3A_1778 = arith.constant 1 : i32
        %swap3A_1779 = arith.index_cast %swap3A_1778 : i32 to index
        %swap3A_1780 = arith.index_cast %scan3A_1295 : i32 to index
        %swap3A_1781 = arith.constant 544 : index
        %swap3A_1782 = tpu.vector_load %arg8[%swap3A_1779, %swap3A_1780, %swap3A_1781] {strides = array<i32>} : memref<4x32x768xf32, #tpu.memory_space<vmem>>, vector<1x1x16xf32>,
        %swap3A_1783 = vector.shape_cast %swap3A_1782 : vector<1x1x16xf32> to vector<16xf32>
        %swap3A_1784 = vector.shape_cast %add3A_1777 : vector<16xf32> to vector<1x1x16xf32>
        tpu.vector_store %arg8[%swap3A_1779, %swap3A_1780, %swap3A_1781], %swap3A_1784 {strides = array<i32>} : memref<4x32x768xf32, #tpu.memory_space<vmem>>, vector<1x1x16xf32>,
        %get3A_1785 = arith.constant 1 : i32
        %get3A_1786 = arith.index_cast %get3A_1785 : i32 to index
        %get3A_1787 = arith.index_cast %scan3A_1295 : i32 to index
        %get3A_1788 = arith.constant 560 : index
        %get3A_1789 = tpu.vector_load %arg8[%get3A_1786, %get3A_1787, %get3A_1788] {strides = array<i32>} : memref<4x32x768xf32, #tpu.memory_space<vmem>>, vector<1x1x16xf32>,
        %get3A_1790 = vector.shape_cast %get3A_1789 : vector<1x1x16xf32> to vector<16xf32>
        %add3A_1791 = arith.addf %get3A_1790, %get3A_555 : vector<16xf32>
        %swap3A_1792 = arith.constant 1 : i32
        %swap3A_1793 = arith.index_cast %swap3A_1792 : i32 to index
        %swap3A_1794 = arith.index_cast %scan3A_1295 : i32 to index
        %swap3A_1795 = arith.constant 560 : index
        %swap3A_1796 = tpu.vector_load %arg8[%swap3A_1793, %swap3A_1794, %swap3A_1795] {strides = array<i32>} : memref<4x32x768xf32, #tpu.memory_space<vmem>>, vector<1x1x16xf32>,
        %swap3A_1797 = vector.shape_cast %swap3A_1796 : vector<1x1x16xf32> to vector<16xf32>
        %swap3A_1798 = vector.shape_cast %add3A_1791 : vector<16xf32> to vector<1x1x16xf32>
        tpu.vector_store %arg8[%swap3A_1793, %swap3A_1794, %swap3A_1795], %swap3A_1798 {strides = array<i32>} : memref<4x32x768xf32, #tpu.memory_space<vmem>>, vector<1x1x16xf32>,
        %get3A_1799 = arith.constant 1 : i32
        %get3A_1800 = arith.index_cast %get3A_1799 : i32 to index
        %get3A_1801 = arith.index_cast %scan3A_1295 : i32 to index
        %get3A_1802 = arith.constant 576 : index
        %get3A_1803 = tpu.vector_load %arg8[%get3A_1800, %get3A_1801, %get3A_1802] {strides = array<i32>} : memref<4x32x768xf32, #tpu.memory_space<vmem>>, vector<1x1x16xf32>,
        %get3A_1804 = vector.shape_cast %get3A_1803 : vector<1x1x16xf32> to vector<16xf32>
        %add3A_1805 = arith.addf %get3A_1804, %get3A_559 : vector<16xf32>
        %swap3A_1806 = arith.constant 1 : i32
        %swap3A_1807 = arith.index_cast %swap3A_1806 : i32 to index
        %swap3A_1808 = arith.index_cast %scan3A_1295 : i32 to index
        %swap3A_1809 = arith.constant 576 : index
        %swap3A_1810 = tpu.vector_load %arg8[%swap3A_1807, %swap3A_1808, %swap3A_1809] {strides = array<i32>} : memref<4x32x768xf32, #tpu.memory_space<vmem>>, vector<1x1x16xf32>,
        %swap3A_1811 = vector.shape_cast %swap3A_1810 : vector<1x1x16xf32> to vector<16xf32>
        %swap3A_1812 = vector.shape_cast %add3A_1805 : vector<16xf32> to vector<1x1x16xf32>
        tpu.vector_store %arg8[%swap3A_1807, %swap3A_1808, %swap3A_1809], %swap3A_1812 {strides = array<i32>} : memref<4x32x768xf32, #tpu.memory_space<vmem>>, vector<1x1x16xf32>,
        %get3A_1813 = arith.constant 1 : i32
        %get3A_1814 = arith.index_cast %get3A_1813 : i32 to index
        %get3A_1815 = arith.index_cast %scan3A_1295 : i32 to index
        %get3A_1816 = arith.constant 592 : index
        %get3A_1817 = tpu.vector_load %arg8[%get3A_1814, %get3A_1815, %get3A_1816] {strides = array<i32>} : memref<4x32x768xf32, #tpu.memory_space<vmem>>, vector<1x1x16xf32>,
        %get3A_1818 = vector.shape_cast %get3A_1817 : vector<1x1x16xf32> to vector<16xf32>
        %add3A_1819 = arith.addf %get3A_1818, %get3A_563 : vector<16xf32>
        %swap3A_1820 = arith.constant 1 : i32
        %swap3A_1821 = arith.index_cast %swap3A_1820 : i32 to index
        %swap3A_1822 = arith.index_cast %scan3A_1295 : i32 to index
        %swap3A_1823 = arith.constant 592 : index
        %swap3A_1824 = tpu.vector_load %arg8[%swap3A_1821, %swap3A_1822, %swap3A_1823] {strides = array<i32>} : memref<4x32x768xf32, #tpu.memory_space<vmem>>, vector<1x1x16xf32>,
        %swap3A_1825 = vector.shape_cast %swap3A_1824 : vector<1x1x16xf32> to vector<16xf32>
        %swap3A_1826 = vector.shape_cast %add3A_1819 : vector<16xf32> to vector<1x1x16xf32>
        tpu.vector_store %arg8[%swap3A_1821, %swap3A_1822, %swap3A_1823], %swap3A_1826 {strides = array<i32>} : memref<4x32x768xf32, #tpu.memory_space<vmem>>, vector<1x1x16xf32>,
        %get3A_1827 = arith.constant 1 : i32
        %get3A_1828 = arith.index_cast %get3A_1827 : i32 to index
        %get3A_1829 = arith.index_cast %scan3A_1295 : i32 to index
        %get3A_1830 = arith.constant 608 : index
        %get3A_1831 = tpu.vector_load %arg8[%get3A_1828, %get3A_1829, %get3A_1830] {strides = array<i32>} : memref<4x32x768xf32, #tpu.memory_space<vmem>>, vector<1x1x16xf32>,
        %get3A_1832 = vector.shape_cast %get3A_1831 : vector<1x1x16xf32> to vector<16xf32>
        %add3A_1833 = arith.addf %get3A_1832, %get3A_567 : vector<16xf32>
        %swap3A_1834 = arith.constant 1 : i32
        %swap3A_1835 = arith.index_cast %swap3A_1834 : i32 to index
        %swap3A_1836 = arith.index_cast %scan3A_1295 : i32 to index
        %swap3A_1837 = arith.constant 608 : index
        %swap3A_1838 = tpu.vector_load %arg8[%swap3A_1835, %swap3A_1836, %swap3A_1837] {strides = array<i32>} : memref<4x32x768xf32, #tpu.memory_space<vmem>>, vector<1x1x16xf32>,
        %swap3A_1839 = vector.shape_cast %swap3A_1838 : vector<1x1x16xf32> to vector<16xf32>
        %swap3A_1840 = vector.shape_cast %add3A_1833 : vector<16xf32> to vector<1x1x16xf32>
        tpu.vector_store %arg8[%swap3A_1835, %swap3A_1836, %swap3A_1837], %swap3A_1840 {strides = array<i32>} : memref<4x32x768xf32, #tpu.memory_space<vmem>>, vector<1x1x16xf32>,
        %get3A_1841 = arith.constant 1 : i32
        %get3A_1842 = arith.index_cast %get3A_1841 : i32 to index
        %get3A_1843 = arith.index_cast %scan3A_1295 : i32 to index
        %get3A_1844 = arith.constant 624 : index
        %get3A_1845 = tpu.vector_load %arg8[%get3A_1842, %get3A_1843, %get3A_1844] {strides = array<i32>} : memref<4x32x768xf32, #tpu.memory_space<vmem>>, vector<1x1x16xf32>,
        %get3A_1846 = vector.shape_cast %get3A_1845 : vector<1x1x16xf32> to vector<16xf32>
        %add3A_1847 = arith.addf %get3A_1846, %get3A_571 : vector<16xf32>
        %swap3A_1848 = arith.constant 1 : i32
        %swap3A_1849 = arith.index_cast %swap3A_1848 : i32 to index
        %swap3A_1850 = arith.index_cast %scan3A_1295 : i32 to index
        %swap3A_1851 = arith.constant 624 : index
        %swap3A_1852 = tpu.vector_load %arg8[%swap3A_1849, %swap3A_1850, %swap3A_1851] {strides = array<i32>} : memref<4x32x768xf32, #tpu.memory_space<vmem>>, vector<1x1x16xf32>,
        %swap3A_1853 = vector.shape_cast %swap3A_1852 : vector<1x1x16xf32> to vector<16xf32>
        %swap3A_1854 = vector.shape_cast %add3A_1847 : vector<16xf32> to vector<1x1x16xf32>
        tpu.vector_store %arg8[%swap3A_1849, %swap3A_1850, %swap3A_1851], %swap3A_1854 {strides = array<i32>} : memref<4x32x768xf32, #tpu.memory_space<vmem>>, vector<1x1x16xf32>,
        %get3A_1855 = arith.constant 1 : i32
        %get3A_1856 = arith.index_cast %get3A_1855 : i32 to index
        %get3A_1857 = arith.index_cast %scan3A_1295 : i32 to index
        %get3A_1858 = arith.constant 640 : index
        %get3A_1859 = tpu.vector_load %arg8[%get3A_1856, %get3A_1857, %get3A_1858] {strides = array<i32>} : memref<4x32x768xf32, #tpu.memory_space<vmem>>, vector<1x1x16xf32>,
        %get3A_1860 = vector.shape_cast %get3A_1859 : vector<1x1x16xf32> to vector<16xf32>
        %add3A_1861 = arith.addf %get3A_1860, %get3A_575 : vector<16xf32>
        %swap3A_1862 = arith.constant 1 : i32
        %swap3A_1863 = arith.index_cast %swap3A_1862 : i32 to index
        %swap3A_1864 = arith.index_cast %scan3A_1295 : i32 to index
        %swap3A_1865 = arith.constant 640 : index
        %swap3A_1866 = tpu.vector_load %arg8[%swap3A_1863, %swap3A_1864, %swap3A_1865] {strides = array<i32>} : memref<4x32x768xf32, #tpu.memory_space<vmem>>, vector<1x1x16xf32>,
        %swap3A_1867 = vector.shape_cast %swap3A_1866 : vector<1x1x16xf32> to vector<16xf32>
        %swap3A_1868 = vector.shape_cast %add3A_1861 : vector<16xf32> to vector<1x1x16xf32>
        tpu.vector_store %arg8[%swap3A_1863, %swap3A_1864, %swap3A_1865], %swap3A_1868 {strides = array<i32>} : memref<4x32x768xf32, #tpu.memory_space<vmem>>, vector<1x1x16xf32>,
        %get3A_1869 = arith.constant 1 : i32
        %get3A_1870 = arith.index_cast %get3A_1869 : i32 to index
        %get3A_1871 = arith.index_cast %scan3A_1295 : i32 to index
        %get3A_1872 = arith.constant 656 : index
        %get3A_1873 = tpu.vector_load %arg8[%get3A_1870, %get3A_1871, %get3A_1872] {strides = array<i32>} : memref<4x32x768xf32, #tpu.memory_space<vmem>>, vector<1x1x16xf32>,
        %get3A_1874 = vector.shape_cast %get3A_1873 : vector<1x1x16xf32> to vector<16xf32>
        %add3A_1875 = arith.addf %get3A_1874, %get3A_579 : vector<16xf32>
        %swap3A_1876 = arith.constant 1 : i32
        %swap3A_1877 = arith.index_cast %swap3A_1876 : i32 to index
        %swap3A_1878 = arith.index_cast %scan3A_1295 : i32 to index
        %swap3A_1879 = arith.constant 656 : index
        %swap3A_1880 = tpu.vector_load %arg8[%swap3A_1877, %swap3A_1878, %swap3A_1879] {strides = array<i32>} : memref<4x32x768xf32, #tpu.memory_space<vmem>>, vector<1x1x16xf32>,
        %swap3A_1881 = vector.shape_cast %swap3A_1880 : vector<1x1x16xf32> to vector<16xf32>
        %swap3A_1882 = vector.shape_cast %add3A_1875 : vector<16xf32> to vector<1x1x16xf32>
        tpu.vector_store %arg8[%swap3A_1877, %swap3A_1878, %swap3A_1879], %swap3A_1882 {strides = array<i32>} : memref<4x32x768xf32, #tpu.memory_space<vmem>>, vector<1x1x16xf32>,
        %get3A_1883 = arith.constant 1 : i32
        %get3A_1884 = arith.index_cast %get3A_1883 : i32 to index
        %get3A_1885 = arith.index_cast %scan3A_1295 : i32 to index
        %get3A_1886 = arith.constant 672 : index
        %get3A_1887 = tpu.vector_load %arg8[%get3A_1884, %get3A_1885, %get3A_1886] {strides = array<i32>} : memref<4x32x768xf32, #tpu.memory_space<vmem>>, vector<1x1x16xf32>,
        %get3A_1888 = vector.shape_cast %get3A_1887 : vector<1x1x16xf32> to vector<16xf32>
        %add3A_1889 = arith.addf %get3A_1888, %get3A_583 : vector<16xf32>
        %swap3A_1890 = arith.constant 1 : i32
        %swap3A_1891 = arith.index_cast %swap3A_1890 : i32 to index
        %swap3A_1892 = arith.index_cast %scan3A_1295 : i32 to index
        %swap3A_1893 = arith.constant 672 : index
        %swap3A_1894 = tpu.vector_load %arg8[%swap3A_1891, %swap3A_1892, %swap3A_1893] {strides = array<i32>} : memref<4x32x768xf32, #tpu.memory_space<vmem>>, vector<1x1x16xf32>,
        %swap3A_1895 = vector.shape_cast %swap3A_1894 : vector<1x1x16xf32> to vector<16xf32>
        %swap3A_1896 = vector.shape_cast %add3A_1889 : vector<16xf32> to vector<1x1x16xf32>
        tpu.vector_store %arg8[%swap3A_1891, %swap3A_1892, %swap3A_1893], %swap3A_1896 {strides = array<i32>} : memref<4x32x768xf32, #tpu.memory_space<vmem>>, vector<1x1x16xf32>,
        %get3A_1897 = arith.constant 1 : i32
        %get3A_1898 = arith.index_cast %get3A_1897 : i32 to index
        %get3A_1899 = arith.index_cast %scan3A_1295 : i32 to index
        %get3A_1900 = arith.constant 688 : index
        %get3A_1901 = tpu.vector_load %arg8[%get3A_1898, %get3A_1899, %get3A_1900] {strides = array<i32>} : memref<4x32x768xf32, #tpu.memory_space<vmem>>, vector<1x1x16xf32>,
        %get3A_1902 = vector.shape_cast %get3A_1901 : vector<1x1x16xf32> to vector<16xf32>
        %add3A_1903 = arith.addf %get3A_1902, %get3A_587 : vector<16xf32>
        %swap3A_1904 = arith.constant 1 : i32
        %swap3A_1905 = arith.index_cast %swap3A_1904 : i32 to index
        %swap3A_1906 = arith.index_cast %scan3A_1295 : i32 to index
        %swap3A_1907 = arith.constant 688 : index
        %swap3A_1908 = tpu.vector_load %arg8[%swap3A_1905, %swap3A_1906, %swap3A_1907] {strides = array<i32>} : memref<4x32x768xf32, #tpu.memory_space<vmem>>, vector<1x1x16xf32>,
        %swap3A_1909 = vector.shape_cast %swap3A_1908 : vector<1x1x16xf32> to vector<16xf32>
        %swap3A_1910 = vector.shape_cast %add3A_1903 : vector<16xf32> to vector<1x1x16xf32>
        tpu.vector_store %arg8[%swap3A_1905, %swap3A_1906, %swap3A_1907], %swap3A_1910 {strides = array<i32>} : memref<4x32x768xf32, #tpu.memory_space<vmem>>, vector<1x1x16xf32>,
        %get3A_1911 = arith.constant 1 : i32
        %get3A_1912 = arith.index_cast %get3A_1911 : i32 to index
        %get3A_1913 = arith.index_cast %scan3A_1295 : i32 to index
        %get3A_1914 = arith.constant 704 : index
        %get3A_1915 = tpu.vector_load %arg8[%get3A_1912, %get3A_1913, %get3A_1914] {strides = array<i32>} : memref<4x32x768xf32, #tpu.memory_space<vmem>>, vector<1x1x16xf32>,
        %get3A_1916 = vector.shape_cast %get3A_1915 : vector<1x1x16xf32> to vector<16xf32>
        %add3A_1917 = arith.addf %get3A_1916, %get3A_591 : vector<16xf32>
        %swap3A_1918 = arith.constant 1 : i32
        %swap3A_1919 = arith.index_cast %swap3A_1918 : i32 to index
        %swap3A_1920 = arith.index_cast %scan3A_1295 : i32 to index
        %swap3A_1921 = arith.constant 704 : index
        %swap3A_1922 = tpu.vector_load %arg8[%swap3A_1919, %swap3A_1920, %swap3A_1921] {strides = array<i32>} : memref<4x32x768xf32, #tpu.memory_space<vmem>>, vector<1x1x16xf32>,
        %swap3A_1923 = vector.shape_cast %swap3A_1922 : vector<1x1x16xf32> to vector<16xf32>
        %swap3A_1924 = vector.shape_cast %add3A_1917 : vector<16xf32> to vector<1x1x16xf32>
        tpu.vector_store %arg8[%swap3A_1919, %swap3A_1920, %swap3A_1921], %swap3A_1924 {strides = array<i32>} : memref<4x32x768xf32, #tpu.memory_space<vmem>>, vector<1x1x16xf32>,
        %get3A_1925 = arith.constant 1 : i32
        %get3A_1926 = arith.index_cast %get3A_1925 : i32 to index
        %get3A_1927 = arith.index_cast %scan3A_1295 : i32 to index
        %get3A_1928 = arith.constant 720 : index
        %get3A_1929 = tpu.vector_load %arg8[%get3A_1926, %get3A_1927, %get3A_1928] {strides = array<i32>} : memref<4x32x768xf32, #tpu.memory_space<vmem>>, vector<1x1x16xf32>,
        %get3A_1930 = vector.shape_cast %get3A_1929 : vector<1x1x16xf32> to vector<16xf32>
        %add3A_1931 = arith.addf %get3A_1930, %get3A_595 : vector<16xf32>
        %swap3A_1932 = arith.constant 1 : i32
        %swap3A_1933 = arith.index_cast %swap3A_1932 : i32 to index
        %swap3A_1934 = arith.index_cast %scan3A_1295 : i32 to index
        %swap3A_1935 = arith.constant 720 : index
        %swap3A_1936 = tpu.vector_load %arg8[%swap3A_1933, %swap3A_1934, %swap3A_1935] {strides = array<i32>} : memref<4x32x768xf32, #tpu.memory_space<vmem>>, vector<1x1x16xf32>,
        %swap3A_1937 = vector.shape_cast %swap3A_1936 : vector<1x1x16xf32> to vector<16xf32>
        %swap3A_1938 = vector.shape_cast %add3A_1931 : vector<16xf32> to vector<1x1x16xf32>
        tpu.vector_store %arg8[%swap3A_1933, %swap3A_1934, %swap3A_1935], %swap3A_1938 {strides = array<i32>} : memref<4x32x768xf32, #tpu.memory_space<vmem>>, vector<1x1x16xf32>,
        %get3A_1939 = arith.constant 1 : i32
        %get3A_1940 = arith.index_cast %get3A_1939 : i32 to index
        %get3A_1941 = arith.index_cast %scan3A_1295 : i32 to index
        %get3A_1942 = arith.constant 736 : index
        %get3A_1943 = tpu.vector_load %arg8[%get3A_1940, %get3A_1941, %get3A_1942] {strides = array<i32>} : memref<4x32x768xf32, #tpu.memory_space<vmem>>, vector<1x1x16xf32>,
        %get3A_1944 = vector.shape_cast %get3A_1943 : vector<1x1x16xf32> to vector<16xf32>
        %add3A_1945 = arith.addf %get3A_1944, %get3A_599 : vector<16xf32>
        %swap3A_1946 = arith.constant 1 : i32
        %swap3A_1947 = arith.index_cast %swap3A_1946 : i32 to index
        %swap3A_1948 = arith.index_cast %scan3A_1295 : i32 to index
        %swap3A_1949 = arith.constant 736 : index
        %swap3A_1950 = tpu.vector_load %arg8[%swap3A_1947, %swap3A_1948, %swap3A_1949] {strides = array<i32>} : memref<4x32x768xf32, #tpu.memory_space<vmem>>, vector<1x1x16xf32>,
        %swap3A_1951 = vector.shape_cast %swap3A_1950 : vector<1x1x16xf32> to vector<16xf32>
        %swap3A_1952 = vector.shape_cast %add3A_1945 : vector<16xf32> to vector<1x1x16xf32>
        tpu.vector_store %arg8[%swap3A_1947, %swap3A_1948, %swap3A_1949], %swap3A_1952 {strides = array<i32>} : memref<4x32x768xf32, #tpu.memory_space<vmem>>, vector<1x1x16xf32>,
        %get3A_1953 = arith.constant 1 : i32
        %get3A_1954 = arith.index_cast %get3A_1953 : i32 to index
        %get3A_1955 = arith.index_cast %scan3A_1295 : i32 to index
        %get3A_1956 = arith.constant 752 : index
        %get3A_1957 = tpu.vector_load %arg8[%get3A_1954, %get3A_1955, %get3A_1956] {strides = array<i32>} : memref<4x32x768xf32, #tpu.memory_space<vmem>>, vector<1x1x16xf32>,
        %get3A_1958 = vector.shape_cast %get3A_1957 : vector<1x1x16xf32> to vector<16xf32>
        %add3A_1959 = arith.addf %get3A_1958, %get3A_603 : vector<16xf32>
        %swap3A_1960 = arith.constant 1 : i32
        %swap3A_1961 = arith.index_cast %swap3A_1960 : i32 to index
        %swap3A_1962 = arith.index_cast %scan3A_1295 : i32 to index
        %swap3A_1963 = arith.constant 752 : index
        %swap3A_1964 = tpu.vector_load %arg8[%swap3A_1961, %swap3A_1962, %swap3A_1963] {strides = array<i32>} : memref<4x32x768xf32, #tpu.memory_space<vmem>>, vector<1x1x16xf32>,
        %swap3A_1965 = vector.shape_cast %swap3A_1964 : vector<1x1x16xf32> to vector<16xf32>
        %swap3A_1966 = vector.shape_cast %add3A_1959 : vector<16xf32> to vector<1x1x16xf32>
        tpu.vector_store %arg8[%swap3A_1961, %swap3A_1962, %swap3A_1963], %swap3A_1966 {strides = array<i32>} : memref<4x32x768xf32, #tpu.memory_space<vmem>>, vector<1x1x16xf32>,
      }
      %scan3A_609 = arith.constant 32 : i32
      %mul3A_610 = arith.constant 4 : i32
      %mul3A_611 = arith.muli %add3A, %mul3A_610 : i32
      %add3A_612 = arith.addi %mul3A_611, %select_n3A_411 : i32
      %jit3A_613 = arith.constant 32 : i32
      %eq3A_614 = arith.constant 0 : i32
      %eq3A_615 = arith.cmpi eq, %jit3A_613, %eq3A_614 : i32
      %jit3A_616 = arith.constant 1 : i32
      %select_n3A_617 = arith.select %eq3A_615, %jit3A_616, %jit3A_613 : i32
      %rem3A_618 = arith.remsi %add3A_360, %select_n3A_617 : i32
      %ne3A_619 = arith.constant 0 : i32
      %ne3A_620 = arith.cmpi ne, %rem3A_618, %ne3A_619 : i32
      %lt3A_621 = arith.constant 0 : i32
      %lt3A_622 = arith.cmpi slt, %rem3A_618, %lt3A_621 : i32
      %lt3A_623 = arith.constant 0 : i32
      %lt3A_624 = arith.cmpi slt, %select_n3A_617, %lt3A_623 : i32
      %ne3A_625 = arith.xori %lt3A_622, %lt3A_624 : i1
      %and3A_626 = arith.andi %ne3A_625, %ne3A_620 : i1
      %add3A_627 = arith.addi %rem3A_618, %select_n3A_617 : i32
      %select_n3A_628 = arith.select %and3A_626, %add3A_627, %rem3A_618 : i32
      %mul3A_629 = arith.constant 32 : i32
      %mul3A_630 = arith.muli %select_n3A_628, %mul3A_629 : i32
      %add3A_631 = arith.constant 0 : i32
      %add3A_632 = arith.addi %mul3A_630, %add3A_631 : i32
      %add3A_633 = vector.broadcast %add3A_632 : i32 to vector<16xi32>
      %add3A_634 = arith.addi %iota3A, %add3A_633 : vector<16xi32>
      %mul3A_635 = arith.constant 128 : i32
      %mul3A_636 = vector.broadcast %mul3A_635 : i32 to vector<16xi32>
      %mul3A_637 = arith.muli %add3A_634, %mul3A_636 : vector<16xi32>
      %add3A_638 = vector.broadcast %add3A_612 : i32 to vector<16xi32>
      %add3A_639 = arith.addi %mul3A_637, %add3A_638 : vector<16xi32>
      %dma_start3A_640 = arith.constant 1 : i32
      %dma_start3A_641 = arith.constant 0 : i32
      %dma_start3A_642 = arith.constant 0 : i32
      %dma_start3A_643 = tpu.memref_slice %arg8[%dma_start3A_640, %dma_start3A_641, %dma_start3A_642] : memref<4x32x768xf32, #tpu.memory_space<vmem>> -> memref<1x32x768xf32, #tpu.memory_space<vmem>>
      %dma_start3A_644 = tpu.memref_squeeze %dma_start3A_643 : memref<1x32x768xf32, #tpu.memory_space<vmem>> -> memref<32x768xf32, #tpu.memory_space<vmem>>
      %dma_start3A_645 = arith.constant 0 : i32
      %dma_start3A_646 = arith.constant 0 : i32
      %dma_start3A_647 = tpu.memref_slice %dma_start3A_644[%dma_start3A_645, %dma_start3A_646] : memref<32x768xf32, #tpu.memory_space<vmem>> -> memref<16x768xf32, #tpu.memory_space<vmem>>
      %dma_start3A_648 = arith.constant 0 : i32
      %dma_start3A_649 = arith.constant 0 : i32
      %dma_start3A_650 = tpu.memref_slice %arg5[%dma_start3A_648, %dma_start3A_649] : memref<131072x768xf32, #tpu.memory_space<hbm>> -> memref<131072x768xf32, #tpu.memory_space<hbm>>
      tpu.enqueue_indirect_dma source(%dma_start3A_647 : memref<16x768xf32, #tpu.memory_space<vmem>>) target(%dma_start3A_650 : memref<131072x768xf32, #tpu.memory_space<hbm>>) offsets(%add3A_639 : vector<16xi32>) semaphore(%arg10 : memref<!tpu.dma_semaphore, #tpu.memory_space<semaphore_mem>>)
      %add3A_651 = arith.constant 16 : i32
      %add3A_652 = arith.addi %mul3A_630, %add3A_651 : i32
      %add3A_653 = vector.broadcast %add3A_652 : i32 to vector<16xi32>
      %add3A_654 = arith.addi %iota3A, %add3A_653 : vector<16xi32>
      %mul3A_655 = arith.constant 128 : i32
      %mul3A_656 = vector.broadcast %mul3A_655 : i32 to vector<16xi32>
      %mul3A_657 = arith.muli %add3A_654, %mul3A_656 : vector<16xi32>
      %add3A_658 = vector.broadcast %add3A_612 : i32 to vector<16xi32>
      %add3A_659 = arith.addi %mul3A_657, %add3A_658 : vector<16xi32>
      %dma_start3A_660 = arith.constant 1 : i32
      %dma_start3A_661 = arith.constant 0 : i32
      %dma_start3A_662 = arith.constant 0 : i32
      %dma_start3A_663 = tpu.memref_slice %arg8[%dma_start3A_660, %dma_start3A_661, %dma_start3A_662] : memref<4x32x768xf32, #tpu.memory_space<vmem>> -> memref<1x32x768xf32, #tpu.memory_space<vmem>>
      %dma_start3A_664 = tpu.memref_squeeze %dma_start3A_663 : memref<1x32x768xf32, #tpu.memory_space<vmem>> -> memref<32x768xf32, #tpu.memory_space<vmem>>
      %dma_start3A_665 = arith.constant 16 : i32
      %dma_start3A_666 = arith.constant 0 : i32
      %dma_start3A_667 = tpu.memref_slice %dma_start3A_664[%dma_start3A_665, %dma_start3A_666] : memref<32x768xf32, #tpu.memory_space<vmem>> -> memref<16x768xf32, #tpu.memory_space<vmem>>
      %dma_start3A_668 = arith.constant 0 : i32
      %dma_start3A_669 = arith.constant 0 : i32
      %dma_start3A_670 = tpu.memref_slice %arg5[%dma_start3A_668, %dma_start3A_669] : memref<131072x768xf32, #tpu.memory_space<hbm>> -> memref<131072x768xf32, #tpu.memory_space<hbm>>
      tpu.enqueue_indirect_dma source(%dma_start3A_667 : memref<16x768xf32, #tpu.memory_space<vmem>>) target(%dma_start3A_670 : memref<131072x768xf32, #tpu.memory_space<hbm>>) offsets(%add3A_659 : vector<16xi32>) semaphore(%arg10 : memref<!tpu.dma_semaphore, #tpu.memory_space<semaphore_mem>>)
      %add3A_671 = arith.constant 2 : i32
      %add3A_672 = arith.addi %mul3A_60, %add3A_671 : i32
      %dma_wait3A_673 = arith.constant 2 : i32
      %dma_wait3A_674 = arith.constant 0 : i32
      %dma_wait3A_675 = arith.constant 0 : i32
      %dma_wait3A_676 = tpu.memref_slice %arg8[%dma_wait3A_673, %dma_wait3A_674, %dma_wait3A_675] : memref<4x32x768xf32, #tpu.memory_space<vmem>> -> memref<1x32x768xf32, #tpu.memory_space<vmem>>
      %dma_wait3A_677 = tpu.memref_squeeze %dma_wait3A_676 : memref<1x32x768xf32, #tpu.memory_space<vmem>> -> memref<32x768xf32, #tpu.memory_space<vmem>>
      %dma_wait3A_678 = arith.constant 0 : i32
      %dma_wait3A_679 = arith.constant 0 : i32
      %dma_wait3A_680 = tpu.memref_slice %arg2[%dma_wait3A_678, %dma_wait3A_679] : memref<30522x768xf32, #tpu.memory_space<hbm>> -> memref<32x768xf32, #tpu.memory_space<hbm>>
      %dma_wait3A_681 = arith.constant 0 : i32
      %dma_wait3A_682 = arith.constant 0 : i32
      %dma_wait3A_683 = tpu.memref_slice %arg8[%dma_wait3A_673, %dma_wait3A_681, %dma_wait3A_682] : memref<4x32x768xf32, #tpu.memory_space<vmem>> -> memref<1x32x768xf32, #tpu.memory_space<vmem>>
      %dma_wait3A_684 = tpu.memref_squeeze %dma_wait3A_683 : memref<1x32x768xf32, #tpu.memory_space<vmem>> -> memref<32x768xf32, #tpu.memory_space<vmem>>
      %dma_wait3A_685 = arith.constant 0 : i32
      %dma_wait3A_686 = arith.constant 0 : i32
      %dma_wait3A_687 = tpu.memref_slice %arg2[%dma_wait3A_685, %dma_wait3A_686] : memref<30522x768xf32, #tpu.memory_space<hbm>> -> memref<32x768xf32, #tpu.memory_space<hbm>>
      tpu.wait_dma2 semaphore(%arg9 : memref<!tpu.dma_semaphore, #tpu.memory_space<semaphore_mem>>) src(%dma_wait3A_687 : memref<32x768xf32, #tpu.memory_space<hbm>>) dst(%dma_wait3A_684 : memref<32x768xf32, #tpu.memory_space<vmem>>)
      %ge3A_688 = arith.constant 2 : i32
      %ge3A_689 = arith.cmpi sge, %add3A_672, %ge3A_688 : i32
      %convert_element_type3A_690 = arith.extui %ge3A_689 : i1 to i32
      %cond3A_691 = arith.constant 0 : i32
      %cond3A_692 = arith.cmpi ne, %convert_element_type3A_690, %cond3A_691 : i32
      scf.if %cond3A_692 {
        %dma_wait3A_1295 = arith.constant 0 : i32
        %dma_wait3A_1296 = arith.constant 0 : i32
        %dma_wait3A_1297 = arith.constant 0 : i32
        %dma_wait3A_1298 = tpu.memref_slice %arg8[%dma_wait3A_1295, %dma_wait3A_1296, %dma_wait3A_1297] : memref<4x32x768xf32, #tpu.memory_space<vmem>> -> memref<1x32x768xf32, #tpu.memory_space<vmem>>
        %dma_wait3A_1299 = tpu.memref_squeeze %dma_wait3A_1298 : memref<1x32x768xf32, #tpu.memory_space<vmem>> -> memref<32x768xf32, #tpu.memory_space<vmem>>
        %dma_wait3A_1300 = arith.constant 0 : i32
        %dma_wait3A_1301 = arith.constant 0 : i32
        %dma_wait3A_1302 = tpu.memref_slice %arg2[%dma_wait3A_1300, %dma_wait3A_1301] : memref<30522x768xf32, #tpu.memory_space<hbm>> -> memref<32x768xf32, #tpu.memory_space<hbm>>
        %dma_wait3A_1303 = arith.constant 0 : i32
        %dma_wait3A_1304 = arith.constant 0 : i32
        %dma_wait3A_1305 = tpu.memref_slice %arg8[%dma_wait3A_1295, %dma_wait3A_1303, %dma_wait3A_1304] : memref<4x32x768xf32, #tpu.memory_space<vmem>> -> memref<1x32x768xf32, #tpu.memory_space<vmem>>
        %dma_wait3A_1306 = tpu.memref_squeeze %dma_wait3A_1305 : memref<1x32x768xf32, #tpu.memory_space<vmem>> -> memref<32x768xf32, #tpu.memory_space<vmem>>
        %dma_wait3A_1307 = arith.constant 0 : i32
        %dma_wait3A_1308 = arith.constant 0 : i32
        %dma_wait3A_1309 = tpu.memref_slice %arg2[%dma_wait3A_1307, %dma_wait3A_1308] : memref<30522x768xf32, #tpu.memory_space<hbm>> -> memref<32x768xf32, #tpu.memory_space<hbm>>
        tpu.wait_dma2 semaphore(%arg10 : memref<!tpu.dma_semaphore, #tpu.memory_space<semaphore_mem>>) src(%dma_wait3A_1309 : memref<32x768xf32, #tpu.memory_space<hbm>>) dst(%dma_wait3A_1306 : memref<32x768xf32, #tpu.memory_space<vmem>>)
      } else {
      }
      %add3A_693 = arith.constant 2 : i32
      %add3A_694 = arith.addi %add3A_672, %add3A_693 : i32
      %lt3A_695 = arith.constant 128 : i32
      %lt3A_696 = arith.cmpi slt, %add3A_694, %lt3A_695 : i32
      %convert_element_type3A_697 = arith.extui %lt3A_696 : i1 to i32
      %cond3A_698 = arith.constant 0 : i32
      %cond3A_699 = arith.cmpi ne, %convert_element_type3A_697, %cond3A_698 : i32
      scf.if %cond3A_699 {
        %add3A_1295 = arith.constant 2 : i32
        %add3A_1296 = arith.addi %add3A_672, %add3A_1295 : i32
        %mul3A_1297 = arith.constant 32 : i32
        %mul3A_1298 = arith.muli %add3A_1296, %mul3A_1297 : i32
        %dma_start3A_1299 = arith.constant 0 : i32
        %dma_start3A_1300 = arith.constant 0 : i32
        %dma_start3A_1301 = arith.constant 0 : i32
        %dma_start3A_1302 = tpu.memref_slice %arg8[%dma_start3A_1299, %dma_start3A_1300, %dma_start3A_1301] : memref<4x32x768xf32, #tpu.memory_space<vmem>> -> memref<1x32x768xf32, #tpu.memory_space<vmem>>
        %dma_start3A_1303 = tpu.memref_squeeze %dma_start3A_1302 : memref<1x32x768xf32, #tpu.memory_space<vmem>> -> memref<32x768xf32, #tpu.memory_space<vmem>>
        %dma_start3A_1304 = tpu.memref_slice %arg6[%mul3A_1298] : memref<4096xi32, #tpu.memory_space<vmem>> -> memref<32xi32, #tpu.memory_space<vmem>>
        %dma_start3A_1305 = arith.constant 0 : i32
        %dma_start3A_1306 = arith.constant 0 : i32
        %dma_start3A_1307 = tpu.memref_slice %arg2[%dma_start3A_1305, %dma_start3A_1306] : memref<30522x768xf32, #tpu.memory_space<hbm>> -> memref<30522x768xf32, #tpu.memory_space<hbm>>
        tpu.enqueue_indirect_dma source(%dma_start3A_1307 : memref<30522x768xf32, #tpu.memory_space<hbm>>) target(%dma_start3A_1303 : memref<32x768xf32, #tpu.memory_space<vmem>>) offsets(%dma_start3A_1304 : memref<32xi32, #tpu.memory_space<vmem>>) semaphore(%arg9 : memref<!tpu.dma_semaphore, #tpu.memory_space<semaphore_mem>>)
      } else {
      }
      %jit3A_700 = arith.constant 32 : i32
      %div3A_701 = arith.divsi %add3A_672, %jit3A_700 : i32
      %sign3A_702 = arith.constant 0 : i32
      %sign3A_703 = arith.cmpi sgt, %add3A_672, %sign3A_702 : i32
      %sign3A_704 = arith.extui %sign3A_703 : i1 to i32
      %sign3A_705 = arith.constant 0 : i32
      %sign3A_706 = arith.cmpi slt, %add3A_672, %sign3A_705 : i32
      %sign3A_707 = arith.extui %sign3A_706 : i1 to i32
      %sign3A_708 = arith.subi %sign3A_704, %sign3A_707 : i32
      %sign3A_709 = arith.constant 0 : i32
      %sign3A_710 = arith.cmpi sgt, %jit3A_700, %sign3A_709 : i32
      %sign3A_711 = arith.extui %sign3A_710 : i1 to i32
      %sign3A_712 = arith.constant 0 : i32
      %sign3A_713 = arith.cmpi slt, %jit3A_700, %sign3A_712 : i32
      %sign3A_714 = arith.extui %sign3A_713 : i1 to i32
      %sign3A_715 = arith.subi %sign3A_711, %sign3A_714 : i32
      %ne3A_716 = arith.cmpi ne, %sign3A_708, %sign3A_715 : i32
      %rem3A_717 = arith.remsi %add3A_672, %jit3A_700 : i32
      %ne3A_718 = arith.constant 0 : i32
      %ne3A_719 = arith.cmpi ne, %rem3A_717, %ne3A_718 : i32
      %and3A_720 = arith.andi %ne3A_716, %ne3A_719 : i1
      %sub3A_721 = arith.constant 1 : i32
      %sub3A_722 = arith.subi %div3A_701, %sub3A_721 : i32
      %select_n3A_723 = arith.select %and3A_720, %sub3A_722, %div3A_701 : i32
      %get3A_724 = arith.index_cast %select_n3A_723 : i32 to index
      %get3A_725 = arith.constant 0 : index
      %get3A_726 = tpu.vector_load %arg7[%get3A_724, %get3A_725] {strides = array<i32>} : memref<4x768xf32, #tpu.memory_space<vmem>>, vector<1x16xf32>,
      %get3A_727 = vector.shape_cast %get3A_726 : vector<1x16xf32> to vector<16xf32>
      %get3A_728 = arith.index_cast %select_n3A_723 : i32 to index
      %get3A_729 = arith.constant 16 : index
      %get3A_730 = tpu.vector_load %arg7[%get3A_728, %get3A_729] {strides = array<i32>} : memref<4x768xf32, #tpu.memory_space<vmem>>, vector<1x16xf32>,
      %get3A_731 = vector.shape_cast %get3A_730 : vector<1x16xf32> to vector<16xf32>
      %get3A_732 = arith.index_cast %select_n3A_723 : i32 to index
      %get3A_733 = arith.constant 32 : index
      %get3A_734 = tpu.vector_load %arg7[%get3A_732, %get3A_733] {strides = array<i32>} : memref<4x768xf32, #tpu.memory_space<vmem>>, vector<1x16xf32>,
      %get3A_735 = vector.shape_cast %get3A_734 : vector<1x16xf32> to vector<16xf32>
      %get3A_736 = arith.index_cast %select_n3A_723 : i32 to index
      %get3A_737 = arith.constant 48 : index
      %get3A_738 = tpu.vector_load %arg7[%get3A_736, %get3A_737] {strides = array<i32>} : memref<4x768xf32, #tpu.memory_space<vmem>>, vector<1x16xf32>,
      %get3A_739 = vector.shape_cast %get3A_738 : vector<1x16xf32> to vector<16xf32>
      %get3A_740 = arith.index_cast %select_n3A_723 : i32 to index
      %get3A_741 = arith.constant 64 : index
      %get3A_742 = tpu.vector_load %arg7[%get3A_740, %get3A_741] {strides = array<i32>} : memref<4x768xf32, #tpu.memory_space<vmem>>, vector<1x16xf32>,
      %get3A_743 = vector.shape_cast %get3A_742 : vector<1x16xf32> to vector<16xf32>
      %get3A_744 = arith.index_cast %select_n3A_723 : i32 to index
      %get3A_745 = arith.constant 80 : index
      %get3A_746 = tpu.vector_load %arg7[%get3A_744, %get3A_745] {strides = array<i32>} : memref<4x768xf32, #tpu.memory_space<vmem>>, vector<1x16xf32>,
      %get3A_747 = vector.shape_cast %get3A_746 : vector<1x16xf32> to vector<16xf32>
      %get3A_748 = arith.index_cast %select_n3A_723 : i32 to index
      %get3A_749 = arith.constant 96 : index
      %get3A_750 = tpu.vector_load %arg7[%get3A_748, %get3A_749] {strides = array<i32>} : memref<4x768xf32, #tpu.memory_space<vmem>>, vector<1x16xf32>,
      %get3A_751 = vector.shape_cast %get3A_750 : vector<1x16xf32> to vector<16xf32>
      %get3A_752 = arith.index_cast %select_n3A_723 : i32 to index
      %get3A_753 = arith.constant 112 : index
      %get3A_754 = tpu.vector_load %arg7[%get3A_752, %get3A_753] {strides = array<i32>} : memref<4x768xf32, #tpu.memory_space<vmem>>, vector<1x16xf32>,
      %get3A_755 = vector.shape_cast %get3A_754 : vector<1x16xf32> to vector<16xf32>
      %get3A_756 = arith.index_cast %select_n3A_723 : i32 to index
      %get3A_757 = arith.constant 128 : index
      %get3A_758 = tpu.vector_load %arg7[%get3A_756, %get3A_757] {strides = array<i32>} : memref<4x768xf32, #tpu.memory_space<vmem>>, vector<1x16xf32>,
      %get3A_759 = vector.shape_cast %get3A_758 : vector<1x16xf32> to vector<16xf32>
      %get3A_760 = arith.index_cast %select_n3A_723 : i32 to index
      %get3A_761 = arith.constant 144 : index
      %get3A_762 = tpu.vector_load %arg7[%get3A_760, %get3A_761] {strides = array<i32>} : memref<4x768xf32, #tpu.memory_space<vmem>>, vector<1x16xf32>,
      %get3A_763 = vector.shape_cast %get3A_762 : vector<1x16xf32> to vector<16xf32>
      %get3A_764 = arith.index_cast %select_n3A_723 : i32 to index
      %get3A_765 = arith.constant 160 : index
      %get3A_766 = tpu.vector_load %arg7[%get3A_764, %get3A_765] {strides = array<i32>} : memref<4x768xf32, #tpu.memory_space<vmem>>, vector<1x16xf32>,
      %get3A_767 = vector.shape_cast %get3A_766 : vector<1x16xf32> to vector<16xf32>
      %get3A_768 = arith.index_cast %select_n3A_723 : i32 to index
      %get3A_769 = arith.constant 176 : index
      %get3A_770 = tpu.vector_load %arg7[%get3A_768, %get3A_769] {strides = array<i32>} : memref<4x768xf32, #tpu.memory_space<vmem>>, vector<1x16xf32>,
      %get3A_771 = vector.shape_cast %get3A_770 : vector<1x16xf32> to vector<16xf32>
      %get3A_772 = arith.index_cast %select_n3A_723 : i32 to index
      %get3A_773 = arith.constant 192 : index
      %get3A_774 = tpu.vector_load %arg7[%get3A_772, %get3A_773] {strides = array<i32>} : memref<4x768xf32, #tpu.memory_space<vmem>>, vector<1x16xf32>,
      %get3A_775 = vector.shape_cast %get3A_774 : vector<1x16xf32> to vector<16xf32>
      %get3A_776 = arith.index_cast %select_n3A_723 : i32 to index
      %get3A_777 = arith.constant 208 : index
      %get3A_778 = tpu.vector_load %arg7[%get3A_776, %get3A_777] {strides = array<i32>} : memref<4x768xf32, #tpu.memory_space<vmem>>, vector<1x16xf32>,
      %get3A_779 = vector.shape_cast %get3A_778 : vector<1x16xf32> to vector<16xf32>
      %get3A_780 = arith.index_cast %select_n3A_723 : i32 to index
      %get3A_781 = arith.constant 224 : index
      %get3A_782 = tpu.vector_load %arg7[%get3A_780, %get3A_781] {strides = array<i32>} : memref<4x768xf32, #tpu.memory_space<vmem>>, vector<1x16xf32>,
      %get3A_783 = vector.shape_cast %get3A_782 : vector<1x16xf32> to vector<16xf32>
      %get3A_784 = arith.index_cast %select_n3A_723 : i32 to index
      %get3A_785 = arith.constant 240 : index
      %get3A_786 = tpu.vector_load %arg7[%get3A_784, %get3A_785] {strides = array<i32>} : memref<4x768xf32, #tpu.memory_space<vmem>>, vector<1x16xf32>,
      %get3A_787 = vector.shape_cast %get3A_786 : vector<1x16xf32> to vector<16xf32>
      %get3A_788 = arith.index_cast %select_n3A_723 : i32 to index
      %get3A_789 = arith.constant 256 : index
      %get3A_790 = tpu.vector_load %arg7[%get3A_788, %get3A_789] {strides = array<i32>} : memref<4x768xf32, #tpu.memory_space<vmem>>, vector<1x16xf32>,
      %get3A_791 = vector.shape_cast %get3A_790 : vector<1x16xf32> to vector<16xf32>
      %get3A_792 = arith.index_cast %select_n3A_723 : i32 to index
      %get3A_793 = arith.constant 272 : index
      %get3A_794 = tpu.vector_load %arg7[%get3A_792, %get3A_793] {strides = array<i32>} : memref<4x768xf32, #tpu.memory_space<vmem>>, vector<1x16xf32>,
      %get3A_795 = vector.shape_cast %get3A_794 : vector<1x16xf32> to vector<16xf32>
      %get3A_796 = arith.index_cast %select_n3A_723 : i32 to index
      %get3A_797 = arith.constant 288 : index
      %get3A_798 = tpu.vector_load %arg7[%get3A_796, %get3A_797] {strides = array<i32>} : memref<4x768xf32, #tpu.memory_space<vmem>>, vector<1x16xf32>,
      %get3A_799 = vector.shape_cast %get3A_798 : vector<1x16xf32> to vector<16xf32>
      %get3A_800 = arith.index_cast %select_n3A_723 : i32 to index
      %get3A_801 = arith.constant 304 : index
      %get3A_802 = tpu.vector_load %arg7[%get3A_800, %get3A_801] {strides = array<i32>} : memref<4x768xf32, #tpu.memory_space<vmem>>, vector<1x16xf32>,
      %get3A_803 = vector.shape_cast %get3A_802 : vector<1x16xf32> to vector<16xf32>
      %get3A_804 = arith.index_cast %select_n3A_723 : i32 to index
      %get3A_805 = arith.constant 320 : index
      %get3A_806 = tpu.vector_load %arg7[%get3A_804, %get3A_805] {strides = array<i32>} : memref<4x768xf32, #tpu.memory_space<vmem>>, vector<1x16xf32>,
      %get3A_807 = vector.shape_cast %get3A_806 : vector<1x16xf32> to vector<16xf32>
      %get3A_808 = arith.index_cast %select_n3A_723 : i32 to index
      %get3A_809 = arith.constant 336 : index
      %get3A_810 = tpu.vector_load %arg7[%get3A_808, %get3A_809] {strides = array<i32>} : memref<4x768xf32, #tpu.memory_space<vmem>>, vector<1x16xf32>,
      %get3A_811 = vector.shape_cast %get3A_810 : vector<1x16xf32> to vector<16xf32>
      %get3A_812 = arith.index_cast %select_n3A_723 : i32 to index
      %get3A_813 = arith.constant 352 : index
      %get3A_814 = tpu.vector_load %arg7[%get3A_812, %get3A_813] {strides = array<i32>} : memref<4x768xf32, #tpu.memory_space<vmem>>, vector<1x16xf32>,
      %get3A_815 = vector.shape_cast %get3A_814 : vector<1x16xf32> to vector<16xf32>
      %get3A_816 = arith.index_cast %select_n3A_723 : i32 to index
      %get3A_817 = arith.constant 368 : index
      %get3A_818 = tpu.vector_load %arg7[%get3A_816, %get3A_817] {strides = array<i32>} : memref<4x768xf32, #tpu.memory_space<vmem>>, vector<1x16xf32>,
      %get3A_819 = vector.shape_cast %get3A_818 : vector<1x16xf32> to vector<16xf32>
      %get3A_820 = arith.index_cast %select_n3A_723 : i32 to index
      %get3A_821 = arith.constant 384 : index
      %get3A_822 = tpu.vector_load %arg7[%get3A_820, %get3A_821] {strides = array<i32>} : memref<4x768xf32, #tpu.memory_space<vmem>>, vector<1x16xf32>,
      %get3A_823 = vector.shape_cast %get3A_822 : vector<1x16xf32> to vector<16xf32>
      %get3A_824 = arith.index_cast %select_n3A_723 : i32 to index
      %get3A_825 = arith.constant 400 : index
      %get3A_826 = tpu.vector_load %arg7[%get3A_824, %get3A_825] {strides = array<i32>} : memref<4x768xf32, #tpu.memory_space<vmem>>, vector<1x16xf32>,
      %get3A_827 = vector.shape_cast %get3A_826 : vector<1x16xf32> to vector<16xf32>
      %get3A_828 = arith.index_cast %select_n3A_723 : i32 to index
      %get3A_829 = arith.constant 416 : index
      %get3A_830 = tpu.vector_load %arg7[%get3A_828, %get3A_829] {strides = array<i32>} : memref<4x768xf32, #tpu.memory_space<vmem>>, vector<1x16xf32>,
      %get3A_831 = vector.shape_cast %get3A_830 : vector<1x16xf32> to vector<16xf32>
      %get3A_832 = arith.index_cast %select_n3A_723 : i32 to index
      %get3A_833 = arith.constant 432 : index
      %get3A_834 = tpu.vector_load %arg7[%get3A_832, %get3A_833] {strides = array<i32>} : memref<4x768xf32, #tpu.memory_space<vmem>>, vector<1x16xf32>,
      %get3A_835 = vector.shape_cast %get3A_834 : vector<1x16xf32> to vector<16xf32>
      %get3A_836 = arith.index_cast %select_n3A_723 : i32 to index
      %get3A_837 = arith.constant 448 : index
      %get3A_838 = tpu.vector_load %arg7[%get3A_836, %get3A_837] {strides = array<i32>} : memref<4x768xf32, #tpu.memory_space<vmem>>, vector<1x16xf32>,
      %get3A_839 = vector.shape_cast %get3A_838 : vector<1x16xf32> to vector<16xf32>
      %get3A_840 = arith.index_cast %select_n3A_723 : i32 to index
      %get3A_841 = arith.constant 464 : index
      %get3A_842 = tpu.vector_load %arg7[%get3A_840, %get3A_841] {strides = array<i32>} : memref<4x768xf32, #tpu.memory_space<vmem>>, vector<1x16xf32>,
      %get3A_843 = vector.shape_cast %get3A_842 : vector<1x16xf32> to vector<16xf32>
      %get3A_844 = arith.index_cast %select_n3A_723 : i32 to index
      %get3A_845 = arith.constant 480 : index
      %get3A_846 = tpu.vector_load %arg7[%get3A_844, %get3A_845] {strides = array<i32>} : memref<4x768xf32, #tpu.memory_space<vmem>>, vector<1x16xf32>,
      %get3A_847 = vector.shape_cast %get3A_846 : vector<1x16xf32> to vector<16xf32>
      %get3A_848 = arith.index_cast %select_n3A_723 : i32 to index
      %get3A_849 = arith.constant 496 : index
      %get3A_850 = tpu.vector_load %arg7[%get3A_848, %get3A_849] {strides = array<i32>} : memref<4x768xf32, #tpu.memory_space<vmem>>, vector<1x16xf32>,
      %get3A_851 = vector.shape_cast %get3A_850 : vector<1x16xf32> to vector<16xf32>
      %get3A_852 = arith.index_cast %select_n3A_723 : i32 to index
      %get3A_853 = arith.constant 512 : index
      %get3A_854 = tpu.vector_load %arg7[%get3A_852, %get3A_853] {strides = array<i32>} : memref<4x768xf32, #tpu.memory_space<vmem>>, vector<1x16xf32>,
      %get3A_855 = vector.shape_cast %get3A_854 : vector<1x16xf32> to vector<16xf32>
      %get3A_856 = arith.index_cast %select_n3A_723 : i32 to index
      %get3A_857 = arith.constant 528 : index
      %get3A_858 = tpu.vector_load %arg7[%get3A_856, %get3A_857] {strides = array<i32>} : memref<4x768xf32, #tpu.memory_space<vmem>>, vector<1x16xf32>,
      %get3A_859 = vector.shape_cast %get3A_858 : vector<1x16xf32> to vector<16xf32>
      %get3A_860 = arith.index_cast %select_n3A_723 : i32 to index
      %get3A_861 = arith.constant 544 : index
      %get3A_862 = tpu.vector_load %arg7[%get3A_860, %get3A_861] {strides = array<i32>} : memref<4x768xf32, #tpu.memory_space<vmem>>, vector<1x16xf32>,
      %get3A_863 = vector.shape_cast %get3A_862 : vector<1x16xf32> to vector<16xf32>
      %get3A_864 = arith.index_cast %select_n3A_723 : i32 to index
      %get3A_865 = arith.constant 560 : index
      %get3A_866 = tpu.vector_load %arg7[%get3A_864, %get3A_865] {strides = array<i32>} : memref<4x768xf32, #tpu.memory_space<vmem>>, vector<1x16xf32>,
      %get3A_867 = vector.shape_cast %get3A_866 : vector<1x16xf32> to vector<16xf32>
      %get3A_868 = arith.index_cast %select_n3A_723 : i32 to index
      %get3A_869 = arith.constant 576 : index
      %get3A_870 = tpu.vector_load %arg7[%get3A_868, %get3A_869] {strides = array<i32>} : memref<4x768xf32, #tpu.memory_space<vmem>>, vector<1x16xf32>,
      %get3A_871 = vector.shape_cast %get3A_870 : vector<1x16xf32> to vector<16xf32>
      %get3A_872 = arith.index_cast %select_n3A_723 : i32 to index
      %get3A_873 = arith.constant 592 : index
      %get3A_874 = tpu.vector_load %arg7[%get3A_872, %get3A_873] {strides = array<i32>} : memref<4x768xf32, #tpu.memory_space<vmem>>, vector<1x16xf32>,
      %get3A_875 = vector.shape_cast %get3A_874 : vector<1x16xf32> to vector<16xf32>
      %get3A_876 = arith.index_cast %select_n3A_723 : i32 to index
      %get3A_877 = arith.constant 608 : index
      %get3A_878 = tpu.vector_load %arg7[%get3A_876, %get3A_877] {strides = array<i32>} : memref<4x768xf32, #tpu.memory_space<vmem>>, vector<1x16xf32>,
      %get3A_879 = vector.shape_cast %get3A_878 : vector<1x16xf32> to vector<16xf32>
      %get3A_880 = arith.index_cast %select_n3A_723 : i32 to index
      %get3A_881 = arith.constant 624 : index
      %get3A_882 = tpu.vector_load %arg7[%get3A_880, %get3A_881] {strides = array<i32>} : memref<4x768xf32, #tpu.memory_space<vmem>>, vector<1x16xf32>,
      %get3A_883 = vector.shape_cast %get3A_882 : vector<1x16xf32> to vector<16xf32>
      %get3A_884 = arith.index_cast %select_n3A_723 : i32 to index
      %get3A_885 = arith.constant 640 : index
      %get3A_886 = tpu.vector_load %arg7[%get3A_884, %get3A_885] {strides = array<i32>} : memref<4x768xf32, #tpu.memory_space<vmem>>, vector<1x16xf32>,
      %get3A_887 = vector.shape_cast %get3A_886 : vector<1x16xf32> to vector<16xf32>
      %get3A_888 = arith.index_cast %select_n3A_723 : i32 to index
      %get3A_889 = arith.constant 656 : index
      %get3A_890 = tpu.vector_load %arg7[%get3A_888, %get3A_889] {strides = array<i32>} : memref<4x768xf32, #tpu.memory_space<vmem>>, vector<1x16xf32>,
      %get3A_891 = vector.shape_cast %get3A_890 : vector<1x16xf32> to vector<16xf32>
      %get3A_892 = arith.index_cast %select_n3A_723 : i32 to index
      %get3A_893 = arith.constant 672 : index
      %get3A_894 = tpu.vector_load %arg7[%get3A_892, %get3A_893] {strides = array<i32>} : memref<4x768xf32, #tpu.memory_space<vmem>>, vector<1x16xf32>,
      %get3A_895 = vector.shape_cast %get3A_894 : vector<1x16xf32> to vector<16xf32>
      %get3A_896 = arith.index_cast %select_n3A_723 : i32 to index
      %get3A_897 = arith.constant 688 : index
      %get3A_898 = tpu.vector_load %arg7[%get3A_896, %get3A_897] {strides = array<i32>} : memref<4x768xf32, #tpu.memory_space<vmem>>, vector<1x16xf32>,
      %get3A_899 = vector.shape_cast %get3A_898 : vector<1x16xf32> to vector<16xf32>
      %get3A_900 = arith.index_cast %select_n3A_723 : i32 to index
      %get3A_901 = arith.constant 704 : index
      %get3A_902 = tpu.vector_load %arg7[%get3A_900, %get3A_901] {strides = array<i32>} : memref<4x768xf32, #tpu.memory_space<vmem>>, vector<1x16xf32>,
      %get3A_903 = vector.shape_cast %get3A_902 : vector<1x16xf32> to vector<16xf32>
      %get3A_904 = arith.index_cast %select_n3A_723 : i32 to index
      %get3A_905 = arith.constant 720 : index
      %get3A_906 = tpu.vector_load %arg7[%get3A_904, %get3A_905] {strides = array<i32>} : memref<4x768xf32, #tpu.memory_space<vmem>>, vector<1x16xf32>,
      %get3A_907 = vector.shape_cast %get3A_906 : vector<1x16xf32> to vector<16xf32>
      %get3A_908 = arith.index_cast %select_n3A_723 : i32 to index
      %get3A_909 = arith.constant 736 : index
      %get3A_910 = tpu.vector_load %arg7[%get3A_908, %get3A_909] {strides = array<i32>} : memref<4x768xf32, #tpu.memory_space<vmem>>, vector<1x16xf32>,
      %get3A_911 = vector.shape_cast %get3A_910 : vector<1x16xf32> to vector<16xf32>
      %get3A_912 = arith.index_cast %select_n3A_723 : i32 to index
      %get3A_913 = arith.constant 752 : index
      %get3A_914 = tpu.vector_load %arg7[%get3A_912, %get3A_913] {strides = array<i32>} : memref<4x768xf32, #tpu.memory_space<vmem>>, vector<1x16xf32>,
      %get3A_915 = vector.shape_cast %get3A_914 : vector<1x16xf32> to vector<16xf32>
      %scan3A_916 = arith.constant 0 : i32
      %scan3A_917 = arith.constant 0 : i32
      %scan3A_918 = arith.constant 32 : i32
      %scan3A_919 = arith.addi %scan3A_917, %scan3A_918 : i32
      %scan3A_920 = arith.constant 1 : i32
      scf.for %scan3A_1295 = %scan3A_917 to %scan3A_919 step %scan3A_920  : i32 {
        %get3A_1296 = arith.constant 2 : i32
        %get3A_1297 = arith.index_cast %get3A_1296 : i32 to index
        %get3A_1298 = arith.index_cast %scan3A_1295 : i32 to index
        %get3A_1299 = arith.constant 0 : index
        %get3A_1300 = tpu.vector_load %arg8[%get3A_1297, %get3A_1298, %get3A_1299] {strides = array<i32>} : memref<4x32x768xf32, #tpu.memory_space<vmem>>, vector<1x1x16xf32>,
        %get3A_1301 = vector.shape_cast %get3A_1300 : vector<1x1x16xf32> to vector<16xf32>
        %add3A_1302 = arith.addf %get3A_1301, %get3A_727 : vector<16xf32>
        %swap3A = arith.constant 2 : i32
        %swap3A_1303 = arith.index_cast %swap3A : i32 to index
        %swap3A_1304 = arith.index_cast %scan3A_1295 : i32 to index
        %swap3A_1305 = arith.constant 0 : index
        %swap3A_1306 = tpu.vector_load %arg8[%swap3A_1303, %swap3A_1304, %swap3A_1305] {strides = array<i32>} : memref<4x32x768xf32, #tpu.memory_space<vmem>>, vector<1x1x16xf32>,
        %swap3A_1307 = vector.shape_cast %swap3A_1306 : vector<1x1x16xf32> to vector<16xf32>
        %swap3A_1308 = vector.shape_cast %add3A_1302 : vector<16xf32> to vector<1x1x16xf32>
        tpu.vector_store %arg8[%swap3A_1303, %swap3A_1304, %swap3A_1305], %swap3A_1308 {strides = array<i32>} : memref<4x32x768xf32, #tpu.memory_space<vmem>>, vector<1x1x16xf32>,
        %get3A_1309 = arith.constant 2 : i32
        %get3A_1310 = arith.index_cast %get3A_1309 : i32 to index
        %get3A_1311 = arith.index_cast %scan3A_1295 : i32 to index
        %get3A_1312 = arith.constant 16 : index
        %get3A_1313 = tpu.vector_load %arg8[%get3A_1310, %get3A_1311, %get3A_1312] {strides = array<i32>} : memref<4x32x768xf32, #tpu.memory_space<vmem>>, vector<1x1x16xf32>,
        %get3A_1314 = vector.shape_cast %get3A_1313 : vector<1x1x16xf32> to vector<16xf32>
        %add3A_1315 = arith.addf %get3A_1314, %get3A_731 : vector<16xf32>
        %swap3A_1316 = arith.constant 2 : i32
        %swap3A_1317 = arith.index_cast %swap3A_1316 : i32 to index
        %swap3A_1318 = arith.index_cast %scan3A_1295 : i32 to index
        %swap3A_1319 = arith.constant 16 : index
        %swap3A_1320 = tpu.vector_load %arg8[%swap3A_1317, %swap3A_1318, %swap3A_1319] {strides = array<i32>} : memref<4x32x768xf32, #tpu.memory_space<vmem>>, vector<1x1x16xf32>,
        %swap3A_1321 = vector.shape_cast %swap3A_1320 : vector<1x1x16xf32> to vector<16xf32>
        %swap3A_1322 = vector.shape_cast %add3A_1315 : vector<16xf32> to vector<1x1x16xf32>
        tpu.vector_store %arg8[%swap3A_1317, %swap3A_1318, %swap3A_1319], %swap3A_1322 {strides = array<i32>} : memref<4x32x768xf32, #tpu.memory_space<vmem>>, vector<1x1x16xf32>,
        %get3A_1323 = arith.constant 2 : i32
        %get3A_1324 = arith.index_cast %get3A_1323 : i32 to index
        %get3A_1325 = arith.index_cast %scan3A_1295 : i32 to index
        %get3A_1326 = arith.constant 32 : index
        %get3A_1327 = tpu.vector_load %arg8[%get3A_1324, %get3A_1325, %get3A_1326] {strides = array<i32>} : memref<4x32x768xf32, #tpu.memory_space<vmem>>, vector<1x1x16xf32>,
        %get3A_1328 = vector.shape_cast %get3A_1327 : vector<1x1x16xf32> to vector<16xf32>
        %add3A_1329 = arith.addf %get3A_1328, %get3A_735 : vector<16xf32>
        %swap3A_1330 = arith.constant 2 : i32
        %swap3A_1331 = arith.index_cast %swap3A_1330 : i32 to index
        %swap3A_1332 = arith.index_cast %scan3A_1295 : i32 to index
        %swap3A_1333 = arith.constant 32 : index
        %swap3A_1334 = tpu.vector_load %arg8[%swap3A_1331, %swap3A_1332, %swap3A_1333] {strides = array<i32>} : memref<4x32x768xf32, #tpu.memory_space<vmem>>, vector<1x1x16xf32>,
        %swap3A_1335 = vector.shape_cast %swap3A_1334 : vector<1x1x16xf32> to vector<16xf32>
        %swap3A_1336 = vector.shape_cast %add3A_1329 : vector<16xf32> to vector<1x1x16xf32>
        tpu.vector_store %arg8[%swap3A_1331, %swap3A_1332, %swap3A_1333], %swap3A_1336 {strides = array<i32>} : memref<4x32x768xf32, #tpu.memory_space<vmem>>, vector<1x1x16xf32>,
        %get3A_1337 = arith.constant 2 : i32
        %get3A_1338 = arith.index_cast %get3A_1337 : i32 to index
        %get3A_1339 = arith.index_cast %scan3A_1295 : i32 to index
        %get3A_1340 = arith.constant 48 : index
        %get3A_1341 = tpu.vector_load %arg8[%get3A_1338, %get3A_1339, %get3A_1340] {strides = array<i32>} : memref<4x32x768xf32, #tpu.memory_space<vmem>>, vector<1x1x16xf32>,
        %get3A_1342 = vector.shape_cast %get3A_1341 : vector<1x1x16xf32> to vector<16xf32>
        %add3A_1343 = arith.addf %get3A_1342, %get3A_739 : vector<16xf32>
        %swap3A_1344 = arith.constant 2 : i32
        %swap3A_1345 = arith.index_cast %swap3A_1344 : i32 to index
        %swap3A_1346 = arith.index_cast %scan3A_1295 : i32 to index
        %swap3A_1347 = arith.constant 48 : index
        %swap3A_1348 = tpu.vector_load %arg8[%swap3A_1345, %swap3A_1346, %swap3A_1347] {strides = array<i32>} : memref<4x32x768xf32, #tpu.memory_space<vmem>>, vector<1x1x16xf32>,
        %swap3A_1349 = vector.shape_cast %swap3A_1348 : vector<1x1x16xf32> to vector<16xf32>
        %swap3A_1350 = vector.shape_cast %add3A_1343 : vector<16xf32> to vector<1x1x16xf32>
        tpu.vector_store %arg8[%swap3A_1345, %swap3A_1346, %swap3A_1347], %swap3A_1350 {strides = array<i32>} : memref<4x32x768xf32, #tpu.memory_space<vmem>>, vector<1x1x16xf32>,
        %get3A_1351 = arith.constant 2 : i32
        %get3A_1352 = arith.index_cast %get3A_1351 : i32 to index
        %get3A_1353 = arith.index_cast %scan3A_1295 : i32 to index
        %get3A_1354 = arith.constant 64 : index
        %get3A_1355 = tpu.vector_load %arg8[%get3A_1352, %get3A_1353, %get3A_1354] {strides = array<i32>} : memref<4x32x768xf32, #tpu.memory_space<vmem>>, vector<1x1x16xf32>,
        %get3A_1356 = vector.shape_cast %get3A_1355 : vector<1x1x16xf32> to vector<16xf32>
        %add3A_1357 = arith.addf %get3A_1356, %get3A_743 : vector<16xf32>
        %swap3A_1358 = arith.constant 2 : i32
        %swap3A_1359 = arith.index_cast %swap3A_1358 : i32 to index
        %swap3A_1360 = arith.index_cast %scan3A_1295 : i32 to index
        %swap3A_1361 = arith.constant 64 : index
        %swap3A_1362 = tpu.vector_load %arg8[%swap3A_1359, %swap3A_1360, %swap3A_1361] {strides = array<i32>} : memref<4x32x768xf32, #tpu.memory_space<vmem>>, vector<1x1x16xf32>,
        %swap3A_1363 = vector.shape_cast %swap3A_1362 : vector<1x1x16xf32> to vector<16xf32>
        %swap3A_1364 = vector.shape_cast %add3A_1357 : vector<16xf32> to vector<1x1x16xf32>
        tpu.vector_store %arg8[%swap3A_1359, %swap3A_1360, %swap3A_1361], %swap3A_1364 {strides = array<i32>} : memref<4x32x768xf32, #tpu.memory_space<vmem>>, vector<1x1x16xf32>,
        %get3A_1365 = arith.constant 2 : i32
        %get3A_1366 = arith.index_cast %get3A_1365 : i32 to index
        %get3A_1367 = arith.index_cast %scan3A_1295 : i32 to index
        %get3A_1368 = arith.constant 80 : index
        %get3A_1369 = tpu.vector_load %arg8[%get3A_1366, %get3A_1367, %get3A_1368] {strides = array<i32>} : memref<4x32x768xf32, #tpu.memory_space<vmem>>, vector<1x1x16xf32>,
        %get3A_1370 = vector.shape_cast %get3A_1369 : vector<1x1x16xf32> to vector<16xf32>
        %add3A_1371 = arith.addf %get3A_1370, %get3A_747 : vector<16xf32>
        %swap3A_1372 = arith.constant 2 : i32
        %swap3A_1373 = arith.index_cast %swap3A_1372 : i32 to index
        %swap3A_1374 = arith.index_cast %scan3A_1295 : i32 to index
        %swap3A_1375 = arith.constant 80 : index
        %swap3A_1376 = tpu.vector_load %arg8[%swap3A_1373, %swap3A_1374, %swap3A_1375] {strides = array<i32>} : memref<4x32x768xf32, #tpu.memory_space<vmem>>, vector<1x1x16xf32>,
        %swap3A_1377 = vector.shape_cast %swap3A_1376 : vector<1x1x16xf32> to vector<16xf32>
        %swap3A_1378 = vector.shape_cast %add3A_1371 : vector<16xf32> to vector<1x1x16xf32>
        tpu.vector_store %arg8[%swap3A_1373, %swap3A_1374, %swap3A_1375], %swap3A_1378 {strides = array<i32>} : memref<4x32x768xf32, #tpu.memory_space<vmem>>, vector<1x1x16xf32>,
        %get3A_1379 = arith.constant 2 : i32
        %get3A_1380 = arith.index_cast %get3A_1379 : i32 to index
        %get3A_1381 = arith.index_cast %scan3A_1295 : i32 to index
        %get3A_1382 = arith.constant 96 : index
        %get3A_1383 = tpu.vector_load %arg8[%get3A_1380, %get3A_1381, %get3A_1382] {strides = array<i32>} : memref<4x32x768xf32, #tpu.memory_space<vmem>>, vector<1x1x16xf32>,
        %get3A_1384 = vector.shape_cast %get3A_1383 : vector<1x1x16xf32> to vector<16xf32>
        %add3A_1385 = arith.addf %get3A_1384, %get3A_751 : vector<16xf32>
        %swap3A_1386 = arith.constant 2 : i32
        %swap3A_1387 = arith.index_cast %swap3A_1386 : i32 to index
        %swap3A_1388 = arith.index_cast %scan3A_1295 : i32 to index
        %swap3A_1389 = arith.constant 96 : index
        %swap3A_1390 = tpu.vector_load %arg8[%swap3A_1387, %swap3A_1388, %swap3A_1389] {strides = array<i32>} : memref<4x32x768xf32, #tpu.memory_space<vmem>>, vector<1x1x16xf32>,
        %swap3A_1391 = vector.shape_cast %swap3A_1390 : vector<1x1x16xf32> to vector<16xf32>
        %swap3A_1392 = vector.shape_cast %add3A_1385 : vector<16xf32> to vector<1x1x16xf32>
        tpu.vector_store %arg8[%swap3A_1387, %swap3A_1388, %swap3A_1389], %swap3A_1392 {strides = array<i32>} : memref<4x32x768xf32, #tpu.memory_space<vmem>>, vector<1x1x16xf32>,
        %get3A_1393 = arith.constant 2 : i32
        %get3A_1394 = arith.index_cast %get3A_1393 : i32 to index
        %get3A_1395 = arith.index_cast %scan3A_1295 : i32 to index
        %get3A_1396 = arith.constant 112 : index
        %get3A_1397 = tpu.vector_load %arg8[%get3A_1394, %get3A_1395, %get3A_1396] {strides = array<i32>} : memref<4x32x768xf32, #tpu.memory_space<vmem>>, vector<1x1x16xf32>,
        %get3A_1398 = vector.shape_cast %get3A_1397 : vector<1x1x16xf32> to vector<16xf32>
        %add3A_1399 = arith.addf %get3A_1398, %get3A_755 : vector<16xf32>
        %swap3A_1400 = arith.constant 2 : i32
        %swap3A_1401 = arith.index_cast %swap3A_1400 : i32 to index
        %swap3A_1402 = arith.index_cast %scan3A_1295 : i32 to index
        %swap3A_1403 = arith.constant 112 : index
        %swap3A_1404 = tpu.vector_load %arg8[%swap3A_1401, %swap3A_1402, %swap3A_1403] {strides = array<i32>} : memref<4x32x768xf32, #tpu.memory_space<vmem>>, vector<1x1x16xf32>,
        %swap3A_1405 = vector.shape_cast %swap3A_1404 : vector<1x1x16xf32> to vector<16xf32>
        %swap3A_1406 = vector.shape_cast %add3A_1399 : vector<16xf32> to vector<1x1x16xf32>
        tpu.vector_store %arg8[%swap3A_1401, %swap3A_1402, %swap3A_1403], %swap3A_1406 {strides = array<i32>} : memref<4x32x768xf32, #tpu.memory_space<vmem>>, vector<1x1x16xf32>,
        %get3A_1407 = arith.constant 2 : i32
        %get3A_1408 = arith.index_cast %get3A_1407 : i32 to index
        %get3A_1409 = arith.index_cast %scan3A_1295 : i32 to index
        %get3A_1410 = arith.constant 128 : index
        %get3A_1411 = tpu.vector_load %arg8[%get3A_1408, %get3A_1409, %get3A_1410] {strides = array<i32>} : memref<4x32x768xf32, #tpu.memory_space<vmem>>, vector<1x1x16xf32>,
        %get3A_1412 = vector.shape_cast %get3A_1411 : vector<1x1x16xf32> to vector<16xf32>
        %add3A_1413 = arith.addf %get3A_1412, %get3A_759 : vector<16xf32>
        %swap3A_1414 = arith.constant 2 : i32
        %swap3A_1415 = arith.index_cast %swap3A_1414 : i32 to index
        %swap3A_1416 = arith.index_cast %scan3A_1295 : i32 to index
        %swap3A_1417 = arith.constant 128 : index
        %swap3A_1418 = tpu.vector_load %arg8[%swap3A_1415, %swap3A_1416, %swap3A_1417] {strides = array<i32>} : memref<4x32x768xf32, #tpu.memory_space<vmem>>, vector<1x1x16xf32>,
        %swap3A_1419 = vector.shape_cast %swap3A_1418 : vector<1x1x16xf32> to vector<16xf32>
        %swap3A_1420 = vector.shape_cast %add3A_1413 : vector<16xf32> to vector<1x1x16xf32>
        tpu.vector_store %arg8[%swap3A_1415, %swap3A_1416, %swap3A_1417], %swap3A_1420 {strides = array<i32>} : memref<4x32x768xf32, #tpu.memory_space<vmem>>, vector<1x1x16xf32>,
        %get3A_1421 = arith.constant 2 : i32
        %get3A_1422 = arith.index_cast %get3A_1421 : i32 to index
        %get3A_1423 = arith.index_cast %scan3A_1295 : i32 to index
        %get3A_1424 = arith.constant 144 : index
        %get3A_1425 = tpu.vector_load %arg8[%get3A_1422, %get3A_1423, %get3A_1424] {strides = array<i32>} : memref<4x32x768xf32, #tpu.memory_space<vmem>>, vector<1x1x16xf32>,
        %get3A_1426 = vector.shape_cast %get3A_1425 : vector<1x1x16xf32> to vector<16xf32>
        %add3A_1427 = arith.addf %get3A_1426, %get3A_763 : vector<16xf32>
        %swap3A_1428 = arith.constant 2 : i32
        %swap3A_1429 = arith.index_cast %swap3A_1428 : i32 to index
        %swap3A_1430 = arith.index_cast %scan3A_1295 : i32 to index
        %swap3A_1431 = arith.constant 144 : index
        %swap3A_1432 = tpu.vector_load %arg8[%swap3A_1429, %swap3A_1430, %swap3A_1431] {strides = array<i32>} : memref<4x32x768xf32, #tpu.memory_space<vmem>>, vector<1x1x16xf32>,
        %swap3A_1433 = vector.shape_cast %swap3A_1432 : vector<1x1x16xf32> to vector<16xf32>
        %swap3A_1434 = vector.shape_cast %add3A_1427 : vector<16xf32> to vector<1x1x16xf32>
        tpu.vector_store %arg8[%swap3A_1429, %swap3A_1430, %swap3A_1431], %swap3A_1434 {strides = array<i32>} : memref<4x32x768xf32, #tpu.memory_space<vmem>>, vector<1x1x16xf32>,
        %get3A_1435 = arith.constant 2 : i32
        %get3A_1436 = arith.index_cast %get3A_1435 : i32 to index
        %get3A_1437 = arith.index_cast %scan3A_1295 : i32 to index
        %get3A_1438 = arith.constant 160 : index
        %get3A_1439 = tpu.vector_load %arg8[%get3A_1436, %get3A_1437, %get3A_1438] {strides = array<i32>} : memref<4x32x768xf32, #tpu.memory_space<vmem>>, vector<1x1x16xf32>,
        %get3A_1440 = vector.shape_cast %get3A_1439 : vector<1x1x16xf32> to vector<16xf32>
        %add3A_1441 = arith.addf %get3A_1440, %get3A_767 : vector<16xf32>
        %swap3A_1442 = arith.constant 2 : i32
        %swap3A_1443 = arith.index_cast %swap3A_1442 : i32 to index
        %swap3A_1444 = arith.index_cast %scan3A_1295 : i32 to index
        %swap3A_1445 = arith.constant 160 : index
        %swap3A_1446 = tpu.vector_load %arg8[%swap3A_1443, %swap3A_1444, %swap3A_1445] {strides = array<i32>} : memref<4x32x768xf32, #tpu.memory_space<vmem>>, vector<1x1x16xf32>,
        %swap3A_1447 = vector.shape_cast %swap3A_1446 : vector<1x1x16xf32> to vector<16xf32>
        %swap3A_1448 = vector.shape_cast %add3A_1441 : vector<16xf32> to vector<1x1x16xf32>
        tpu.vector_store %arg8[%swap3A_1443, %swap3A_1444, %swap3A_1445], %swap3A_1448 {strides = array<i32>} : memref<4x32x768xf32, #tpu.memory_space<vmem>>, vector<1x1x16xf32>,
        %get3A_1449 = arith.constant 2 : i32
        %get3A_1450 = arith.index_cast %get3A_1449 : i32 to index
        %get3A_1451 = arith.index_cast %scan3A_1295 : i32 to index
        %get3A_1452 = arith.constant 176 : index
        %get3A_1453 = tpu.vector_load %arg8[%get3A_1450, %get3A_1451, %get3A_1452] {strides = array<i32>} : memref<4x32x768xf32, #tpu.memory_space<vmem>>, vector<1x1x16xf32>,
        %get3A_1454 = vector.shape_cast %get3A_1453 : vector<1x1x16xf32> to vector<16xf32>
        %add3A_1455 = arith.addf %get3A_1454, %get3A_771 : vector<16xf32>
        %swap3A_1456 = arith.constant 2 : i32
        %swap3A_1457 = arith.index_cast %swap3A_1456 : i32 to index
        %swap3A_1458 = arith.index_cast %scan3A_1295 : i32 to index
        %swap3A_1459 = arith.constant 176 : index
        %swap3A_1460 = tpu.vector_load %arg8[%swap3A_1457, %swap3A_1458, %swap3A_1459] {strides = array<i32>} : memref<4x32x768xf32, #tpu.memory_space<vmem>>, vector<1x1x16xf32>,
        %swap3A_1461 = vector.shape_cast %swap3A_1460 : vector<1x1x16xf32> to vector<16xf32>
        %swap3A_1462 = vector.shape_cast %add3A_1455 : vector<16xf32> to vector<1x1x16xf32>
        tpu.vector_store %arg8[%swap3A_1457, %swap3A_1458, %swap3A_1459], %swap3A_1462 {strides = array<i32>} : memref<4x32x768xf32, #tpu.memory_space<vmem>>, vector<1x1x16xf32>,
        %get3A_1463 = arith.constant 2 : i32
        %get3A_1464 = arith.index_cast %get3A_1463 : i32 to index
        %get3A_1465 = arith.index_cast %scan3A_1295 : i32 to index
        %get3A_1466 = arith.constant 192 : index
        %get3A_1467 = tpu.vector_load %arg8[%get3A_1464, %get3A_1465, %get3A_1466] {strides = array<i32>} : memref<4x32x768xf32, #tpu.memory_space<vmem>>, vector<1x1x16xf32>,
        %get3A_1468 = vector.shape_cast %get3A_1467 : vector<1x1x16xf32> to vector<16xf32>
        %add3A_1469 = arith.addf %get3A_1468, %get3A_775 : vector<16xf32>
        %swap3A_1470 = arith.constant 2 : i32
        %swap3A_1471 = arith.index_cast %swap3A_1470 : i32 to index
        %swap3A_1472 = arith.index_cast %scan3A_1295 : i32 to index
        %swap3A_1473 = arith.constant 192 : index
        %swap3A_1474 = tpu.vector_load %arg8[%swap3A_1471, %swap3A_1472, %swap3A_1473] {strides = array<i32>} : memref<4x32x768xf32, #tpu.memory_space<vmem>>, vector<1x1x16xf32>,
        %swap3A_1475 = vector.shape_cast %swap3A_1474 : vector<1x1x16xf32> to vector<16xf32>
        %swap3A_1476 = vector.shape_cast %add3A_1469 : vector<16xf32> to vector<1x1x16xf32>
        tpu.vector_store %arg8[%swap3A_1471, %swap3A_1472, %swap3A_1473], %swap3A_1476 {strides = array<i32>} : memref<4x32x768xf32, #tpu.memory_space<vmem>>, vector<1x1x16xf32>,
        %get3A_1477 = arith.constant 2 : i32
        %get3A_1478 = arith.index_cast %get3A_1477 : i32 to index
        %get3A_1479 = arith.index_cast %scan3A_1295 : i32 to index
        %get3A_1480 = arith.constant 208 : index
        %get3A_1481 = tpu.vector_load %arg8[%get3A_1478, %get3A_1479, %get3A_1480] {strides = array<i32>} : memref<4x32x768xf32, #tpu.memory_space<vmem>>, vector<1x1x16xf32>,
        %get3A_1482 = vector.shape_cast %get3A_1481 : vector<1x1x16xf32> to vector<16xf32>
        %add3A_1483 = arith.addf %get3A_1482, %get3A_779 : vector<16xf32>
        %swap3A_1484 = arith.constant 2 : i32
        %swap3A_1485 = arith.index_cast %swap3A_1484 : i32 to index
        %swap3A_1486 = arith.index_cast %scan3A_1295 : i32 to index
        %swap3A_1487 = arith.constant 208 : index
        %swap3A_1488 = tpu.vector_load %arg8[%swap3A_1485, %swap3A_1486, %swap3A_1487] {strides = array<i32>} : memref<4x32x768xf32, #tpu.memory_space<vmem>>, vector<1x1x16xf32>,
        %swap3A_1489 = vector.shape_cast %swap3A_1488 : vector<1x1x16xf32> to vector<16xf32>
        %swap3A_1490 = vector.shape_cast %add3A_1483 : vector<16xf32> to vector<1x1x16xf32>
        tpu.vector_store %arg8[%swap3A_1485, %swap3A_1486, %swap3A_1487], %swap3A_1490 {strides = array<i32>} : memref<4x32x768xf32, #tpu.memory_space<vmem>>, vector<1x1x16xf32>,
        %get3A_1491 = arith.constant 2 : i32
        %get3A_1492 = arith.index_cast %get3A_1491 : i32 to index
        %get3A_1493 = arith.index_cast %scan3A_1295 : i32 to index
        %get3A_1494 = arith.constant 224 : index
        %get3A_1495 = tpu.vector_load %arg8[%get3A_1492, %get3A_1493, %get3A_1494] {strides = array<i32>} : memref<4x32x768xf32, #tpu.memory_space<vmem>>, vector<1x1x16xf32>,
        %get3A_1496 = vector.shape_cast %get3A_1495 : vector<1x1x16xf32> to vector<16xf32>
        %add3A_1497 = arith.addf %get3A_1496, %get3A_783 : vector<16xf32>
        %swap3A_1498 = arith.constant 2 : i32
        %swap3A_1499 = arith.index_cast %swap3A_1498 : i32 to index
        %swap3A_1500 = arith.index_cast %scan3A_1295 : i32 to index
        %swap3A_1501 = arith.constant 224 : index
        %swap3A_1502 = tpu.vector_load %arg8[%swap3A_1499, %swap3A_1500, %swap3A_1501] {strides = array<i32>} : memref<4x32x768xf32, #tpu.memory_space<vmem>>, vector<1x1x16xf32>,
        %swap3A_1503 = vector.shape_cast %swap3A_1502 : vector<1x1x16xf32> to vector<16xf32>
        %swap3A_1504 = vector.shape_cast %add3A_1497 : vector<16xf32> to vector<1x1x16xf32>
        tpu.vector_store %arg8[%swap3A_1499, %swap3A_1500, %swap3A_1501], %swap3A_1504 {strides = array<i32>} : memref<4x32x768xf32, #tpu.memory_space<vmem>>, vector<1x1x16xf32>,
        %get3A_1505 = arith.constant 2 : i32
        %get3A_1506 = arith.index_cast %get3A_1505 : i32 to index
        %get3A_1507 = arith.index_cast %scan3A_1295 : i32 to index
        %get3A_1508 = arith.constant 240 : index
        %get3A_1509 = tpu.vector_load %arg8[%get3A_1506, %get3A_1507, %get3A_1508] {strides = array<i32>} : memref<4x32x768xf32, #tpu.memory_space<vmem>>, vector<1x1x16xf32>,
        %get3A_1510 = vector.shape_cast %get3A_1509 : vector<1x1x16xf32> to vector<16xf32>
        %add3A_1511 = arith.addf %get3A_1510, %get3A_787 : vector<16xf32>
        %swap3A_1512 = arith.constant 2 : i32
        %swap3A_1513 = arith.index_cast %swap3A_1512 : i32 to index
        %swap3A_1514 = arith.index_cast %scan3A_1295 : i32 to index
        %swap3A_1515 = arith.constant 240 : index
        %swap3A_1516 = tpu.vector_load %arg8[%swap3A_1513, %swap3A_1514, %swap3A_1515] {strides = array<i32>} : memref<4x32x768xf32, #tpu.memory_space<vmem>>, vector<1x1x16xf32>,
        %swap3A_1517 = vector.shape_cast %swap3A_1516 : vector<1x1x16xf32> to vector<16xf32>
        %swap3A_1518 = vector.shape_cast %add3A_1511 : vector<16xf32> to vector<1x1x16xf32>
        tpu.vector_store %arg8[%swap3A_1513, %swap3A_1514, %swap3A_1515], %swap3A_1518 {strides = array<i32>} : memref<4x32x768xf32, #tpu.memory_space<vmem>>, vector<1x1x16xf32>,
        %get3A_1519 = arith.constant 2 : i32
        %get3A_1520 = arith.index_cast %get3A_1519 : i32 to index
        %get3A_1521 = arith.index_cast %scan3A_1295 : i32 to index
        %get3A_1522 = arith.constant 256 : index
        %get3A_1523 = tpu.vector_load %arg8[%get3A_1520, %get3A_1521, %get3A_1522] {strides = array<i32>} : memref<4x32x768xf32, #tpu.memory_space<vmem>>, vector<1x1x16xf32>,
        %get3A_1524 = vector.shape_cast %get3A_1523 : vector<1x1x16xf32> to vector<16xf32>
        %add3A_1525 = arith.addf %get3A_1524, %get3A_791 : vector<16xf32>
        %swap3A_1526 = arith.constant 2 : i32
        %swap3A_1527 = arith.index_cast %swap3A_1526 : i32 to index
        %swap3A_1528 = arith.index_cast %scan3A_1295 : i32 to index
        %swap3A_1529 = arith.constant 256 : index
        %swap3A_1530 = tpu.vector_load %arg8[%swap3A_1527, %swap3A_1528, %swap3A_1529] {strides = array<i32>} : memref<4x32x768xf32, #tpu.memory_space<vmem>>, vector<1x1x16xf32>,
        %swap3A_1531 = vector.shape_cast %swap3A_1530 : vector<1x1x16xf32> to vector<16xf32>
        %swap3A_1532 = vector.shape_cast %add3A_1525 : vector<16xf32> to vector<1x1x16xf32>
        tpu.vector_store %arg8[%swap3A_1527, %swap3A_1528, %swap3A_1529], %swap3A_1532 {strides = array<i32>} : memref<4x32x768xf32, #tpu.memory_space<vmem>>, vector<1x1x16xf32>,
        %get3A_1533 = arith.constant 2 : i32
        %get3A_1534 = arith.index_cast %get3A_1533 : i32 to index
        %get3A_1535 = arith.index_cast %scan3A_1295 : i32 to index
        %get3A_1536 = arith.constant 272 : index
        %get3A_1537 = tpu.vector_load %arg8[%get3A_1534, %get3A_1535, %get3A_1536] {strides = array<i32>} : memref<4x32x768xf32, #tpu.memory_space<vmem>>, vector<1x1x16xf32>,
        %get3A_1538 = vector.shape_cast %get3A_1537 : vector<1x1x16xf32> to vector<16xf32>
        %add3A_1539 = arith.addf %get3A_1538, %get3A_795 : vector<16xf32>
        %swap3A_1540 = arith.constant 2 : i32
        %swap3A_1541 = arith.index_cast %swap3A_1540 : i32 to index
        %swap3A_1542 = arith.index_cast %scan3A_1295 : i32 to index
        %swap3A_1543 = arith.constant 272 : index
        %swap3A_1544 = tpu.vector_load %arg8[%swap3A_1541, %swap3A_1542, %swap3A_1543] {strides = array<i32>} : memref<4x32x768xf32, #tpu.memory_space<vmem>>, vector<1x1x16xf32>,
        %swap3A_1545 = vector.shape_cast %swap3A_1544 : vector<1x1x16xf32> to vector<16xf32>
        %swap3A_1546 = vector.shape_cast %add3A_1539 : vector<16xf32> to vector<1x1x16xf32>
        tpu.vector_store %arg8[%swap3A_1541, %swap3A_1542, %swap3A_1543], %swap3A_1546 {strides = array<i32>} : memref<4x32x768xf32, #tpu.memory_space<vmem>>, vector<1x1x16xf32>,
        %get3A_1547 = arith.constant 2 : i32
        %get3A_1548 = arith.index_cast %get3A_1547 : i32 to index
        %get3A_1549 = arith.index_cast %scan3A_1295 : i32 to index
        %get3A_1550 = arith.constant 288 : index
        %get3A_1551 = tpu.vector_load %arg8[%get3A_1548, %get3A_1549, %get3A_1550] {strides = array<i32>} : memref<4x32x768xf32, #tpu.memory_space<vmem>>, vector<1x1x16xf32>,
        %get3A_1552 = vector.shape_cast %get3A_1551 : vector<1x1x16xf32> to vector<16xf32>
        %add3A_1553 = arith.addf %get3A_1552, %get3A_799 : vector<16xf32>
        %swap3A_1554 = arith.constant 2 : i32
        %swap3A_1555 = arith.index_cast %swap3A_1554 : i32 to index
        %swap3A_1556 = arith.index_cast %scan3A_1295 : i32 to index
        %swap3A_1557 = arith.constant 288 : index
        %swap3A_1558 = tpu.vector_load %arg8[%swap3A_1555, %swap3A_1556, %swap3A_1557] {strides = array<i32>} : memref<4x32x768xf32, #tpu.memory_space<vmem>>, vector<1x1x16xf32>,
        %swap3A_1559 = vector.shape_cast %swap3A_1558 : vector<1x1x16xf32> to vector<16xf32>
        %swap3A_1560 = vector.shape_cast %add3A_1553 : vector<16xf32> to vector<1x1x16xf32>
        tpu.vector_store %arg8[%swap3A_1555, %swap3A_1556, %swap3A_1557], %swap3A_1560 {strides = array<i32>} : memref<4x32x768xf32, #tpu.memory_space<vmem>>, vector<1x1x16xf32>,
        %get3A_1561 = arith.constant 2 : i32
        %get3A_1562 = arith.index_cast %get3A_1561 : i32 to index
        %get3A_1563 = arith.index_cast %scan3A_1295 : i32 to index
        %get3A_1564 = arith.constant 304 : index
        %get3A_1565 = tpu.vector_load %arg8[%get3A_1562, %get3A_1563, %get3A_1564] {strides = array<i32>} : memref<4x32x768xf32, #tpu.memory_space<vmem>>, vector<1x1x16xf32>,
        %get3A_1566 = vector.shape_cast %get3A_1565 : vector<1x1x16xf32> to vector<16xf32>
        %add3A_1567 = arith.addf %get3A_1566, %get3A_803 : vector<16xf32>
        %swap3A_1568 = arith.constant 2 : i32
        %swap3A_1569 = arith.index_cast %swap3A_1568 : i32 to index
        %swap3A_1570 = arith.index_cast %scan3A_1295 : i32 to index
        %swap3A_1571 = arith.constant 304 : index
        %swap3A_1572 = tpu.vector_load %arg8[%swap3A_1569, %swap3A_1570, %swap3A_1571] {strides = array<i32>} : memref<4x32x768xf32, #tpu.memory_space<vmem>>, vector<1x1x16xf32>,
        %swap3A_1573 = vector.shape_cast %swap3A_1572 : vector<1x1x16xf32> to vector<16xf32>
        %swap3A_1574 = vector.shape_cast %add3A_1567 : vector<16xf32> to vector<1x1x16xf32>
        tpu.vector_store %arg8[%swap3A_1569, %swap3A_1570, %swap3A_1571], %swap3A_1574 {strides = array<i32>} : memref<4x32x768xf32, #tpu.memory_space<vmem>>, vector<1x1x16xf32>,
        %get3A_1575 = arith.constant 2 : i32
        %get3A_1576 = arith.index_cast %get3A_1575 : i32 to index
        %get3A_1577 = arith.index_cast %scan3A_1295 : i32 to index
        %get3A_1578 = arith.constant 320 : index
        %get3A_1579 = tpu.vector_load %arg8[%get3A_1576, %get3A_1577, %get3A_1578] {strides = array<i32>} : memref<4x32x768xf32, #tpu.memory_space<vmem>>, vector<1x1x16xf32>,
        %get3A_1580 = vector.shape_cast %get3A_1579 : vector<1x1x16xf32> to vector<16xf32>
        %add3A_1581 = arith.addf %get3A_1580, %get3A_807 : vector<16xf32>
        %swap3A_1582 = arith.constant 2 : i32
        %swap3A_1583 = arith.index_cast %swap3A_1582 : i32 to index
        %swap3A_1584 = arith.index_cast %scan3A_1295 : i32 to index
        %swap3A_1585 = arith.constant 320 : index
        %swap3A_1586 = tpu.vector_load %arg8[%swap3A_1583, %swap3A_1584, %swap3A_1585] {strides = array<i32>} : memref<4x32x768xf32, #tpu.memory_space<vmem>>, vector<1x1x16xf32>,
        %swap3A_1587 = vector.shape_cast %swap3A_1586 : vector<1x1x16xf32> to vector<16xf32>
        %swap3A_1588 = vector.shape_cast %add3A_1581 : vector<16xf32> to vector<1x1x16xf32>
        tpu.vector_store %arg8[%swap3A_1583, %swap3A_1584, %swap3A_1585], %swap3A_1588 {strides = array<i32>} : memref<4x32x768xf32, #tpu.memory_space<vmem>>, vector<1x1x16xf32>,
        %get3A_1589 = arith.constant 2 : i32
        %get3A_1590 = arith.index_cast %get3A_1589 : i32 to index
        %get3A_1591 = arith.index_cast %scan3A_1295 : i32 to index
        %get3A_1592 = arith.constant 336 : index
        %get3A_1593 = tpu.vector_load %arg8[%get3A_1590, %get3A_1591, %get3A_1592] {strides = array<i32>} : memref<4x32x768xf32, #tpu.memory_space<vmem>>, vector<1x1x16xf32>,
        %get3A_1594 = vector.shape_cast %get3A_1593 : vector<1x1x16xf32> to vector<16xf32>
        %add3A_1595 = arith.addf %get3A_1594, %get3A_811 : vector<16xf32>
        %swap3A_1596 = arith.constant 2 : i32
        %swap3A_1597 = arith.index_cast %swap3A_1596 : i32 to index
        %swap3A_1598 = arith.index_cast %scan3A_1295 : i32 to index
        %swap3A_1599 = arith.constant 336 : index
        %swap3A_1600 = tpu.vector_load %arg8[%swap3A_1597, %swap3A_1598, %swap3A_1599] {strides = array<i32>} : memref<4x32x768xf32, #tpu.memory_space<vmem>>, vector<1x1x16xf32>,
        %swap3A_1601 = vector.shape_cast %swap3A_1600 : vector<1x1x16xf32> to vector<16xf32>
        %swap3A_1602 = vector.shape_cast %add3A_1595 : vector<16xf32> to vector<1x1x16xf32>
        tpu.vector_store %arg8[%swap3A_1597, %swap3A_1598, %swap3A_1599], %swap3A_1602 {strides = array<i32>} : memref<4x32x768xf32, #tpu.memory_space<vmem>>, vector<1x1x16xf32>,
        %get3A_1603 = arith.constant 2 : i32
        %get3A_1604 = arith.index_cast %get3A_1603 : i32 to index
        %get3A_1605 = arith.index_cast %scan3A_1295 : i32 to index
        %get3A_1606 = arith.constant 352 : index
        %get3A_1607 = tpu.vector_load %arg8[%get3A_1604, %get3A_1605, %get3A_1606] {strides = array<i32>} : memref<4x32x768xf32, #tpu.memory_space<vmem>>, vector<1x1x16xf32>,
        %get3A_1608 = vector.shape_cast %get3A_1607 : vector<1x1x16xf32> to vector<16xf32>
        %add3A_1609 = arith.addf %get3A_1608, %get3A_815 : vector<16xf32>
        %swap3A_1610 = arith.constant 2 : i32
        %swap3A_1611 = arith.index_cast %swap3A_1610 : i32 to index
        %swap3A_1612 = arith.index_cast %scan3A_1295 : i32 to index
        %swap3A_1613 = arith.constant 352 : index
        %swap3A_1614 = tpu.vector_load %arg8[%swap3A_1611, %swap3A_1612, %swap3A_1613] {strides = array<i32>} : memref<4x32x768xf32, #tpu.memory_space<vmem>>, vector<1x1x16xf32>,
        %swap3A_1615 = vector.shape_cast %swap3A_1614 : vector<1x1x16xf32> to vector<16xf32>
        %swap3A_1616 = vector.shape_cast %add3A_1609 : vector<16xf32> to vector<1x1x16xf32>
        tpu.vector_store %arg8[%swap3A_1611, %swap3A_1612, %swap3A_1613], %swap3A_1616 {strides = array<i32>} : memref<4x32x768xf32, #tpu.memory_space<vmem>>, vector<1x1x16xf32>,
        %get3A_1617 = arith.constant 2 : i32
        %get3A_1618 = arith.index_cast %get3A_1617 : i32 to index
        %get3A_1619 = arith.index_cast %scan3A_1295 : i32 to index
        %get3A_1620 = arith.constant 368 : index
        %get3A_1621 = tpu.vector_load %arg8[%get3A_1618, %get3A_1619, %get3A_1620] {strides = array<i32>} : memref<4x32x768xf32, #tpu.memory_space<vmem>>, vector<1x1x16xf32>,
        %get3A_1622 = vector.shape_cast %get3A_1621 : vector<1x1x16xf32> to vector<16xf32>
        %add3A_1623 = arith.addf %get3A_1622, %get3A_819 : vector<16xf32>
        %swap3A_1624 = arith.constant 2 : i32
        %swap3A_1625 = arith.index_cast %swap3A_1624 : i32 to index
        %swap3A_1626 = arith.index_cast %scan3A_1295 : i32 to index
        %swap3A_1627 = arith.constant 368 : index
        %swap3A_1628 = tpu.vector_load %arg8[%swap3A_1625, %swap3A_1626, %swap3A_1627] {strides = array<i32>} : memref<4x32x768xf32, #tpu.memory_space<vmem>>, vector<1x1x16xf32>,
        %swap3A_1629 = vector.shape_cast %swap3A_1628 : vector<1x1x16xf32> to vector<16xf32>
        %swap3A_1630 = vector.shape_cast %add3A_1623 : vector<16xf32> to vector<1x1x16xf32>
        tpu.vector_store %arg8[%swap3A_1625, %swap3A_1626, %swap3A_1627], %swap3A_1630 {strides = array<i32>} : memref<4x32x768xf32, #tpu.memory_space<vmem>>, vector<1x1x16xf32>,
        %get3A_1631 = arith.constant 2 : i32
        %get3A_1632 = arith.index_cast %get3A_1631 : i32 to index
        %get3A_1633 = arith.index_cast %scan3A_1295 : i32 to index
        %get3A_1634 = arith.constant 384 : index
        %get3A_1635 = tpu.vector_load %arg8[%get3A_1632, %get3A_1633, %get3A_1634] {strides = array<i32>} : memref<4x32x768xf32, #tpu.memory_space<vmem>>, vector<1x1x16xf32>,
        %get3A_1636 = vector.shape_cast %get3A_1635 : vector<1x1x16xf32> to vector<16xf32>
        %add3A_1637 = arith.addf %get3A_1636, %get3A_823 : vector<16xf32>
        %swap3A_1638 = arith.constant 2 : i32
        %swap3A_1639 = arith.index_cast %swap3A_1638 : i32 to index
        %swap3A_1640 = arith.index_cast %scan3A_1295 : i32 to index
        %swap3A_1641 = arith.constant 384 : index
        %swap3A_1642 = tpu.vector_load %arg8[%swap3A_1639, %swap3A_1640, %swap3A_1641] {strides = array<i32>} : memref<4x32x768xf32, #tpu.memory_space<vmem>>, vector<1x1x16xf32>,
        %swap3A_1643 = vector.shape_cast %swap3A_1642 : vector<1x1x16xf32> to vector<16xf32>
        %swap3A_1644 = vector.shape_cast %add3A_1637 : vector<16xf32> to vector<1x1x16xf32>
        tpu.vector_store %arg8[%swap3A_1639, %swap3A_1640, %swap3A_1641], %swap3A_1644 {strides = array<i32>} : memref<4x32x768xf32, #tpu.memory_space<vmem>>, vector<1x1x16xf32>,
        %get3A_1645 = arith.constant 2 : i32
        %get3A_1646 = arith.index_cast %get3A_1645 : i32 to index
        %get3A_1647 = arith.index_cast %scan3A_1295 : i32 to index
        %get3A_1648 = arith.constant 400 : index
        %get3A_1649 = tpu.vector_load %arg8[%get3A_1646, %get3A_1647, %get3A_1648] {strides = array<i32>} : memref<4x32x768xf32, #tpu.memory_space<vmem>>, vector<1x1x16xf32>,
        %get3A_1650 = vector.shape_cast %get3A_1649 : vector<1x1x16xf32> to vector<16xf32>
        %add3A_1651 = arith.addf %get3A_1650, %get3A_827 : vector<16xf32>
        %swap3A_1652 = arith.constant 2 : i32
        %swap3A_1653 = arith.index_cast %swap3A_1652 : i32 to index
        %swap3A_1654 = arith.index_cast %scan3A_1295 : i32 to index
        %swap3A_1655 = arith.constant 400 : index
        %swap3A_1656 = tpu.vector_load %arg8[%swap3A_1653, %swap3A_1654, %swap3A_1655] {strides = array<i32>} : memref<4x32x768xf32, #tpu.memory_space<vmem>>, vector<1x1x16xf32>,
        %swap3A_1657 = vector.shape_cast %swap3A_1656 : vector<1x1x16xf32> to vector<16xf32>
        %swap3A_1658 = vector.shape_cast %add3A_1651 : vector<16xf32> to vector<1x1x16xf32>
        tpu.vector_store %arg8[%swap3A_1653, %swap3A_1654, %swap3A_1655], %swap3A_1658 {strides = array<i32>} : memref<4x32x768xf32, #tpu.memory_space<vmem>>, vector<1x1x16xf32>,
        %get3A_1659 = arith.constant 2 : i32
        %get3A_1660 = arith.index_cast %get3A_1659 : i32 to index
        %get3A_1661 = arith.index_cast %scan3A_1295 : i32 to index
        %get3A_1662 = arith.constant 416 : index
        %get3A_1663 = tpu.vector_load %arg8[%get3A_1660, %get3A_1661, %get3A_1662] {strides = array<i32>} : memref<4x32x768xf32, #tpu.memory_space<vmem>>, vector<1x1x16xf32>,
        %get3A_1664 = vector.shape_cast %get3A_1663 : vector<1x1x16xf32> to vector<16xf32>
        %add3A_1665 = arith.addf %get3A_1664, %get3A_831 : vector<16xf32>
        %swap3A_1666 = arith.constant 2 : i32
        %swap3A_1667 = arith.index_cast %swap3A_1666 : i32 to index
        %swap3A_1668 = arith.index_cast %scan3A_1295 : i32 to index
        %swap3A_1669 = arith.constant 416 : index
        %swap3A_1670 = tpu.vector_load %arg8[%swap3A_1667, %swap3A_1668, %swap3A_1669] {strides = array<i32>} : memref<4x32x768xf32, #tpu.memory_space<vmem>>, vector<1x1x16xf32>,
        %swap3A_1671 = vector.shape_cast %swap3A_1670 : vector<1x1x16xf32> to vector<16xf32>
        %swap3A_1672 = vector.shape_cast %add3A_1665 : vector<16xf32> to vector<1x1x16xf32>
        tpu.vector_store %arg8[%swap3A_1667, %swap3A_1668, %swap3A_1669], %swap3A_1672 {strides = array<i32>} : memref<4x32x768xf32, #tpu.memory_space<vmem>>, vector<1x1x16xf32>,
        %get3A_1673 = arith.constant 2 : i32
        %get3A_1674 = arith.index_cast %get3A_1673 : i32 to index
        %get3A_1675 = arith.index_cast %scan3A_1295 : i32 to index
        %get3A_1676 = arith.constant 432 : index
        %get3A_1677 = tpu.vector_load %arg8[%get3A_1674, %get3A_1675, %get3A_1676] {strides = array<i32>} : memref<4x32x768xf32, #tpu.memory_space<vmem>>, vector<1x1x16xf32>,
        %get3A_1678 = vector.shape_cast %get3A_1677 : vector<1x1x16xf32> to vector<16xf32>
        %add3A_1679 = arith.addf %get3A_1678, %get3A_835 : vector<16xf32>
        %swap3A_1680 = arith.constant 2 : i32
        %swap3A_1681 = arith.index_cast %swap3A_1680 : i32 to index
        %swap3A_1682 = arith.index_cast %scan3A_1295 : i32 to index
        %swap3A_1683 = arith.constant 432 : index
        %swap3A_1684 = tpu.vector_load %arg8[%swap3A_1681, %swap3A_1682, %swap3A_1683] {strides = array<i32>} : memref<4x32x768xf32, #tpu.memory_space<vmem>>, vector<1x1x16xf32>,
        %swap3A_1685 = vector.shape_cast %swap3A_1684 : vector<1x1x16xf32> to vector<16xf32>
        %swap3A_1686 = vector.shape_cast %add3A_1679 : vector<16xf32> to vector<1x1x16xf32>
        tpu.vector_store %arg8[%swap3A_1681, %swap3A_1682, %swap3A_1683], %swap3A_1686 {strides = array<i32>} : memref<4x32x768xf32, #tpu.memory_space<vmem>>, vector<1x1x16xf32>,
        %get3A_1687 = arith.constant 2 : i32
        %get3A_1688 = arith.index_cast %get3A_1687 : i32 to index
        %get3A_1689 = arith.index_cast %scan3A_1295 : i32 to index
        %get3A_1690 = arith.constant 448 : index
        %get3A_1691 = tpu.vector_load %arg8[%get3A_1688, %get3A_1689, %get3A_1690] {strides = array<i32>} : memref<4x32x768xf32, #tpu.memory_space<vmem>>, vector<1x1x16xf32>,
        %get3A_1692 = vector.shape_cast %get3A_1691 : vector<1x1x16xf32> to vector<16xf32>
        %add3A_1693 = arith.addf %get3A_1692, %get3A_839 : vector<16xf32>
        %swap3A_1694 = arith.constant 2 : i32
        %swap3A_1695 = arith.index_cast %swap3A_1694 : i32 to index
        %swap3A_1696 = arith.index_cast %scan3A_1295 : i32 to index
        %swap3A_1697 = arith.constant 448 : index
        %swap3A_1698 = tpu.vector_load %arg8[%swap3A_1695, %swap3A_1696, %swap3A_1697] {strides = array<i32>} : memref<4x32x768xf32, #tpu.memory_space<vmem>>, vector<1x1x16xf32>,
        %swap3A_1699 = vector.shape_cast %swap3A_1698 : vector<1x1x16xf32> to vector<16xf32>
        %swap3A_1700 = vector.shape_cast %add3A_1693 : vector<16xf32> to vector<1x1x16xf32>
        tpu.vector_store %arg8[%swap3A_1695, %swap3A_1696, %swap3A_1697], %swap3A_1700 {strides = array<i32>} : memref<4x32x768xf32, #tpu.memory_space<vmem>>, vector<1x1x16xf32>,
        %get3A_1701 = arith.constant 2 : i32
        %get3A_1702 = arith.index_cast %get3A_1701 : i32 to index
        %get3A_1703 = arith.index_cast %scan3A_1295 : i32 to index
        %get3A_1704 = arith.constant 464 : index
        %get3A_1705 = tpu.vector_load %arg8[%get3A_1702, %get3A_1703, %get3A_1704] {strides = array<i32>} : memref<4x32x768xf32, #tpu.memory_space<vmem>>, vector<1x1x16xf32>,
        %get3A_1706 = vector.shape_cast %get3A_1705 : vector<1x1x16xf32> to vector<16xf32>
        %add3A_1707 = arith.addf %get3A_1706, %get3A_843 : vector<16xf32>
        %swap3A_1708 = arith.constant 2 : i32
        %swap3A_1709 = arith.index_cast %swap3A_1708 : i32 to index
        %swap3A_1710 = arith.index_cast %scan3A_1295 : i32 to index
        %swap3A_1711 = arith.constant 464 : index
        %swap3A_1712 = tpu.vector_load %arg8[%swap3A_1709, %swap3A_1710, %swap3A_1711] {strides = array<i32>} : memref<4x32x768xf32, #tpu.memory_space<vmem>>, vector<1x1x16xf32>,
        %swap3A_1713 = vector.shape_cast %swap3A_1712 : vector<1x1x16xf32> to vector<16xf32>
        %swap3A_1714 = vector.shape_cast %add3A_1707 : vector<16xf32> to vector<1x1x16xf32>
        tpu.vector_store %arg8[%swap3A_1709, %swap3A_1710, %swap3A_1711], %swap3A_1714 {strides = array<i32>} : memref<4x32x768xf32, #tpu.memory_space<vmem>>, vector<1x1x16xf32>,
        %get3A_1715 = arith.constant 2 : i32
        %get3A_1716 = arith.index_cast %get3A_1715 : i32 to index
        %get3A_1717 = arith.index_cast %scan3A_1295 : i32 to index
        %get3A_1718 = arith.constant 480 : index
        %get3A_1719 = tpu.vector_load %arg8[%get3A_1716, %get3A_1717, %get3A_1718] {strides = array<i32>} : memref<4x32x768xf32, #tpu.memory_space<vmem>>, vector<1x1x16xf32>,
        %get3A_1720 = vector.shape_cast %get3A_1719 : vector<1x1x16xf32> to vector<16xf32>
        %add3A_1721 = arith.addf %get3A_1720, %get3A_847 : vector<16xf32>
        %swap3A_1722 = arith.constant 2 : i32
        %swap3A_1723 = arith.index_cast %swap3A_1722 : i32 to index
        %swap3A_1724 = arith.index_cast %scan3A_1295 : i32 to index
        %swap3A_1725 = arith.constant 480 : index
        %swap3A_1726 = tpu.vector_load %arg8[%swap3A_1723, %swap3A_1724, %swap3A_1725] {strides = array<i32>} : memref<4x32x768xf32, #tpu.memory_space<vmem>>, vector<1x1x16xf32>,
        %swap3A_1727 = vector.shape_cast %swap3A_1726 : vector<1x1x16xf32> to vector<16xf32>
        %swap3A_1728 = vector.shape_cast %add3A_1721 : vector<16xf32> to vector<1x1x16xf32>
        tpu.vector_store %arg8[%swap3A_1723, %swap3A_1724, %swap3A_1725], %swap3A_1728 {strides = array<i32>} : memref<4x32x768xf32, #tpu.memory_space<vmem>>, vector<1x1x16xf32>,
        %get3A_1729 = arith.constant 2 : i32
        %get3A_1730 = arith.index_cast %get3A_1729 : i32 to index
        %get3A_1731 = arith.index_cast %scan3A_1295 : i32 to index
        %get3A_1732 = arith.constant 496 : index
        %get3A_1733 = tpu.vector_load %arg8[%get3A_1730, %get3A_1731, %get3A_1732] {strides = array<i32>} : memref<4x32x768xf32, #tpu.memory_space<vmem>>, vector<1x1x16xf32>,
        %get3A_1734 = vector.shape_cast %get3A_1733 : vector<1x1x16xf32> to vector<16xf32>
        %add3A_1735 = arith.addf %get3A_1734, %get3A_851 : vector<16xf32>
        %swap3A_1736 = arith.constant 2 : i32
        %swap3A_1737 = arith.index_cast %swap3A_1736 : i32 to index
        %swap3A_1738 = arith.index_cast %scan3A_1295 : i32 to index
        %swap3A_1739 = arith.constant 496 : index
        %swap3A_1740 = tpu.vector_load %arg8[%swap3A_1737, %swap3A_1738, %swap3A_1739] {strides = array<i32>} : memref<4x32x768xf32, #tpu.memory_space<vmem>>, vector<1x1x16xf32>,
        %swap3A_1741 = vector.shape_cast %swap3A_1740 : vector<1x1x16xf32> to vector<16xf32>
        %swap3A_1742 = vector.shape_cast %add3A_1735 : vector<16xf32> to vector<1x1x16xf32>
        tpu.vector_store %arg8[%swap3A_1737, %swap3A_1738, %swap3A_1739], %swap3A_1742 {strides = array<i32>} : memref<4x32x768xf32, #tpu.memory_space<vmem>>, vector<1x1x16xf32>,
        %get3A_1743 = arith.constant 2 : i32
        %get3A_1744 = arith.index_cast %get3A_1743 : i32 to index
        %get3A_1745 = arith.index_cast %scan3A_1295 : i32 to index
        %get3A_1746 = arith.constant 512 : index
        %get3A_1747 = tpu.vector_load %arg8[%get3A_1744, %get3A_1745, %get3A_1746] {strides = array<i32>} : memref<4x32x768xf32, #tpu.memory_space<vmem>>, vector<1x1x16xf32>,
        %get3A_1748 = vector.shape_cast %get3A_1747 : vector<1x1x16xf32> to vector<16xf32>
        %add3A_1749 = arith.addf %get3A_1748, %get3A_855 : vector<16xf32>
        %swap3A_1750 = arith.constant 2 : i32
        %swap3A_1751 = arith.index_cast %swap3A_1750 : i32 to index
        %swap3A_1752 = arith.index_cast %scan3A_1295 : i32 to index
        %swap3A_1753 = arith.constant 512 : index
        %swap3A_1754 = tpu.vector_load %arg8[%swap3A_1751, %swap3A_1752, %swap3A_1753] {strides = array<i32>} : memref<4x32x768xf32, #tpu.memory_space<vmem>>, vector<1x1x16xf32>,
        %swap3A_1755 = vector.shape_cast %swap3A_1754 : vector<1x1x16xf32> to vector<16xf32>
        %swap3A_1756 = vector.shape_cast %add3A_1749 : vector<16xf32> to vector<1x1x16xf32>
        tpu.vector_store %arg8[%swap3A_1751, %swap3A_1752, %swap3A_1753], %swap3A_1756 {strides = array<i32>} : memref<4x32x768xf32, #tpu.memory_space<vmem>>, vector<1x1x16xf32>,
        %get3A_1757 = arith.constant 2 : i32
        %get3A_1758 = arith.index_cast %get3A_1757 : i32 to index
        %get3A_1759 = arith.index_cast %scan3A_1295 : i32 to index
        %get3A_1760 = arith.constant 528 : index
        %get3A_1761 = tpu.vector_load %arg8[%get3A_1758, %get3A_1759, %get3A_1760] {strides = array<i32>} : memref<4x32x768xf32, #tpu.memory_space<vmem>>, vector<1x1x16xf32>,
        %get3A_1762 = vector.shape_cast %get3A_1761 : vector<1x1x16xf32> to vector<16xf32>
        %add3A_1763 = arith.addf %get3A_1762, %get3A_859 : vector<16xf32>
        %swap3A_1764 = arith.constant 2 : i32
        %swap3A_1765 = arith.index_cast %swap3A_1764 : i32 to index
        %swap3A_1766 = arith.index_cast %scan3A_1295 : i32 to index
        %swap3A_1767 = arith.constant 528 : index
        %swap3A_1768 = tpu.vector_load %arg8[%swap3A_1765, %swap3A_1766, %swap3A_1767] {strides = array<i32>} : memref<4x32x768xf32, #tpu.memory_space<vmem>>, vector<1x1x16xf32>,
        %swap3A_1769 = vector.shape_cast %swap3A_1768 : vector<1x1x16xf32> to vector<16xf32>
        %swap3A_1770 = vector.shape_cast %add3A_1763 : vector<16xf32> to vector<1x1x16xf32>
        tpu.vector_store %arg8[%swap3A_1765, %swap3A_1766, %swap3A_1767], %swap3A_1770 {strides = array<i32>} : memref<4x32x768xf32, #tpu.memory_space<vmem>>, vector<1x1x16xf32>,
        %get3A_1771 = arith.constant 2 : i32
        %get3A_1772 = arith.index_cast %get3A_1771 : i32 to index
        %get3A_1773 = arith.index_cast %scan3A_1295 : i32 to index
        %get3A_1774 = arith.constant 544 : index
        %get3A_1775 = tpu.vector_load %arg8[%get3A_1772, %get3A_1773, %get3A_1774] {strides = array<i32>} : memref<4x32x768xf32, #tpu.memory_space<vmem>>, vector<1x1x16xf32>,
        %get3A_1776 = vector.shape_cast %get3A_1775 : vector<1x1x16xf32> to vector<16xf32>
        %add3A_1777 = arith.addf %get3A_1776, %get3A_863 : vector<16xf32>
        %swap3A_1778 = arith.constant 2 : i32
        %swap3A_1779 = arith.index_cast %swap3A_1778 : i32 to index
        %swap3A_1780 = arith.index_cast %scan3A_1295 : i32 to index
        %swap3A_1781 = arith.constant 544 : index
        %swap3A_1782 = tpu.vector_load %arg8[%swap3A_1779, %swap3A_1780, %swap3A_1781] {strides = array<i32>} : memref<4x32x768xf32, #tpu.memory_space<vmem>>, vector<1x1x16xf32>,
        %swap3A_1783 = vector.shape_cast %swap3A_1782 : vector<1x1x16xf32> to vector<16xf32>
        %swap3A_1784 = vector.shape_cast %add3A_1777 : vector<16xf32> to vector<1x1x16xf32>
        tpu.vector_store %arg8[%swap3A_1779, %swap3A_1780, %swap3A_1781], %swap3A_1784 {strides = array<i32>} : memref<4x32x768xf32, #tpu.memory_space<vmem>>, vector<1x1x16xf32>,
        %get3A_1785 = arith.constant 2 : i32
        %get3A_1786 = arith.index_cast %get3A_1785 : i32 to index
        %get3A_1787 = arith.index_cast %scan3A_1295 : i32 to index
        %get3A_1788 = arith.constant 560 : index
        %get3A_1789 = tpu.vector_load %arg8[%get3A_1786, %get3A_1787, %get3A_1788] {strides = array<i32>} : memref<4x32x768xf32, #tpu.memory_space<vmem>>, vector<1x1x16xf32>,
        %get3A_1790 = vector.shape_cast %get3A_1789 : vector<1x1x16xf32> to vector<16xf32>
        %add3A_1791 = arith.addf %get3A_1790, %get3A_867 : vector<16xf32>
        %swap3A_1792 = arith.constant 2 : i32
        %swap3A_1793 = arith.index_cast %swap3A_1792 : i32 to index
        %swap3A_1794 = arith.index_cast %scan3A_1295 : i32 to index
        %swap3A_1795 = arith.constant 560 : index
        %swap3A_1796 = tpu.vector_load %arg8[%swap3A_1793, %swap3A_1794, %swap3A_1795] {strides = array<i32>} : memref<4x32x768xf32, #tpu.memory_space<vmem>>, vector<1x1x16xf32>,
        %swap3A_1797 = vector.shape_cast %swap3A_1796 : vector<1x1x16xf32> to vector<16xf32>
        %swap3A_1798 = vector.shape_cast %add3A_1791 : vector<16xf32> to vector<1x1x16xf32>
        tpu.vector_store %arg8[%swap3A_1793, %swap3A_1794, %swap3A_1795], %swap3A_1798 {strides = array<i32>} : memref<4x32x768xf32, #tpu.memory_space<vmem>>, vector<1x1x16xf32>,
        %get3A_1799 = arith.constant 2 : i32
        %get3A_1800 = arith.index_cast %get3A_1799 : i32 to index
        %get3A_1801 = arith.index_cast %scan3A_1295 : i32 to index
        %get3A_1802 = arith.constant 576 : index
        %get3A_1803 = tpu.vector_load %arg8[%get3A_1800, %get3A_1801, %get3A_1802] {strides = array<i32>} : memref<4x32x768xf32, #tpu.memory_space<vmem>>, vector<1x1x16xf32>,
        %get3A_1804 = vector.shape_cast %get3A_1803 : vector<1x1x16xf32> to vector<16xf32>
        %add3A_1805 = arith.addf %get3A_1804, %get3A_871 : vector<16xf32>
        %swap3A_1806 = arith.constant 2 : i32
        %swap3A_1807 = arith.index_cast %swap3A_1806 : i32 to index
        %swap3A_1808 = arith.index_cast %scan3A_1295 : i32 to index
        %swap3A_1809 = arith.constant 576 : index
        %swap3A_1810 = tpu.vector_load %arg8[%swap3A_1807, %swap3A_1808, %swap3A_1809] {strides = array<i32>} : memref<4x32x768xf32, #tpu.memory_space<vmem>>, vector<1x1x16xf32>,
        %swap3A_1811 = vector.shape_cast %swap3A_1810 : vector<1x1x16xf32> to vector<16xf32>
        %swap3A_1812 = vector.shape_cast %add3A_1805 : vector<16xf32> to vector<1x1x16xf32>
        tpu.vector_store %arg8[%swap3A_1807, %swap3A_1808, %swap3A_1809], %swap3A_1812 {strides = array<i32>} : memref<4x32x768xf32, #tpu.memory_space<vmem>>, vector<1x1x16xf32>,
        %get3A_1813 = arith.constant 2 : i32
        %get3A_1814 = arith.index_cast %get3A_1813 : i32 to index
        %get3A_1815 = arith.index_cast %scan3A_1295 : i32 to index
        %get3A_1816 = arith.constant 592 : index
        %get3A_1817 = tpu.vector_load %arg8[%get3A_1814, %get3A_1815, %get3A_1816] {strides = array<i32>} : memref<4x32x768xf32, #tpu.memory_space<vmem>>, vector<1x1x16xf32>,
        %get3A_1818 = vector.shape_cast %get3A_1817 : vector<1x1x16xf32> to vector<16xf32>
        %add3A_1819 = arith.addf %get3A_1818, %get3A_875 : vector<16xf32>
        %swap3A_1820 = arith.constant 2 : i32
        %swap3A_1821 = arith.index_cast %swap3A_1820 : i32 to index
        %swap3A_1822 = arith.index_cast %scan3A_1295 : i32 to index
        %swap3A_1823 = arith.constant 592 : index
        %swap3A_1824 = tpu.vector_load %arg8[%swap3A_1821, %swap3A_1822, %swap3A_1823] {strides = array<i32>} : memref<4x32x768xf32, #tpu.memory_space<vmem>>, vector<1x1x16xf32>,
        %swap3A_1825 = vector.shape_cast %swap3A_1824 : vector<1x1x16xf32> to vector<16xf32>
        %swap3A_1826 = vector.shape_cast %add3A_1819 : vector<16xf32> to vector<1x1x16xf32>
        tpu.vector_store %arg8[%swap3A_1821, %swap3A_1822, %swap3A_1823], %swap3A_1826 {strides = array<i32>} : memref<4x32x768xf32, #tpu.memory_space<vmem>>, vector<1x1x16xf32>,
        %get3A_1827 = arith.constant 2 : i32
        %get3A_1828 = arith.index_cast %get3A_1827 : i32 to index
        %get3A_1829 = arith.index_cast %scan3A_1295 : i32 to index
        %get3A_1830 = arith.constant 608 : index
        %get3A_1831 = tpu.vector_load %arg8[%get3A_1828, %get3A_1829, %get3A_1830] {strides = array<i32>} : memref<4x32x768xf32, #tpu.memory_space<vmem>>, vector<1x1x16xf32>,
        %get3A_1832 = vector.shape_cast %get3A_1831 : vector<1x1x16xf32> to vector<16xf32>
        %add3A_1833 = arith.addf %get3A_1832, %get3A_879 : vector<16xf32>
        %swap3A_1834 = arith.constant 2 : i32
        %swap3A_1835 = arith.index_cast %swap3A_1834 : i32 to index
        %swap3A_1836 = arith.index_cast %scan3A_1295 : i32 to index
        %swap3A_1837 = arith.constant 608 : index
        %swap3A_1838 = tpu.vector_load %arg8[%swap3A_1835, %swap3A_1836, %swap3A_1837] {strides = array<i32>} : memref<4x32x768xf32, #tpu.memory_space<vmem>>, vector<1x1x16xf32>,
        %swap3A_1839 = vector.shape_cast %swap3A_1838 : vector<1x1x16xf32> to vector<16xf32>
        %swap3A_1840 = vector.shape_cast %add3A_1833 : vector<16xf32> to vector<1x1x16xf32>
        tpu.vector_store %arg8[%swap3A_1835, %swap3A_1836, %swap3A_1837], %swap3A_1840 {strides = array<i32>} : memref<4x32x768xf32, #tpu.memory_space<vmem>>, vector<1x1x16xf32>,
        %get3A_1841 = arith.constant 2 : i32
        %get3A_1842 = arith.index_cast %get3A_1841 : i32 to index
        %get3A_1843 = arith.index_cast %scan3A_1295 : i32 to index
        %get3A_1844 = arith.constant 624 : index
        %get3A_1845 = tpu.vector_load %arg8[%get3A_1842, %get3A_1843, %get3A_1844] {strides = array<i32>} : memref<4x32x768xf32, #tpu.memory_space<vmem>>, vector<1x1x16xf32>,
        %get3A_1846 = vector.shape_cast %get3A_1845 : vector<1x1x16xf32> to vector<16xf32>
        %add3A_1847 = arith.addf %get3A_1846, %get3A_883 : vector<16xf32>
        %swap3A_1848 = arith.constant 2 : i32
        %swap3A_1849 = arith.index_cast %swap3A_1848 : i32 to index
        %swap3A_1850 = arith.index_cast %scan3A_1295 : i32 to index
        %swap3A_1851 = arith.constant 624 : index
        %swap3A_1852 = tpu.vector_load %arg8[%swap3A_1849, %swap3A_1850, %swap3A_1851] {strides = array<i32>} : memref<4x32x768xf32, #tpu.memory_space<vmem>>, vector<1x1x16xf32>,
        %swap3A_1853 = vector.shape_cast %swap3A_1852 : vector<1x1x16xf32> to vector<16xf32>
        %swap3A_1854 = vector.shape_cast %add3A_1847 : vector<16xf32> to vector<1x1x16xf32>
        tpu.vector_store %arg8[%swap3A_1849, %swap3A_1850, %swap3A_1851], %swap3A_1854 {strides = array<i32>} : memref<4x32x768xf32, #tpu.memory_space<vmem>>, vector<1x1x16xf32>,
        %get3A_1855 = arith.constant 2 : i32
        %get3A_1856 = arith.index_cast %get3A_1855 : i32 to index
        %get3A_1857 = arith.index_cast %scan3A_1295 : i32 to index
        %get3A_1858 = arith.constant 640 : index
        %get3A_1859 = tpu.vector_load %arg8[%get3A_1856, %get3A_1857, %get3A_1858] {strides = array<i32>} : memref<4x32x768xf32, #tpu.memory_space<vmem>>, vector<1x1x16xf32>,
        %get3A_1860 = vector.shape_cast %get3A_1859 : vector<1x1x16xf32> to vector<16xf32>
        %add3A_1861 = arith.addf %get3A_1860, %get3A_887 : vector<16xf32>
        %swap3A_1862 = arith.constant 2 : i32
        %swap3A_1863 = arith.index_cast %swap3A_1862 : i32 to index
        %swap3A_1864 = arith.index_cast %scan3A_1295 : i32 to index
        %swap3A_1865 = arith.constant 640 : index
        %swap3A_1866 = tpu.vector_load %arg8[%swap3A_1863, %swap3A_1864, %swap3A_1865] {strides = array<i32>} : memref<4x32x768xf32, #tpu.memory_space<vmem>>, vector<1x1x16xf32>,
        %swap3A_1867 = vector.shape_cast %swap3A_1866 : vector<1x1x16xf32> to vector<16xf32>
        %swap3A_1868 = vector.shape_cast %add3A_1861 : vector<16xf32> to vector<1x1x16xf32>
        tpu.vector_store %arg8[%swap3A_1863, %swap3A_1864, %swap3A_1865], %swap3A_1868 {strides = array<i32>} : memref<4x32x768xf32, #tpu.memory_space<vmem>>, vector<1x1x16xf32>,
        %get3A_1869 = arith.constant 2 : i32
        %get3A_1870 = arith.index_cast %get3A_1869 : i32 to index
        %get3A_1871 = arith.index_cast %scan3A_1295 : i32 to index
        %get3A_1872 = arith.constant 656 : index
        %get3A_1873 = tpu.vector_load %arg8[%get3A_1870, %get3A_1871, %get3A_1872] {strides = array<i32>} : memref<4x32x768xf32, #tpu.memory_space<vmem>>, vector<1x1x16xf32>,
        %get3A_1874 = vector.shape_cast %get3A_1873 : vector<1x1x16xf32> to vector<16xf32>
        %add3A_1875 = arith.addf %get3A_1874, %get3A_891 : vector<16xf32>
        %swap3A_1876 = arith.constant 2 : i32
        %swap3A_1877 = arith.index_cast %swap3A_1876 : i32 to index
        %swap3A_1878 = arith.index_cast %scan3A_1295 : i32 to index
        %swap3A_1879 = arith.constant 656 : index
        %swap3A_1880 = tpu.vector_load %arg8[%swap3A_1877, %swap3A_1878, %swap3A_1879] {strides = array<i32>} : memref<4x32x768xf32, #tpu.memory_space<vmem>>, vector<1x1x16xf32>,
        %swap3A_1881 = vector.shape_cast %swap3A_1880 : vector<1x1x16xf32> to vector<16xf32>
        %swap3A_1882 = vector.shape_cast %add3A_1875 : vector<16xf32> to vector<1x1x16xf32>
        tpu.vector_store %arg8[%swap3A_1877, %swap3A_1878, %swap3A_1879], %swap3A_1882 {strides = array<i32>} : memref<4x32x768xf32, #tpu.memory_space<vmem>>, vector<1x1x16xf32>,
        %get3A_1883 = arith.constant 2 : i32
        %get3A_1884 = arith.index_cast %get3A_1883 : i32 to index
        %get3A_1885 = arith.index_cast %scan3A_1295 : i32 to index
        %get3A_1886 = arith.constant 672 : index
        %get3A_1887 = tpu.vector_load %arg8[%get3A_1884, %get3A_1885, %get3A_1886] {strides = array<i32>} : memref<4x32x768xf32, #tpu.memory_space<vmem>>, vector<1x1x16xf32>,
        %get3A_1888 = vector.shape_cast %get3A_1887 : vector<1x1x16xf32> to vector<16xf32>
        %add3A_1889 = arith.addf %get3A_1888, %get3A_895 : vector<16xf32>
        %swap3A_1890 = arith.constant 2 : i32
        %swap3A_1891 = arith.index_cast %swap3A_1890 : i32 to index
        %swap3A_1892 = arith.index_cast %scan3A_1295 : i32 to index
        %swap3A_1893 = arith.constant 672 : index
        %swap3A_1894 = tpu.vector_load %arg8[%swap3A_1891, %swap3A_1892, %swap3A_1893] {strides = array<i32>} : memref<4x32x768xf32, #tpu.memory_space<vmem>>, vector<1x1x16xf32>,
        %swap3A_1895 = vector.shape_cast %swap3A_1894 : vector<1x1x16xf32> to vector<16xf32>
        %swap3A_1896 = vector.shape_cast %add3A_1889 : vector<16xf32> to vector<1x1x16xf32>
        tpu.vector_store %arg8[%swap3A_1891, %swap3A_1892, %swap3A_1893], %swap3A_1896 {strides = array<i32>} : memref<4x32x768xf32, #tpu.memory_space<vmem>>, vector<1x1x16xf32>,
        %get3A_1897 = arith.constant 2 : i32
        %get3A_1898 = arith.index_cast %get3A_1897 : i32 to index
        %get3A_1899 = arith.index_cast %scan3A_1295 : i32 to index
        %get3A_1900 = arith.constant 688 : index
        %get3A_1901 = tpu.vector_load %arg8[%get3A_1898, %get3A_1899, %get3A_1900] {strides = array<i32>} : memref<4x32x768xf32, #tpu.memory_space<vmem>>, vector<1x1x16xf32>,
        %get3A_1902 = vector.shape_cast %get3A_1901 : vector<1x1x16xf32> to vector<16xf32>
        %add3A_1903 = arith.addf %get3A_1902, %get3A_899 : vector<16xf32>
        %swap3A_1904 = arith.constant 2 : i32
        %swap3A_1905 = arith.index_cast %swap3A_1904 : i32 to index
        %swap3A_1906 = arith.index_cast %scan3A_1295 : i32 to index
        %swap3A_1907 = arith.constant 688 : index
        %swap3A_1908 = tpu.vector_load %arg8[%swap3A_1905, %swap3A_1906, %swap3A_1907] {strides = array<i32>} : memref<4x32x768xf32, #tpu.memory_space<vmem>>, vector<1x1x16xf32>,
        %swap3A_1909 = vector.shape_cast %swap3A_1908 : vector<1x1x16xf32> to vector<16xf32>
        %swap3A_1910 = vector.shape_cast %add3A_1903 : vector<16xf32> to vector<1x1x16xf32>
        tpu.vector_store %arg8[%swap3A_1905, %swap3A_1906, %swap3A_1907], %swap3A_1910 {strides = array<i32>} : memref<4x32x768xf32, #tpu.memory_space<vmem>>, vector<1x1x16xf32>,
        %get3A_1911 = arith.constant 2 : i32
        %get3A_1912 = arith.index_cast %get3A_1911 : i32 to index
        %get3A_1913 = arith.index_cast %scan3A_1295 : i32 to index
        %get3A_1914 = arith.constant 704 : index
        %get3A_1915 = tpu.vector_load %arg8[%get3A_1912, %get3A_1913, %get3A_1914] {strides = array<i32>} : memref<4x32x768xf32, #tpu.memory_space<vmem>>, vector<1x1x16xf32>,
        %get3A_1916 = vector.shape_cast %get3A_1915 : vector<1x1x16xf32> to vector<16xf32>
        %add3A_1917 = arith.addf %get3A_1916, %get3A_903 : vector<16xf32>
        %swap3A_1918 = arith.constant 2 : i32
        %swap3A_1919 = arith.index_cast %swap3A_1918 : i32 to index
        %swap3A_1920 = arith.index_cast %scan3A_1295 : i32 to index
        %swap3A_1921 = arith.constant 704 : index
        %swap3A_1922 = tpu.vector_load %arg8[%swap3A_1919, %swap3A_1920, %swap3A_1921] {strides = array<i32>} : memref<4x32x768xf32, #tpu.memory_space<vmem>>, vector<1x1x16xf32>,
        %swap3A_1923 = vector.shape_cast %swap3A_1922 : vector<1x1x16xf32> to vector<16xf32>
        %swap3A_1924 = vector.shape_cast %add3A_1917 : vector<16xf32> to vector<1x1x16xf32>
        tpu.vector_store %arg8[%swap3A_1919, %swap3A_1920, %swap3A_1921], %swap3A_1924 {strides = array<i32>} : memref<4x32x768xf32, #tpu.memory_space<vmem>>, vector<1x1x16xf32>,
        %get3A_1925 = arith.constant 2 : i32
        %get3A_1926 = arith.index_cast %get3A_1925 : i32 to index
        %get3A_1927 = arith.index_cast %scan3A_1295 : i32 to index
        %get3A_1928 = arith.constant 720 : index
        %get3A_1929 = tpu.vector_load %arg8[%get3A_1926, %get3A_1927, %get3A_1928] {strides = array<i32>} : memref<4x32x768xf32, #tpu.memory_space<vmem>>, vector<1x1x16xf32>,
        %get3A_1930 = vector.shape_cast %get3A_1929 : vector<1x1x16xf32> to vector<16xf32>
        %add3A_1931 = arith.addf %get3A_1930, %get3A_907 : vector<16xf32>
        %swap3A_1932 = arith.constant 2 : i32
        %swap3A_1933 = arith.index_cast %swap3A_1932 : i32 to index
        %swap3A_1934 = arith.index_cast %scan3A_1295 : i32 to index
        %swap3A_1935 = arith.constant 720 : index
        %swap3A_1936 = tpu.vector_load %arg8[%swap3A_1933, %swap3A_1934, %swap3A_1935] {strides = array<i32>} : memref<4x32x768xf32, #tpu.memory_space<vmem>>, vector<1x1x16xf32>,
        %swap3A_1937 = vector.shape_cast %swap3A_1936 : vector<1x1x16xf32> to vector<16xf32>
        %swap3A_1938 = vector.shape_cast %add3A_1931 : vector<16xf32> to vector<1x1x16xf32>
        tpu.vector_store %arg8[%swap3A_1933, %swap3A_1934, %swap3A_1935], %swap3A_1938 {strides = array<i32>} : memref<4x32x768xf32, #tpu.memory_space<vmem>>, vector<1x1x16xf32>,
        %get3A_1939 = arith.constant 2 : i32
        %get3A_1940 = arith.index_cast %get3A_1939 : i32 to index
        %get3A_1941 = arith.index_cast %scan3A_1295 : i32 to index
        %get3A_1942 = arith.constant 736 : index
        %get3A_1943 = tpu.vector_load %arg8[%get3A_1940, %get3A_1941, %get3A_1942] {strides = array<i32>} : memref<4x32x768xf32, #tpu.memory_space<vmem>>, vector<1x1x16xf32>,
        %get3A_1944 = vector.shape_cast %get3A_1943 : vector<1x1x16xf32> to vector<16xf32>
        %add3A_1945 = arith.addf %get3A_1944, %get3A_911 : vector<16xf32>
        %swap3A_1946 = arith.constant 2 : i32
        %swap3A_1947 = arith.index_cast %swap3A_1946 : i32 to index
        %swap3A_1948 = arith.index_cast %scan3A_1295 : i32 to index
        %swap3A_1949 = arith.constant 736 : index
        %swap3A_1950 = tpu.vector_load %arg8[%swap3A_1947, %swap3A_1948, %swap3A_1949] {strides = array<i32>} : memref<4x32x768xf32, #tpu.memory_space<vmem>>, vector<1x1x16xf32>,
        %swap3A_1951 = vector.shape_cast %swap3A_1950 : vector<1x1x16xf32> to vector<16xf32>
        %swap3A_1952 = vector.shape_cast %add3A_1945 : vector<16xf32> to vector<1x1x16xf32>
        tpu.vector_store %arg8[%swap3A_1947, %swap3A_1948, %swap3A_1949], %swap3A_1952 {strides = array<i32>} : memref<4x32x768xf32, #tpu.memory_space<vmem>>, vector<1x1x16xf32>,
        %get3A_1953 = arith.constant 2 : i32
        %get3A_1954 = arith.index_cast %get3A_1953 : i32 to index
        %get3A_1955 = arith.index_cast %scan3A_1295 : i32 to index
        %get3A_1956 = arith.constant 752 : index
        %get3A_1957 = tpu.vector_load %arg8[%get3A_1954, %get3A_1955, %get3A_1956] {strides = array<i32>} : memref<4x32x768xf32, #tpu.memory_space<vmem>>, vector<1x1x16xf32>,
        %get3A_1958 = vector.shape_cast %get3A_1957 : vector<1x1x16xf32> to vector<16xf32>
        %add3A_1959 = arith.addf %get3A_1958, %get3A_915 : vector<16xf32>
        %swap3A_1960 = arith.constant 2 : i32
        %swap3A_1961 = arith.index_cast %swap3A_1960 : i32 to index
        %swap3A_1962 = arith.index_cast %scan3A_1295 : i32 to index
        %swap3A_1963 = arith.constant 752 : index
        %swap3A_1964 = tpu.vector_load %arg8[%swap3A_1961, %swap3A_1962, %swap3A_1963] {strides = array<i32>} : memref<4x32x768xf32, #tpu.memory_space<vmem>>, vector<1x1x16xf32>,
        %swap3A_1965 = vector.shape_cast %swap3A_1964 : vector<1x1x16xf32> to vector<16xf32>
        %swap3A_1966 = vector.shape_cast %add3A_1959 : vector<16xf32> to vector<1x1x16xf32>
        tpu.vector_store %arg8[%swap3A_1961, %swap3A_1962, %swap3A_1963], %swap3A_1966 {strides = array<i32>} : memref<4x32x768xf32, #tpu.memory_space<vmem>>, vector<1x1x16xf32>,
      }
      %scan3A_921 = arith.constant 32 : i32
      %mul3A_922 = arith.constant 4 : i32
      %mul3A_923 = arith.muli %add3A, %mul3A_922 : i32
      %add3A_924 = arith.addi %mul3A_923, %select_n3A_723 : i32
      %jit3A_925 = arith.constant 32 : i32
      %eq3A_926 = arith.constant 0 : i32
      %eq3A_927 = arith.cmpi eq, %jit3A_925, %eq3A_926 : i32
      %jit3A_928 = arith.constant 1 : i32
      %select_n3A_929 = arith.select %eq3A_927, %jit3A_928, %jit3A_925 : i32
      %rem3A_930 = arith.remsi %add3A_672, %select_n3A_929 : i32
      %ne3A_931 = arith.constant 0 : i32
      %ne3A_932 = arith.cmpi ne, %rem3A_930, %ne3A_931 : i32
      %lt3A_933 = arith.constant 0 : i32
      %lt3A_934 = arith.cmpi slt, %rem3A_930, %lt3A_933 : i32
      %lt3A_935 = arith.constant 0 : i32
      %lt3A_936 = arith.cmpi slt, %select_n3A_929, %lt3A_935 : i32
      %ne3A_937 = arith.xori %lt3A_934, %lt3A_936 : i1
      %and3A_938 = arith.andi %ne3A_937, %ne3A_932 : i1
      %add3A_939 = arith.addi %rem3A_930, %select_n3A_929 : i32
      %select_n3A_940 = arith.select %and3A_938, %add3A_939, %rem3A_930 : i32
      %mul3A_941 = arith.constant 32 : i32
      %mul3A_942 = arith.muli %select_n3A_940, %mul3A_941 : i32
      %add3A_943 = arith.constant 0 : i32
      %add3A_944 = arith.addi %mul3A_942, %add3A_943 : i32
      %add3A_945 = vector.broadcast %add3A_944 : i32 to vector<16xi32>
      %add3A_946 = arith.addi %iota3A, %add3A_945 : vector<16xi32>
      %mul3A_947 = arith.constant 128 : i32
      %mul3A_948 = vector.broadcast %mul3A_947 : i32 to vector<16xi32>
      %mul3A_949 = arith.muli %add3A_946, %mul3A_948 : vector<16xi32>
      %add3A_950 = vector.broadcast %add3A_924 : i32 to vector<16xi32>
      %add3A_951 = arith.addi %mul3A_949, %add3A_950 : vector<16xi32>
      %dma_start3A_952 = arith.constant 2 : i32
      %dma_start3A_953 = arith.constant 0 : i32
      %dma_start3A_954 = arith.constant 0 : i32
      %dma_start3A_955 = tpu.memref_slice %arg8[%dma_start3A_952, %dma_start3A_953, %dma_start3A_954] : memref<4x32x768xf32, #tpu.memory_space<vmem>> -> memref<1x32x768xf32, #tpu.memory_space<vmem>>
      %dma_start3A_956 = tpu.memref_squeeze %dma_start3A_955 : memref<1x32x768xf32, #tpu.memory_space<vmem>> -> memref<32x768xf32, #tpu.memory_space<vmem>>
      %dma_start3A_957 = arith.constant 0 : i32
      %dma_start3A_958 = arith.constant 0 : i32
      %dma_start3A_959 = tpu.memref_slice %dma_start3A_956[%dma_start3A_957, %dma_start3A_958] : memref<32x768xf32, #tpu.memory_space<vmem>> -> memref<16x768xf32, #tpu.memory_space<vmem>>
      %dma_start3A_960 = arith.constant 0 : i32
      %dma_start3A_961 = arith.constant 0 : i32
      %dma_start3A_962 = tpu.memref_slice %arg5[%dma_start3A_960, %dma_start3A_961] : memref<131072x768xf32, #tpu.memory_space<hbm>> -> memref<131072x768xf32, #tpu.memory_space<hbm>>
      tpu.enqueue_indirect_dma source(%dma_start3A_959 : memref<16x768xf32, #tpu.memory_space<vmem>>) target(%dma_start3A_962 : memref<131072x768xf32, #tpu.memory_space<hbm>>) offsets(%add3A_951 : vector<16xi32>) semaphore(%arg10 : memref<!tpu.dma_semaphore, #tpu.memory_space<semaphore_mem>>)
      %add3A_963 = arith.constant 16 : i32
      %add3A_964 = arith.addi %mul3A_942, %add3A_963 : i32
      %add3A_965 = vector.broadcast %add3A_964 : i32 to vector<16xi32>
      %add3A_966 = arith.addi %iota3A, %add3A_965 : vector<16xi32>
      %mul3A_967 = arith.constant 128 : i32
      %mul3A_968 = vector.broadcast %mul3A_967 : i32 to vector<16xi32>
      %mul3A_969 = arith.muli %add3A_966, %mul3A_968 : vector<16xi32>
      %add3A_970 = vector.broadcast %add3A_924 : i32 to vector<16xi32>
      %add3A_971 = arith.addi %mul3A_969, %add3A_970 : vector<16xi32>
      %dma_start3A_972 = arith.constant 2 : i32
      %dma_start3A_973 = arith.constant 0 : i32
      %dma_start3A_974 = arith.constant 0 : i32
      %dma_start3A_975 = tpu.memref_slice %arg8[%dma_start3A_972, %dma_start3A_973, %dma_start3A_974] : memref<4x32x768xf32, #tpu.memory_space<vmem>> -> memref<1x32x768xf32, #tpu.memory_space<vmem>>
      %dma_start3A_976 = tpu.memref_squeeze %dma_start3A_975 : memref<1x32x768xf32, #tpu.memory_space<vmem>> -> memref<32x768xf32, #tpu.memory_space<vmem>>
      %dma_start3A_977 = arith.constant 16 : i32
      %dma_start3A_978 = arith.constant 0 : i32
      %dma_start3A_979 = tpu.memref_slice %dma_start3A_976[%dma_start3A_977, %dma_start3A_978] : memref<32x768xf32, #tpu.memory_space<vmem>> -> memref<16x768xf32, #tpu.memory_space<vmem>>
      %dma_start3A_980 = arith.constant 0 : i32
      %dma_start3A_981 = arith.constant 0 : i32
      %dma_start3A_982 = tpu.memref_slice %arg5[%dma_start3A_980, %dma_start3A_981] : memref<131072x768xf32, #tpu.memory_space<hbm>> -> memref<131072x768xf32, #tpu.memory_space<hbm>>
      tpu.enqueue_indirect_dma source(%dma_start3A_979 : memref<16x768xf32, #tpu.memory_space<vmem>>) target(%dma_start3A_982 : memref<131072x768xf32, #tpu.memory_space<hbm>>) offsets(%add3A_971 : vector<16xi32>) semaphore(%arg10 : memref<!tpu.dma_semaphore, #tpu.memory_space<semaphore_mem>>)
      %add3A_983 = arith.constant 3 : i32
      %add3A_984 = arith.addi %mul3A_60, %add3A_983 : i32
      %dma_wait3A_985 = arith.constant 3 : i32
      %dma_wait3A_986 = arith.constant 0 : i32
      %dma_wait3A_987 = arith.constant 0 : i32
      %dma_wait3A_988 = tpu.memref_slice %arg8[%dma_wait3A_985, %dma_wait3A_986, %dma_wait3A_987] : memref<4x32x768xf32, #tpu.memory_space<vmem>> -> memref<1x32x768xf32, #tpu.memory_space<vmem>>
      %dma_wait3A_989 = tpu.memref_squeeze %dma_wait3A_988 : memref<1x32x768xf32, #tpu.memory_space<vmem>> -> memref<32x768xf32, #tpu.memory_space<vmem>>
      %dma_wait3A_990 = arith.constant 0 : i32
      %dma_wait3A_991 = arith.constant 0 : i32
      %dma_wait3A_992 = tpu.memref_slice %arg2[%dma_wait3A_990, %dma_wait3A_991] : memref<30522x768xf32, #tpu.memory_space<hbm>> -> memref<32x768xf32, #tpu.memory_space<hbm>>
      %dma_wait3A_993 = arith.constant 0 : i32
      %dma_wait3A_994 = arith.constant 0 : i32
      %dma_wait3A_995 = tpu.memref_slice %arg8[%dma_wait3A_985, %dma_wait3A_993, %dma_wait3A_994] : memref<4x32x768xf32, #tpu.memory_space<vmem>> -> memref<1x32x768xf32, #tpu.memory_space<vmem>>
      %dma_wait3A_996 = tpu.memref_squeeze %dma_wait3A_995 : memref<1x32x768xf32, #tpu.memory_space<vmem>> -> memref<32x768xf32, #tpu.memory_space<vmem>>
      %dma_wait3A_997 = arith.constant 0 : i32
      %dma_wait3A_998 = arith.constant 0 : i32
      %dma_wait3A_999 = tpu.memref_slice %arg2[%dma_wait3A_997, %dma_wait3A_998] : memref<30522x768xf32, #tpu.memory_space<hbm>> -> memref<32x768xf32, #tpu.memory_space<hbm>>
      tpu.wait_dma2 semaphore(%arg9 : memref<!tpu.dma_semaphore, #tpu.memory_space<semaphore_mem>>) src(%dma_wait3A_999 : memref<32x768xf32, #tpu.memory_space<hbm>>) dst(%dma_wait3A_996 : memref<32x768xf32, #tpu.memory_space<vmem>>)
      %ge3A_1000 = arith.constant 2 : i32
      %ge3A_1001 = arith.cmpi sge, %add3A_984, %ge3A_1000 : i32
      %convert_element_type3A_1002 = arith.extui %ge3A_1001 : i1 to i32
      %cond3A_1003 = arith.constant 0 : i32
      %cond3A_1004 = arith.cmpi ne, %convert_element_type3A_1002, %cond3A_1003 : i32
      scf.if %cond3A_1004 {
        %dma_wait3A_1295 = arith.constant 1 : i32
        %dma_wait3A_1296 = arith.constant 0 : i32
        %dma_wait3A_1297 = arith.constant 0 : i32
        %dma_wait3A_1298 = tpu.memref_slice %arg8[%dma_wait3A_1295, %dma_wait3A_1296, %dma_wait3A_1297] : memref<4x32x768xf32, #tpu.memory_space<vmem>> -> memref<1x32x768xf32, #tpu.memory_space<vmem>>
        %dma_wait3A_1299 = tpu.memref_squeeze %dma_wait3A_1298 : memref<1x32x768xf32, #tpu.memory_space<vmem>> -> memref<32x768xf32, #tpu.memory_space<vmem>>
        %dma_wait3A_1300 = arith.constant 0 : i32
        %dma_wait3A_1301 = arith.constant 0 : i32
        %dma_wait3A_1302 = tpu.memref_slice %arg2[%dma_wait3A_1300, %dma_wait3A_1301] : memref<30522x768xf32, #tpu.memory_space<hbm>> -> memref<32x768xf32, #tpu.memory_space<hbm>>
        %dma_wait3A_1303 = arith.constant 0 : i32
        %dma_wait3A_1304 = arith.constant 0 : i32
        %dma_wait3A_1305 = tpu.memref_slice %arg8[%dma_wait3A_1295, %dma_wait3A_1303, %dma_wait3A_1304] : memref<4x32x768xf32, #tpu.memory_space<vmem>> -> memref<1x32x768xf32, #tpu.memory_space<vmem>>
        %dma_wait3A_1306 = tpu.memref_squeeze %dma_wait3A_1305 : memref<1x32x768xf32, #tpu.memory_space<vmem>> -> memref<32x768xf32, #tpu.memory_space<vmem>>
        %dma_wait3A_1307 = arith.constant 0 : i32
        %dma_wait3A_1308 = arith.constant 0 : i32
        %dma_wait3A_1309 = tpu.memref_slice %arg2[%dma_wait3A_1307, %dma_wait3A_1308] : memref<30522x768xf32, #tpu.memory_space<hbm>> -> memref<32x768xf32, #tpu.memory_space<hbm>>
        tpu.wait_dma2 semaphore(%arg10 : memref<!tpu.dma_semaphore, #tpu.memory_space<semaphore_mem>>) src(%dma_wait3A_1309 : memref<32x768xf32, #tpu.memory_space<hbm>>) dst(%dma_wait3A_1306 : memref<32x768xf32, #tpu.memory_space<vmem>>)
      } else {
      }
      %add3A_1005 = arith.constant 2 : i32
      %add3A_1006 = arith.addi %add3A_984, %add3A_1005 : i32
      %lt3A_1007 = arith.constant 128 : i32
      %lt3A_1008 = arith.cmpi slt, %add3A_1006, %lt3A_1007 : i32
      %convert_element_type3A_1009 = arith.extui %lt3A_1008 : i1 to i32
      %cond3A_1010 = arith.constant 0 : i32
      %cond3A_1011 = arith.cmpi ne, %convert_element_type3A_1009, %cond3A_1010 : i32
      scf.if %cond3A_1011 {
        %add3A_1295 = arith.constant 2 : i32
        %add3A_1296 = arith.addi %add3A_984, %add3A_1295 : i32
        %mul3A_1297 = arith.constant 32 : i32
        %mul3A_1298 = arith.muli %add3A_1296, %mul3A_1297 : i32
        %dma_start3A_1299 = arith.constant 1 : i32
        %dma_start3A_1300 = arith.constant 0 : i32
        %dma_start3A_1301 = arith.constant 0 : i32
        %dma_start3A_1302 = tpu.memref_slice %arg8[%dma_start3A_1299, %dma_start3A_1300, %dma_start3A_1301] : memref<4x32x768xf32, #tpu.memory_space<vmem>> -> memref<1x32x768xf32, #tpu.memory_space<vmem>>
        %dma_start3A_1303 = tpu.memref_squeeze %dma_start3A_1302 : memref<1x32x768xf32, #tpu.memory_space<vmem>> -> memref<32x768xf32, #tpu.memory_space<vmem>>
        %dma_start3A_1304 = tpu.memref_slice %arg6[%mul3A_1298] : memref<4096xi32, #tpu.memory_space<vmem>> -> memref<32xi32, #tpu.memory_space<vmem>>
        %dma_start3A_1305 = arith.constant 0 : i32
        %dma_start3A_1306 = arith.constant 0 : i32
        %dma_start3A_1307 = tpu.memref_slice %arg2[%dma_start3A_1305, %dma_start3A_1306] : memref<30522x768xf32, #tpu.memory_space<hbm>> -> memref<30522x768xf32, #tpu.memory_space<hbm>>
        tpu.enqueue_indirect_dma source(%dma_start3A_1307 : memref<30522x768xf32, #tpu.memory_space<hbm>>) target(%dma_start3A_1303 : memref<32x768xf32, #tpu.memory_space<vmem>>) offsets(%dma_start3A_1304 : memref<32xi32, #tpu.memory_space<vmem>>) semaphore(%arg9 : memref<!tpu.dma_semaphore, #tpu.memory_space<semaphore_mem>>)
      } else {
      }
      %jit3A_1012 = arith.constant 32 : i32
      %div3A_1013 = arith.divsi %add3A_984, %jit3A_1012 : i32
      %sign3A_1014 = arith.constant 0 : i32
      %sign3A_1015 = arith.cmpi sgt, %add3A_984, %sign3A_1014 : i32
      %sign3A_1016 = arith.extui %sign3A_1015 : i1 to i32
      %sign3A_1017 = arith.constant 0 : i32
      %sign3A_1018 = arith.cmpi slt, %add3A_984, %sign3A_1017 : i32
      %sign3A_1019 = arith.extui %sign3A_1018 : i1 to i32
      %sign3A_1020 = arith.subi %sign3A_1016, %sign3A_1019 : i32
      %sign3A_1021 = arith.constant 0 : i32
      %sign3A_1022 = arith.cmpi sgt, %jit3A_1012, %sign3A_1021 : i32
      %sign3A_1023 = arith.extui %sign3A_1022 : i1 to i32
      %sign3A_1024 = arith.constant 0 : i32
      %sign3A_1025 = arith.cmpi slt, %jit3A_1012, %sign3A_1024 : i32
      %sign3A_1026 = arith.extui %sign3A_1025 : i1 to i32
      %sign3A_1027 = arith.subi %sign3A_1023, %sign3A_1026 : i32
      %ne3A_1028 = arith.cmpi ne, %sign3A_1020, %sign3A_1027 : i32
      %rem3A_1029 = arith.remsi %add3A_984, %jit3A_1012 : i32
      %ne3A_1030 = arith.constant 0 : i32
      %ne3A_1031 = arith.cmpi ne, %rem3A_1029, %ne3A_1030 : i32
      %and3A_1032 = arith.andi %ne3A_1028, %ne3A_1031 : i1
      %sub3A_1033 = arith.constant 1 : i32
      %sub3A_1034 = arith.subi %div3A_1013, %sub3A_1033 : i32
      %select_n3A_1035 = arith.select %and3A_1032, %sub3A_1034, %div3A_1013 : i32
      %get3A_1036 = arith.index_cast %select_n3A_1035 : i32 to index
      %get3A_1037 = arith.constant 0 : index
      %get3A_1038 = tpu.vector_load %arg7[%get3A_1036, %get3A_1037] {strides = array<i32>} : memref<4x768xf32, #tpu.memory_space<vmem>>, vector<1x16xf32>,
      %get3A_1039 = vector.shape_cast %get3A_1038 : vector<1x16xf32> to vector<16xf32>
      %get3A_1040 = arith.index_cast %select_n3A_1035 : i32 to index
      %get3A_1041 = arith.constant 16 : index
      %get3A_1042 = tpu.vector_load %arg7[%get3A_1040, %get3A_1041] {strides = array<i32>} : memref<4x768xf32, #tpu.memory_space<vmem>>, vector<1x16xf32>,
      %get3A_1043 = vector.shape_cast %get3A_1042 : vector<1x16xf32> to vector<16xf32>
      %get3A_1044 = arith.index_cast %select_n3A_1035 : i32 to index
      %get3A_1045 = arith.constant 32 : index
      %get3A_1046 = tpu.vector_load %arg7[%get3A_1044, %get3A_1045] {strides = array<i32>} : memref<4x768xf32, #tpu.memory_space<vmem>>, vector<1x16xf32>,
      %get3A_1047 = vector.shape_cast %get3A_1046 : vector<1x16xf32> to vector<16xf32>
      %get3A_1048 = arith.index_cast %select_n3A_1035 : i32 to index
      %get3A_1049 = arith.constant 48 : index
      %get3A_1050 = tpu.vector_load %arg7[%get3A_1048, %get3A_1049] {strides = array<i32>} : memref<4x768xf32, #tpu.memory_space<vmem>>, vector<1x16xf32>,
      %get3A_1051 = vector.shape_cast %get3A_1050 : vector<1x16xf32> to vector<16xf32>
      %get3A_1052 = arith.index_cast %select_n3A_1035 : i32 to index
      %get3A_1053 = arith.constant 64 : index
      %get3A_1054 = tpu.vector_load %arg7[%get3A_1052, %get3A_1053] {strides = array<i32>} : memref<4x768xf32, #tpu.memory_space<vmem>>, vector<1x16xf32>,
      %get3A_1055 = vector.shape_cast %get3A_1054 : vector<1x16xf32> to vector<16xf32>
      %get3A_1056 = arith.index_cast %select_n3A_1035 : i32 to index
      %get3A_1057 = arith.constant 80 : index
      %get3A_1058 = tpu.vector_load %arg7[%get3A_1056, %get3A_1057] {strides = array<i32>} : memref<4x768xf32, #tpu.memory_space<vmem>>, vector<1x16xf32>,
      %get3A_1059 = vector.shape_cast %get3A_1058 : vector<1x16xf32> to vector<16xf32>
      %get3A_1060 = arith.index_cast %select_n3A_1035 : i32 to index
      %get3A_1061 = arith.constant 96 : index
      %get3A_1062 = tpu.vector_load %arg7[%get3A_1060, %get3A_1061] {strides = array<i32>} : memref<4x768xf32, #tpu.memory_space<vmem>>, vector<1x16xf32>,
      %get3A_1063 = vector.shape_cast %get3A_1062 : vector<1x16xf32> to vector<16xf32>
      %get3A_1064 = arith.index_cast %select_n3A_1035 : i32 to index
      %get3A_1065 = arith.constant 112 : index
      %get3A_1066 = tpu.vector_load %arg7[%get3A_1064, %get3A_1065] {strides = array<i32>} : memref<4x768xf32, #tpu.memory_space<vmem>>, vector<1x16xf32>,
      %get3A_1067 = vector.shape_cast %get3A_1066 : vector<1x16xf32> to vector<16xf32>
      %get3A_1068 = arith.index_cast %select_n3A_1035 : i32 to index
      %get3A_1069 = arith.constant 128 : index
      %get3A_1070 = tpu.vector_load %arg7[%get3A_1068, %get3A_1069] {strides = array<i32>} : memref<4x768xf32, #tpu.memory_space<vmem>>, vector<1x16xf32>,
      %get3A_1071 = vector.shape_cast %get3A_1070 : vector<1x16xf32> to vector<16xf32>
      %get3A_1072 = arith.index_cast %select_n3A_1035 : i32 to index
      %get3A_1073 = arith.constant 144 : index
      %get3A_1074 = tpu.vector_load %arg7[%get3A_1072, %get3A_1073] {strides = array<i32>} : memref<4x768xf32, #tpu.memory_space<vmem>>, vector<1x16xf32>,
      %get3A_1075 = vector.shape_cast %get3A_1074 : vector<1x16xf32> to vector<16xf32>
      %get3A_1076 = arith.index_cast %select_n3A_1035 : i32 to index
      %get3A_1077 = arith.constant 160 : index
      %get3A_1078 = tpu.vector_load %arg7[%get3A_1076, %get3A_1077] {strides = array<i32>} : memref<4x768xf32, #tpu.memory_space<vmem>>, vector<1x16xf32>,
      %get3A_1079 = vector.shape_cast %get3A_1078 : vector<1x16xf32> to vector<16xf32>
      %get3A_1080 = arith.index_cast %select_n3A_1035 : i32 to index
      %get3A_1081 = arith.constant 176 : index
      %get3A_1082 = tpu.vector_load %arg7[%get3A_1080, %get3A_1081] {strides = array<i32>} : memref<4x768xf32, #tpu.memory_space<vmem>>, vector<1x16xf32>,
      %get3A_1083 = vector.shape_cast %get3A_1082 : vector<1x16xf32> to vector<16xf32>
      %get3A_1084 = arith.index_cast %select_n3A_1035 : i32 to index
      %get3A_1085 = arith.constant 192 : index
      %get3A_1086 = tpu.vector_load %arg7[%get3A_1084, %get3A_1085] {strides = array<i32>} : memref<4x768xf32, #tpu.memory_space<vmem>>, vector<1x16xf32>,
      %get3A_1087 = vector.shape_cast %get3A_1086 : vector<1x16xf32> to vector<16xf32>
      %get3A_1088 = arith.index_cast %select_n3A_1035 : i32 to index
      %get3A_1089 = arith.constant 208 : index
      %get3A_1090 = tpu.vector_load %arg7[%get3A_1088, %get3A_1089] {strides = array<i32>} : memref<4x768xf32, #tpu.memory_space<vmem>>, vector<1x16xf32>,
      %get3A_1091 = vector.shape_cast %get3A_1090 : vector<1x16xf32> to vector<16xf32>
      %get3A_1092 = arith.index_cast %select_n3A_1035 : i32 to index
      %get3A_1093 = arith.constant 224 : index
      %get3A_1094 = tpu.vector_load %arg7[%get3A_1092, %get3A_1093] {strides = array<i32>} : memref<4x768xf32, #tpu.memory_space<vmem>>, vector<1x16xf32>,
      %get3A_1095 = vector.shape_cast %get3A_1094 : vector<1x16xf32> to vector<16xf32>
      %get3A_1096 = arith.index_cast %select_n3A_1035 : i32 to index
      %get3A_1097 = arith.constant 240 : index
      %get3A_1098 = tpu.vector_load %arg7[%get3A_1096, %get3A_1097] {strides = array<i32>} : memref<4x768xf32, #tpu.memory_space<vmem>>, vector<1x16xf32>,
      %get3A_1099 = vector.shape_cast %get3A_1098 : vector<1x16xf32> to vector<16xf32>
      %get3A_1100 = arith.index_cast %select_n3A_1035 : i32 to index
      %get3A_1101 = arith.constant 256 : index
      %get3A_1102 = tpu.vector_load %arg7[%get3A_1100, %get3A_1101] {strides = array<i32>} : memref<4x768xf32, #tpu.memory_space<vmem>>, vector<1x16xf32>,
      %get3A_1103 = vector.shape_cast %get3A_1102 : vector<1x16xf32> to vector<16xf32>
      %get3A_1104 = arith.index_cast %select_n3A_1035 : i32 to index
      %get3A_1105 = arith.constant 272 : index
      %get3A_1106 = tpu.vector_load %arg7[%get3A_1104, %get3A_1105] {strides = array<i32>} : memref<4x768xf32, #tpu.memory_space<vmem>>, vector<1x16xf32>,
      %get3A_1107 = vector.shape_cast %get3A_1106 : vector<1x16xf32> to vector<16xf32>
      %get3A_1108 = arith.index_cast %select_n3A_1035 : i32 to index
      %get3A_1109 = arith.constant 288 : index
      %get3A_1110 = tpu.vector_load %arg7[%get3A_1108, %get3A_1109] {strides = array<i32>} : memref<4x768xf32, #tpu.memory_space<vmem>>, vector<1x16xf32>,
      %get3A_1111 = vector.shape_cast %get3A_1110 : vector<1x16xf32> to vector<16xf32>
      %get3A_1112 = arith.index_cast %select_n3A_1035 : i32 to index
      %get3A_1113 = arith.constant 304 : index
      %get3A_1114 = tpu.vector_load %arg7[%get3A_1112, %get3A_1113] {strides = array<i32>} : memref<4x768xf32, #tpu.memory_space<vmem>>, vector<1x16xf32>,
      %get3A_1115 = vector.shape_cast %get3A_1114 : vector<1x16xf32> to vector<16xf32>
      %get3A_1116 = arith.index_cast %select_n3A_1035 : i32 to index
      %get3A_1117 = arith.constant 320 : index
      %get3A_1118 = tpu.vector_load %arg7[%get3A_1116, %get3A_1117] {strides = array<i32>} : memref<4x768xf32, #tpu.memory_space<vmem>>, vector<1x16xf32>,
      %get3A_1119 = vector.shape_cast %get3A_1118 : vector<1x16xf32> to vector<16xf32>
      %get3A_1120 = arith.index_cast %select_n3A_1035 : i32 to index
      %get3A_1121 = arith.constant 336 : index
      %get3A_1122 = tpu.vector_load %arg7[%get3A_1120, %get3A_1121] {strides = array<i32>} : memref<4x768xf32, #tpu.memory_space<vmem>>, vector<1x16xf32>,
      %get3A_1123 = vector.shape_cast %get3A_1122 : vector<1x16xf32> to vector<16xf32>
      %get3A_1124 = arith.index_cast %select_n3A_1035 : i32 to index
      %get3A_1125 = arith.constant 352 : index
      %get3A_1126 = tpu.vector_load %arg7[%get3A_1124, %get3A_1125] {strides = array<i32>} : memref<4x768xf32, #tpu.memory_space<vmem>>, vector<1x16xf32>,
      %get3A_1127 = vector.shape_cast %get3A_1126 : vector<1x16xf32> to vector<16xf32>
      %get3A_1128 = arith.index_cast %select_n3A_1035 : i32 to index
      %get3A_1129 = arith.constant 368 : index
      %get3A_1130 = tpu.vector_load %arg7[%get3A_1128, %get3A_1129] {strides = array<i32>} : memref<4x768xf32, #tpu.memory_space<vmem>>, vector<1x16xf32>,
      %get3A_1131 = vector.shape_cast %get3A_1130 : vector<1x16xf32> to vector<16xf32>
      %get3A_1132 = arith.index_cast %select_n3A_1035 : i32 to index
      %get3A_1133 = arith.constant 384 : index
      %get3A_1134 = tpu.vector_load %arg7[%get3A_1132, %get3A_1133] {strides = array<i32>} : memref<4x768xf32, #tpu.memory_space<vmem>>, vector<1x16xf32>,
      %get3A_1135 = vector.shape_cast %get3A_1134 : vector<1x16xf32> to vector<16xf32>
      %get3A_1136 = arith.index_cast %select_n3A_1035 : i32 to index
      %get3A_1137 = arith.constant 400 : index
      %get3A_1138 = tpu.vector_load %arg7[%get3A_1136, %get3A_1137] {strides = array<i32>} : memref<4x768xf32, #tpu.memory_space<vmem>>, vector<1x16xf32>,
      %get3A_1139 = vector.shape_cast %get3A_1138 : vector<1x16xf32> to vector<16xf32>
      %get3A_1140 = arith.index_cast %select_n3A_1035 : i32 to index
      %get3A_1141 = arith.constant 416 : index
      %get3A_1142 = tpu.vector_load %arg7[%get3A_1140, %get3A_1141] {strides = array<i32>} : memref<4x768xf32, #tpu.memory_space<vmem>>, vector<1x16xf32>,
      %get3A_1143 = vector.shape_cast %get3A_1142 : vector<1x16xf32> to vector<16xf32>
      %get3A_1144 = arith.index_cast %select_n3A_1035 : i32 to index
      %get3A_1145 = arith.constant 432 : index
      %get3A_1146 = tpu.vector_load %arg7[%get3A_1144, %get3A_1145] {strides = array<i32>} : memref<4x768xf32, #tpu.memory_space<vmem>>, vector<1x16xf32>,
      %get3A_1147 = vector.shape_cast %get3A_1146 : vector<1x16xf32> to vector<16xf32>
      %get3A_1148 = arith.index_cast %select_n3A_1035 : i32 to index
      %get3A_1149 = arith.constant 448 : index
      %get3A_1150 = tpu.vector_load %arg7[%get3A_1148, %get3A_1149] {strides = array<i32>} : memref<4x768xf32, #tpu.memory_space<vmem>>, vector<1x16xf32>,
      %get3A_1151 = vector.shape_cast %get3A_1150 : vector<1x16xf32> to vector<16xf32>
      %get3A_1152 = arith.index_cast %select_n3A_1035 : i32 to index
      %get3A_1153 = arith.constant 464 : index
      %get3A_1154 = tpu.vector_load %arg7[%get3A_1152, %get3A_1153] {strides = array<i32>} : memref<4x768xf32, #tpu.memory_space<vmem>>, vector<1x16xf32>,
      %get3A_1155 = vector.shape_cast %get3A_1154 : vector<1x16xf32> to vector<16xf32>
      %get3A_1156 = arith.index_cast %select_n3A_1035 : i32 to index
      %get3A_1157 = arith.constant 480 : index
      %get3A_1158 = tpu.vector_load %arg7[%get3A_1156, %get3A_1157] {strides = array<i32>} : memref<4x768xf32, #tpu.memory_space<vmem>>, vector<1x16xf32>,
      %get3A_1159 = vector.shape_cast %get3A_1158 : vector<1x16xf32> to vector<16xf32>
      %get3A_1160 = arith.index_cast %select_n3A_1035 : i32 to index
      %get3A_1161 = arith.constant 496 : index
      %get3A_1162 = tpu.vector_load %arg7[%get3A_1160, %get3A_1161] {strides = array<i32>} : memref<4x768xf32, #tpu.memory_space<vmem>>, vector<1x16xf32>,
      %get3A_1163 = vector.shape_cast %get3A_1162 : vector<1x16xf32> to vector<16xf32>
      %get3A_1164 = arith.index_cast %select_n3A_1035 : i32 to index
      %get3A_1165 = arith.constant 512 : index
      %get3A_1166 = tpu.vector_load %arg7[%get3A_1164, %get3A_1165] {strides = array<i32>} : memref<4x768xf32, #tpu.memory_space<vmem>>, vector<1x16xf32>,
      %get3A_1167 = vector.shape_cast %get3A_1166 : vector<1x16xf32> to vector<16xf32>
      %get3A_1168 = arith.index_cast %select_n3A_1035 : i32 to index
      %get3A_1169 = arith.constant 528 : index
      %get3A_1170 = tpu.vector_load %arg7[%get3A_1168, %get3A_1169] {strides = array<i32>} : memref<4x768xf32, #tpu.memory_space<vmem>>, vector<1x16xf32>,
      %get3A_1171 = vector.shape_cast %get3A_1170 : vector<1x16xf32> to vector<16xf32>
      %get3A_1172 = arith.index_cast %select_n3A_1035 : i32 to index
      %get3A_1173 = arith.constant 544 : index
      %get3A_1174 = tpu.vector_load %arg7[%get3A_1172, %get3A_1173] {strides = array<i32>} : memref<4x768xf32, #tpu.memory_space<vmem>>, vector<1x16xf32>,
      %get3A_1175 = vector.shape_cast %get3A_1174 : vector<1x16xf32> to vector<16xf32>
      %get3A_1176 = arith.index_cast %select_n3A_1035 : i32 to index
      %get3A_1177 = arith.constant 560 : index
      %get3A_1178 = tpu.vector_load %arg7[%get3A_1176, %get3A_1177] {strides = array<i32>} : memref<4x768xf32, #tpu.memory_space<vmem>>, vector<1x16xf32>,
      %get3A_1179 = vector.shape_cast %get3A_1178 : vector<1x16xf32> to vector<16xf32>
      %get3A_1180 = arith.index_cast %select_n3A_1035 : i32 to index
      %get3A_1181 = arith.constant 576 : index
      %get3A_1182 = tpu.vector_load %arg7[%get3A_1180, %get3A_1181] {strides = array<i32>} : memref<4x768xf32, #tpu.memory_space<vmem>>, vector<1x16xf32>,
      %get3A_1183 = vector.shape_cast %get3A_1182 : vector<1x16xf32> to vector<16xf32>
      %get3A_1184 = arith.index_cast %select_n3A_1035 : i32 to index
      %get3A_1185 = arith.constant 592 : index
      %get3A_1186 = tpu.vector_load %arg7[%get3A_1184, %get3A_1185] {strides = array<i32>} : memref<4x768xf32, #tpu.memory_space<vmem>>, vector<1x16xf32>,
      %get3A_1187 = vector.shape_cast %get3A_1186 : vector<1x16xf32> to vector<16xf32>
      %get3A_1188 = arith.index_cast %select_n3A_1035 : i32 to index
      %get3A_1189 = arith.constant 608 : index
      %get3A_1190 = tpu.vector_load %arg7[%get3A_1188, %get3A_1189] {strides = array<i32>} : memref<4x768xf32, #tpu.memory_space<vmem>>, vector<1x16xf32>,
      %get3A_1191 = vector.shape_cast %get3A_1190 : vector<1x16xf32> to vector<16xf32>
      %get3A_1192 = arith.index_cast %select_n3A_1035 : i32 to index
      %get3A_1193 = arith.constant 624 : index
      %get3A_1194 = tpu.vector_load %arg7[%get3A_1192, %get3A_1193] {strides = array<i32>} : memref<4x768xf32, #tpu.memory_space<vmem>>, vector<1x16xf32>,
      %get3A_1195 = vector.shape_cast %get3A_1194 : vector<1x16xf32> to vector<16xf32>
      %get3A_1196 = arith.index_cast %select_n3A_1035 : i32 to index
      %get3A_1197 = arith.constant 640 : index
      %get3A_1198 = tpu.vector_load %arg7[%get3A_1196, %get3A_1197] {strides = array<i32>} : memref<4x768xf32, #tpu.memory_space<vmem>>, vector<1x16xf32>,
      %get3A_1199 = vector.shape_cast %get3A_1198 : vector<1x16xf32> to vector<16xf32>
      %get3A_1200 = arith.index_cast %select_n3A_1035 : i32 to index
      %get3A_1201 = arith.constant 656 : index
      %get3A_1202 = tpu.vector_load %arg7[%get3A_1200, %get3A_1201] {strides = array<i32>} : memref<4x768xf32, #tpu.memory_space<vmem>>, vector<1x16xf32>,
      %get3A_1203 = vector.shape_cast %get3A_1202 : vector<1x16xf32> to vector<16xf32>
      %get3A_1204 = arith.index_cast %select_n3A_1035 : i32 to index
      %get3A_1205 = arith.constant 672 : index
      %get3A_1206 = tpu.vector_load %arg7[%get3A_1204, %get3A_1205] {strides = array<i32>} : memref<4x768xf32, #tpu.memory_space<vmem>>, vector<1x16xf32>,
      %get3A_1207 = vector.shape_cast %get3A_1206 : vector<1x16xf32> to vector<16xf32>
      %get3A_1208 = arith.index_cast %select_n3A_1035 : i32 to index
      %get3A_1209 = arith.constant 688 : index
      %get3A_1210 = tpu.vector_load %arg7[%get3A_1208, %get3A_1209] {strides = array<i32>} : memref<4x768xf32, #tpu.memory_space<vmem>>, vector<1x16xf32>,
      %get3A_1211 = vector.shape_cast %get3A_1210 : vector<1x16xf32> to vector<16xf32>
      %get3A_1212 = arith.index_cast %select_n3A_1035 : i32 to index
      %get3A_1213 = arith.constant 704 : index
      %get3A_1214 = tpu.vector_load %arg7[%get3A_1212, %get3A_1213] {strides = array<i32>} : memref<4x768xf32, #tpu.memory_space<vmem>>, vector<1x16xf32>,
      %get3A_1215 = vector.shape_cast %get3A_1214 : vector<1x16xf32> to vector<16xf32>
      %get3A_1216 = arith.index_cast %select_n3A_1035 : i32 to index
      %get3A_1217 = arith.constant 720 : index
      %get3A_1218 = tpu.vector_load %arg7[%get3A_1216, %get3A_1217] {strides = array<i32>} : memref<4x768xf32, #tpu.memory_space<vmem>>, vector<1x16xf32>,
      %get3A_1219 = vector.shape_cast %get3A_1218 : vector<1x16xf32> to vector<16xf32>
      %get3A_1220 = arith.index_cast %select_n3A_1035 : i32 to index
      %get3A_1221 = arith.constant 736 : index
      %get3A_1222 = tpu.vector_load %arg7[%get3A_1220, %get3A_1221] {strides = array<i32>} : memref<4x768xf32, #tpu.memory_space<vmem>>, vector<1x16xf32>,
      %get3A_1223 = vector.shape_cast %get3A_1222 : vector<1x16xf32> to vector<16xf32>
      %get3A_1224 = arith.index_cast %select_n3A_1035 : i32 to index
      %get3A_1225 = arith.constant 752 : index
      %get3A_1226 = tpu.vector_load %arg7[%get3A_1224, %get3A_1225] {strides = array<i32>} : memref<4x768xf32, #tpu.memory_space<vmem>>, vector<1x16xf32>,
      %get3A_1227 = vector.shape_cast %get3A_1226 : vector<1x16xf32> to vector<16xf32>
      %scan3A_1228 = arith.constant 0 : i32
      %scan3A_1229 = arith.constant 0 : i32
      %scan3A_1230 = arith.constant 32 : i32
      %scan3A_1231 = arith.addi %scan3A_1229, %scan3A_1230 : i32
      %scan3A_1232 = arith.constant 1 : i32
      scf.for %scan3A_1295 = %scan3A_1229 to %scan3A_1231 step %scan3A_1232  : i32 {
        %get3A_1296 = arith.constant 3 : i32
        %get3A_1297 = arith.index_cast %get3A_1296 : i32 to index
        %get3A_1298 = arith.index_cast %scan3A_1295 : i32 to index
        %get3A_1299 = arith.constant 0 : index
        %get3A_1300 = tpu.vector_load %arg8[%get3A_1297, %get3A_1298, %get3A_1299] {strides = array<i32>} : memref<4x32x768xf32, #tpu.memory_space<vmem>>, vector<1x1x16xf32>,
        %get3A_1301 = vector.shape_cast %get3A_1300 : vector<1x1x16xf32> to vector<16xf32>
        %add3A_1302 = arith.addf %get3A_1301, %get3A_1039 : vector<16xf32>
        %swap3A = arith.constant 3 : i32
        %swap3A_1303 = arith.index_cast %swap3A : i32 to index
        %swap3A_1304 = arith.index_cast %scan3A_1295 : i32 to index
        %swap3A_1305 = arith.constant 0 : index
        %swap3A_1306 = tpu.vector_load %arg8[%swap3A_1303, %swap3A_1304, %swap3A_1305] {strides = array<i32>} : memref<4x32x768xf32, #tpu.memory_space<vmem>>, vector<1x1x16xf32>,
        %swap3A_1307 = vector.shape_cast %swap3A_1306 : vector<1x1x16xf32> to vector<16xf32>
        %swap3A_1308 = vector.shape_cast %add3A_1302 : vector<16xf32> to vector<1x1x16xf32>
        tpu.vector_store %arg8[%swap3A_1303, %swap3A_1304, %swap3A_1305], %swap3A_1308 {strides = array<i32>} : memref<4x32x768xf32, #tpu.memory_space<vmem>>, vector<1x1x16xf32>,
        %get3A_1309 = arith.constant 3 : i32
        %get3A_1310 = arith.index_cast %get3A_1309 : i32 to index
        %get3A_1311 = arith.index_cast %scan3A_1295 : i32 to index
        %get3A_1312 = arith.constant 16 : index
        %get3A_1313 = tpu.vector_load %arg8[%get3A_1310, %get3A_1311, %get3A_1312] {strides = array<i32>} : memref<4x32x768xf32, #tpu.memory_space<vmem>>, vector<1x1x16xf32>,
        %get3A_1314 = vector.shape_cast %get3A_1313 : vector<1x1x16xf32> to vector<16xf32>
        %add3A_1315 = arith.addf %get3A_1314, %get3A_1043 : vector<16xf32>
        %swap3A_1316 = arith.constant 3 : i32
        %swap3A_1317 = arith.index_cast %swap3A_1316 : i32 to index
        %swap3A_1318 = arith.index_cast %scan3A_1295 : i32 to index
        %swap3A_1319 = arith.constant 16 : index
        %swap3A_1320 = tpu.vector_load %arg8[%swap3A_1317, %swap3A_1318, %swap3A_1319] {strides = array<i32>} : memref<4x32x768xf32, #tpu.memory_space<vmem>>, vector<1x1x16xf32>,
        %swap3A_1321 = vector.shape_cast %swap3A_1320 : vector<1x1x16xf32> to vector<16xf32>
        %swap3A_1322 = vector.shape_cast %add3A_1315 : vector<16xf32> to vector<1x1x16xf32>
        tpu.vector_store %arg8[%swap3A_1317, %swap3A_1318, %swap3A_1319], %swap3A_1322 {strides = array<i32>} : memref<4x32x768xf32, #tpu.memory_space<vmem>>, vector<1x1x16xf32>,
        %get3A_1323 = arith.constant 3 : i32
        %get3A_1324 = arith.index_cast %get3A_1323 : i32 to index
        %get3A_1325 = arith.index_cast %scan3A_1295 : i32 to index
        %get3A_1326 = arith.constant 32 : index
        %get3A_1327 = tpu.vector_load %arg8[%get3A_1324, %get3A_1325, %get3A_1326] {strides = array<i32>} : memref<4x32x768xf32, #tpu.memory_space<vmem>>, vector<1x1x16xf32>,
        %get3A_1328 = vector.shape_cast %get3A_1327 : vector<1x1x16xf32> to vector<16xf32>
        %add3A_1329 = arith.addf %get3A_1328, %get3A_1047 : vector<16xf32>
        %swap3A_1330 = arith.constant 3 : i32
        %swap3A_1331 = arith.index_cast %swap3A_1330 : i32 to index
        %swap3A_1332 = arith.index_cast %scan3A_1295 : i32 to index
        %swap3A_1333 = arith.constant 32 : index
        %swap3A_1334 = tpu.vector_load %arg8[%swap3A_1331, %swap3A_1332, %swap3A_1333] {strides = array<i32>} : memref<4x32x768xf32, #tpu.memory_space<vmem>>, vector<1x1x16xf32>,
        %swap3A_1335 = vector.shape_cast %swap3A_1334 : vector<1x1x16xf32> to vector<16xf32>
        %swap3A_1336 = vector.shape_cast %add3A_1329 : vector<16xf32> to vector<1x1x16xf32>
        tpu.vector_store %arg8[%swap3A_1331, %swap3A_1332, %swap3A_1333], %swap3A_1336 {strides = array<i32>} : memref<4x32x768xf32, #tpu.memory_space<vmem>>, vector<1x1x16xf32>,
        %get3A_1337 = arith.constant 3 : i32
        %get3A_1338 = arith.index_cast %get3A_1337 : i32 to index
        %get3A_1339 = arith.index_cast %scan3A_1295 : i32 to index
        %get3A_1340 = arith.constant 48 : index
        %get3A_1341 = tpu.vector_load %arg8[%get3A_1338, %get3A_1339, %get3A_1340] {strides = array<i32>} : memref<4x32x768xf32, #tpu.memory_space<vmem>>, vector<1x1x16xf32>,
        %get3A_1342 = vector.shape_cast %get3A_1341 : vector<1x1x16xf32> to vector<16xf32>
        %add3A_1343 = arith.addf %get3A_1342, %get3A_1051 : vector<16xf32>
        %swap3A_1344 = arith.constant 3 : i32
        %swap3A_1345 = arith.index_cast %swap3A_1344 : i32 to index
        %swap3A_1346 = arith.index_cast %scan3A_1295 : i32 to index
        %swap3A_1347 = arith.constant 48 : index
        %swap3A_1348 = tpu.vector_load %arg8[%swap3A_1345, %swap3A_1346, %swap3A_1347] {strides = array<i32>} : memref<4x32x768xf32, #tpu.memory_space<vmem>>, vector<1x1x16xf32>,
        %swap3A_1349 = vector.shape_cast %swap3A_1348 : vector<1x1x16xf32> to vector<16xf32>
        %swap3A_1350 = vector.shape_cast %add3A_1343 : vector<16xf32> to vector<1x1x16xf32>
        tpu.vector_store %arg8[%swap3A_1345, %swap3A_1346, %swap3A_1347], %swap3A_1350 {strides = array<i32>} : memref<4x32x768xf32, #tpu.memory_space<vmem>>, vector<1x1x16xf32>,
        %get3A_1351 = arith.constant 3 : i32
        %get3A_1352 = arith.index_cast %get3A_1351 : i32 to index
        %get3A_1353 = arith.index_cast %scan3A_1295 : i32 to index
        %get3A_1354 = arith.constant 64 : index
        %get3A_1355 = tpu.vector_load %arg8[%get3A_1352, %get3A_1353, %get3A_1354] {strides = array<i32>} : memref<4x32x768xf32, #tpu.memory_space<vmem>>, vector<1x1x16xf32>,
        %get3A_1356 = vector.shape_cast %get3A_1355 : vector<1x1x16xf32> to vector<16xf32>
        %add3A_1357 = arith.addf %get3A_1356, %get3A_1055 : vector<16xf32>
        %swap3A_1358 = arith.constant 3 : i32
        %swap3A_1359 = arith.index_cast %swap3A_1358 : i32 to index
        %swap3A_1360 = arith.index_cast %scan3A_1295 : i32 to index
        %swap3A_1361 = arith.constant 64 : index
        %swap3A_1362 = tpu.vector_load %arg8[%swap3A_1359, %swap3A_1360, %swap3A_1361] {strides = array<i32>} : memref<4x32x768xf32, #tpu.memory_space<vmem>>, vector<1x1x16xf32>,
        %swap3A_1363 = vector.shape_cast %swap3A_1362 : vector<1x1x16xf32> to vector<16xf32>
        %swap3A_1364 = vector.shape_cast %add3A_1357 : vector<16xf32> to vector<1x1x16xf32>
        tpu.vector_store %arg8[%swap3A_1359, %swap3A_1360, %swap3A_1361], %swap3A_1364 {strides = array<i32>} : memref<4x32x768xf32, #tpu.memory_space<vmem>>, vector<1x1x16xf32>,
        %get3A_1365 = arith.constant 3 : i32
        %get3A_1366 = arith.index_cast %get3A_1365 : i32 to index
        %get3A_1367 = arith.index_cast %scan3A_1295 : i32 to index
        %get3A_1368 = arith.constant 80 : index
        %get3A_1369 = tpu.vector_load %arg8[%get3A_1366, %get3A_1367, %get3A_1368] {strides = array<i32>} : memref<4x32x768xf32, #tpu.memory_space<vmem>>, vector<1x1x16xf32>,
        %get3A_1370 = vector.shape_cast %get3A_1369 : vector<1x1x16xf32> to vector<16xf32>
        %add3A_1371 = arith.addf %get3A_1370, %get3A_1059 : vector<16xf32>
        %swap3A_1372 = arith.constant 3 : i32
        %swap3A_1373 = arith.index_cast %swap3A_1372 : i32 to index
        %swap3A_1374 = arith.index_cast %scan3A_1295 : i32 to index
        %swap3A_1375 = arith.constant 80 : index
        %swap3A_1376 = tpu.vector_load %arg8[%swap3A_1373, %swap3A_1374, %swap3A_1375] {strides = array<i32>} : memref<4x32x768xf32, #tpu.memory_space<vmem>>, vector<1x1x16xf32>,
        %swap3A_1377 = vector.shape_cast %swap3A_1376 : vector<1x1x16xf32> to vector<16xf32>
        %swap3A_1378 = vector.shape_cast %add3A_1371 : vector<16xf32> to vector<1x1x16xf32>
        tpu.vector_store %arg8[%swap3A_1373, %swap3A_1374, %swap3A_1375], %swap3A_1378 {strides = array<i32>} : memref<4x32x768xf32, #tpu.memory_space<vmem>>, vector<1x1x16xf32>,
        %get3A_1379 = arith.constant 3 : i32
        %get3A_1380 = arith.index_cast %get3A_1379 : i32 to index
        %get3A_1381 = arith.index_cast %scan3A_1295 : i32 to index
        %get3A_1382 = arith.constant 96 : index
        %get3A_1383 = tpu.vector_load %arg8[%get3A_1380, %get3A_1381, %get3A_1382] {strides = array<i32>} : memref<4x32x768xf32, #tpu.memory_space<vmem>>, vector<1x1x16xf32>,
        %get3A_1384 = vector.shape_cast %get3A_1383 : vector<1x1x16xf32> to vector<16xf32>
        %add3A_1385 = arith.addf %get3A_1384, %get3A_1063 : vector<16xf32>
        %swap3A_1386 = arith.constant 3 : i32
        %swap3A_1387 = arith.index_cast %swap3A_1386 : i32 to index
        %swap3A_1388 = arith.index_cast %scan3A_1295 : i32 to index
        %swap3A_1389 = arith.constant 96 : index
        %swap3A_1390 = tpu.vector_load %arg8[%swap3A_1387, %swap3A_1388, %swap3A_1389] {strides = array<i32>} : memref<4x32x768xf32, #tpu.memory_space<vmem>>, vector<1x1x16xf32>,
        %swap3A_1391 = vector.shape_cast %swap3A_1390 : vector<1x1x16xf32> to vector<16xf32>
        %swap3A_1392 = vector.shape_cast %add3A_1385 : vector<16xf32> to vector<1x1x16xf32>
        tpu.vector_store %arg8[%swap3A_1387, %swap3A_1388, %swap3A_1389], %swap3A_1392 {strides = array<i32>} : memref<4x32x768xf32, #tpu.memory_space<vmem>>, vector<1x1x16xf32>,
        %get3A_1393 = arith.constant 3 : i32
        %get3A_1394 = arith.index_cast %get3A_1393 : i32 to index
        %get3A_1395 = arith.index_cast %scan3A_1295 : i32 to index
        %get3A_1396 = arith.constant 112 : index
        %get3A_1397 = tpu.vector_load %arg8[%get3A_1394, %get3A_1395, %get3A_1396] {strides = array<i32>} : memref<4x32x768xf32, #tpu.memory_space<vmem>>, vector<1x1x16xf32>,
        %get3A_1398 = vector.shape_cast %get3A_1397 : vector<1x1x16xf32> to vector<16xf32>
        %add3A_1399 = arith.addf %get3A_1398, %get3A_1067 : vector<16xf32>
        %swap3A_1400 = arith.constant 3 : i32
        %swap3A_1401 = arith.index_cast %swap3A_1400 : i32 to index
        %swap3A_1402 = arith.index_cast %scan3A_1295 : i32 to index
        %swap3A_1403 = arith.constant 112 : index
        %swap3A_1404 = tpu.vector_load %arg8[%swap3A_1401, %swap3A_1402, %swap3A_1403] {strides = array<i32>} : memref<4x32x768xf32, #tpu.memory_space<vmem>>, vector<1x1x16xf32>,
        %swap3A_1405 = vector.shape_cast %swap3A_1404 : vector<1x1x16xf32> to vector<16xf32>
        %swap3A_1406 = vector.shape_cast %add3A_1399 : vector<16xf32> to vector<1x1x16xf32>
        tpu.vector_store %arg8[%swap3A_1401, %swap3A_1402, %swap3A_1403], %swap3A_1406 {strides = array<i32>} : memref<4x32x768xf32, #tpu.memory_space<vmem>>, vector<1x1x16xf32>,
        %get3A_1407 = arith.constant 3 : i32
        %get3A_1408 = arith.index_cast %get3A_1407 : i32 to index
        %get3A_1409 = arith.index_cast %scan3A_1295 : i32 to index
        %get3A_1410 = arith.constant 128 : index
        %get3A_1411 = tpu.vector_load %arg8[%get3A_1408, %get3A_1409, %get3A_1410] {strides = array<i32>} : memref<4x32x768xf32, #tpu.memory_space<vmem>>, vector<1x1x16xf32>,
        %get3A_1412 = vector.shape_cast %get3A_1411 : vector<1x1x16xf32> to vector<16xf32>
        %add3A_1413 = arith.addf %get3A_1412, %get3A_1071 : vector<16xf32>
        %swap3A_1414 = arith.constant 3 : i32
        %swap3A_1415 = arith.index_cast %swap3A_1414 : i32 to index
        %swap3A_1416 = arith.index_cast %scan3A_1295 : i32 to index
        %swap3A_1417 = arith.constant 128 : index
        %swap3A_1418 = tpu.vector_load %arg8[%swap3A_1415, %swap3A_1416, %swap3A_1417] {strides = array<i32>} : memref<4x32x768xf32, #tpu.memory_space<vmem>>, vector<1x1x16xf32>,
        %swap3A_1419 = vector.shape_cast %swap3A_1418 : vector<1x1x16xf32> to vector<16xf32>
        %swap3A_1420 = vector.shape_cast %add3A_1413 : vector<16xf32> to vector<1x1x16xf32>
        tpu.vector_store %arg8[%swap3A_1415, %swap3A_1416, %swap3A_1417], %swap3A_1420 {strides = array<i32>} : memref<4x32x768xf32, #tpu.memory_space<vmem>>, vector<1x1x16xf32>,
        %get3A_1421 = arith.constant 3 : i32
        %get3A_1422 = arith.index_cast %get3A_1421 : i32 to index
        %get3A_1423 = arith.index_cast %scan3A_1295 : i32 to index
        %get3A_1424 = arith.constant 144 : index
        %get3A_1425 = tpu.vector_load %arg8[%get3A_1422, %get3A_1423, %get3A_1424] {strides = array<i32>} : memref<4x32x768xf32, #tpu.memory_space<vmem>>, vector<1x1x16xf32>,
        %get3A_1426 = vector.shape_cast %get3A_1425 : vector<1x1x16xf32> to vector<16xf32>
        %add3A_1427 = arith.addf %get3A_1426, %get3A_1075 : vector<16xf32>
        %swap3A_1428 = arith.constant 3 : i32
        %swap3A_1429 = arith.index_cast %swap3A_1428 : i32 to index
        %swap3A_1430 = arith.index_cast %scan3A_1295 : i32 to index
        %swap3A_1431 = arith.constant 144 : index
        %swap3A_1432 = tpu.vector_load %arg8[%swap3A_1429, %swap3A_1430, %swap3A_1431] {strides = array<i32>} : memref<4x32x768xf32, #tpu.memory_space<vmem>>, vector<1x1x16xf32>,
        %swap3A_1433 = vector.shape_cast %swap3A_1432 : vector<1x1x16xf32> to vector<16xf32>
        %swap3A_1434 = vector.shape_cast %add3A_1427 : vector<16xf32> to vector<1x1x16xf32>
        tpu.vector_store %arg8[%swap3A_1429, %swap3A_1430, %swap3A_1431], %swap3A_1434 {strides = array<i32>} : memref<4x32x768xf32, #tpu.memory_space<vmem>>, vector<1x1x16xf32>,
        %get3A_1435 = arith.constant 3 : i32
        %get3A_1436 = arith.index_cast %get3A_1435 : i32 to index
        %get3A_1437 = arith.index_cast %scan3A_1295 : i32 to index
        %get3A_1438 = arith.constant 160 : index
        %get3A_1439 = tpu.vector_load %arg8[%get3A_1436, %get3A_1437, %get3A_1438] {strides = array<i32>} : memref<4x32x768xf32, #tpu.memory_space<vmem>>, vector<1x1x16xf32>,
        %get3A_1440 = vector.shape_cast %get3A_1439 : vector<1x1x16xf32> to vector<16xf32>
        %add3A_1441 = arith.addf %get3A_1440, %get3A_1079 : vector<16xf32>
        %swap3A_1442 = arith.constant 3 : i32
        %swap3A_1443 = arith.index_cast %swap3A_1442 : i32 to index
        %swap3A_1444 = arith.index_cast %scan3A_1295 : i32 to index
        %swap3A_1445 = arith.constant 160 : index
        %swap3A_1446 = tpu.vector_load %arg8[%swap3A_1443, %swap3A_1444, %swap3A_1445] {strides = array<i32>} : memref<4x32x768xf32, #tpu.memory_space<vmem>>, vector<1x1x16xf32>,
        %swap3A_1447 = vector.shape_cast %swap3A_1446 : vector<1x1x16xf32> to vector<16xf32>
        %swap3A_1448 = vector.shape_cast %add3A_1441 : vector<16xf32> to vector<1x1x16xf32>
        tpu.vector_store %arg8[%swap3A_1443, %swap3A_1444, %swap3A_1445], %swap3A_1448 {strides = array<i32>} : memref<4x32x768xf32, #tpu.memory_space<vmem>>, vector<1x1x16xf32>,
        %get3A_1449 = arith.constant 3 : i32
        %get3A_1450 = arith.index_cast %get3A_1449 : i32 to index
        %get3A_1451 = arith.index_cast %scan3A_1295 : i32 to index
        %get3A_1452 = arith.constant 176 : index
        %get3A_1453 = tpu.vector_load %arg8[%get3A_1450, %get3A_1451, %get3A_1452] {strides = array<i32>} : memref<4x32x768xf32, #tpu.memory_space<vmem>>, vector<1x1x16xf32>,
        %get3A_1454 = vector.shape_cast %get3A_1453 : vector<1x1x16xf32> to vector<16xf32>
        %add3A_1455 = arith.addf %get3A_1454, %get3A_1083 : vector<16xf32>
        %swap3A_1456 = arith.constant 3 : i32
        %swap3A_1457 = arith.index_cast %swap3A_1456 : i32 to index
        %swap3A_1458 = arith.index_cast %scan3A_1295 : i32 to index
        %swap3A_1459 = arith.constant 176 : index
        %swap3A_1460 = tpu.vector_load %arg8[%swap3A_1457, %swap3A_1458, %swap3A_1459] {strides = array<i32>} : memref<4x32x768xf32, #tpu.memory_space<vmem>>, vector<1x1x16xf32>,
        %swap3A_1461 = vector.shape_cast %swap3A_1460 : vector<1x1x16xf32> to vector<16xf32>
        %swap3A_1462 = vector.shape_cast %add3A_1455 : vector<16xf32> to vector<1x1x16xf32>
        tpu.vector_store %arg8[%swap3A_1457, %swap3A_1458, %swap3A_1459], %swap3A_1462 {strides = array<i32>} : memref<4x32x768xf32, #tpu.memory_space<vmem>>, vector<1x1x16xf32>,
        %get3A_1463 = arith.constant 3 : i32
        %get3A_1464 = arith.index_cast %get3A_1463 : i32 to index
        %get3A_1465 = arith.index_cast %scan3A_1295 : i32 to index
        %get3A_1466 = arith.constant 192 : index
        %get3A_1467 = tpu.vector_load %arg8[%get3A_1464, %get3A_1465, %get3A_1466] {strides = array<i32>} : memref<4x32x768xf32, #tpu.memory_space<vmem>>, vector<1x1x16xf32>,
        %get3A_1468 = vector.shape_cast %get3A_1467 : vector<1x1x16xf32> to vector<16xf32>
        %add3A_1469 = arith.addf %get3A_1468, %get3A_1087 : vector<16xf32>
        %swap3A_1470 = arith.constant 3 : i32
        %swap3A_1471 = arith.index_cast %swap3A_1470 : i32 to index
        %swap3A_1472 = arith.index_cast %scan3A_1295 : i32 to index
        %swap3A_1473 = arith.constant 192 : index
        %swap3A_1474 = tpu.vector_load %arg8[%swap3A_1471, %swap3A_1472, %swap3A_1473] {strides = array<i32>} : memref<4x32x768xf32, #tpu.memory_space<vmem>>, vector<1x1x16xf32>,
        %swap3A_1475 = vector.shape_cast %swap3A_1474 : vector<1x1x16xf32> to vector<16xf32>
        %swap3A_1476 = vector.shape_cast %add3A_1469 : vector<16xf32> to vector<1x1x16xf32>
        tpu.vector_store %arg8[%swap3A_1471, %swap3A_1472, %swap3A_1473], %swap3A_1476 {strides = array<i32>} : memref<4x32x768xf32, #tpu.memory_space<vmem>>, vector<1x1x16xf32>,
        %get3A_1477 = arith.constant 3 : i32
        %get3A_1478 = arith.index_cast %get3A_1477 : i32 to index
        %get3A_1479 = arith.index_cast %scan3A_1295 : i32 to index
        %get3A_1480 = arith.constant 208 : index
        %get3A_1481 = tpu.vector_load %arg8[%get3A_1478, %get3A_1479, %get3A_1480] {strides = array<i32>} : memref<4x32x768xf32, #tpu.memory_space<vmem>>, vector<1x1x16xf32>,
        %get3A_1482 = vector.shape_cast %get3A_1481 : vector<1x1x16xf32> to vector<16xf32>
        %add3A_1483 = arith.addf %get3A_1482, %get3A_1091 : vector<16xf32>
        %swap3A_1484 = arith.constant 3 : i32
        %swap3A_1485 = arith.index_cast %swap3A_1484 : i32 to index
        %swap3A_1486 = arith.index_cast %scan3A_1295 : i32 to index
        %swap3A_1487 = arith.constant 208 : index
        %swap3A_1488 = tpu.vector_load %arg8[%swap3A_1485, %swap3A_1486, %swap3A_1487] {strides = array<i32>} : memref<4x32x768xf32, #tpu.memory_space<vmem>>, vector<1x1x16xf32>,
        %swap3A_1489 = vector.shape_cast %swap3A_1488 : vector<1x1x16xf32> to vector<16xf32>
        %swap3A_1490 = vector.shape_cast %add3A_1483 : vector<16xf32> to vector<1x1x16xf32>
        tpu.vector_store %arg8[%swap3A_1485, %swap3A_1486, %swap3A_1487], %swap3A_1490 {strides = array<i32>} : memref<4x32x768xf32, #tpu.memory_space<vmem>>, vector<1x1x16xf32>,
        %get3A_1491 = arith.constant 3 : i32
        %get3A_1492 = arith.index_cast %get3A_1491 : i32 to index
        %get3A_1493 = arith.index_cast %scan3A_1295 : i32 to index
        %get3A_1494 = arith.constant 224 : index
        %get3A_1495 = tpu.vector_load %arg8[%get3A_1492, %get3A_1493, %get3A_1494] {strides = array<i32>} : memref<4x32x768xf32, #tpu.memory_space<vmem>>, vector<1x1x16xf32>,
        %get3A_1496 = vector.shape_cast %get3A_1495 : vector<1x1x16xf32> to vector<16xf32>
        %add3A_1497 = arith.addf %get3A_1496, %get3A_1095 : vector<16xf32>
        %swap3A_1498 = arith.constant 3 : i32
        %swap3A_1499 = arith.index_cast %swap3A_1498 : i32 to index
        %swap3A_1500 = arith.index_cast %scan3A_1295 : i32 to index
        %swap3A_1501 = arith.constant 224 : index
        %swap3A_1502 = tpu.vector_load %arg8[%swap3A_1499, %swap3A_1500, %swap3A_1501] {strides = array<i32>} : memref<4x32x768xf32, #tpu.memory_space<vmem>>, vector<1x1x16xf32>,
        %swap3A_1503 = vector.shape_cast %swap3A_1502 : vector<1x1x16xf32> to vector<16xf32>
        %swap3A_1504 = vector.shape_cast %add3A_1497 : vector<16xf32> to vector<1x1x16xf32>
        tpu.vector_store %arg8[%swap3A_1499, %swap3A_1500, %swap3A_1501], %swap3A_1504 {strides = array<i32>} : memref<4x32x768xf32, #tpu.memory_space<vmem>>, vector<1x1x16xf32>,
        %get3A_1505 = arith.constant 3 : i32
        %get3A_1506 = arith.index_cast %get3A_1505 : i32 to index
        %get3A_1507 = arith.index_cast %scan3A_1295 : i32 to index
        %get3A_1508 = arith.constant 240 : index
        %get3A_1509 = tpu.vector_load %arg8[%get3A_1506, %get3A_1507, %get3A_1508] {strides = array<i32>} : memref<4x32x768xf32, #tpu.memory_space<vmem>>, vector<1x1x16xf32>,
        %get3A_1510 = vector.shape_cast %get3A_1509 : vector<1x1x16xf32> to vector<16xf32>
        %add3A_1511 = arith.addf %get3A_1510, %get3A_1099 : vector<16xf32>
        %swap3A_1512 = arith.constant 3 : i32
        %swap3A_1513 = arith.index_cast %swap3A_1512 : i32 to index
        %swap3A_1514 = arith.index_cast %scan3A_1295 : i32 to index
        %swap3A_1515 = arith.constant 240 : index
        %swap3A_1516 = tpu.vector_load %arg8[%swap3A_1513, %swap3A_1514, %swap3A_1515] {strides = array<i32>} : memref<4x32x768xf32, #tpu.memory_space<vmem>>, vector<1x1x16xf32>,
        %swap3A_1517 = vector.shape_cast %swap3A_1516 : vector<1x1x16xf32> to vector<16xf32>
        %swap3A_1518 = vector.shape_cast %add3A_1511 : vector<16xf32> to vector<1x1x16xf32>
        tpu.vector_store %arg8[%swap3A_1513, %swap3A_1514, %swap3A_1515], %swap3A_1518 {strides = array<i32>} : memref<4x32x768xf32, #tpu.memory_space<vmem>>, vector<1x1x16xf32>,
        %get3A_1519 = arith.constant 3 : i32
        %get3A_1520 = arith.index_cast %get3A_1519 : i32 to index
        %get3A_1521 = arith.index_cast %scan3A_1295 : i32 to index
        %get3A_1522 = arith.constant 256 : index
        %get3A_1523 = tpu.vector_load %arg8[%get3A_1520, %get3A_1521, %get3A_1522] {strides = array<i32>} : memref<4x32x768xf32, #tpu.memory_space<vmem>>, vector<1x1x16xf32>,
        %get3A_1524 = vector.shape_cast %get3A_1523 : vector<1x1x16xf32> to vector<16xf32>
        %add3A_1525 = arith.addf %get3A_1524, %get3A_1103 : vector<16xf32>
        %swap3A_1526 = arith.constant 3 : i32
        %swap3A_1527 = arith.index_cast %swap3A_1526 : i32 to index
        %swap3A_1528 = arith.index_cast %scan3A_1295 : i32 to index
        %swap3A_1529 = arith.constant 256 : index
        %swap3A_1530 = tpu.vector_load %arg8[%swap3A_1527, %swap3A_1528, %swap3A_1529] {strides = array<i32>} : memref<4x32x768xf32, #tpu.memory_space<vmem>>, vector<1x1x16xf32>,
        %swap3A_1531 = vector.shape_cast %swap3A_1530 : vector<1x1x16xf32> to vector<16xf32>
        %swap3A_1532 = vector.shape_cast %add3A_1525 : vector<16xf32> to vector<1x1x16xf32>
        tpu.vector_store %arg8[%swap3A_1527, %swap3A_1528, %swap3A_1529], %swap3A_1532 {strides = array<i32>} : memref<4x32x768xf32, #tpu.memory_space<vmem>>, vector<1x1x16xf32>,
        %get3A_1533 = arith.constant 3 : i32
        %get3A_1534 = arith.index_cast %get3A_1533 : i32 to index
        %get3A_1535 = arith.index_cast %scan3A_1295 : i32 to index
        %get3A_1536 = arith.constant 272 : index
        %get3A_1537 = tpu.vector_load %arg8[%get3A_1534, %get3A_1535, %get3A_1536] {strides = array<i32>} : memref<4x32x768xf32, #tpu.memory_space<vmem>>, vector<1x1x16xf32>,
        %get3A_1538 = vector.shape_cast %get3A_1537 : vector<1x1x16xf32> to vector<16xf32>
        %add3A_1539 = arith.addf %get3A_1538, %get3A_1107 : vector<16xf32>
        %swap3A_1540 = arith.constant 3 : i32
        %swap3A_1541 = arith.index_cast %swap3A_1540 : i32 to index
        %swap3A_1542 = arith.index_cast %scan3A_1295 : i32 to index
        %swap3A_1543 = arith.constant 272 : index
        %swap3A_1544 = tpu.vector_load %arg8[%swap3A_1541, %swap3A_1542, %swap3A_1543] {strides = array<i32>} : memref<4x32x768xf32, #tpu.memory_space<vmem>>, vector<1x1x16xf32>,
        %swap3A_1545 = vector.shape_cast %swap3A_1544 : vector<1x1x16xf32> to vector<16xf32>
        %swap3A_1546 = vector.shape_cast %add3A_1539 : vector<16xf32> to vector<1x1x16xf32>
        tpu.vector_store %arg8[%swap3A_1541, %swap3A_1542, %swap3A_1543], %swap3A_1546 {strides = array<i32>} : memref<4x32x768xf32, #tpu.memory_space<vmem>>, vector<1x1x16xf32>,
        %get3A_1547 = arith.constant 3 : i32
        %get3A_1548 = arith.index_cast %get3A_1547 : i32 to index
        %get3A_1549 = arith.index_cast %scan3A_1295 : i32 to index
        %get3A_1550 = arith.constant 288 : index
        %get3A_1551 = tpu.vector_load %arg8[%get3A_1548, %get3A_1549, %get3A_1550] {strides = array<i32>} : memref<4x32x768xf32, #tpu.memory_space<vmem>>, vector<1x1x16xf32>,
        %get3A_1552 = vector.shape_cast %get3A_1551 : vector<1x1x16xf32> to vector<16xf32>
        %add3A_1553 = arith.addf %get3A_1552, %get3A_1111 : vector<16xf32>
        %swap3A_1554 = arith.constant 3 : i32
        %swap3A_1555 = arith.index_cast %swap3A_1554 : i32 to index
        %swap3A_1556 = arith.index_cast %scan3A_1295 : i32 to index
        %swap3A_1557 = arith.constant 288 : index
        %swap3A_1558 = tpu.vector_load %arg8[%swap3A_1555, %swap3A_1556, %swap3A_1557] {strides = array<i32>} : memref<4x32x768xf32, #tpu.memory_space<vmem>>, vector<1x1x16xf32>,
        %swap3A_1559 = vector.shape_cast %swap3A_1558 : vector<1x1x16xf32> to vector<16xf32>
        %swap3A_1560 = vector.shape_cast %add3A_1553 : vector<16xf32> to vector<1x1x16xf32>
        tpu.vector_store %arg8[%swap3A_1555, %swap3A_1556, %swap3A_1557], %swap3A_1560 {strides = array<i32>} : memref<4x32x768xf32, #tpu.memory_space<vmem>>, vector<1x1x16xf32>,
        %get3A_1561 = arith.constant 3 : i32
        %get3A_1562 = arith.index_cast %get3A_1561 : i32 to index
        %get3A_1563 = arith.index_cast %scan3A_1295 : i32 to index
        %get3A_1564 = arith.constant 304 : index
        %get3A_1565 = tpu.vector_load %arg8[%get3A_1562, %get3A_1563, %get3A_1564] {strides = array<i32>} : memref<4x32x768xf32, #tpu.memory_space<vmem>>, vector<1x1x16xf32>,
        %get3A_1566 = vector.shape_cast %get3A_1565 : vector<1x1x16xf32> to vector<16xf32>
        %add3A_1567 = arith.addf %get3A_1566, %get3A_1115 : vector<16xf32>
        %swap3A_1568 = arith.constant 3 : i32
        %swap3A_1569 = arith.index_cast %swap3A_1568 : i32 to index
        %swap3A_1570 = arith.index_cast %scan3A_1295 : i32 to index
        %swap3A_1571 = arith.constant 304 : index
        %swap3A_1572 = tpu.vector_load %arg8[%swap3A_1569, %swap3A_1570, %swap3A_1571] {strides = array<i32>} : memref<4x32x768xf32, #tpu.memory_space<vmem>>, vector<1x1x16xf32>,
        %swap3A_1573 = vector.shape_cast %swap3A_1572 : vector<1x1x16xf32> to vector<16xf32>
        %swap3A_1574 = vector.shape_cast %add3A_1567 : vector<16xf32> to vector<1x1x16xf32>
        tpu.vector_store %arg8[%swap3A_1569, %swap3A_1570, %swap3A_1571], %swap3A_1574 {strides = array<i32>} : memref<4x32x768xf32, #tpu.memory_space<vmem>>, vector<1x1x16xf32>,
        %get3A_1575 = arith.constant 3 : i32
        %get3A_1576 = arith.index_cast %get3A_1575 : i32 to index
        %get3A_1577 = arith.index_cast %scan3A_1295 : i32 to index
        %get3A_1578 = arith.constant 320 : index
        %get3A_1579 = tpu.vector_load %arg8[%get3A_1576, %get3A_1577, %get3A_1578] {strides = array<i32>} : memref<4x32x768xf32, #tpu.memory_space<vmem>>, vector<1x1x16xf32>,
        %get3A_1580 = vector.shape_cast %get3A_1579 : vector<1x1x16xf32> to vector<16xf32>
        %add3A_1581 = arith.addf %get3A_1580, %get3A_1119 : vector<16xf32>
        %swap3A_1582 = arith.constant 3 : i32
        %swap3A_1583 = arith.index_cast %swap3A_1582 : i32 to index
        %swap3A_1584 = arith.index_cast %scan3A_1295 : i32 to index
        %swap3A_1585 = arith.constant 320 : index
        %swap3A_1586 = tpu.vector_load %arg8[%swap3A_1583, %swap3A_1584, %swap3A_1585] {strides = array<i32>} : memref<4x32x768xf32, #tpu.memory_space<vmem>>, vector<1x1x16xf32>,
        %swap3A_1587 = vector.shape_cast %swap3A_1586 : vector<1x1x16xf32> to vector<16xf32>
        %swap3A_1588 = vector.shape_cast %add3A_1581 : vector<16xf32> to vector<1x1x16xf32>
        tpu.vector_store %arg8[%swap3A_1583, %swap3A_1584, %swap3A_1585], %swap3A_1588 {strides = array<i32>} : memref<4x32x768xf32, #tpu.memory_space<vmem>>, vector<1x1x16xf32>,
        %get3A_1589 = arith.constant 3 : i32
        %get3A_1590 = arith.index_cast %get3A_1589 : i32 to index
        %get3A_1591 = arith.index_cast %scan3A_1295 : i32 to index
        %get3A_1592 = arith.constant 336 : index
        %get3A_1593 = tpu.vector_load %arg8[%get3A_1590, %get3A_1591, %get3A_1592] {strides = array<i32>} : memref<4x32x768xf32, #tpu.memory_space<vmem>>, vector<1x1x16xf32>,
        %get3A_1594 = vector.shape_cast %get3A_1593 : vector<1x1x16xf32> to vector<16xf32>
        %add3A_1595 = arith.addf %get3A_1594, %get3A_1123 : vector<16xf32>
        %swap3A_1596 = arith.constant 3 : i32
        %swap3A_1597 = arith.index_cast %swap3A_1596 : i32 to index
        %swap3A_1598 = arith.index_cast %scan3A_1295 : i32 to index
        %swap3A_1599 = arith.constant 336 : index
        %swap3A_1600 = tpu.vector_load %arg8[%swap3A_1597, %swap3A_1598, %swap3A_1599] {strides = array<i32>} : memref<4x32x768xf32, #tpu.memory_space<vmem>>, vector<1x1x16xf32>,
        %swap3A_1601 = vector.shape_cast %swap3A_1600 : vector<1x1x16xf32> to vector<16xf32>
        %swap3A_1602 = vector.shape_cast %add3A_1595 : vector<16xf32> to vector<1x1x16xf32>
        tpu.vector_store %arg8[%swap3A_1597, %swap3A_1598, %swap3A_1599], %swap3A_1602 {strides = array<i32>} : memref<4x32x768xf32, #tpu.memory_space<vmem>>, vector<1x1x16xf32>,
        %get3A_1603 = arith.constant 3 : i32
        %get3A_1604 = arith.index_cast %get3A_1603 : i32 to index
        %get3A_1605 = arith.index_cast %scan3A_1295 : i32 to index
        %get3A_1606 = arith.constant 352 : index
        %get3A_1607 = tpu.vector_load %arg8[%get3A_1604, %get3A_1605, %get3A_1606] {strides = array<i32>} : memref<4x32x768xf32, #tpu.memory_space<vmem>>, vector<1x1x16xf32>,
        %get3A_1608 = vector.shape_cast %get3A_1607 : vector<1x1x16xf32> to vector<16xf32>
        %add3A_1609 = arith.addf %get3A_1608, %get3A_1127 : vector<16xf32>
        %swap3A_1610 = arith.constant 3 : i32
        %swap3A_1611 = arith.index_cast %swap3A_1610 : i32 to index
        %swap3A_1612 = arith.index_cast %scan3A_1295 : i32 to index
        %swap3A_1613 = arith.constant 352 : index
        %swap3A_1614 = tpu.vector_load %arg8[%swap3A_1611, %swap3A_1612, %swap3A_1613] {strides = array<i32>} : memref<4x32x768xf32, #tpu.memory_space<vmem>>, vector<1x1x16xf32>,
        %swap3A_1615 = vector.shape_cast %swap3A_1614 : vector<1x1x16xf32> to vector<16xf32>
        %swap3A_1616 = vector.shape_cast %add3A_1609 : vector<16xf32> to vector<1x1x16xf32>
        tpu.vector_store %arg8[%swap3A_1611, %swap3A_1612, %swap3A_1613], %swap3A_1616 {strides = array<i32>} : memref<4x32x768xf32, #tpu.memory_space<vmem>>, vector<1x1x16xf32>,
        %get3A_1617 = arith.constant 3 : i32
        %get3A_1618 = arith.index_cast %get3A_1617 : i32 to index
        %get3A_1619 = arith.index_cast %scan3A_1295 : i32 to index
        %get3A_1620 = arith.constant 368 : index
        %get3A_1621 = tpu.vector_load %arg8[%get3A_1618, %get3A_1619, %get3A_1620] {strides = array<i32>} : memref<4x32x768xf32, #tpu.memory_space<vmem>>, vector<1x1x16xf32>,
        %get3A_1622 = vector.shape_cast %get3A_1621 : vector<1x1x16xf32> to vector<16xf32>
        %add3A_1623 = arith.addf %get3A_1622, %get3A_1131 : vector<16xf32>
        %swap3A_1624 = arith.constant 3 : i32
        %swap3A_1625 = arith.index_cast %swap3A_1624 : i32 to index
        %swap3A_1626 = arith.index_cast %scan3A_1295 : i32 to index
        %swap3A_1627 = arith.constant 368 : index
        %swap3A_1628 = tpu.vector_load %arg8[%swap3A_1625, %swap3A_1626, %swap3A_1627] {strides = array<i32>} : memref<4x32x768xf32, #tpu.memory_space<vmem>>, vector<1x1x16xf32>,
        %swap3A_1629 = vector.shape_cast %swap3A_1628 : vector<1x1x16xf32> to vector<16xf32>
        %swap3A_1630 = vector.shape_cast %add3A_1623 : vector<16xf32> to vector<1x1x16xf32>
        tpu.vector_store %arg8[%swap3A_1625, %swap3A_1626, %swap3A_1627], %swap3A_1630 {strides = array<i32>} : memref<4x32x768xf32, #tpu.memory_space<vmem>>, vector<1x1x16xf32>,
        %get3A_1631 = arith.constant 3 : i32
        %get3A_1632 = arith.index_cast %get3A_1631 : i32 to index
        %get3A_1633 = arith.index_cast %scan3A_1295 : i32 to index
        %get3A_1634 = arith.constant 384 : index
        %get3A_1635 = tpu.vector_load %arg8[%get3A_1632, %get3A_1633, %get3A_1634] {strides = array<i32>} : memref<4x32x768xf32, #tpu.memory_space<vmem>>, vector<1x1x16xf32>,
        %get3A_1636 = vector.shape_cast %get3A_1635 : vector<1x1x16xf32> to vector<16xf32>
        %add3A_1637 = arith.addf %get3A_1636, %get3A_1135 : vector<16xf32>
        %swap3A_1638 = arith.constant 3 : i32
        %swap3A_1639 = arith.index_cast %swap3A_1638 : i32 to index
        %swap3A_1640 = arith.index_cast %scan3A_1295 : i32 to index
        %swap3A_1641 = arith.constant 384 : index
        %swap3A_1642 = tpu.vector_load %arg8[%swap3A_1639, %swap3A_1640, %swap3A_1641] {strides = array<i32>} : memref<4x32x768xf32, #tpu.memory_space<vmem>>, vector<1x1x16xf32>,
        %swap3A_1643 = vector.shape_cast %swap3A_1642 : vector<1x1x16xf32> to vector<16xf32>
        %swap3A_1644 = vector.shape_cast %add3A_1637 : vector<16xf32> to vector<1x1x16xf32>
        tpu.vector_store %arg8[%swap3A_1639, %swap3A_1640, %swap3A_1641], %swap3A_1644 {strides = array<i32>} : memref<4x32x768xf32, #tpu.memory_space<vmem>>, vector<1x1x16xf32>,
        %get3A_1645 = arith.constant 3 : i32
        %get3A_1646 = arith.index_cast %get3A_1645 : i32 to index
        %get3A_1647 = arith.index_cast %scan3A_1295 : i32 to index
        %get3A_1648 = arith.constant 400 : index
        %get3A_1649 = tpu.vector_load %arg8[%get3A_1646, %get3A_1647, %get3A_1648] {strides = array<i32>} : memref<4x32x768xf32, #tpu.memory_space<vmem>>, vector<1x1x16xf32>,
        %get3A_1650 = vector.shape_cast %get3A_1649 : vector<1x1x16xf32> to vector<16xf32>
        %add3A_1651 = arith.addf %get3A_1650, %get3A_1139 : vector<16xf32>
        %swap3A_1652 = arith.constant 3 : i32
        %swap3A_1653 = arith.index_cast %swap3A_1652 : i32 to index
        %swap3A_1654 = arith.index_cast %scan3A_1295 : i32 to index
        %swap3A_1655 = arith.constant 400 : index
        %swap3A_1656 = tpu.vector_load %arg8[%swap3A_1653, %swap3A_1654, %swap3A_1655] {strides = array<i32>} : memref<4x32x768xf32, #tpu.memory_space<vmem>>, vector<1x1x16xf32>,
        %swap3A_1657 = vector.shape_cast %swap3A_1656 : vector<1x1x16xf32> to vector<16xf32>
        %swap3A_1658 = vector.shape_cast %add3A_1651 : vector<16xf32> to vector<1x1x16xf32>
        tpu.vector_store %arg8[%swap3A_1653, %swap3A_1654, %swap3A_1655], %swap3A_1658 {strides = array<i32>} : memref<4x32x768xf32, #tpu.memory_space<vmem>>, vector<1x1x16xf32>,
        %get3A_1659 = arith.constant 3 : i32
        %get3A_1660 = arith.index_cast %get3A_1659 : i32 to index
        %get3A_1661 = arith.index_cast %scan3A_1295 : i32 to index
        %get3A_1662 = arith.constant 416 : index
        %get3A_1663 = tpu.vector_load %arg8[%get3A_1660, %get3A_1661, %get3A_1662] {strides = array<i32>} : memref<4x32x768xf32, #tpu.memory_space<vmem>>, vector<1x1x16xf32>,
        %get3A_1664 = vector.shape_cast %get3A_1663 : vector<1x1x16xf32> to vector<16xf32>
        %add3A_1665 = arith.addf %get3A_1664, %get3A_1143 : vector<16xf32>
        %swap3A_1666 = arith.constant 3 : i32
        %swap3A_1667 = arith.index_cast %swap3A_1666 : i32 to index
        %swap3A_1668 = arith.index_cast %scan3A_1295 : i32 to index
        %swap3A_1669 = arith.constant 416 : index
        %swap3A_1670 = tpu.vector_load %arg8[%swap3A_1667, %swap3A_1668, %swap3A_1669] {strides = array<i32>} : memref<4x32x768xf32, #tpu.memory_space<vmem>>, vector<1x1x16xf32>,
        %swap3A_1671 = vector.shape_cast %swap3A_1670 : vector<1x1x16xf32> to vector<16xf32>
        %swap3A_1672 = vector.shape_cast %add3A_1665 : vector<16xf32> to vector<1x1x16xf32>
        tpu.vector_store %arg8[%swap3A_1667, %swap3A_1668, %swap3A_1669], %swap3A_1672 {strides = array<i32>} : memref<4x32x768xf32, #tpu.memory_space<vmem>>, vector<1x1x16xf32>,
        %get3A_1673 = arith.constant 3 : i32
        %get3A_1674 = arith.index_cast %get3A_1673 : i32 to index
        %get3A_1675 = arith.index_cast %scan3A_1295 : i32 to index
        %get3A_1676 = arith.constant 432 : index
        %get3A_1677 = tpu.vector_load %arg8[%get3A_1674, %get3A_1675, %get3A_1676] {strides = array<i32>} : memref<4x32x768xf32, #tpu.memory_space<vmem>>, vector<1x1x16xf32>,
        %get3A_1678 = vector.shape_cast %get3A_1677 : vector<1x1x16xf32> to vector<16xf32>
        %add3A_1679 = arith.addf %get3A_1678, %get3A_1147 : vector<16xf32>
        %swap3A_1680 = arith.constant 3 : i32
        %swap3A_1681 = arith.index_cast %swap3A_1680 : i32 to index
        %swap3A_1682 = arith.index_cast %scan3A_1295 : i32 to index
        %swap3A_1683 = arith.constant 432 : index
        %swap3A_1684 = tpu.vector_load %arg8[%swap3A_1681, %swap3A_1682, %swap3A_1683] {strides = array<i32>} : memref<4x32x768xf32, #tpu.memory_space<vmem>>, vector<1x1x16xf32>,
        %swap3A_1685 = vector.shape_cast %swap3A_1684 : vector<1x1x16xf32> to vector<16xf32>
        %swap3A_1686 = vector.shape_cast %add3A_1679 : vector<16xf32> to vector<1x1x16xf32>
        tpu.vector_store %arg8[%swap3A_1681, %swap3A_1682, %swap3A_1683], %swap3A_1686 {strides = array<i32>} : memref<4x32x768xf32, #tpu.memory_space<vmem>>, vector<1x1x16xf32>,
        %get3A_1687 = arith.constant 3 : i32
        %get3A_1688 = arith.index_cast %get3A_1687 : i32 to index
        %get3A_1689 = arith.index_cast %scan3A_1295 : i32 to index
        %get3A_1690 = arith.constant 448 : index
        %get3A_1691 = tpu.vector_load %arg8[%get3A_1688, %get3A_1689, %get3A_1690] {strides = array<i32>} : memref<4x32x768xf32, #tpu.memory_space<vmem>>, vector<1x1x16xf32>,
        %get3A_1692 = vector.shape_cast %get3A_1691 : vector<1x1x16xf32> to vector<16xf32>
        %add3A_1693 = arith.addf %get3A_1692, %get3A_1151 : vector<16xf32>
        %swap3A_1694 = arith.constant 3 : i32
        %swap3A_1695 = arith.index_cast %swap3A_1694 : i32 to index
        %swap3A_1696 = arith.index_cast %scan3A_1295 : i32 to index
        %swap3A_1697 = arith.constant 448 : index
        %swap3A_1698 = tpu.vector_load %arg8[%swap3A_1695, %swap3A_1696, %swap3A_1697] {strides = array<i32>} : memref<4x32x768xf32, #tpu.memory_space<vmem>>, vector<1x1x16xf32>,
        %swap3A_1699 = vector.shape_cast %swap3A_1698 : vector<1x1x16xf32> to vector<16xf32>
        %swap3A_1700 = vector.shape_cast %add3A_1693 : vector<16xf32> to vector<1x1x16xf32>
        tpu.vector_store %arg8[%swap3A_1695, %swap3A_1696, %swap3A_1697], %swap3A_1700 {strides = array<i32>} : memref<4x32x768xf32, #tpu.memory_space<vmem>>, vector<1x1x16xf32>,
        %get3A_1701 = arith.constant 3 : i32
        %get3A_1702 = arith.index_cast %get3A_1701 : i32 to index
        %get3A_1703 = arith.index_cast %scan3A_1295 : i32 to index
        %get3A_1704 = arith.constant 464 : index
        %get3A_1705 = tpu.vector_load %arg8[%get3A_1702, %get3A_1703, %get3A_1704] {strides = array<i32>} : memref<4x32x768xf32, #tpu.memory_space<vmem>>, vector<1x1x16xf32>,
        %get3A_1706 = vector.shape_cast %get3A_1705 : vector<1x1x16xf32> to vector<16xf32>
        %add3A_1707 = arith.addf %get3A_1706, %get3A_1155 : vector<16xf32>
        %swap3A_1708 = arith.constant 3 : i32
        %swap3A_1709 = arith.index_cast %swap3A_1708 : i32 to index
        %swap3A_1710 = arith.index_cast %scan3A_1295 : i32 to index
        %swap3A_1711 = arith.constant 464 : index
        %swap3A_1712 = tpu.vector_load %arg8[%swap3A_1709, %swap3A_1710, %swap3A_1711] {strides = array<i32>} : memref<4x32x768xf32, #tpu.memory_space<vmem>>, vector<1x1x16xf32>,
        %swap3A_1713 = vector.shape_cast %swap3A_1712 : vector<1x1x16xf32> to vector<16xf32>
        %swap3A_1714 = vector.shape_cast %add3A_1707 : vector<16xf32> to vector<1x1x16xf32>
        tpu.vector_store %arg8[%swap3A_1709, %swap3A_1710, %swap3A_1711], %swap3A_1714 {strides = array<i32>} : memref<4x32x768xf32, #tpu.memory_space<vmem>>, vector<1x1x16xf32>,
        %get3A_1715 = arith.constant 3 : i32
        %get3A_1716 = arith.index_cast %get3A_1715 : i32 to index
        %get3A_1717 = arith.index_cast %scan3A_1295 : i32 to index
        %get3A_1718 = arith.constant 480 : index
        %get3A_1719 = tpu.vector_load %arg8[%get3A_1716, %get3A_1717, %get3A_1718] {strides = array<i32>} : memref<4x32x768xf32, #tpu.memory_space<vmem>>, vector<1x1x16xf32>,
        %get3A_1720 = vector.shape_cast %get3A_1719 : vector<1x1x16xf32> to vector<16xf32>
        %add3A_1721 = arith.addf %get3A_1720, %get3A_1159 : vector<16xf32>
        %swap3A_1722 = arith.constant 3 : i32
        %swap3A_1723 = arith.index_cast %swap3A_1722 : i32 to index
        %swap3A_1724 = arith.index_cast %scan3A_1295 : i32 to index
        %swap3A_1725 = arith.constant 480 : index
        %swap3A_1726 = tpu.vector_load %arg8[%swap3A_1723, %swap3A_1724, %swap3A_1725] {strides = array<i32>} : memref<4x32x768xf32, #tpu.memory_space<vmem>>, vector<1x1x16xf32>,
        %swap3A_1727 = vector.shape_cast %swap3A_1726 : vector<1x1x16xf32> to vector<16xf32>
        %swap3A_1728 = vector.shape_cast %add3A_1721 : vector<16xf32> to vector<1x1x16xf32>
        tpu.vector_store %arg8[%swap3A_1723, %swap3A_1724, %swap3A_1725], %swap3A_1728 {strides = array<i32>} : memref<4x32x768xf32, #tpu.memory_space<vmem>>, vector<1x1x16xf32>,
        %get3A_1729 = arith.constant 3 : i32
        %get3A_1730 = arith.index_cast %get3A_1729 : i32 to index
        %get3A_1731 = arith.index_cast %scan3A_1295 : i32 to index
        %get3A_1732 = arith.constant 496 : index
        %get3A_1733 = tpu.vector_load %arg8[%get3A_1730, %get3A_1731, %get3A_1732] {strides = array<i32>} : memref<4x32x768xf32, #tpu.memory_space<vmem>>, vector<1x1x16xf32>,
        %get3A_1734 = vector.shape_cast %get3A_1733 : vector<1x1x16xf32> to vector<16xf32>
        %add3A_1735 = arith.addf %get3A_1734, %get3A_1163 : vector<16xf32>
        %swap3A_1736 = arith.constant 3 : i32
        %swap3A_1737 = arith.index_cast %swap3A_1736 : i32 to index
        %swap3A_1738 = arith.index_cast %scan3A_1295 : i32 to index
        %swap3A_1739 = arith.constant 496 : index
        %swap3A_1740 = tpu.vector_load %arg8[%swap3A_1737, %swap3A_1738, %swap3A_1739] {strides = array<i32>} : memref<4x32x768xf32, #tpu.memory_space<vmem>>, vector<1x1x16xf32>,
        %swap3A_1741 = vector.shape_cast %swap3A_1740 : vector<1x1x16xf32> to vector<16xf32>
        %swap3A_1742 = vector.shape_cast %add3A_1735 : vector<16xf32> to vector<1x1x16xf32>
        tpu.vector_store %arg8[%swap3A_1737, %swap3A_1738, %swap3A_1739], %swap3A_1742 {strides = array<i32>} : memref<4x32x768xf32, #tpu.memory_space<vmem>>, vector<1x1x16xf32>,
        %get3A_1743 = arith.constant 3 : i32
        %get3A_1744 = arith.index_cast %get3A_1743 : i32 to index
        %get3A_1745 = arith.index_cast %scan3A_1295 : i32 to index
        %get3A_1746 = arith.constant 512 : index
        %get3A_1747 = tpu.vector_load %arg8[%get3A_1744, %get3A_1745, %get3A_1746] {strides = array<i32>} : memref<4x32x768xf32, #tpu.memory_space<vmem>>, vector<1x1x16xf32>,
        %get3A_1748 = vector.shape_cast %get3A_1747 : vector<1x1x16xf32> to vector<16xf32>
        %add3A_1749 = arith.addf %get3A_1748, %get3A_1167 : vector<16xf32>
        %swap3A_1750 = arith.constant 3 : i32
        %swap3A_1751 = arith.index_cast %swap3A_1750 : i32 to index
        %swap3A_1752 = arith.index_cast %scan3A_1295 : i32 to index
        %swap3A_1753 = arith.constant 512 : index
        %swap3A_1754 = tpu.vector_load %arg8[%swap3A_1751, %swap3A_1752, %swap3A_1753] {strides = array<i32>} : memref<4x32x768xf32, #tpu.memory_space<vmem>>, vector<1x1x16xf32>,
        %swap3A_1755 = vector.shape_cast %swap3A_1754 : vector<1x1x16xf32> to vector<16xf32>
        %swap3A_1756 = vector.shape_cast %add3A_1749 : vector<16xf32> to vector<1x1x16xf32>
        tpu.vector_store %arg8[%swap3A_1751, %swap3A_1752, %swap3A_1753], %swap3A_1756 {strides = array<i32>} : memref<4x32x768xf32, #tpu.memory_space<vmem>>, vector<1x1x16xf32>,
        %get3A_1757 = arith.constant 3 : i32
        %get3A_1758 = arith.index_cast %get3A_1757 : i32 to index
        %get3A_1759 = arith.index_cast %scan3A_1295 : i32 to index
        %get3A_1760 = arith.constant 528 : index
        %get3A_1761 = tpu.vector_load %arg8[%get3A_1758, %get3A_1759, %get3A_1760] {strides = array<i32>} : memref<4x32x768xf32, #tpu.memory_space<vmem>>, vector<1x1x16xf32>,
        %get3A_1762 = vector.shape_cast %get3A_1761 : vector<1x1x16xf32> to vector<16xf32>
        %add3A_1763 = arith.addf %get3A_1762, %get3A_1171 : vector<16xf32>
        %swap3A_1764 = arith.constant 3 : i32
        %swap3A_1765 = arith.index_cast %swap3A_1764 : i32 to index
        %swap3A_1766 = arith.index_cast %scan3A_1295 : i32 to index
        %swap3A_1767 = arith.constant 528 : index
        %swap3A_1768 = tpu.vector_load %arg8[%swap3A_1765, %swap3A_1766, %swap3A_1767] {strides = array<i32>} : memref<4x32x768xf32, #tpu.memory_space<vmem>>, vector<1x1x16xf32>,
        %swap3A_1769 = vector.shape_cast %swap3A_1768 : vector<1x1x16xf32> to vector<16xf32>
        %swap3A_1770 = vector.shape_cast %add3A_1763 : vector<16xf32> to vector<1x1x16xf32>
        tpu.vector_store %arg8[%swap3A_1765, %swap3A_1766, %swap3A_1767], %swap3A_1770 {strides = array<i32>} : memref<4x32x768xf32, #tpu.memory_space<vmem>>, vector<1x1x16xf32>,
        %get3A_1771 = arith.constant 3 : i32
        %get3A_1772 = arith.index_cast %get3A_1771 : i32 to index
        %get3A_1773 = arith.index_cast %scan3A_1295 : i32 to index
        %get3A_1774 = arith.constant 544 : index
        %get3A_1775 = tpu.vector_load %arg8[%get3A_1772, %get3A_1773, %get3A_1774] {strides = array<i32>} : memref<4x32x768xf32, #tpu.memory_space<vmem>>, vector<1x1x16xf32>,
        %get3A_1776 = vector.shape_cast %get3A_1775 : vector<1x1x16xf32> to vector<16xf32>
        %add3A_1777 = arith.addf %get3A_1776, %get3A_1175 : vector<16xf32>
        %swap3A_1778 = arith.constant 3 : i32
        %swap3A_1779 = arith.index_cast %swap3A_1778 : i32 to index
        %swap3A_1780 = arith.index_cast %scan3A_1295 : i32 to index
        %swap3A_1781 = arith.constant 544 : index
        %swap3A_1782 = tpu.vector_load %arg8[%swap3A_1779, %swap3A_1780, %swap3A_1781] {strides = array<i32>} : memref<4x32x768xf32, #tpu.memory_space<vmem>>, vector<1x1x16xf32>,
        %swap3A_1783 = vector.shape_cast %swap3A_1782 : vector<1x1x16xf32> to vector<16xf32>
        %swap3A_1784 = vector.shape_cast %add3A_1777 : vector<16xf32> to vector<1x1x16xf32>
        tpu.vector_store %arg8[%swap3A_1779, %swap3A_1780, %swap3A_1781], %swap3A_1784 {strides = array<i32>} : memref<4x32x768xf32, #tpu.memory_space<vmem>>, vector<1x1x16xf32>,
        %get3A_1785 = arith.constant 3 : i32
        %get3A_1786 = arith.index_cast %get3A_1785 : i32 to index
        %get3A_1787 = arith.index_cast %scan3A_1295 : i32 to index
        %get3A_1788 = arith.constant 560 : index
        %get3A_1789 = tpu.vector_load %arg8[%get3A_1786, %get3A_1787, %get3A_1788] {strides = array<i32>} : memref<4x32x768xf32, #tpu.memory_space<vmem>>, vector<1x1x16xf32>,
        %get3A_1790 = vector.shape_cast %get3A_1789 : vector<1x1x16xf32> to vector<16xf32>
        %add3A_1791 = arith.addf %get3A_1790, %get3A_1179 : vector<16xf32>
        %swap3A_1792 = arith.constant 3 : i32
        %swap3A_1793 = arith.index_cast %swap3A_1792 : i32 to index
        %swap3A_1794 = arith.index_cast %scan3A_1295 : i32 to index
        %swap3A_1795 = arith.constant 560 : index
        %swap3A_1796 = tpu.vector_load %arg8[%swap3A_1793, %swap3A_1794, %swap3A_1795] {strides = array<i32>} : memref<4x32x768xf32, #tpu.memory_space<vmem>>, vector<1x1x16xf32>,
        %swap3A_1797 = vector.shape_cast %swap3A_1796 : vector<1x1x16xf32> to vector<16xf32>
        %swap3A_1798 = vector.shape_cast %add3A_1791 : vector<16xf32> to vector<1x1x16xf32>
        tpu.vector_store %arg8[%swap3A_1793, %swap3A_1794, %swap3A_1795], %swap3A_1798 {strides = array<i32>} : memref<4x32x768xf32, #tpu.memory_space<vmem>>, vector<1x1x16xf32>,
        %get3A_1799 = arith.constant 3 : i32
        %get3A_1800 = arith.index_cast %get3A_1799 : i32 to index
        %get3A_1801 = arith.index_cast %scan3A_1295 : i32 to index
        %get3A_1802 = arith.constant 576 : index
        %get3A_1803 = tpu.vector_load %arg8[%get3A_1800, %get3A_1801, %get3A_1802] {strides = array<i32>} : memref<4x32x768xf32, #tpu.memory_space<vmem>>, vector<1x1x16xf32>,
        %get3A_1804 = vector.shape_cast %get3A_1803 : vector<1x1x16xf32> to vector<16xf32>
        %add3A_1805 = arith.addf %get3A_1804, %get3A_1183 : vector<16xf32>
        %swap3A_1806 = arith.constant 3 : i32
        %swap3A_1807 = arith.index_cast %swap3A_1806 : i32 to index
        %swap3A_1808 = arith.index_cast %scan3A_1295 : i32 to index
        %swap3A_1809 = arith.constant 576 : index
        %swap3A_1810 = tpu.vector_load %arg8[%swap3A_1807, %swap3A_1808, %swap3A_1809] {strides = array<i32>} : memref<4x32x768xf32, #tpu.memory_space<vmem>>, vector<1x1x16xf32>,
        %swap3A_1811 = vector.shape_cast %swap3A_1810 : vector<1x1x16xf32> to vector<16xf32>
        %swap3A_1812 = vector.shape_cast %add3A_1805 : vector<16xf32> to vector<1x1x16xf32>
        tpu.vector_store %arg8[%swap3A_1807, %swap3A_1808, %swap3A_1809], %swap3A_1812 {strides = array<i32>} : memref<4x32x768xf32, #tpu.memory_space<vmem>>, vector<1x1x16xf32>,
        %get3A_1813 = arith.constant 3 : i32
        %get3A_1814 = arith.index_cast %get3A_1813 : i32 to index
        %get3A_1815 = arith.index_cast %scan3A_1295 : i32 to index
        %get3A_1816 = arith.constant 592 : index
        %get3A_1817 = tpu.vector_load %arg8[%get3A_1814, %get3A_1815, %get3A_1816] {strides = array<i32>} : memref<4x32x768xf32, #tpu.memory_space<vmem>>, vector<1x1x16xf32>,
        %get3A_1818 = vector.shape_cast %get3A_1817 : vector<1x1x16xf32> to vector<16xf32>
        %add3A_1819 = arith.addf %get3A_1818, %get3A_1187 : vector<16xf32>
        %swap3A_1820 = arith.constant 3 : i32
        %swap3A_1821 = arith.index_cast %swap3A_1820 : i32 to index
        %swap3A_1822 = arith.index_cast %scan3A_1295 : i32 to index
        %swap3A_1823 = arith.constant 592 : index
        %swap3A_1824 = tpu.vector_load %arg8[%swap3A_1821, %swap3A_1822, %swap3A_1823] {strides = array<i32>} : memref<4x32x768xf32, #tpu.memory_space<vmem>>, vector<1x1x16xf32>,
        %swap3A_1825 = vector.shape_cast %swap3A_1824 : vector<1x1x16xf32> to vector<16xf32>
        %swap3A_1826 = vector.shape_cast %add3A_1819 : vector<16xf32> to vector<1x1x16xf32>
        tpu.vector_store %arg8[%swap3A_1821, %swap3A_1822, %swap3A_1823], %swap3A_1826 {strides = array<i32>} : memref<4x32x768xf32, #tpu.memory_space<vmem>>, vector<1x1x16xf32>,
        %get3A_1827 = arith.constant 3 : i32
        %get3A_1828 = arith.index_cast %get3A_1827 : i32 to index
        %get3A_1829 = arith.index_cast %scan3A_1295 : i32 to index
        %get3A_1830 = arith.constant 608 : index
        %get3A_1831 = tpu.vector_load %arg8[%get3A_1828, %get3A_1829, %get3A_1830] {strides = array<i32>} : memref<4x32x768xf32, #tpu.memory_space<vmem>>, vector<1x1x16xf32>,
        %get3A_1832 = vector.shape_cast %get3A_1831 : vector<1x1x16xf32> to vector<16xf32>
        %add3A_1833 = arith.addf %get3A_1832, %get3A_1191 : vector<16xf32>
        %swap3A_1834 = arith.constant 3 : i32
        %swap3A_1835 = arith.index_cast %swap3A_1834 : i32 to index
        %swap3A_1836 = arith.index_cast %scan3A_1295 : i32 to index
        %swap3A_1837 = arith.constant 608 : index
        %swap3A_1838 = tpu.vector_load %arg8[%swap3A_1835, %swap3A_1836, %swap3A_1837] {strides = array<i32>} : memref<4x32x768xf32, #tpu.memory_space<vmem>>, vector<1x1x16xf32>,
        %swap3A_1839 = vector.shape_cast %swap3A_1838 : vector<1x1x16xf32> to vector<16xf32>
        %swap3A_1840 = vector.shape_cast %add3A_1833 : vector<16xf32> to vector<1x1x16xf32>
        tpu.vector_store %arg8[%swap3A_1835, %swap3A_1836, %swap3A_1837], %swap3A_1840 {strides = array<i32>} : memref<4x32x768xf32, #tpu.memory_space<vmem>>, vector<1x1x16xf32>,
        %get3A_1841 = arith.constant 3 : i32
        %get3A_1842 = arith.index_cast %get3A_1841 : i32 to index
        %get3A_1843 = arith.index_cast %scan3A_1295 : i32 to index
        %get3A_1844 = arith.constant 624 : index
        %get3A_1845 = tpu.vector_load %arg8[%get3A_1842, %get3A_1843, %get3A_1844] {strides = array<i32>} : memref<4x32x768xf32, #tpu.memory_space<vmem>>, vector<1x1x16xf32>,
        %get3A_1846 = vector.shape_cast %get3A_1845 : vector<1x1x16xf32> to vector<16xf32>
        %add3A_1847 = arith.addf %get3A_1846, %get3A_1195 : vector<16xf32>
        %swap3A_1848 = arith.constant 3 : i32
        %swap3A_1849 = arith.index_cast %swap3A_1848 : i32 to index
        %swap3A_1850 = arith.index_cast %scan3A_1295 : i32 to index
        %swap3A_1851 = arith.constant 624 : index
        %swap3A_1852 = tpu.vector_load %arg8[%swap3A_1849, %swap3A_1850, %swap3A_1851] {strides = array<i32>} : memref<4x32x768xf32, #tpu.memory_space<vmem>>, vector<1x1x16xf32>,
        %swap3A_1853 = vector.shape_cast %swap3A_1852 : vector<1x1x16xf32> to vector<16xf32>
        %swap3A_1854 = vector.shape_cast %add3A_1847 : vector<16xf32> to vector<1x1x16xf32>
        tpu.vector_store %arg8[%swap3A_1849, %swap3A_1850, %swap3A_1851], %swap3A_1854 {strides = array<i32>} : memref<4x32x768xf32, #tpu.memory_space<vmem>>, vector<1x1x16xf32>,
        %get3A_1855 = arith.constant 3 : i32
        %get3A_1856 = arith.index_cast %get3A_1855 : i32 to index
        %get3A_1857 = arith.index_cast %scan3A_1295 : i32 to index
        %get3A_1858 = arith.constant 640 : index
        %get3A_1859 = tpu.vector_load %arg8[%get3A_1856, %get3A_1857, %get3A_1858] {strides = array<i32>} : memref<4x32x768xf32, #tpu.memory_space<vmem>>, vector<1x1x16xf32>,
        %get3A_1860 = vector.shape_cast %get3A_1859 : vector<1x1x16xf32> to vector<16xf32>
        %add3A_1861 = arith.addf %get3A_1860, %get3A_1199 : vector<16xf32>
        %swap3A_1862 = arith.constant 3 : i32
        %swap3A_1863 = arith.index_cast %swap3A_1862 : i32 to index
        %swap3A_1864 = arith.index_cast %scan3A_1295 : i32 to index
        %swap3A_1865 = arith.constant 640 : index
        %swap3A_1866 = tpu.vector_load %arg8[%swap3A_1863, %swap3A_1864, %swap3A_1865] {strides = array<i32>} : memref<4x32x768xf32, #tpu.memory_space<vmem>>, vector<1x1x16xf32>,
        %swap3A_1867 = vector.shape_cast %swap3A_1866 : vector<1x1x16xf32> to vector<16xf32>
        %swap3A_1868 = vector.shape_cast %add3A_1861 : vector<16xf32> to vector<1x1x16xf32>
        tpu.vector_store %arg8[%swap3A_1863, %swap3A_1864, %swap3A_1865], %swap3A_1868 {strides = array<i32>} : memref<4x32x768xf32, #tpu.memory_space<vmem>>, vector<1x1x16xf32>,
        %get3A_1869 = arith.constant 3 : i32
        %get3A_1870 = arith.index_cast %get3A_1869 : i32 to index
        %get3A_1871 = arith.index_cast %scan3A_1295 : i32 to index
        %get3A_1872 = arith.constant 656 : index
        %get3A_1873 = tpu.vector_load %arg8[%get3A_1870, %get3A_1871, %get3A_1872] {strides = array<i32>} : memref<4x32x768xf32, #tpu.memory_space<vmem>>, vector<1x1x16xf32>,
        %get3A_1874 = vector.shape_cast %get3A_1873 : vector<1x1x16xf32> to vector<16xf32>
        %add3A_1875 = arith.addf %get3A_1874, %get3A_1203 : vector<16xf32>
        %swap3A_1876 = arith.constant 3 : i32
        %swap3A_1877 = arith.index_cast %swap3A_1876 : i32 to index
        %swap3A_1878 = arith.index_cast %scan3A_1295 : i32 to index
        %swap3A_1879 = arith.constant 656 : index
        %swap3A_1880 = tpu.vector_load %arg8[%swap3A_1877, %swap3A_1878, %swap3A_1879] {strides = array<i32>} : memref<4x32x768xf32, #tpu.memory_space<vmem>>, vector<1x1x16xf32>,
        %swap3A_1881 = vector.shape_cast %swap3A_1880 : vector<1x1x16xf32> to vector<16xf32>
        %swap3A_1882 = vector.shape_cast %add3A_1875 : vector<16xf32> to vector<1x1x16xf32>
        tpu.vector_store %arg8[%swap3A_1877, %swap3A_1878, %swap3A_1879], %swap3A_1882 {strides = array<i32>} : memref<4x32x768xf32, #tpu.memory_space<vmem>>, vector<1x1x16xf32>,
        %get3A_1883 = arith.constant 3 : i32
        %get3A_1884 = arith.index_cast %get3A_1883 : i32 to index
        %get3A_1885 = arith.index_cast %scan3A_1295 : i32 to index
        %get3A_1886 = arith.constant 672 : index
        %get3A_1887 = tpu.vector_load %arg8[%get3A_1884, %get3A_1885, %get3A_1886] {strides = array<i32>} : memref<4x32x768xf32, #tpu.memory_space<vmem>>, vector<1x1x16xf32>,
        %get3A_1888 = vector.shape_cast %get3A_1887 : vector<1x1x16xf32> to vector<16xf32>
        %add3A_1889 = arith.addf %get3A_1888, %get3A_1207 : vector<16xf32>
        %swap3A_1890 = arith.constant 3 : i32
        %swap3A_1891 = arith.index_cast %swap3A_1890 : i32 to index
        %swap3A_1892 = arith.index_cast %scan3A_1295 : i32 to index
        %swap3A_1893 = arith.constant 672 : index
        %swap3A_1894 = tpu.vector_load %arg8[%swap3A_1891, %swap3A_1892, %swap3A_1893] {strides = array<i32>} : memref<4x32x768xf32, #tpu.memory_space<vmem>>, vector<1x1x16xf32>,
        %swap3A_1895 = vector.shape_cast %swap3A_1894 : vector<1x1x16xf32> to vector<16xf32>
        %swap3A_1896 = vector.shape_cast %add3A_1889 : vector<16xf32> to vector<1x1x16xf32>
        tpu.vector_store %arg8[%swap3A_1891, %swap3A_1892, %swap3A_1893], %swap3A_1896 {strides = array<i32>} : memref<4x32x768xf32, #tpu.memory_space<vmem>>, vector<1x1x16xf32>,
        %get3A_1897 = arith.constant 3 : i32
        %get3A_1898 = arith.index_cast %get3A_1897 : i32 to index
        %get3A_1899 = arith.index_cast %scan3A_1295 : i32 to index
        %get3A_1900 = arith.constant 688 : index
        %get3A_1901 = tpu.vector_load %arg8[%get3A_1898, %get3A_1899, %get3A_1900] {strides = array<i32>} : memref<4x32x768xf32, #tpu.memory_space<vmem>>, vector<1x1x16xf32>,
        %get3A_1902 = vector.shape_cast %get3A_1901 : vector<1x1x16xf32> to vector<16xf32>
        %add3A_1903 = arith.addf %get3A_1902, %get3A_1211 : vector<16xf32>
        %swap3A_1904 = arith.constant 3 : i32
        %swap3A_1905 = arith.index_cast %swap3A_1904 : i32 to index
        %swap3A_1906 = arith.index_cast %scan3A_1295 : i32 to index
        %swap3A_1907 = arith.constant 688 : index
        %swap3A_1908 = tpu.vector_load %arg8[%swap3A_1905, %swap3A_1906, %swap3A_1907] {strides = array<i32>} : memref<4x32x768xf32, #tpu.memory_space<vmem>>, vector<1x1x16xf32>,
        %swap3A_1909 = vector.shape_cast %swap3A_1908 : vector<1x1x16xf32> to vector<16xf32>
        %swap3A_1910 = vector.shape_cast %add3A_1903 : vector<16xf32> to vector<1x1x16xf32>
        tpu.vector_store %arg8[%swap3A_1905, %swap3A_1906, %swap3A_1907], %swap3A_1910 {strides = array<i32>} : memref<4x32x768xf32, #tpu.memory_space<vmem>>, vector<1x1x16xf32>,
        %get3A_1911 = arith.constant 3 : i32
        %get3A_1912 = arith.index_cast %get3A_1911 : i32 to index
        %get3A_1913 = arith.index_cast %scan3A_1295 : i32 to index
        %get3A_1914 = arith.constant 704 : index
        %get3A_1915 = tpu.vector_load %arg8[%get3A_1912, %get3A_1913, %get3A_1914] {strides = array<i32>} : memref<4x32x768xf32, #tpu.memory_space<vmem>>, vector<1x1x16xf32>,
        %get3A_1916 = vector.shape_cast %get3A_1915 : vector<1x1x16xf32> to vector<16xf32>
        %add3A_1917 = arith.addf %get3A_1916, %get3A_1215 : vector<16xf32>
        %swap3A_1918 = arith.constant 3 : i32
        %swap3A_1919 = arith.index_cast %swap3A_1918 : i32 to index
        %swap3A_1920 = arith.index_cast %scan3A_1295 : i32 to index
        %swap3A_1921 = arith.constant 704 : index
        %swap3A_1922 = tpu.vector_load %arg8[%swap3A_1919, %swap3A_1920, %swap3A_1921] {strides = array<i32>} : memref<4x32x768xf32, #tpu.memory_space<vmem>>, vector<1x1x16xf32>,
        %swap3A_1923 = vector.shape_cast %swap3A_1922 : vector<1x1x16xf32> to vector<16xf32>
        %swap3A_1924 = vector.shape_cast %add3A_1917 : vector<16xf32> to vector<1x1x16xf32>
        tpu.vector_store %arg8[%swap3A_1919, %swap3A_1920, %swap3A_1921], %swap3A_1924 {strides = array<i32>} : memref<4x32x768xf32, #tpu.memory_space<vmem>>, vector<1x1x16xf32>,
        %get3A_1925 = arith.constant 3 : i32
        %get3A_1926 = arith.index_cast %get3A_1925 : i32 to index
        %get3A_1927 = arith.index_cast %scan3A_1295 : i32 to index
        %get3A_1928 = arith.constant 720 : index
        %get3A_1929 = tpu.vector_load %arg8[%get3A_1926, %get3A_1927, %get3A_1928] {strides = array<i32>} : memref<4x32x768xf32, #tpu.memory_space<vmem>>, vector<1x1x16xf32>,
        %get3A_1930 = vector.shape_cast %get3A_1929 : vector<1x1x16xf32> to vector<16xf32>
        %add3A_1931 = arith.addf %get3A_1930, %get3A_1219 : vector<16xf32>
        %swap3A_1932 = arith.constant 3 : i32
        %swap3A_1933 = arith.index_cast %swap3A_1932 : i32 to index
        %swap3A_1934 = arith.index_cast %scan3A_1295 : i32 to index
        %swap3A_1935 = arith.constant 720 : index
        %swap3A_1936 = tpu.vector_load %arg8[%swap3A_1933, %swap3A_1934, %swap3A_1935] {strides = array<i32>} : memref<4x32x768xf32, #tpu.memory_space<vmem>>, vector<1x1x16xf32>,
        %swap3A_1937 = vector.shape_cast %swap3A_1936 : vector<1x1x16xf32> to vector<16xf32>
        %swap3A_1938 = vector.shape_cast %add3A_1931 : vector<16xf32> to vector<1x1x16xf32>
        tpu.vector_store %arg8[%swap3A_1933, %swap3A_1934, %swap3A_1935], %swap3A_1938 {strides = array<i32>} : memref<4x32x768xf32, #tpu.memory_space<vmem>>, vector<1x1x16xf32>,
        %get3A_1939 = arith.constant 3 : i32
        %get3A_1940 = arith.index_cast %get3A_1939 : i32 to index
        %get3A_1941 = arith.index_cast %scan3A_1295 : i32 to index
        %get3A_1942 = arith.constant 736 : index
        %get3A_1943 = tpu.vector_load %arg8[%get3A_1940, %get3A_1941, %get3A_1942] {strides = array<i32>} : memref<4x32x768xf32, #tpu.memory_space<vmem>>, vector<1x1x16xf32>,
        %get3A_1944 = vector.shape_cast %get3A_1943 : vector<1x1x16xf32> to vector<16xf32>
        %add3A_1945 = arith.addf %get3A_1944, %get3A_1223 : vector<16xf32>
        %swap3A_1946 = arith.constant 3 : i32
        %swap3A_1947 = arith.index_cast %swap3A_1946 : i32 to index
        %swap3A_1948 = arith.index_cast %scan3A_1295 : i32 to index
        %swap3A_1949 = arith.constant 736 : index
        %swap3A_1950 = tpu.vector_load %arg8[%swap3A_1947, %swap3A_1948, %swap3A_1949] {strides = array<i32>} : memref<4x32x768xf32, #tpu.memory_space<vmem>>, vector<1x1x16xf32>,
        %swap3A_1951 = vector.shape_cast %swap3A_1950 : vector<1x1x16xf32> to vector<16xf32>
        %swap3A_1952 = vector.shape_cast %add3A_1945 : vector<16xf32> to vector<1x1x16xf32>
        tpu.vector_store %arg8[%swap3A_1947, %swap3A_1948, %swap3A_1949], %swap3A_1952 {strides = array<i32>} : memref<4x32x768xf32, #tpu.memory_space<vmem>>, vector<1x1x16xf32>,
        %get3A_1953 = arith.constant 3 : i32
        %get3A_1954 = arith.index_cast %get3A_1953 : i32 to index
        %get3A_1955 = arith.index_cast %scan3A_1295 : i32 to index
        %get3A_1956 = arith.constant 752 : index
        %get3A_1957 = tpu.vector_load %arg8[%get3A_1954, %get3A_1955, %get3A_1956] {strides = array<i32>} : memref<4x32x768xf32, #tpu.memory_space<vmem>>, vector<1x1x16xf32>,
        %get3A_1958 = vector.shape_cast %get3A_1957 : vector<1x1x16xf32> to vector<16xf32>
        %add3A_1959 = arith.addf %get3A_1958, %get3A_1227 : vector<16xf32>
        %swap3A_1960 = arith.constant 3 : i32
        %swap3A_1961 = arith.index_cast %swap3A_1960 : i32 to index
        %swap3A_1962 = arith.index_cast %scan3A_1295 : i32 to index
        %swap3A_1963 = arith.constant 752 : index
        %swap3A_1964 = tpu.vector_load %arg8[%swap3A_1961, %swap3A_1962, %swap3A_1963] {strides = array<i32>} : memref<4x32x768xf32, #tpu.memory_space<vmem>>, vector<1x1x16xf32>,
        %swap3A_1965 = vector.shape_cast %swap3A_1964 : vector<1x1x16xf32> to vector<16xf32>
        %swap3A_1966 = vector.shape_cast %add3A_1959 : vector<16xf32> to vector<1x1x16xf32>
        tpu.vector_store %arg8[%swap3A_1961, %swap3A_1962, %swap3A_1963], %swap3A_1966 {strides = array<i32>} : memref<4x32x768xf32, #tpu.memory_space<vmem>>, vector<1x1x16xf32>,
      }
      %scan3A_1233 = arith.constant 32 : i32
      %mul3A_1234 = arith.constant 4 : i32
      %mul3A_1235 = arith.muli %add3A, %mul3A_1234 : i32
      %add3A_1236 = arith.addi %mul3A_1235, %select_n3A_1035 : i32
      %jit3A_1237 = arith.constant 32 : i32
      %eq3A_1238 = arith.constant 0 : i32
      %eq3A_1239 = arith.cmpi eq, %jit3A_1237, %eq3A_1238 : i32
      %jit3A_1240 = arith.constant 1 : i32
      %select_n3A_1241 = arith.select %eq3A_1239, %jit3A_1240, %jit3A_1237 : i32
      %rem3A_1242 = arith.remsi %add3A_984, %select_n3A_1241 : i32
      %ne3A_1243 = arith.constant 0 : i32
      %ne3A_1244 = arith.cmpi ne, %rem3A_1242, %ne3A_1243 : i32
      %lt3A_1245 = arith.constant 0 : i32
      %lt3A_1246 = arith.cmpi slt, %rem3A_1242, %lt3A_1245 : i32
      %lt3A_1247 = arith.constant 0 : i32
      %lt3A_1248 = arith.cmpi slt, %select_n3A_1241, %lt3A_1247 : i32
      %ne3A_1249 = arith.xori %lt3A_1246, %lt3A_1248 : i1
      %and3A_1250 = arith.andi %ne3A_1249, %ne3A_1244 : i1
      %add3A_1251 = arith.addi %rem3A_1242, %select_n3A_1241 : i32
      %select_n3A_1252 = arith.select %and3A_1250, %add3A_1251, %rem3A_1242 : i32
      %mul3A_1253 = arith.constant 32 : i32
      %mul3A_1254 = arith.muli %select_n3A_1252, %mul3A_1253 : i32
      %add3A_1255 = arith.constant 0 : i32
      %add3A_1256 = arith.addi %mul3A_1254, %add3A_1255 : i32
      %add3A_1257 = vector.broadcast %add3A_1256 : i32 to vector<16xi32>
      %add3A_1258 = arith.addi %iota3A, %add3A_1257 : vector<16xi32>
      %mul3A_1259 = arith.constant 128 : i32
      %mul3A_1260 = vector.broadcast %mul3A_1259 : i32 to vector<16xi32>
      %mul3A_1261 = arith.muli %add3A_1258, %mul3A_1260 : vector<16xi32>
      %add3A_1262 = vector.broadcast %add3A_1236 : i32 to vector<16xi32>
      %add3A_1263 = arith.addi %mul3A_1261, %add3A_1262 : vector<16xi32>
      %dma_start3A_1264 = arith.constant 3 : i32
      %dma_start3A_1265 = arith.constant 0 : i32
      %dma_start3A_1266 = arith.constant 0 : i32
      %dma_start3A_1267 = tpu.memref_slice %arg8[%dma_start3A_1264, %dma_start3A_1265, %dma_start3A_1266] : memref<4x32x768xf32, #tpu.memory_space<vmem>> -> memref<1x32x768xf32, #tpu.memory_space<vmem>>
      %dma_start3A_1268 = tpu.memref_squeeze %dma_start3A_1267 : memref<1x32x768xf32, #tpu.memory_space<vmem>> -> memref<32x768xf32, #tpu.memory_space<vmem>>
      %dma_start3A_1269 = arith.constant 0 : i32
      %dma_start3A_1270 = arith.constant 0 : i32
      %dma_start3A_1271 = tpu.memref_slice %dma_start3A_1268[%dma_start3A_1269, %dma_start3A_1270] : memref<32x768xf32, #tpu.memory_space<vmem>> -> memref<16x768xf32, #tpu.memory_space<vmem>>
      %dma_start3A_1272 = arith.constant 0 : i32
      %dma_start3A_1273 = arith.constant 0 : i32
      %dma_start3A_1274 = tpu.memref_slice %arg5[%dma_start3A_1272, %dma_start3A_1273] : memref<131072x768xf32, #tpu.memory_space<hbm>> -> memref<131072x768xf32, #tpu.memory_space<hbm>>
      tpu.enqueue_indirect_dma source(%dma_start3A_1271 : memref<16x768xf32, #tpu.memory_space<vmem>>) target(%dma_start3A_1274 : memref<131072x768xf32, #tpu.memory_space<hbm>>) offsets(%add3A_1263 : vector<16xi32>) semaphore(%arg10 : memref<!tpu.dma_semaphore, #tpu.memory_space<semaphore_mem>>)
      %add3A_1275 = arith.constant 16 : i32
      %add3A_1276 = arith.addi %mul3A_1254, %add3A_1275 : i32
      %add3A_1277 = vector.broadcast %add3A_1276 : i32 to vector<16xi32>
      %add3A_1278 = arith.addi %iota3A, %add3A_1277 : vector<16xi32>
      %mul3A_1279 = arith.constant 128 : i32
      %mul3A_1280 = vector.broadcast %mul3A_1279 : i32 to vector<16xi32>
      %mul3A_1281 = arith.muli %add3A_1278, %mul3A_1280 : vector<16xi32>
      %add3A_1282 = vector.broadcast %add3A_1236 : i32 to vector<16xi32>
      %add3A_1283 = arith.addi %mul3A_1281, %add3A_1282 : vector<16xi32>
      %dma_start3A_1284 = arith.constant 3 : i32
      %dma_start3A_1285 = arith.constant 0 : i32
      %dma_start3A_1286 = arith.constant 0 : i32
      %dma_start3A_1287 = tpu.memref_slice %arg8[%dma_start3A_1284, %dma_start3A_1285, %dma_start3A_1286] : memref<4x32x768xf32, #tpu.memory_space<vmem>> -> memref<1x32x768xf32, #tpu.memory_space<vmem>>
      %dma_start3A_1288 = tpu.memref_squeeze %dma_start3A_1287 : memref<1x32x768xf32, #tpu.memory_space<vmem>> -> memref<32x768xf32, #tpu.memory_space<vmem>>
      %dma_start3A_1289 = arith.constant 16 : i32
      %dma_start3A_1290 = arith.constant 0 : i32
      %dma_start3A_1291 = tpu.memref_slice %dma_start3A_1288[%dma_start3A_1289, %dma_start3A_1290] : memref<32x768xf32, #tpu.memory_space<vmem>> -> memref<16x768xf32, #tpu.memory_space<vmem>>
      %dma_start3A_1292 = arith.constant 0 : i32
      %dma_start3A_1293 = arith.constant 0 : i32
      %dma_start3A_1294 = tpu.memref_slice %arg5[%dma_start3A_1292, %dma_start3A_1293] : memref<131072x768xf32, #tpu.memory_space<hbm>> -> memref<131072x768xf32, #tpu.memory_space<hbm>>
      tpu.enqueue_indirect_dma source(%dma_start3A_1291 : memref<16x768xf32, #tpu.memory_space<vmem>>) target(%dma_start3A_1294 : memref<131072x768xf32, #tpu.memory_space<hbm>>) offsets(%add3A_1283 : vector<16xi32>) semaphore(%arg10 : memref<!tpu.dma_semaphore, #tpu.memory_space<semaphore_mem>>)
    }
    %scan3A_28 = arith.constant 32 : i32
    %dma_wait3A = arith.constant 2 : i32
    %dma_wait3A_29 = arith.constant 0 : i32
    %dma_wait3A_30 = arith.constant 0 : i32
    %dma_wait3A_31 = tpu.memref_slice %arg8[%dma_wait3A, %dma_wait3A_29, %dma_wait3A_30] : memref<4x32x768xf32, #tpu.memory_space<vmem>> -> memref<1x32x768xf32, #tpu.memory_space<vmem>>
    %dma_wait3A_32 = tpu.memref_squeeze %dma_wait3A_31 : memref<1x32x768xf32, #tpu.memory_space<vmem>> -> memref<32x768xf32, #tpu.memory_space<vmem>>
    %dma_wait3A_33 = arith.constant 0 : i32
    %dma_wait3A_34 = arith.constant 0 : i32
    %dma_wait3A_35 = tpu.memref_slice %arg2[%dma_wait3A_33, %dma_wait3A_34] : memref<30522x768xf32, #tpu.memory_space<hbm>> -> memref<32x768xf32, #tpu.memory_space<hbm>>
    %dma_wait3A_36 = arith.constant 0 : i32
    %dma_wait3A_37 = arith.constant 0 : i32
    %dma_wait3A_38 = tpu.memref_slice %arg8[%dma_wait3A, %dma_wait3A_36, %dma_wait3A_37] : memref<4x32x768xf32, #tpu.memory_space<vmem>> -> memref<1x32x768xf32, #tpu.memory_space<vmem>>
    %dma_wait3A_39 = tpu.memref_squeeze %dma_wait3A_38 : memref<1x32x768xf32, #tpu.memory_space<vmem>> -> memref<32x768xf32, #tpu.memory_space<vmem>>
    %dma_wait3A_40 = arith.constant 0 : i32
    %dma_wait3A_41 = arith.constant 0 : i32
    %dma_wait3A_42 = tpu.memref_slice %arg2[%dma_wait3A_40, %dma_wait3A_41] : memref<30522x768xf32, #tpu.memory_space<hbm>> -> memref<32x768xf32, #tpu.memory_space<hbm>>
    tpu.wait_dma2 semaphore(%arg10 : memref<!tpu.dma_semaphore, #tpu.memory_space<semaphore_mem>>) src(%dma_wait3A_42 : memref<32x768xf32, #tpu.memory_space<hbm>>) dst(%dma_wait3A_39 : memref<32x768xf32, #tpu.memory_space<vmem>>)
    %dma_wait3A_43 = arith.constant 3 : i32
    %dma_wait3A_44 = arith.constant 0 : i32
    %dma_wait3A_45 = arith.constant 0 : i32
    %dma_wait3A_46 = tpu.memref_slice %arg8[%dma_wait3A_43, %dma_wait3A_44, %dma_wait3A_45] : memref<4x32x768xf32, #tpu.memory_space<vmem>> -> memref<1x32x768xf32, #tpu.memory_space<vmem>>
    %dma_wait3A_47 = tpu.memref_squeeze %dma_wait3A_46 : memref<1x32x768xf32, #tpu.memory_space<vmem>> -> memref<32x768xf32, #tpu.memory_space<vmem>>
    %dma_wait3A_48 = arith.constant 0 : i32
    %dma_wait3A_49 = arith.constant 0 : i32
    %dma_wait3A_50 = tpu.memref_slice %arg2[%dma_wait3A_48, %dma_wait3A_49] : memref<30522x768xf32, #tpu.memory_space<hbm>> -> memref<32x768xf32, #tpu.memory_space<hbm>>
    %dma_wait3A_51 = arith.constant 0 : i32
    %dma_wait3A_52 = arith.constant 0 : i32
    %dma_wait3A_53 = tpu.memref_slice %arg8[%dma_wait3A_43, %dma_wait3A_51, %dma_wait3A_52] : memref<4x32x768xf32, #tpu.memory_space<vmem>> -> memref<1x32x768xf32, #tpu.memory_space<vmem>>
    %dma_wait3A_54 = tpu.memref_squeeze %dma_wait3A_53 : memref<1x32x768xf32, #tpu.memory_space<vmem>> -> memref<32x768xf32, #tpu.memory_space<vmem>>
    %dma_wait3A_55 = arith.constant 0 : i32
    %dma_wait3A_56 = arith.constant 0 : i32
    %dma_wait3A_57 = tpu.memref_slice %arg2[%dma_wait3A_55, %dma_wait3A_56] : memref<30522x768xf32, #tpu.memory_space<hbm>> -> memref<32x768xf32, #tpu.memory_space<hbm>>
    tpu.wait_dma2 semaphore(%arg10 : memref<!tpu.dma_semaphore, #tpu.memory_space<semaphore_mem>>) src(%dma_wait3A_57 : memref<32x768xf32, #tpu.memory_space<hbm>>) dst(%dma_wait3A_54 : memref<32x768xf32, #tpu.memory_space<vmem>>)
    return
  }
}

</mosaic_0001>

<sc_bundles>
// kernel: kernel.3.cloned.1.call-start
scs
__scs_entry_jumppad:
0x0: {  	(pc) =	sbr.rel $0x88, $3  }
0x1: {  	(tag) =	ssettag $0x0;
	lr =	simm.s32 $0x1  }
0x2: {  	[smem:$0x3F9E] =	sst lr;
	_ =	strace $0xD0000000  }
0x3: {  	_ = 	snop  }
0x4: {  	_ = 	snop  }
0x5: {  	_ = 	snop  }
0x6: {  	_ = 	snop  }
0x7: {  	_ = 	snop  }
__scs_overlays_trampoline_lowered:
0x8: {  	[smem:$0x3FAD] =	sst s0  }
0x9: {  	[smem:$0x3FAE] =	sst s1  }
0xa: {  	[smem:$0x3FAF] =	sst s2  }
0xb: {  	[smem:$0x3FB0] =	sst s3  }
0xc: {  	[smem:$0x3FB1] =	sst s4  }
0xd: {  	[smem:$0x3FB2] =	sst s5  }
0xe: {  	[smem:$0x3FB3] =	sst s6  }
0xf: {  	[smem:$0x3FB4] =	sst s7  }
0x10: {  	[smem:$0x3FB5] =	sst s8  }
0x11: {  	[smem:$0x3FB6] =	sst s9;
	s0 =	simm.s32 @!p0 $0x0  }
0x12: {  	s1 =	sld [smem:$0x3F9C];
	s0 =	simm.s32 @p0 $0x1  }
0x13: {  	[smem:$0x3FB7] =	sst s0;
	s0 =	simm.s32 @!p1 $0x0  }
0x14: {  	s2 =	sld [smem:$0x3F9B];
	s0 =	simm.s32 @p1 $0x1  }
0x15: {  	[smem:$0x3FB8] =	sst s0;
	s0 =	simm.s32 @!p2 $0x0  }
0x16: {  	s3 =	sld [smem:$0x3FDB];
	s0 =	simm.s32 @p2 $0x1  }
0x17: {  	s4 =	simm.s32 $0x1BF5;
	[smem:$0x3FBA] =	sst s0  }
0x18: {  	s0 =	sld [smem:$0x3F9D];
	_ =	swait.ge [sflag:s4], $0x0  }
0x19: {  	s7 =	sld [smem:$0x3F9E]  }
0x1a: {  	s8 =	sadd.s32 $0xFFFFE003, lr  }
0x1b: {  	s9 =	sadd.s32 $0xFFFFFEF7, lr;
	s5 =	simm.s32 $0xFFFFFFFF;
	p2 =	slt.u32 s8, $0xFFFFF086  }
0x1c: {  	p1 =	slt.u32 s9, $0xF7A;
	s5 =	simm.s32 @!p2 $0x0  }
0x1d: {  	s5 =	simm.s32 @p1 $0x1;
	p0 =	seq.s32 s7, s2  }
0x1e: {  	s7 =	smul.u32 @!p0 $0xF7A, s2;
	p2 =	seq.s32 @!p0 s5, $0x0  }
0x1f: {  	s9 =	smul.u32 $0xF7A, s1;
	s8 =	simm.s32 @!p0 $0x1BF5;
	p2 =	por !p2, p0  }
0x20: {  	[sflag:s8] =	ssyncset.s32 @!p0 $0xFFFFF086;
	s6 =	sadd.s32 @!p0 s3, s7;
	s7 =	simm.s32 @!p0 $0x108  }
0x21: {  	s3 =	sadd.s32 s3, s9;
	s6 =	sadd.s32 @!p0 $0x88, s6;
	s7 =	simm.s32 @p2 $0x1082  }
0x22: {  	[simem:s7], [sflag:s8] =	dma.local @!p0 [hbm:s6], $0xF7A  }
0x23: {  	s9 =	sor.u32 $0xD0000000, s2;
	s6 =	simm.s32 $0x108;
	_ =	swait.ge @!p0 [sflag:s8], $0x0  }
0x24: {  	s3 =	sadd.s32 $0x88, s3;
	s6 =	simm.s32 @!p1 $0x1082;
	[sflag:s4] =	ssyncset.s32 $0xFFFFF086  }
0x25: {  	[simem:s6], [sflag:s4] =	dma.local [hbm:s3], $0xF7A  }
0x26: {  	[smem:$0x3F9E] =	sst s1;
	(tag) =	ssettag s2;
	_ =	strace s9  }
0x27: {  	s1 =	sld [smem:$0x3FAE]  }
0x28: {  	s2 =	sld [smem:$0x3FAF]  }
0x29: {  	s4 =	sld [smem:$0x3FB1]  }
0x2a: {  	p0 =	seq.s32 s5, $0x0;
	s5 =	sld [smem:$0x3FB2]  }
0x2b: {  	s6 =	sld [smem:$0x3FB3]  }
0x2c: {  	s7 =	sld [smem:$0x3FB4]  }
0x2d: {  	s3 =	simm.s32 $0x108;
	s8 =	sld [smem:$0x3FB5]  }
0x2e: {  	s3 =	simm.s32 @!p0 $0x1082;
	s9 =	sld [smem:$0x3FB6]  }
0x2f: {  	lr =	sadd.s32 s0, s3;
	s0 =	sld [smem:$0x3FAD]  }
0x30: {  	s3 =	sld [smem:$0x3FB0]  }
0x31: {  	[smem:$0x3FB9] =	sst s10  }
0x32: {  	s10 =	sld [smem:$0x3FB7];
	_ =	sdelay $0x3  }
0x33: {  	p0 =	seq.s32 s10, $0x1;
	s10 =	sld [smem:$0x3FB9];
	_ =	sdelay $0x3  }
0x34: {  	[smem:$0x3FB9] =	sst s10  }
0x35: {  	s10 =	sld [smem:$0x3FB8];
	_ =	sdelay $0x3  }
0x36: {  	p1 =	seq.s32 s10, $0x1;
	s10 =	sld [smem:$0x3FB9];
	_ =	sdelay $0x3  }
0x37: {  	[smem:$0x3FB9] =	sst s10  }
0x38: {  	s10 =	sld [smem:$0x3FBA]  }
0x39: {  	_ = 	snop;
	(pc) =	sbr.ind lr, $3  }
0x3a: {  	_ = 	snop  }
0x3b: {  	_ = 	snop  }
0x3c: {  	p2 =	seq.s32 s10, $0x1;
	s10 =	sld [smem:$0x3FB9]  }
0x3d: {  	_ =	shalt  }
0x3e: {  	_ =	shalt  }
0x3f: {  	_ =	shalt  }
0x40: {  	_ =	shalt  }
0x41: {  	_ =	shalt  }
0x42: {  	_ =	shalt  }
0x43: {  	_ =	shalt  }
0x44: {  	_ =	shalt  }
0x45: {  	_ =	shalt  }
0x46: {  	_ =	shalt  }
0x47: {  	_ =	shalt  }
0x48: {  	_ =	shalt  }
0x49: {  	_ =	shalt  }
0x4a: {  	_ =	shalt  }
0x4b: {  	_ =	shalt  }
0x4c: {  	_ =	shalt  }
0x4d: {  	_ =	shalt  }
0x4e: {  	_ =	shalt  }
0x4f: {  	_ =	shalt  }
0x50: {  	_ =	shalt  }
0x51: {  	_ =	shalt  }
0x52: {  	_ =	shalt  }
0x53: {  	_ =	shalt  }
0x54: {  	_ =	shalt  }
0x55: {  	_ =	shalt  }
0x56: {  	_ =	shalt  }
0x57: {  	_ =	shalt  }
0x58: {  	_ =	shalt  }
0x59: {  	_ =	shalt  }
0x5a: {  	_ =	shalt  }
0x5b: {  	_ =	shalt  }
0x5c: {  	_ =	shalt  }
0x5d: {  	_ =	shalt  }
0x5e: {  	_ =	shalt  }
0x5f: {  	_ =	shalt  }
0x60: {  	_ =	shalt  }
0x61: {  	_ =	shalt  }
0x62: {  	_ =	shalt  }
0x63: {  	_ =	shalt  }
0x64: {  	_ =	shalt  }
0x65: {  	_ =	shalt  }
0x66: {  	_ =	shalt  }
0x67: {  	_ =	shalt  }
0x68: {  	_ =	shalt  }
0x69: {  	_ =	shalt  }
0x6a: {  	_ =	shalt  }
0x6b: {  	_ =	shalt  }
0x6c: {  	_ =	shalt  }
0x6d: {  	_ =	shalt  }
0x6e: {  	_ =	shalt  }
0x6f: {  	_ =	shalt  }
0x70: {  	_ =	shalt  }
0x71: {  	_ =	shalt  }
0x72: {  	_ =	shalt  }
0x73: {  	_ =	shalt  }
0x74: {  	_ =	shalt  }
0x75: {  	_ =	shalt  }
0x76: {  	_ =	shalt  }
0x77: {  	_ =	shalt  }
0x78: {  	_ =	shalt  }
0x79: {  	_ =	shalt  }
0x7a: {  	_ =	shalt  }
0x7b: {  	_ =	shalt  }
0x7c: {  	_ =	shalt  }
0x7d: {  	_ =	shalt  }
0x7e: {  	_ =	shalt  }
0x7f: {  	_ =	shalt  }
0x80: {  	_ =	shalt  }
0x81: {  	_ =	shalt  }
0x82: {  	_ =	shalt  }
0x83: {  	_ =	shalt  }
0x84: {  	_ =	shalt  }
0x85: {  	_ =	shalt  }
0x86: {  	_ =	shalt  }
0x87: {  	_ =	shalt  }
.Lfunc_end0:
.L_simem_size_0:
called_computation_lowered:
.L_overlay_start_0:
0x88: {  	s2 =	sld [smem:$0x3FD9]  }
0x89: {  	s3 =	sld [smem:$0x3FFE];
	_ =	sdelay $0x1  }
0x8a: {  	s1 =	srdreg.scid  }
0x8b: {  	s0 =	sand.u32 $0x1, s1  }
0x8c: {  	s17 =	sshll.u32 s0, $0xA;
	s2 =	sadd.s32 s3, s2  }
0x8d: {  	s2 =	sadd.s32 s2, s17  }
0x8e: {  	[smem:$0x3FC5] =	sst s2  }
0x8f: {  	_ = 	snop  }
0x90: {  	s2 =	sld [smem:$0x3FC8]  }
0x91: {  	s18 =	sld [smem:$0x3FC7]  }
0x92: {  	s4 =	sld [smem:$0x3FD0];
	(tm) =	ssettm $0x1  }
0x93: {  	s5 =	sld [smem:$0x3FFB];
	_ =	sdelay $0x3  }
0x94: {  	_ =	strace s5  }
0x95: {  	s5 =	sld [smem:$0x3FFC];
	_ =	sdelay $0x3  }
0x96: {  	_ =	strace s5  }
0x97: {  	s5 =	sld [smem:$0x3FFD];
	_ =	sdelay $0x3  }
0x98: {  	_ =	strace s5  }
0x99: {  	_ =	strace $0x8FFFFFFF  }
0x9a: {  	s19 =	sld [smem:$0x3FDB];
	_ =	sdelay $0x1  }
0x9b: {  	s6 =	simm.s32 $_scs_section_size  }
0x9c: {  	s7 =	simm.s32 $_size__tile_overlayer_lowered;
	s8 =	simm.s32 $_tile_overlayer_lowered  }
0x9d: {  	s22 =	simm.s32 $0x1BFF;
	s21 =	sshll.u32 s8, $0x1;
	s5 =	sadd.s32 s6, s19  }
0x9e: {  	s9 =	simm.s32 $0x0;
	s20 =	sshll.u32 s7, $0x1;
	s7 =	sadd.s32 s21, s5  }
0x9f: {  	[timem:s9], [sflag:s22] =	dma.local [hbm:s7], s20  }
0xa0: {  	_ =	swait.ge [sflag:s22], s20  }
0xa1: {  	s6 =	ssub.s32 $0x0, s20;
	[sflag:s22] =	ssyncset.done $0x0  }
0xa2: {  	[sflag:s22] =	ssyncadd.s32 s6;
	_ =	sdelay $0x1  }
0xa3: {  	s23 =	simm.s32 $0x1B8B  }
0xa4: {  	_ =	swait.ge [sflag:s23], $0x1  }
0xa5: {  	[sflag:s23] =	ssyncset.done $0x0  }
0xa6: {  	s25 =	simm.s32 $0x1B8E;
	s24 =	sld [smem:$0x3FFE];
	[sflag:s23] =	ssyncadd.s32 $0xFFFFFFFF  }
0xa7: {  	s26 =	simm.s32 $execute0_lowered;
	[smem:$0x3FD2] =	sst s25  }
0xa8: {  	s7 =	sshll.u32 s26, $0x1;
	_ =	strace $0x80000046;
	[dreg:$0x1] =	wrdreg $0xFFFFFFFF  }
0xa9: {  	s28 =	simm.s32 $_size_execute0_lowered;
	s5 =	sadd.s32 s5, s7;
	[dreg:$0x0] =	wrdreg $0x0  }
0xaa: {  	s7 =	sshll.u32 s28, $0x1;
	[dreg:$0x2] =	wrdreg s5  }
0xab: {  	[dreg:$0x3] =	wrdreg s7  }
0xac: {  	[dreg:$0x4] =	wrdreg $0xC0  }
0xad: {  	_ =	task [dreg:s9], $0x5FFFF  }
0xae: {  	[dreg:$0x1] =	wrdreg $0xFFFFFFFF  }
0xaf: {  	[dreg:$0x0] =	wrdreg $0x60  }
0xb0: {  	[dreg:$0x2] =	wrdreg s2  }
0xb1: {  	[dreg:$0x3] =	wrdreg s24  }
0xb2: {  	[dreg:$0x4] =	wrdreg s18  }
0xb3: {  	[dreg:$0x5] =	wrdreg s4  }
0xb4: {  	[dreg:$0x6] =	wrdreg $0x9  }
0xb5: {  	_ =	task.clear_ibuf [dreg:s9], $0x7FFFF;
	_ =	strace $0x90000046  }
0xb6: {  	s29 =	simm.s32 $0x9;
	_ =	strace $0x80000048  }
0xb7: {  	_ =	swait.ge [sflag:s29], $0x1  }
0xb8: {  	[sflag:s29] =	ssyncadd.s32 $0xFFFFFFFF  }
0xb9: {  	_ =	strace $0x90000048  }
0xba: {  	_ =	sfence  }
0xbb: {  	s30 =	sld [smem:$0x0];
	_ =	sdelay $0x2  }
0xbc: {  	s31 =	sshll.u32 s1, $0xD;
	s1 =	sshrl.u32 s1, $0x2  }
0xbd: {  	s3 =	sand.u32 $0x4000, s31;
	s1 =	sadd.s32 s1, s30  }
0xbe: {  	s0 =	sor.u32 s3, s0;
	s1 =	sshll.u32 s1, $0x11  }
0xbf: {  	s0 =	sor.u32 s1, s0  }
0xc0: {  	s0 =	sadd.s32 $0x8F2B, s0  }
0xc1: {  	[sflag:s0] =	ssyncadd.remote.s32 $0x1  }
0xc2: {  	_ =	sfence.sel $0xFFFF  }
0xc3: {  	[dreg:$0x0] =	wrdreg $0xFFFFFFFF;
	(pc) =	sbr.abs _section_cstart, $3  }
0xc4: {  	[dreg:$0x1] =	wrdreg $0xFFFFFFFF  }
0xc5: {  	_ =	task.clear_ibuf [dreg:s9], $0x2FFFF;
	_ =	strace $0x9FFFFFFF  }
0xc6: {  	(tm) =	ssettm $0x7FFFFFFF  }
0xc7: {  	_ =	shalt  }
tec
execute0_lowered:
.L_overlay_start_1:
0x0: {  	(tag) =	ssettag $0x1  }
0x1: {  	s1 =	rddreg [dreg:$0x0]  }
0x2: {  	s0 =	rddreg [dreg:$0x1]  }
0x3: {  	s3 =	rddreg [dreg:$0x2]  }
0x4: {  	s2 =	rddreg [dreg:$0x3];
	s4 =	simm.s32 $0x0  }
0x5: {  	s5 =	srdreg.scid;
	s7 =	stileid.u32;
	s18 =	simm.s32 $0x1  }
0x6: {  	s30 =	simm.s32 $0xDC00;
	s31 =	simm.s32 $0xE400;
	s14 =	simm.s32 $0x14C00  }
0x7: {  	s15 =	simm.s32 $0x15400;
	s16 =	simm.s32 $0x15C00;
	s12 =	simm.s32 $0x17400  }
0x8: {  	s13 =	simm.s32 $0x17C00;
	s17 =	simm.s32 $0x18400;
	s19 =	simm.s32 $0x19400  }
0x9: {  	s20 =	simm.s32 $0x2;
	s22 =	simm.s32 $0x0;
	[smem:$0x7FF] =	sst s4  }
0xa: {  	s5 =	sand.u32 $0x1, s5;
	s6 =	sshll.u32 s7, $0x1;
	s7 =	smul.u32 $0x1800, s7  }
0xb: {  	s11 =	sadd.s32 $0x200, s2;
	_ =	strace $0x80000047;
	s6 =	sor.u32 s5, s6  }
0xc: {  	s8 =	ssub.s32 $0x2, s5;
	s5 =	sshll.u32 s5, $0x9;
	s9 =	sshll.u32 s6, $0x9  }
0xd: {  	s10 =	sshrl.u32 s8, $0x1;
	s5 =	sor.u32 s5, s7;
	s26 =	sshll.u32 s6, $0x2  }
0xe: {  	s7 =	simm.s32 $0x16C00;
	s6 =	simm.s32 $0x18C00;
	s0 =	sadd.s32 s9, s0  }
0xf: {  	s25 =	ssub.s32 s8, s10;
	s5 =	sshrl.u32 s5, $0x3;
	[dreg:$0x6] =	wrdreg s26  }
0x10: {  	s8 =	sadd.s32 $0x100, s1;
	s9 =	sadd.s32 $0x200, s1;
	s0 =	sadd.s32 $0x400, s0  }
0x11: {  	v0 =	vlaneseq.u32;
	s10 =	sadd.s32 $0x100, s2;
	s28 =	sadd.s32 s3, s5;
	[dreg:$0x5] =	wrdreg s0  }
0x12: {  	vm0 =	vmmov $0xffff;
	v2 =	vshrl.u32 v0, $0x3;
	s29 =	smax.u32 s25, $0x1;
	s3 =	simm.s32 $0x14400;
	[dreg:$0x7] =	wrdreg s28  }
0x13: {  	v1 =	vand.u32 $0x7, v0;
	v3 =	vor.u32 $0x8, v0;
	v2 =	vmul.u32 $0x8, v2;
	s5 =	simm.s32 $0x16400;
	[dreg:$0x8] =	wrdreg s29;
	s0 =	simm.s32 $0x13C00  }
.LBB2_1:
0x14: {  	[dreg:$0x9] =	wrdreg s22  }
0x15: {  	s21 =	rddreg [dreg:$0x5];
	s28 =	simm.s32 $0x3  }
0x16: {  	[tilespmem:s4], [sflag:$0x3] =	stream.linear.gather [hbm4b:s21+s4], $0x1000, $0x38;
	[tilespmem:$0x19C00] =	vst v63  }
0x17: {  	_ =	swait.ge [sflag:s28], $0x1000  }
0x18: {  	s23 =	simm.s32 $0x200;
	s24 =	simm.s32 $0x400;
	[sflag:s28] =	ssyncset.done $0x0  }
0x19: {  	s25 =	simm.s32 $0x1000;
	s29 =	rddreg [dreg:$0x7];
	[sflag:s28] =	ssyncadd.s32 $0xFFFFF000  }
0x1a: {  	[tilespmem:s25], [sflag:$0x3] =	stream.strided.gather [hbm4b:s29+s23], $0xC00, s24, s23, $0x38;
	[tilespmem:$0x19C00] =	vst v63  }
0x1b: {  	_ =	swait.ge [sflag:s28], $0xC00  }
0x1c: {  	[sflag:s28] =	ssyncset.done $0x0  }
0x1d: {  	[sflag:s28] =	ssyncadd.s32 $0xFFFFF400  }
0x1e: {  	v4 =	vld [tilespmem:$0x0];
	_ =	sdelay $0x4  }
0x1f: {  	v5 =	vshrl.u32 v4, $0x3  }
0x20: {  	v5 =	vmul.u32 $0x30, v5  }
0x21: {  	v4 =	vand.u32 $0x7, v4  }
0x22: {  	v4 =	vor.u32 v4, v5  }
0x23: {  	v5 =	vperm.xlane v4, v1;
	_ =	sdelay $0x1  }
0x24: {  	v5 =	vadd.s32 v2, v5;
	_ =	sdelay $0x3  }
0x25: {  	s26 =	simm.s32 $0x1C00;
	v4 =	vperm.xlane v4, v3  }
0x26: {  	[tilespmem:s26], [sflag:$0x1] =	stream.indirect_vreg.gather [hbm4b:s1+s4], $0x80, v5, vm0, $0xb8;
	[tilespmem:$0x19C00] =	vst v63  }
0x27: {  	s28 =	simm.s32 $0x2400;
	v4 =	vadd.s32 v2, v4  }
0x28: {  	[tilespmem:s28], [sflag:$0x1] =	stream.indirect_vreg.gather [hbm4b:s8+s4], $0x80, v5, vm0, $0xb8;
	[tilespmem:$0x19C00] =	vst v63  }
0x29: {  	s29 =	simm.s32 $0x2C00  }
0x2a: {  	[tilespmem:s29], [sflag:$0x1] =	stream.indirect_vreg.gather [hbm4b:s9+s4], $0x80, v5, vm0, $0xb8;
	[tilespmem:$0x19C00] =	vst v63  }
0x2b: {  	s22 =	simm.s32 $0x3400  }
0x2c: {  	[tilespmem:s22], [sflag:$0x1] =	stream.indirect_vreg.gather [hbm4b:s1+s4], $0x80, v4, vm0, $0xb8;
	[tilespmem:$0x19C00] =	vst v63  }
0x2d: {  	s23 =	simm.s32 $0x3C00  }
0x2e: {  	[tilespmem:s23], [sflag:$0x1] =	stream.indirect_vreg.gather [hbm4b:s8+s4], $0x80, v4, vm0, $0xb8;
	[tilespmem:$0x19C00] =	vst v63  }
0x2f: {  	s24 =	simm.s32 $0x4400  }
0x30: {  	[tilespmem:s24], [sflag:$0x1] =	stream.indirect_vreg.gather [hbm4b:s9+s4], $0x80, v4, vm0, $0xb8;
	[tilespmem:$0x19C00] =	vst v63  }
0x31: {  	v4 =	vld [tilespmem:$0x10];
	_ =	sdelay $0x4  }
0x32: {  	v5 =	vshrl.u32 v4, $0x3  }
0x33: {  	v5 =	vmul.u32 $0x30, v5  }
0x34: {  	v4 =	vand.u32 $0x7, v4  }
0x35: {  	v4 =	vor.u32 v4, v5  }
0x36: {  	v5 =	vperm.xlane v4, v1;
	_ =	sdelay $0x1  }
0x37: {  	v5 =	vadd.s32 v2, v5;
	_ =	sdelay $0x3  }
0x38: {  	s25 =	simm.s32 $0x4C00;
	v4 =	vperm.xlane v4, v3  }
0x39: {  	[tilespmem:s25], [sflag:$0x1] =	stream.indirect_vreg.gather [hbm4b:s1+s4], $0x80, v5, vm0, $0xb8;
	[tilespmem:$0x19C00] =	vst v63  }
0x3a: {  	s26 =	simm.s32 $0x5400;
	v4 =	vadd.s32 v2, v4  }
0x3b: {  	[tilespmem:s26], [sflag:$0x1] =	stream.indirect_vreg.gather [hbm4b:s8+s4], $0x80, v5, vm0, $0xb8;
	[tilespmem:$0x19C00] =	vst v63  }
0x3c: {  	s28 =	simm.s32 $0x5C00  }
0x3d: {  	[tilespmem:s28], [sflag:$0x1] =	stream.indirect_vreg.gather [hbm4b:s9+s4], $0x80, v5, vm0, $0xb8;
	[tilespmem:$0x19C00] =	vst v63  }
0x3e: {  	s29 =	simm.s32 $0x6400  }
0x3f: {  	[tilespmem:s29], [sflag:$0x1] =	stream.indirect_vreg.gather [hbm4b:s1+s4], $0x80, v4, vm0, $0xb8;
	[tilespmem:$0x19C00] =	vst v63  }
0x40: {  	s22 =	simm.s32 $0x6C00  }
0x41: {  	[tilespmem:s22], [sflag:$0x1] =	stream.indirect_vreg.gather [hbm4b:s8+s4], $0x80, v4, vm0, $0xb8;
	[tilespmem:$0x19C00] =	vst v63  }
0x42: {  	s23 =	simm.s32 $0x7400  }
0x43: {  	[tilespmem:s23], [sflag:$0x1] =	stream.indirect_vreg.gather [hbm4b:s9+s4], $0x80, v4, vm0, $0xb8;
	[tilespmem:$0x19C00] =	vst v63  }
0x44: {  	v4 =	vld [tilespmem:$0x20];
	_ =	sdelay $0x4  }
0x45: {  	v5 =	vshrl.u32 v4, $0x3  }
0x46: {  	v5 =	vmul.u32 $0x30, v5  }
0x47: {  	v4 =	vand.u32 $0x7, v4  }
0x48: {  	v4 =	vor.u32 v4, v5  }
0x49: {  	v5 =	vperm.xlane v4, v1;
	_ =	sdelay $0x1  }
0x4a: {  	v5 =	vadd.s32 v2, v5;
	_ =	sdelay $0x3  }
0x4b: {  	s24 =	simm.s32 $0x7C00;
	v4 =	vperm.xlane v4, v3  }
0x4c: {  	[tilespmem:s24], [sflag:$0x1] =	stream.indirect_vreg.gather [hbm4b:s1+s4], $0x80, v5, vm0, $0xb8;
	[tilespmem:$0x19C00] =	vst v63  }
0x4d: {  	s25 =	simm.s32 $0x8400;
	v4 =	vadd.s32 v2, v4  }
0x4e: {  	[tilespmem:s25], [sflag:$0x1] =	stream.indirect_vreg.gather [hbm4b:s8+s4], $0x80, v5, vm0, $0xb8;
	[tilespmem:$0x19C00] =	vst v63  }
0x4f: {  	s26 =	simm.s32 $0x8C00  }
0x50: {  	[tilespmem:s26], [sflag:$0x1] =	stream.indirect_vreg.gather [hbm4b:s9+s4], $0x80, v5, vm0, $0xb8;
	[tilespmem:$0x19C00] =	vst v63  }
0x51: {  	s28 =	simm.s32 $0x9400  }
0x52: {  	[tilespmem:s28], [sflag:$0x1] =	stream.indirect_vreg.gather [hbm4b:s1+s4], $0x80, v4, vm0, $0xb8;
	[tilespmem:$0x19C00] =	vst v63  }
0x53: {  	s29 =	simm.s32 $0x9C00  }
0x54: {  	[tilespmem:s29], [sflag:$0x1] =	stream.indirect_vreg.gather [hbm4b:s8+s4], $0x80, v4, vm0, $0xb8;
	[tilespmem:$0x19C00] =	vst v63  }
0x55: {  	s22 =	simm.s32 $0xA400  }
0x56: {  	[tilespmem:s22], [sflag:$0x1] =	stream.indirect_vreg.gather [hbm4b:s9+s4], $0x80, v4, vm0, $0xb8;
	[tilespmem:$0x19C00] =	vst v63  }
0x57: {  	v4 =	vld [tilespmem:$0x30];
	_ =	sdelay $0x4  }
0x58: {  	v5 =	vshrl.u32 v4, $0x3  }
0x59: {  	v5 =	vmul.u32 $0x30, v5  }
0x5a: {  	v4 =	vand.u32 $0x7, v4  }
0x5b: {  	v4 =	vor.u32 v4, v5  }
0x5c: {  	v5 =	vperm.xlane v4, v1;
	_ =	sdelay $0x1  }
0x5d: {  	v5 =	vadd.s32 v2, v5;
	_ =	sdelay $0x3  }
0x5e: {  	s23 =	simm.s32 $0xAC00;
	v4 =	vperm.xlane v4, v3  }
0x5f: {  	[tilespmem:s23], [sflag:$0x1] =	stream.indirect_vreg.gather [hbm4b:s1+s4], $0x80, v5, vm0, $0xb8;
	[tilespmem:$0x19C00] =	vst v63  }
0x60: {  	s24 =	simm.s32 $0xB400;
	v4 =	vadd.s32 v2, v4  }
0x61: {  	[tilespmem:s24], [sflag:$0x1] =	stream.indirect_vreg.gather [hbm4b:s8+s4], $0x80, v5, vm0, $0xb8;
	[tilespmem:$0x19C00] =	vst v63  }
0x62: {  	s25 =	simm.s32 $0xBC00  }
0x63: {  	[tilespmem:s25], [sflag:$0x1] =	stream.indirect_vreg.gather [hbm4b:s9+s4], $0x80, v5, vm0, $0xb8;
	[tilespmem:$0x19C00] =	vst v63  }
0x64: {  	s26 =	simm.s32 $0xC400  }
0x65: {  	[tilespmem:s26], [sflag:$0x1] =	stream.indirect_vreg.gather [hbm4b:s1+s4], $0x80, v4, vm0, $0xb8;
	[tilespmem:$0x19C00] =	vst v63  }
0x66: {  	s28 =	simm.s32 $0xCC00  }
0x67: {  	[tilespmem:s28], [sflag:$0x1] =	stream.indirect_vreg.gather [hbm4b:s8+s4], $0x80, v4, vm0, $0xb8;
	[tilespmem:$0x19C00] =	vst v63  }
0x68: {  	s21 =	simm.s32 $0x0;
	s29 =	simm.s32 $0xD400  }
0x69: {  	[tilespmem:s29], [sflag:$0x1] =	stream.indirect_vreg.gather [hbm4b:s9+s4], $0x80, v4, vm0, $0xb8;
	[tilespmem:$0x19C00] =	vst v63  }
.LBB2_2:
0x6a: {  	_ =	swait.ge [sflag:s18], $0x6000  }
0x6b: {  	p0 =	seq.s32 s21, $0x0;
	[sflag:s18] =	ssyncset.done $0x0  }
0x6c: {  	s23 =	sshll.u32 s21, $0x2;
	s22 =	simm.s32 @!p0 $0x2;
	[sflag:s18] =	ssyncadd.s32 $0xFFFFA000  }
0x6d: {  	s24 =	sor.u32 $0x2, s23;
	_ =	swait.ge @!p0 [sflag:s22], $0x6000  }
0x6e: {  	s24 =	sshll.u32 s24, $0x5;
	[sflag:s22] =	ssyncset.done @!p0 $0x0  }
0x6f: {  	[sflag:s22] =	ssyncadd.s32 @!p0 $0xFFFFA000;
	s22 =	sand.u32 $0x3FFFFFE0, s24  }
0x70: {  	v4 =	vld [tilespmem:s22+$0x0];
	_ =	sdelay $0x4  }
0x71: {  	v5 =	vshrl.u32 v4, $0x3  }
0x72: {  	v5 =	vmul.u32 $0x30, v5  }
0x73: {  	v4 =	vand.u32 $0x7, v4  }
0x74: {  	v4 =	vor.u32 v4, v5  }
0x75: {  	v5 =	vperm.xlane v4, v1;
	_ =	sdelay $0x1  }
0x76: {  	v5 =	vadd.s32 v2, v5;
	_ =	sdelay $0x3  }
0x77: {  	s25 =	simm.s32 $0x0;
	v4 =	vperm.xlane v4, v3  }
0x78: {  	[tilespmem:s30], [sflag:$0x1] =	stream.indirect_vreg.gather [hbm4b:s1+s25], $0x80, v5, vm0, $0xb8;
	[tilespmem:$0x19C00] =	vst v63  }
0x79: {  	v4 =	vadd.s32 v2, v4  }
0x7a: {  	[tilespmem:s31], [sflag:$0x1] =	stream.indirect_vreg.gather [hbm4b:s8+s25], $0x80, v5, vm0, $0xb8;
	[tilespmem:$0x19C00] =	vst v63  }
0x7b: {  	s26 =	simm.s32 $0xEC00  }
0x7c: {  	[tilespmem:s26], [sflag:$0x1] =	stream.indirect_vreg.gather [hbm4b:s9+s25], $0x80, v5, vm0, $0xb8;
	[tilespmem:$0x19C00] =	vst v63  }
0x7d: {  	s30 =	simm.s32 $0xF400  }
0x7e: {  	[tilespmem:s30], [sflag:$0x1] =	stream.indirect_vreg.gather [hbm4b:s1+s25], $0x80, v4, vm0, $0xb8;
	[tilespmem:$0x19C00] =	vst v63  }
0x7f: {  	s31 =	simm.s32 $0xFC00  }
0x80: {  	[tilespmem:s31], [sflag:$0x1] =	stream.indirect_vreg.gather [hbm4b:s8+s25], $0x80, v4, vm0, $0xb8;
	[tilespmem:$0x19C00] =	vst v63  }
0x81: {  	s30 =	simm.s32 $0x10400  }
0x82: {  	[tilespmem:s30], [sflag:$0x1] =	stream.indirect_vreg.gather [hbm4b:s9+s25], $0x80, v4, vm0, $0xb8;
	[tilespmem:$0x19C00] =	vst v63  }
0x83: {  	v4 =	vld [tilespmem:s22+$0x10];
	_ =	sdelay $0x4  }
0x84: {  	v5 =	vshrl.u32 v4, $0x3  }
0x85: {  	v5 =	vmul.u32 $0x30, v5  }
0x86: {  	v4 =	vand.u32 $0x7, v4  }
0x87: {  	v4 =	vor.u32 v4, v5  }
0x88: {  	v5 =	vperm.xlane v4, v1;
	_ =	sdelay $0x1  }
0x89: {  	v5 =	vadd.s32 v2, v5;
	_ =	sdelay $0x3  }
0x8a: {  	s31 =	simm.s32 $0x10C00;
	v4 =	vperm.xlane v4, v3  }
0x8b: {  	[tilespmem:s31], [sflag:$0x1] =	stream.indirect_vreg.gather [hbm4b:s1+s25], $0x80, v5, vm0, $0xb8;
	[tilespmem:$0x19C00] =	vst v63  }
0x8c: {  	s26 =	simm.s32 $0x11400;
	v4 =	vadd.s32 v2, v4  }
0x8d: {  	[tilespmem:s26], [sflag:$0x1] =	stream.indirect_vreg.gather [hbm4b:s8+s25], $0x80, v5, vm0, $0xb8;
	[tilespmem:$0x19C00] =	vst v63  }
0x8e: {  	s30 =	simm.s32 $0x11C00  }
0x8f: {  	[tilespmem:s30], [sflag:$0x1] =	stream.indirect_vreg.gather [hbm4b:s9+s25], $0x80, v5, vm0, $0xb8;
	[tilespmem:$0x19C00] =	vst v63  }
0x90: {  	s31 =	simm.s32 $0x12400  }
0x91: {  	[tilespmem:s31], [sflag:$0x1] =	stream.indirect_vreg.gather [hbm4b:s1+s25], $0x80, v4, vm0, $0xb8;
	[tilespmem:$0x19C00] =	vst v63  }
0x92: {  	s26 =	simm.s32 $0x12C00  }
0x93: {  	[tilespmem:s26], [sflag:$0x1] =	stream.indirect_vreg.gather [hbm4b:s8+s25], $0x80, v4, vm0, $0xb8;
	[tilespmem:$0x19C00] =	vst v63  }
0x94: {  	s26 =	sshrl.u32 s21, $0x3  }
0x95: {  	s30 =	simm.s32 $0x13400;
	s31 =	sshll.u32 s26, $0x9  }
0x96: {  	[tilespmem:s30], [sflag:$0x1] =	stream.indirect_vreg.gather [hbm4b:s9+s25], $0x80, v4, vm0, $0xb8;
	[tilespmem:$0x19C00] =	vst v63  }
0x97: {  	s22 =	sshra.s32 s31, $0x2  }
0x98: {  	v4 =	vld [tilespmem:s22+$0x1000]  }
0x99: {  	v5 =	vld [tilespmem:s22+$0x1010]  }
0x9a: {  	v6 =	vld [tilespmem:s22+$0x1020]  }
0x9b: {  	v7 =	vld [tilespmem:s22+$0x1030]  }
0x9c: {  	v8 =	vld [tilespmem:s22+$0x1040]  }
0x9d: {  	v9 =	vld [tilespmem:s22+$0x1050]  }
0x9e: {  	v10 =	vld [tilespmem:s22+$0x1060]  }
0x9f: {  	v11 =	vld [tilespmem:s22+$0x1070]  }
0xa0: {  	v12 =	vld [tilespmem:s22+$0x1200]  }
0xa1: {  	v13 =	vld [tilespmem:s22+$0x1210]  }
0xa2: {  	v16 =	vld [tilespmem:s22+$0x1220]  }
0xa3: {  	v17 =	vld [tilespmem:s22+$0x1230]  }
0xa4: {  	v20 =	vld [tilespmem:s22+$0x1240]  }
0xa5: {  	v22 =	vld [tilespmem:s22+$0x1250]  }
0xa6: {  	v23 =	vld [tilespmem:s22+$0x1260]  }
0xa7: {  	v24 =	vld [tilespmem:s22+$0x1270]  }
0xa8: {  	v26 =	vld [tilespmem:s22+$0x1400]  }
0xa9: {  	v27 =	vld [tilespmem:s22+$0x1410]  }
0xaa: {  	v28 =	vld [tilespmem:s22+$0x1420]  }
0xab: {  	v30 =	vld [tilespmem:s22+$0x1430]  }
0xac: {  	v31 =	vld [tilespmem:s22+$0x1440]  }
0xad: {  	v32 =	vld [tilespmem:s22+$0x1450]  }
0xae: {  	v34 =	vld [tilespmem:s22+$0x1460]  }
0xaf: {  	v35 =	vld [tilespmem:s22+$0x1470]  }
0xb0: {  	v36 =	vld [tilespmem:s22+$0x1600]  }
0xb1: {  	v37 =	vld [tilespmem:s22+$0x1610]  }
0xb2: {  	v39 =	vld [tilespmem:s22+$0x1620]  }
0xb3: {  	v40 =	vld [tilespmem:s22+$0x1630]  }
0xb4: {  	v41 =	vld [tilespmem:s22+$0x1640]  }
0xb5: {  	v42 =	vld [tilespmem:s22+$0x1650]  }
0xb6: {  	v43 =	vld [tilespmem:s22+$0x1660]  }
0xb7: {  	v45 =	vld [tilespmem:s22+$0x1670]  }
0xb8: {  	v46 =	vld [tilespmem:s22+$0x1800]  }
0xb9: {  	v47 =	vld [tilespmem:s22+$0x1810]  }
0xba: {  	v48 =	vld [tilespmem:s22+$0x1820]  }
0xbb: {  	v49 =	vld [tilespmem:s22+$0x1830]  }
0xbc: {  	v50 =	vld [tilespmem:s22+$0x1840]  }
0xbd: {  	v51 =	vld [tilespmem:s22+$0x1850]  }
0xbe: {  	v44 =	vld [tilespmem:s22+$0x1860]  }
0xbf: {  	v38 =	vld [tilespmem:s22+$0x1870]  }
0xc0: {  	v33 =	vld [tilespmem:s22+$0x1A00]  }
0xc1: {  	v29 =	vld [tilespmem:s22+$0x1A10]  }
0xc2: {  	v25 =	vld [tilespmem:s22+$0x1A20]  }
0xc3: {  	s28 =	simm.s32 $0x0;
	v21 =	vld [tilespmem:s22+$0x1A30]  }
0xc4: {  	s28 =	smul.u32 $0x6000, s28;
	v18 =	vld [tilespmem:s22+$0x1A40]  }
0xc5: {  	v19 =	vld [tilespmem:s22+$0x1A50]  }
0xc6: {  	s29 =	sand.u32 $0x380, s25;
	s28 =	sshra.s32 s28, $0x2;
	v14 =	vld [tilespmem:s22+$0x1A60]  }
0xc7: {  	s28 =	sor.u32 s29, s28;
	v15 =	vld [tilespmem:s22+$0x1A70]  }
0xc8: {  	v52 =	vld [tilespmem:s28+$0x1C00]  }
0xc9: {  	v53 =	vld [tilespmem:s28+$0x1C10]  }
0xca: {  	v54 =	vld [tilespmem:s28+$0x1C20]  }
0xcb: {  	v55 =	vld [tilespmem:s28+$0x1C30]  }
0xcc: {  	v56 =	vld [tilespmem:s28+$0x1C40]  }
0xcd: {  	v57 =	vld [tilespmem:s28+$0x1C50]  }
0xce: {  	v58 =	vld [tilespmem:s28+$0x1C60];
	v52 =	vadd.f32 v52, v4  }
0xcf: {  	v62 =	vld [tilespmem:s28+$0x2010];
	v53 =	vadd.f32 v53, v5  }
0xd0: {  	v59 =	vadd.f32 v54, v6;
	v60 =	vadd.f32 v55, v7;
	v55 =	vld [tilespmem:s28+$0x2000];
	[tilespmem:s28+$0x1C00] =	vst v52  }
0xd1: {  	v54 =	vld [tilespmem:s28+$0x1C70];
	[tilespmem:s28+$0x1C10] =	vst v53  }
0xd2: {  	v63 =	vadd.f32 v57, v9;
	v57 =	vld [tilespmem:s28+$0x2020];
	[tilespmem:s28+$0x1C20] =	vst v59  }
0xd3: {  	v61 =	vadd.f32 v56, v8;
	v56 =	vld [tilespmem:s28+$0x2410];
	[tilespmem:s28+$0x1C30] =	vst v60  }
0xd4: {  	v62 =	vadd.f32 v62, v13;
	[tilespmem:s28+$0x1C50] =	vst v63;
	v63 =	vld [tilespmem:s28+$0x2040]  }
0xd5: {  	[tilespmem:s28+$0x1C40] =	vst v61;
	v53 =	vld [tilespmem:s28+$0x2400];
	v61 =	vadd.f32 v55, v12  }
0xd6: {  	v59 =	vadd.f32 v58, v10;
	v52 =	vld [tilespmem:s28+$0x2050];
	[tilespmem:s28+$0x2010] =	vst v62  }
0xd7: {  	v60 =	vadd.f32 v54, v11;
	[tilespmem:s28+$0x2000] =	vst v61;
	v61 =	vld [tilespmem:s28+$0x2060]  }
0xd8: {  	v62 =	vld [tilespmem:s28+$0x2070];
	[tilespmem:s28+$0x1C60] =	vst v59;
	v56 =	vadd.f32 v56, v27  }
0xd9: {  	v54 =	vld [tilespmem:s28+$0x2030];
	[tilespmem:s28+$0x1C70] =	vst v60;
	v60 =	vadd.f32 v57, v16  }
0xda: {  	v55 =	vadd.f32 v63, v20;
	v63 =	vld [tilespmem:s28+$0x2420];
	v53 =	vadd.f32 v53, v26;
	[tilespmem:s28+$0x2410] =	vst v56  }
0xdb: {  	[tilespmem:s28+$0x2020] =	vst v60;
	v60 =	vld [tilespmem:s28+$0x2430]  }
0xdc: {  	[tilespmem:s28+$0x2400] =	vst v53;
	v53 =	vld [tilespmem:s28+$0x2810];
	v57 =	vadd.f32 v61, v23  }
0xdd: {  	v52 =	vadd.f32 v52, v22;
	[tilespmem:s28+$0x2040] =	vst v55;
	v61 =	vld [tilespmem:s28+$0x2440]  }
0xde: {  	v54 =	vadd.f32 v54, v17;
	[tilespmem:s28+$0x2060] =	vst v57;
	v57 =	vld [tilespmem:s28+$0x2450]  }
0xdf: {  	v58 =	vadd.f32 v62, v24;
	[tilespmem:s28+$0x2050] =	vst v52;
	v62 =	vadd.f32 v63, v28;
	v63 =	vld [tilespmem:s28+$0x2460]  }
0xe0: {  	[tilespmem:s28+$0x2030] =	vst v54;
	v54 =	vld [tilespmem:s28+$0x2800]  }
0xe1: {  	[tilespmem:s28+$0x2070] =	vst v58;
	v55 =	vadd.f32 v60, v30;
	v60 =	vld [tilespmem:s28+$0x2470]  }
0xe2: {  	[tilespmem:s28+$0x2420] =	vst v62;
	v62 =	vld [tilespmem:s28+$0x2830];
	v53 =	vadd.f32 v53, v37  }
0xe3: {  	[tilespmem:s28+$0x2430] =	vst v55;
	v52 =	vadd.f32 v61, v31;
	v61 =	vld [tilespmem:s28+$0x2820];
	v57 =	vadd.f32 v57, v32  }
0xe4: {  	[tilespmem:s28+$0x2810] =	vst v53;
	v56 =	vadd.f32 v63, v34;
	v63 =	vld [tilespmem:s28+$0x2850]  }
0xe5: {  	[tilespmem:s28+$0x2450] =	vst v57;
	v57 =	vld [tilespmem:s28+$0x2840]  }
0xe6: {  	v54 =	vadd.f32 v54, v36;
	[tilespmem:s28+$0x2440] =	vst v52  }
0xe7: {  	v58 =	vadd.f32 v60, v35;
	[tilespmem:s28+$0x2460] =	vst v56;
	v52 =	vadd.f32 v62, v40;
	v62 =	vld [tilespmem:s28+$0x2870]  }
0xe8: {  	[tilespmem:s28+$0x2800] =	vst v54;
	v60 =	vld [tilespmem:s28+$0x2C00]  }
0xe9: {  	[tilespmem:s28+$0x2470] =	vst v58;
	v59 =	vadd.f32 v61, v39;
	v61 =	vld [tilespmem:s28+$0x2860];
	v56 =	vadd.f32 v63, v42  }
0xea: {  	v54 =	vld [tilespmem:s28+$0x2C10];
	[tilespmem:s28+$0x2830] =	vst v52;
	v57 =	vadd.f32 v57, v41  }
0xeb: {  	v52 =	vld [tilespmem:s28+$0x2C20];
	[tilespmem:s28+$0x2850] =	vst v56  }
0xec: {  	v56 =	vadd.f32 v62, v45;
	[tilespmem:s28+$0x2840] =	vst v57;
	v57 =	vld [tilespmem:s28+$0x2C30]  }
0xed: {  	[tilespmem:s28+$0x2820] =	vst v59;
	v59 =	vld [tilespmem:s28+$0x2C40];
	v53 =	vadd.f32 v60, v46  }
0xee: {  	v60 =	vld [tilespmem:s28+$0x2C50];
	[tilespmem:s28+$0x2870] =	vst v56;
	v55 =	vadd.f32 v61, v43  }
0xef: {  	v54 =	vadd.f32 v54, v47;
	[tilespmem:s28+$0x2C00] =	vst v53;
	v56 =	vld [tilespmem:s28+$0x2C60]  }
0xf0: {  	v52 =	vadd.f32 v52, v48;
	[tilespmem:s28+$0x2860] =	vst v55;
	v55 =	vld [tilespmem:s28+$0x2C70]  }
0xf1: {  	[tilespmem:s28+$0x2C10] =	vst v54;
	v54 =	vld [tilespmem:s28+$0x3000];
	v63 =	vadd.f32 v57, v49  }
0xf2: {  	[tilespmem:s28+$0x2C20] =	vst v52;
	v52 =	vld [tilespmem:s28+$0x3010];
	v58 =	vadd.f32 v59, v50  }
0xf3: {  	s29 =	simm.s32 $0x1;
	v53 =	vld [tilespmem:s28+$0x3020];
	v57 =	vadd.f32 v60, v51;
	[tilespmem:s28+$0x2C30] =	vst v63  }
.LBB2_3:
0xf4: {  	s30 =	sshrl.u32 s29, $0x3;
	p1 =	sne.s32 s29, $0x1F;
	[tilespmem:s28+$0x2C40] =	vst v58;
	v56 =	vadd.f32 v56, v44;
	v58 =	vld [tilespmem:s28+$0x3030]  }
0xf5: {  	s30 =	smul.u32 $0x6000, s30;
	[tilespmem:s28+$0x2C50] =	vst v57;
	v55 =	vadd.f32 v55, v38;
	v57 =	vld [tilespmem:s28+$0x3040]  }
0xf6: {  	s25 =	sadd.s32 $0x80, s25;
	[tilespmem:s28+$0x2C60] =	vst v56;
	v54 =	vadd.f32 v54, v33;
	v56 =	vld [tilespmem:s28+$0x3050]  }
0xf7: {  	s31 =	sand.u32 $0x380, s25;
	s30 =	sshra.s32 s30, $0x2;
	[tilespmem:s28+$0x2C70] =	vst v55;
	v52 =	vadd.f32 v52, v29;
	v55 =	vld [tilespmem:s28+$0x3060]  }
0xf8: {  	s30 =	sor.u32 s31, s30;
	[tilespmem:s28+$0x3000] =	vst v54;
	v53 =	vadd.f32 v53, v25;
	v54 =	vld [tilespmem:s28+$0x3070]  }
0xf9: {  	v59 =	vld [tilespmem:s30+$0x1C00];
	[tilespmem:s28+$0x3010] =	vst v52;
	v52 =	vadd.f32 v58, v21  }
0xfa: {  	v58 =	vld [tilespmem:s30+$0x1C10];
	[tilespmem:s28+$0x3020] =	vst v53;
	v53 =	vadd.f32 v57, v18  }
0xfb: {  	v57 =	vld [tilespmem:s30+$0x1C20];
	[tilespmem:s28+$0x3030] =	vst v52;
	v52 =	vadd.f32 v56, v19  }
0xfc: {  	v56 =	vld [tilespmem:s30+$0x1C30];
	[tilespmem:s28+$0x3040] =	vst v53;
	v53 =	vadd.f32 v55, v14  }
0xfd: {  	v55 =	vld [tilespmem:s30+$0x1C40];
	[tilespmem:s28+$0x3050] =	vst v52;
	v52 =	vadd.f32 v54, v15  }
0xfe: {  	v54 =	vadd.f32 v59, v4;
	v59 =	vld [tilespmem:s30+$0x1C50];
	[tilespmem:s28+$0x3060] =	vst v53  }
0xff: {  	v53 =	vadd.f32 v58, v5;
	v58 =	vld [tilespmem:s30+$0x1C60];
	[tilespmem:s28+$0x3070] =	vst v52;
	s28 =	smov.u32 s30  }
0x100: {  	[tilespmem:s28+$0x1C00] =	vst v54;
	v52 =	vadd.f32 v57, v6;
	v54 =	vld [tilespmem:s28+$0x1C70]  }
0x101: {  	[tilespmem:s28+$0x1C10] =	vst v53;
	v53 =	vadd.f32 v56, v7;
	v56 =	vld [tilespmem:s28+$0x2000]  }
0x102: {  	[tilespmem:s28+$0x1C20] =	vst v52;
	v52 =	vadd.f32 v55, v8;
	v55 =	vld [tilespmem:s28+$0x2010]  }
0x103: {  	[tilespmem:s28+$0x1C30] =	vst v53;
	v53 =	vadd.f32 v59, v9;
	v57 =	vld [tilespmem:s28+$0x2020]  }
0x104: {  	[tilespmem:s28+$0x1C40] =	vst v52;
	v52 =	vadd.f32 v58, v10;
	v58 =	vld [tilespmem:s28+$0x2030]  }
0x105: {  	[tilespmem:s28+$0x1C50] =	vst v53;
	v53 =	vadd.f32 v54, v11;
	v54 =	vld [tilespmem:s28+$0x2040]  }
0x106: {  	[tilespmem:s28+$0x1C60] =	vst v52;
	v52 =	vadd.f32 v56, v12;
	v56 =	vld [tilespmem:s28+$0x2050]  }
0x107: {  	[tilespmem:s28+$0x1C70] =	vst v53;
	v53 =	vadd.f32 v55, v13;
	v55 =	vld [tilespmem:s28+$0x2060]  }
0x108: {  	[tilespmem:s28+$0x2000] =	vst v52;
	v52 =	vadd.f32 v57, v16;
	v57 =	vld [tilespmem:s28+$0x2070]  }
0x109: {  	[tilespmem:s28+$0x2010] =	vst v53;
	v53 =	vadd.f32 v58, v17;
	v58 =	vld [tilespmem:s28+$0x2400]  }
0x10a: {  	[tilespmem:s28+$0x2020] =	vst v52;
	v52 =	vadd.f32 v54, v20;
	v54 =	vld [tilespmem:s28+$0x2410]  }
0x10b: {  	[tilespmem:s28+$0x2030] =	vst v53;
	v53 =	vadd.f32 v56, v22;
	v56 =	vld [tilespmem:s28+$0x2420]  }
0x10c: {  	[tilespmem:s28+$0x2040] =	vst v52;
	v52 =	vadd.f32 v55, v23;
	v55 =	vld [tilespmem:s28+$0x2430]  }
0x10d: {  	[tilespmem:s28+$0x2050] =	vst v53;
	v53 =	vadd.f32 v57, v24;
	v57 =	vld [tilespmem:s28+$0x2440]  }
0x10e: {  	[tilespmem:s28+$0x2060] =	vst v52;
	v52 =	vadd.f32 v58, v26;
	v58 =	vld [tilespmem:s28+$0x2450]  }
0x10f: {  	[tilespmem:s28+$0x2070] =	vst v53;
	v53 =	vadd.f32 v54, v27;
	v54 =	vld [tilespmem:s28+$0x2460]  }
0x110: {  	[tilespmem:s28+$0x2400] =	vst v52;
	v52 =	vadd.f32 v56, v28;
	v56 =	vld [tilespmem:s28+$0x2470]  }
0x111: {  	[tilespmem:s28+$0x2410] =	vst v53;
	v53 =	vadd.f32 v55, v30;
	v55 =	vld [tilespmem:s28+$0x2800]  }
0x112: {  	[tilespmem:s28+$0x2420] =	vst v52;
	v52 =	vadd.f32 v57, v31;
	v57 =	vld [tilespmem:s28+$0x2810]  }
0x113: {  	[tilespmem:s28+$0x2430] =	vst v53;
	v53 =	vadd.f32 v58, v32;
	v58 =	vld [tilespmem:s28+$0x2820]  }
0x114: {  	[tilespmem:s28+$0x2440] =	vst v52;
	v52 =	vadd.f32 v54, v34;
	v54 =	vld [tilespmem:s28+$0x2830]  }
0x115: {  	[tilespmem:s28+$0x2450] =	vst v53;
	v53 =	vadd.f32 v56, v35;
	v56 =	vld [tilespmem:s28+$0x2840]  }
0x116: {  	[tilespmem:s28+$0x2460] =	vst v52;
	v52 =	vadd.f32 v55, v36;
	v55 =	vld [tilespmem:s28+$0x2850]  }
0x117: {  	[tilespmem:s28+$0x2470] =	vst v53;
	v53 =	vadd.f32 v57, v37;
	v57 =	vld [tilespmem:s28+$0x2860]  }
0x118: {  	[tilespmem:s28+$0x2800] =	vst v52;
	v52 =	vadd.f32 v58, v39;
	v58 =	vld [tilespmem:s28+$0x2870]  }
0x119: {  	[tilespmem:s28+$0x2810] =	vst v53;
	v53 =	vadd.f32 v54, v40;
	v54 =	vld [tilespmem:s28+$0x2C00]  }
0x11a: {  	[tilespmem:s28+$0x2820] =	vst v52;
	v52 =	vadd.f32 v56, v41;
	v56 =	vld [tilespmem:s28+$0x2C10]  }
0x11b: {  	[tilespmem:s28+$0x2830] =	vst v53;
	v53 =	vadd.f32 v55, v42;
	v55 =	vld [tilespmem:s28+$0x2C20]  }
0x11c: {  	[tilespmem:s28+$0x2840] =	vst v52;
	v52 =	vadd.f32 v57, v43;
	v57 =	vld [tilespmem:s28+$0x2C30]  }
0x11d: {  	[tilespmem:s28+$0x2850] =	vst v53;
	v53 =	vadd.f32 v58, v45;
	v58 =	vld [tilespmem:s28+$0x2C40]  }
0x11e: {  	[tilespmem:s28+$0x2860] =	vst v52;
	v52 =	vadd.f32 v54, v46;
	v59 =	vld [tilespmem:s28+$0x2C50]  }
.Ltmp0:
0x11f: {  	[tilespmem:s28+$0x2870] =	vst v53;
	v53 =	vadd.f32 v56, v47;
	v56 =	vld [tilespmem:s28+$0x2C60];
	(pc) =	sbr.rel @p1 .LBB2_3-.Ltmp0, $4  }
0x120: {  	[tilespmem:s28+$0x2C00] =	vst v52;
	v52 =	vadd.f32 v55, v48;
	v55 =	vld [tilespmem:s28+$0x2C70]  }
0x121: {  	[tilespmem:s28+$0x2C10] =	vst v53;
	v53 =	vadd.f32 v57, v49;
	v54 =	vld [tilespmem:s28+$0x3000]  }
0x122: {  	[tilespmem:s28+$0x2C20] =	vst v52;
	v58 =	vadd.f32 v58, v50;
	v52 =	vld [tilespmem:s28+$0x3010]  }
0x123: {  	s29 =	sadd.s32 $0x1, s29;
	[tilespmem:s28+$0x2C30] =	vst v53;
	v57 =	vadd.f32 v59, v51;
	v53 =	vld [tilespmem:s28+$0x3020]  }
0x124: {  	s25 =	sshll.u32 s21, $0x7  }
0x125: {  	v0 =	vlaneseq.u32;
	s25 =	sand.u32 $0x380, s25  }
0x126: {  	v4 =	vmul.u32 $0x80, v0;
	v5 =	vmov s25  }
0x127: {  	s29 =	rddreg [dreg:$0x6];
	v5 =	vshll.u32 v5, $0x7  }
0x128: {  	v6 =	vadd.f32 v56, v44;
	s26 =	sadd.s32 s29, s26;
	v5 =	vor.u32 v4, v5  }
0x129: {  	[tilespmem:s28+$0x2C40] =	vst v58;
	v7 =	vld [tilespmem:s28+$0x3030];
	v9 =	vadd.f32 v55, v38;
	v5 =	vadd.s32 s26, v5  }
0x12a: {  	v8 =	vld [tilespmem:s28+$0x3040];
	[tilespmem:s28+$0x2C60] =	vst v6;
	v5 =	vshrl.u32 v5, $0x3  }
0x12b: {  	v10 =	vld [tilespmem:s28+$0x3050];
	v11 =	vadd.f32 v54, v33;
	v6 =	vmov s26;
	[tilespmem:s28+$0x2C70] =	vst v9;
	v9 =	vmul.u32 $0x30, v5  }
0x12c: {  	v13 =	vld [tilespmem:s28+$0x3060];
	[tilespmem:s28+$0x2C50] =	vst v57;
	v12 =	vadd.f32 v52, v29;
	v5 =	vand.u32 $0x7, v6  }
0x12d: {  	v16 =	vld [tilespmem:s28+$0x3070];
	[tilespmem:s28+$0x3000] =	vst v11;
	v11 =	vadd.f32 v53, v25;
	v9 =	vor.u32 v5, v9  }
0x12e: {  	[tilespmem:s28+$0x3010] =	vst v12;
	v7 =	vadd.f32 v7, v21;
	v12 =	vperm.xlane v9, v1  }
0x12f: {  	v8 =	vadd.f32 v8, v18;
	[tilespmem:s28+$0x3020] =	vst v11  }
0x130: {  	[tilespmem:s28+$0x3030] =	vst v7;
	v7 =	vadd.f32 v10, v19;
	v10 =	vadd.s32 v2, v12  }
0x131: {  	s29 =	sor.u32 $0x10, s25;
	[tilespmem:s28+$0x3040] =	vst v8;
	v8 =	vadd.f32 v13, v14  }
0x132: {  	v11 =	vmov s29;
	[tilespmem:s28+$0x3050] =	vst v7;
	v7 =	vadd.f32 v16, v15  }
0x133: {  	[tilespmem:s28+$0x3060] =	vst v8;
	v8 =	vshll.u32 v11, $0x7  }
0x134: {  	v8 =	vor.u32 v4, v8;
	[tilespmem:s28+$0x3070] =	vst v7;
	v7 =	vperm.xlane v9, v3;
	s28 =	simm.s32 $0x1C00  }
0x135: {  	v8 =	vadd.s32 s26, v8;
	[hbm4b:s2+s4] =	stream.indirect_vreg.scatter [tilespmem:s28], [sflag:$0x2], $0x80, v10, vm0, $0xb8;
	[tilespmem:$0x19C00] =	vst v63  }
0x136: {  	s31 =	simm.s32 $0x2400;
	v8 =	vshrl.u32 v8, $0x3;
	v7 =	vadd.s32 v2, v7  }
0x137: {  	v8 =	vmul.u32 $0x30, v8;
	[hbm4b:s10+s4] =	stream.indirect_vreg.scatter [tilespmem:s31], [sflag:$0x2], $0x80, v10, vm0, $0xb8;
	[tilespmem:$0x19C00] =	vst v63  }
0x138: {  	s30 =	simm.s32 $0x2C00  }
0x139: {  	v8 =	vor.u32 v5, v8;
	[hbm4b:s11+s4] =	stream.indirect_vreg.scatter [tilespmem:s30], [sflag:$0x2], $0x80, v10, vm0, $0xb8;
	[tilespmem:$0x19C00] =	vst v63  }
0x13a: {  	v9 =	vperm.xlane v8, v1;
	s31 =	simm.s32 $0x3400  }
0x13b: {  	[hbm4b:s2+s4] =	stream.indirect_vreg.scatter [tilespmem:s31], [sflag:$0x2], $0x80, v7, vm0, $0xb8;
	[tilespmem:$0x19C00] =	vst v63  }
0x13c: {  	v9 =	vadd.s32 v2, v9;
	s30 =	simm.s32 $0x3C00  }
0x13d: {  	[hbm4b:s10+s4] =	stream.indirect_vreg.scatter [tilespmem:s30], [sflag:$0x2], $0x80, v7, vm0, $0xb8;
	[tilespmem:$0x19C00] =	vst v63  }
0x13e: {  	s31 =	simm.s32 $0x4400  }
0x13f: {  	[hbm4b:s11+s4] =	stream.indirect_vreg.scatter [tilespmem:s31], [sflag:$0x2], $0x80, v7, vm0, $0xb8;
	[tilespmem:$0x19C00] =	vst v63  }
0x140: {  	s30 =	simm.s32 $0x4C00;
	v7 =	vperm.xlane v8, v3  }
0x141: {  	[hbm4b:s2+s4] =	stream.indirect_vreg.scatter [tilespmem:s30], [sflag:$0x2], $0x80, v9, vm0, $0xb8;
	[tilespmem:$0x19C00] =	vst v63  }
0x142: {  	s31 =	simm.s32 $0x5400;
	v7 =	vadd.s32 v2, v7  }
0x143: {  	[hbm4b:s10+s4] =	stream.indirect_vreg.scatter [tilespmem:s31], [sflag:$0x2], $0x80, v9, vm0, $0xb8;
	[tilespmem:$0x19C00] =	vst v63  }
0x144: {  	s30 =	simm.s32 $0x5C00  }
0x145: {  	[hbm4b:s11+s4] =	stream.indirect_vreg.scatter [tilespmem:s30], [sflag:$0x2], $0x80, v9, vm0, $0xb8;
	[tilespmem:$0x19C00] =	vst v63  }
0x146: {  	s31 =	simm.s32 $0x6400  }
0x147: {  	[hbm4b:s2+s4] =	stream.indirect_vreg.scatter [tilespmem:s31], [sflag:$0x2], $0x80, v7, vm0, $0xb8;
	[tilespmem:$0x19C00] =	vst v63  }
0x148: {  	s30 =	simm.s32 $0x6C00  }
0x149: {  	[hbm4b:s10+s4] =	stream.indirect_vreg.scatter [tilespmem:s30], [sflag:$0x2], $0x80, v7, vm0, $0xb8;
	[tilespmem:$0x19C00] =	vst v63  }
0x14a: {  	s31 =	simm.s32 $0x7400  }
0x14b: {  	[hbm4b:s11+s4] =	stream.indirect_vreg.scatter [tilespmem:s31], [sflag:$0x2], $0x80, v7, vm0, $0xb8;
	[tilespmem:$0x19C00] =	vst v63  }
0x14c: {  	_ =	swait.ge [sflag:s18], $0x6000  }
0x14d: {  	[sflag:s18] =	ssyncset.done $0x0  }
0x14e: {  	s26 =	simm.s32 @!p0 $0x2;
	[sflag:s18] =	ssyncadd.s32 $0xFFFFA000  }
0x14f: {  	s23 =	sor.u32 $0x3, s23;
	_ =	swait.ge @!p0 [sflag:s26], $0x6000  }
0x150: {  	s23 =	sshll.u32 s23, $0x5;
	[sflag:s26] =	ssyncset.done @!p0 $0x0  }
0x151: {  	s28 =	sand.u32 $0x3FFFFFE0, s23;
	[sflag:s26] =	ssyncadd.s32 @!p0 $0xFFFFA000  }
0x152: {  	v7 =	vld [tilespmem:s28+$0x0];
	_ =	sdelay $0x4  }
0x153: {  	v8 =	vshrl.u32 v7, $0x3  }
0x154: {  	v8 =	vmul.u32 $0x30, v8  }
0x155: {  	v7 =	vand.u32 $0x7, v7  }
0x156: {  	v7 =	vor.u32 v7, v8  }
0x157: {  	v8 =	vperm.xlane v7, v1;
	_ =	sdelay $0x1  }
0x158: {  	v8 =	vadd.s32 v2, v8;
	_ =	sdelay $0x3  }
0x159: {  	s26 =	simm.s32 $0x0;
	v7 =	vperm.xlane v7, v3  }
0x15a: {  	[tilespmem:s0], [sflag:$0x1] =	stream.indirect_vreg.gather [hbm4b:s1+s26], $0x80, v8, vm0, $0xb8;
	[tilespmem:$0x19C00] =	vst v63  }
0x15b: {  	v7 =	vadd.s32 v2, v7  }
0x15c: {  	[tilespmem:s3], [sflag:$0x1] =	stream.indirect_vreg.gather [hbm4b:s8+s26], $0x80, v8, vm0, $0xb8;
	[tilespmem:$0x19C00] =	vst v63  }
0x15d: {  	_ = 	snop  }
0x15e: {  	[tilespmem:s14], [sflag:$0x1] =	stream.indirect_vreg.gather [hbm4b:s9+s26], $0x80, v8, vm0, $0xb8;
	[tilespmem:$0x19C00] =	vst v63  }
0x15f: {  	_ = 	snop  }
0x160: {  	[tilespmem:s15], [sflag:$0x1] =	stream.indirect_vreg.gather [hbm4b:s1+s26], $0x80, v7, vm0, $0xb8;
	[tilespmem:$0x19C00] =	vst v63  }
0x161: {  	_ = 	snop  }
0x162: {  	[tilespmem:s16], [sflag:$0x1] =	stream.indirect_vreg.gather [hbm4b:s8+s26], $0x80, v7, vm0, $0xb8;
	[tilespmem:$0x19C00] =	vst v63  }
0x163: {  	_ = 	snop  }
0x164: {  	[tilespmem:s5], [sflag:$0x1] =	stream.indirect_vreg.gather [hbm4b:s9+s26], $0x80, v7, vm0, $0xb8;
	[tilespmem:$0x19C00] =	vst v63  }
0x165: {  	v7 =	vld [tilespmem:s28+$0x10];
	_ =	sdelay $0x4  }
0x166: {  	v8 =	vshrl.u32 v7, $0x3  }
0x167: {  	v8 =	vmul.u32 $0x30, v8  }
0x168: {  	v7 =	vand.u32 $0x7, v7  }
0x169: {  	v7 =	vor.u32 v7, v8  }
0x16a: {  	v8 =	vperm.xlane v7, v1;
	_ =	sdelay $0x1  }
0x16b: {  	v8 =	vadd.s32 v2, v8;
	_ =	sdelay $0x3  }
0x16c: {  	v7 =	vperm.xlane v7, v3  }
0x16d: {  	[tilespmem:s7], [sflag:$0x1] =	stream.indirect_vreg.gather [hbm4b:s1+s26], $0x80, v8, vm0, $0xb8;
	[tilespmem:$0x19C00] =	vst v63  }
0x16e: {  	v7 =	vadd.s32 v2, v7  }
0x16f: {  	[tilespmem:s12], [sflag:$0x1] =	stream.indirect_vreg.gather [hbm4b:s8+s26], $0x80, v8, vm0, $0xb8;
	[tilespmem:$0x19C00] =	vst v63  }
0x170: {  	_ = 	snop  }
0x171: {  	[tilespmem:s13], [sflag:$0x1] =	stream.indirect_vreg.gather [hbm4b:s9+s26], $0x80, v8, vm0, $0xb8;
	[tilespmem:$0x19C00] =	vst v63  }
0x172: {  	_ = 	snop  }
0x173: {  	[tilespmem:s17], [sflag:$0x1] =	stream.indirect_vreg.gather [hbm4b:s1+s26], $0x80, v7, vm0, $0xb8;
	[tilespmem:$0x19C00] =	vst v63  }
0x174: {  	_ = 	snop  }
0x175: {  	[tilespmem:s6], [sflag:$0x1] =	stream.indirect_vreg.gather [hbm4b:s8+s26], $0x80, v7, vm0, $0xb8;
	[tilespmem:$0x19C00] =	vst v63  }
0x176: {  	_ = 	snop  }
0x177: {  	[tilespmem:s19], [sflag:$0x1] =	stream.indirect_vreg.gather [hbm4b:s9+s26], $0x80, v7, vm0, $0xb8;
	[tilespmem:$0x19C00] =	vst v63  }
0x178: {  	v7 =	vld [tilespmem:s22+$0x1000]  }
0x179: {  	v8 =	vld [tilespmem:s22+$0x1010]  }
0x17a: {  	v9 =	vld [tilespmem:s22+$0x1020]  }
0x17b: {  	v10 =	vld [tilespmem:s22+$0x1030]  }
0x17c: {  	v11 =	vld [tilespmem:s22+$0x1040]  }
0x17d: {  	v12 =	vld [tilespmem:s22+$0x1050]  }
0x17e: {  	v13 =	vld [tilespmem:s22+$0x1060]  }
0x17f: {  	v14 =	vld [tilespmem:s22+$0x1070]  }
0x180: {  	v15 =	vld [tilespmem:s22+$0x1200]  }
0x181: {  	v16 =	vld [tilespmem:s22+$0x1210]  }
0x182: {  	v17 =	vld [tilespmem:s22+$0x1220]  }
0x183: {  	v18 =	vld [tilespmem:s22+$0x1230]  }
0x184: {  	v19 =	vld [tilespmem:s22+$0x1240]  }
0x185: {  	v20 =	vld [tilespmem:s22+$0x1250]  }
0x186: {  	v21 =	vld [tilespmem:s22+$0x1260]  }
0x187: {  	v22 =	vld [tilespmem:s22+$0x1270]  }
0x188: {  	v23 =	vld [tilespmem:s22+$0x1400]  }
0x189: {  	v24 =	vld [tilespmem:s22+$0x1410]  }
0x18a: {  	v25 =	vld [tilespmem:s22+$0x1420]  }
0x18b: {  	v26 =	vld [tilespmem:s22+$0x1430]  }
0x18c: {  	v29 =	vld [tilespmem:s22+$0x1440]  }
0x18d: {  	v32 =	vld [tilespmem:s22+$0x1450]  }
0x18e: {  	v34 =	vld [tilespmem:s22+$0x1460]  }
0x18f: {  	v36 =	vld [tilespmem:s22+$0x1470]  }
0x190: {  	v38 =	vld [tilespmem:s22+$0x1600]  }
0x191: {  	v40 =	vld [tilespmem:s22+$0x1610]  }
0x192: {  	v41 =	vld [tilespmem:s22+$0x1620]  }
0x193: {  	v42 =	vld [tilespmem:s22+$0x1630]  }
0x194: {  	v43 =	vld [tilespmem:s22+$0x1640]  }
0x195: {  	v45 =	vld [tilespmem:s22+$0x1650]  }
0x196: {  	v46 =	vld [tilespmem:s22+$0x1660]  }
0x197: {  	v47 =	vld [tilespmem:s22+$0x1670]  }
0x198: {  	v48 =	vld [tilespmem:s22+$0x1800]  }
0x199: {  	v50 =	vld [tilespmem:s22+$0x1810]  }
0x19a: {  	v51 =	vld [tilespmem:s22+$0x1820]  }
0x19b: {  	v52 =	vld [tilespmem:s22+$0x1830]  }
0x19c: {  	v53 =	vld [tilespmem:s22+$0x1840]  }
0x19d: {  	v54 =	vld [tilespmem:s22+$0x1850]  }
0x19e: {  	v49 =	vld [tilespmem:s22+$0x1860]  }
0x19f: {  	v44 =	vld [tilespmem:s22+$0x1870]  }
0x1a0: {  	s28 =	simm.s32 $0x0;
	v39 =	vld [tilespmem:s22+$0x1A00]  }
0x1a1: {  	s28 =	smul.u32 $0x6000, s28;
	v37 =	vld [tilespmem:s22+$0x1A10]  }
0x1a2: {  	v35 =	vld [tilespmem:s22+$0x1A20]  }
0x1a3: {  	s29 =	sand.u32 $0x380, s26;
	s28 =	sshra.s32 s28, $0x2;
	v27 =	vld [tilespmem:s22+$0x1A30]  }
0x1a4: {  	s28 =	sor.u32 s29, s28;
	v28 =	vld [tilespmem:s22+$0x1A40]  }
0x1a5: {  	v31 =	vld [tilespmem:s28+$0x7C00]  }
0x1a6: {  	v63 =	vld [tilespmem:s28+$0x7C10]  }
0x1a7: {  	v33 =	vld [tilespmem:s22+$0x1A50]  }
0x1a8: {  	v60 =	vld [tilespmem:s28+$0x7C20]  }
0x1a9: {  	v30 =	vld [tilespmem:s22+$0x1A60]  }
0x1aa: {  	v57 =	vld [tilespmem:s28+$0x7C30]  }
0x1ab: {  	v59 =	vld [tilespmem:s28+$0x7C40]  }
0x1ac: {  	v58 =	vld [tilespmem:s28+$0x7C50]  }
0x1ad: {  	v61 =	vadd.f32 v31, v7;
	v31 =	vld [tilespmem:s22+$0x1A70];
	v55 =	vadd.f32 v63, v8  }
0x1ae: {  	v56 =	vadd.f32 v60, v9;
	v60 =	vld [tilespmem:s28+$0x7C60]  }
0x1af: {  	v57 =	vadd.f32 v57, v10;
	[tilespmem:s28+$0x7C10] =	vst v55;
	v55 =	vld [tilespmem:s28+$0x8000]  }
0x1b0: {  	v59 =	vadd.f32 v59, v11;
	[tilespmem:s28+$0x7C20] =	vst v56;
	v56 =	vld [tilespmem:s28+$0x8010]  }
0x1b1: {  	[tilespmem:s28+$0x7C30] =	vst v57;
	v57 =	vld [tilespmem:s28+$0x8020]  }
0x1b2: {  	v58 =	vadd.f32 v58, v12;
	[tilespmem:s28+$0x7C40] =	vst v59;
	v59 =	vld [tilespmem:s28+$0x8030]  }
0x1b3: {  	[tilespmem:s28+$0x7C00] =	vst v61;
	v61 =	vld [tilespmem:s28+$0x7C70];
	v60 =	vadd.f32 v60, v13  }
0x1b4: {  	[tilespmem:s28+$0x7C50] =	vst v58;
	v58 =	vld [tilespmem:s28+$0x8040]  }
0x1b5: {  	[tilespmem:s28+$0x7C60] =	vst v60;
	v60 =	vld [tilespmem:s28+$0x8050];
	v56 =	vadd.f32 v56, v16  }
0x1b6: {  	v55 =	vadd.f32 v55, v15;
	v62 =	vadd.f32 v57, v17;
	v57 =	vld [tilespmem:s28+$0x8060]  }
0x1b7: {  	v59 =	vadd.f32 v59, v18;
	[tilespmem:s28+$0x8010] =	vst v56;
	v56 =	vld [tilespmem:s28+$0x8400]  }
0x1b8: {  	v61 =	vadd.f32 v61, v14;
	[tilespmem:s28+$0x8000] =	vst v55;
	v55 =	vld [tilespmem:s28+$0x8410]  }
0x1b9: {  	v58 =	vadd.f32 v58, v19;
	[tilespmem:s28+$0x8030] =	vst v59;
	v59 =	vld [tilespmem:s28+$0x8420]  }
0x1ba: {  	[tilespmem:s28+$0x7C70] =	vst v61;
	v61 =	vld [tilespmem:s28+$0x8070];
	v60 =	vadd.f32 v60, v20  }
0x1bb: {  	[tilespmem:s28+$0x8040] =	vst v58;
	v58 =	vld [tilespmem:s28+$0x8430];
	v57 =	vadd.f32 v57, v21  }
0x1bc: {  	[tilespmem:s28+$0x8050] =	vst v60;
	v60 =	vld [tilespmem:s28+$0x8440]  }
0x1bd: {  	[tilespmem:s28+$0x8060] =	vst v57;
	v57 =	vld [tilespmem:s28+$0x8450];
	v55 =	vadd.f32 v55, v24  }
0x1be: {  	[tilespmem:s28+$0x8020] =	vst v62;
	v56 =	vadd.f32 v56, v23;
	v63 =	vadd.f32 v59, v25;
	v59 =	vld [tilespmem:s28+$0x8460]  }
0x1bf: {  	v61 =	vadd.f32 v61, v22;
	[tilespmem:s28+$0x8410] =	vst v55;
	v55 =	vld [tilespmem:s28+$0x8800]  }
0x1c0: {  	v58 =	vadd.f32 v58, v26;
	[tilespmem:s28+$0x8400] =	vst v56;
	v56 =	vld [tilespmem:s28+$0x8810]  }
0x1c1: {  	[tilespmem:s28+$0x8070] =	vst v61;
	v61 =	vld [tilespmem:s28+$0x8470]  }
0x1c2: {  	[tilespmem:s28+$0x8430] =	vst v58;
	v58 =	vld [tilespmem:s28+$0x8820];
	v60 =	vadd.f32 v60, v29  }
0x1c3: {  	[tilespmem:s28+$0x8420] =	vst v63;
	v57 =	vadd.f32 v57, v32  }
0x1c4: {  	v59 =	vadd.f32 v59, v34;
	[tilespmem:s28+$0x8440] =	vst v60;
	v60 =	vld [tilespmem:s28+$0x8830]  }
0x1c5: {  	[tilespmem:s28+$0x8450] =	vst v57;
	v57 =	vld [tilespmem:s28+$0x8840];
	v55 =	vadd.f32 v55, v38  }
0x1c6: {  	v61 =	vadd.f32 v61, v36;
	[tilespmem:s28+$0x8460] =	vst v59;
	v59 =	vld [tilespmem:s28+$0x8850]  }
0x1c7: {  	v56 =	vadd.f32 v56, v40;
	[tilespmem:s28+$0x8800] =	vst v55;
	v55 =	vadd.f32 v58, v41;
	v58 =	vld [tilespmem:s28+$0x8860]  }
0x1c8: {  	[tilespmem:s28+$0x8470] =	vst v61;
	v61 =	vld [tilespmem:s28+$0x8870]  }
0x1c9: {  	[tilespmem:s28+$0x8810] =	vst v56;
	v56 =	vld [tilespmem:s28+$0x8C00];
	v60 =	vadd.f32 v60, v42  }
0x1ca: {  	[tilespmem:s28+$0x8820] =	vst v55;
	v55 =	vld [tilespmem:s28+$0x8C10];
	v57 =	vadd.f32 v57, v43  }
0x1cb: {  	v59 =	vadd.f32 v59, v45;
	[tilespmem:s28+$0x8830] =	vst v60;
	v60 =	vld [tilespmem:s28+$0x8C20]  }
0x1cc: {  	v62 =	vld [tilespmem:s28+$0x8C30];
	[tilespmem:s28+$0x8840] =	vst v57;
	v57 =	vadd.f32 v58, v46  }
0x1cd: {  	v63 =	vld [tilespmem:s28+$0x8C40];
	[tilespmem:s28+$0x8850] =	vst v59;
	v61 =	vadd.f32 v61, v47  }
0x1ce: {  	v0 =	vld [tilespmem:s28+$0x8C50];
	v56 =	vadd.f32 v56, v48;
	[tilespmem:s28+$0x8860] =	vst v57  }
0x1cf: {  	v59 =	vld [tilespmem:s28+$0x8C60];
	[tilespmem:s28+$0x8870] =	vst v61;
	v55 =	vadd.f32 v55, v50  }
0x1d0: {  	v58 =	vld [tilespmem:s28+$0x8C70];
	[tilespmem:s28+$0x8C00] =	vst v56;
	v56 =	vadd.f32 v60, v51  }
0x1d1: {  	v57 =	vld [tilespmem:s28+$0x9000];
	[tilespmem:s28+$0x8C10] =	vst v55;
	v60 =	vadd.f32 v62, v52  }
0x1d2: {  	v61 =	vadd.f32 v63, v53;
	v55 =	vld [tilespmem:s28+$0x9010];
	[tilespmem:s28+$0x8C20] =	vst v56  }
0x1d3: {  	s29 =	simm.s32 $0x1;
	[tilespmem:s28+$0x8C30] =	vst v60;
	v60 =	vadd.f32 v0, v54;
	v56 =	vld [tilespmem:s28+$0x9020]  }
.LBB2_5:
0x1d4: {  	s30 =	sshrl.u32 s29, $0x3;
	p0 =	sne.s32 s29, $0x1F;
	[tilespmem:s28+$0x8C40] =	vst v61;
	v0 =	vadd.f32 v59, v49;
	v59 =	vld [tilespmem:s28+$0x9030]  }
0x1d5: {  	s30 =	smul.u32 $0x6000, s30;
	[tilespmem:s28+$0x8C50] =	vst v60;
	v58 =	vadd.f32 v58, v44;
	v60 =	vld [tilespmem:s28+$0x9040]  }
0x1d6: {  	s26 =	sadd.s32 $0x80, s26;
	[tilespmem:s28+$0x8C60] =	vst v0;
	v0 =	vadd.f32 v57, v39;
	v57 =	vld [tilespmem:s28+$0x9050]  }
0x1d7: {  	s31 =	sand.u32 $0x380, s26;
	s30 =	sshra.s32 s30, $0x2;
	[tilespmem:s28+$0x8C70] =	vst v58;
	v55 =	vadd.f32 v55, v37;
	v58 =	vld [tilespmem:s28+$0x9060]  }
0x1d8: {  	s30 =	sor.u32 s31, s30;
	[tilespmem:s28+$0x9000] =	vst v0;
	v0 =	vadd.f32 v56, v35;
	v56 =	vld [tilespmem:s28+$0x9070]  }
0x1d9: {  	v61 =	vld [tilespmem:s30+$0x7C00];
	[tilespmem:s28+$0x9010] =	vst v55;
	v55 =	vadd.f32 v59, v27  }
0x1da: {  	v59 =	vld [tilespmem:s30+$0x7C10];
	[tilespmem:s28+$0x9020] =	vst v0;
	v0 =	vadd.f32 v60, v28  }
0x1db: {  	v60 =	vld [tilespmem:s30+$0x7C20];
	[tilespmem:s28+$0x9030] =	vst v55;
	v55 =	vadd.f32 v57, v33  }
0x1dc: {  	v57 =	vld [tilespmem:s30+$0x7C30];
	[tilespmem:s28+$0x9040] =	vst v0;
	v0 =	vadd.f32 v58, v30  }
0x1dd: {  	v58 =	vld [tilespmem:s30+$0x7C40];
	[tilespmem:s28+$0x9050] =	vst v55;
	v55 =	vadd.f32 v56, v31  }
0x1de: {  	v56 =	vadd.f32 v61, v7;
	v61 =	vld [tilespmem:s30+$0x7C50];
	[tilespmem:s28+$0x9060] =	vst v0  }
0x1df: {  	v0 =	vadd.f32 v59, v8;
	v59 =	vld [tilespmem:s30+$0x7C60];
	[tilespmem:s28+$0x9070] =	vst v55;
	s28 =	smov.u32 s30  }
0x1e0: {  	[tilespmem:s28+$0x7C00] =	vst v56;
	v55 =	vadd.f32 v60, v9;
	v56 =	vld [tilespmem:s28+$0x7C70]  }
0x1e1: {  	[tilespmem:s28+$0x7C10] =	vst v0;
	v0 =	vadd.f32 v57, v10;
	v57 =	vld [tilespmem:s28+$0x8000]  }
0x1e2: {  	[tilespmem:s28+$0x7C20] =	vst v55;
	v55 =	vadd.f32 v58, v11;
	v58 =	vld [tilespmem:s28+$0x8010]  }
0x1e3: {  	[tilespmem:s28+$0x7C30] =	vst v0;
	v0 =	vadd.f32 v61, v12;
	v60 =	vld [tilespmem:s28+$0x8020]  }
0x1e4: {  	[tilespmem:s28+$0x7C40] =	vst v55;
	v55 =	vadd.f32 v59, v13;
	v59 =	vld [tilespmem:s28+$0x8030]  }
0x1e5: {  	[tilespmem:s28+$0x7C50] =	vst v0;
	v0 =	vadd.f32 v56, v14;
	v56 =	vld [tilespmem:s28+$0x8040]  }
0x1e6: {  	[tilespmem:s28+$0x7C60] =	vst v55;
	v55 =	vadd.f32 v57, v15;
	v57 =	vld [tilespmem:s28+$0x8050]  }
0x1e7: {  	[tilespmem:s28+$0x7C70] =	vst v0;
	v0 =	vadd.f32 v58, v16;
	v58 =	vld [tilespmem:s28+$0x8060]  }
0x1e8: {  	[tilespmem:s28+$0x8000] =	vst v55;
	v55 =	vadd.f32 v60, v17;
	v60 =	vld [tilespmem:s28+$0x8070]  }
0x1e9: {  	[tilespmem:s28+$0x8010] =	vst v0;
	v0 =	vadd.f32 v59, v18;
	v59 =	vld [tilespmem:s28+$0x8400]  }
0x1ea: {  	[tilespmem:s28+$0x8020] =	vst v55;
	v55 =	vadd.f32 v56, v19;
	v56 =	vld [tilespmem:s28+$0x8410]  }
0x1eb: {  	[tilespmem:s28+$0x8030] =	vst v0;
	v0 =	vadd.f32 v57, v20;
	v57 =	vld [tilespmem:s28+$0x8420]  }
0x1ec: {  	[tilespmem:s28+$0x8040] =	vst v55;
	v55 =	vadd.f32 v58, v21;
	v58 =	vld [tilespmem:s28+$0x8430]  }
0x1ed: {  	[tilespmem:s28+$0x8050] =	vst v0;
	v0 =	vadd.f32 v60, v22;
	v60 =	vld [tilespmem:s28+$0x8440]  }
0x1ee: {  	[tilespmem:s28+$0x8060] =	vst v55;
	v55 =	vadd.f32 v59, v23;
	v59 =	vld [tilespmem:s28+$0x8450]  }
0x1ef: {  	[tilespmem:s28+$0x8070] =	vst v0;
	v0 =	vadd.f32 v56, v24;
	v56 =	vld [tilespmem:s28+$0x8460]  }
0x1f0: {  	[tilespmem:s28+$0x8400] =	vst v55;
	v55 =	vadd.f32 v57, v25;
	v57 =	vld [tilespmem:s28+$0x8470]  }
0x1f1: {  	[tilespmem:s28+$0x8410] =	vst v0;
	v0 =	vadd.f32 v58, v26;
	v58 =	vld [tilespmem:s28+$0x8800]  }
0x1f2: {  	[tilespmem:s28+$0x8420] =	vst v55;
	v55 =	vadd.f32 v60, v29;
	v60 =	vld [tilespmem:s28+$0x8810]  }
0x1f3: {  	[tilespmem:s28+$0x8430] =	vst v0;
	v0 =	vadd.f32 v59, v32;
	v59 =	vld [tilespmem:s28+$0x8820]  }
0x1f4: {  	[tilespmem:s28+$0x8440] =	vst v55;
	v55 =	vadd.f32 v56, v34;
	v56 =	vld [tilespmem:s28+$0x8830]  }
0x1f5: {  	[tilespmem:s28+$0x8450] =	vst v0;
	v0 =	vadd.f32 v57, v36;
	v57 =	vld [tilespmem:s28+$0x8840]  }
0x1f6: {  	[tilespmem:s28+$0x8460] =	vst v55;
	v55 =	vadd.f32 v58, v38;
	v58 =	vld [tilespmem:s28+$0x8850]  }
0x1f7: {  	[tilespmem:s28+$0x8470] =	vst v0;
	v0 =	vadd.f32 v60, v40;
	v60 =	vld [tilespmem:s28+$0x8860]  }
0x1f8: {  	[tilespmem:s28+$0x8800] =	vst v55;
	v55 =	vadd.f32 v59, v41;
	v59 =	vld [tilespmem:s28+$0x8870]  }
0x1f9: {  	[tilespmem:s28+$0x8810] =	vst v0;
	v0 =	vadd.f32 v56, v42;
	v56 =	vld [tilespmem:s28+$0x8C00]  }
0x1fa: {  	[tilespmem:s28+$0x8820] =	vst v55;
	v55 =	vadd.f32 v57, v43;
	v57 =	vld [tilespmem:s28+$0x8C10]  }
0x1fb: {  	[tilespmem:s28+$0x8830] =	vst v0;
	v0 =	vadd.f32 v58, v45;
	v58 =	vld [tilespmem:s28+$0x8C20]  }
0x1fc: {  	[tilespmem:s28+$0x8840] =	vst v55;
	v55 =	vadd.f32 v60, v46;
	v60 =	vld [tilespmem:s28+$0x8C30]  }
0x1fd: {  	[tilespmem:s28+$0x8850] =	vst v0;
	v0 =	vadd.f32 v59, v47;
	v61 =	vld [tilespmem:s28+$0x8C40]  }
0x1fe: {  	[tilespmem:s28+$0x8860] =	vst v55;
	v55 =	vadd.f32 v56, v48;
	v56 =	vld [tilespmem:s28+$0x8C50]  }
.Ltmp1:
0x1ff: {  	[tilespmem:s28+$0x8870] =	vst v0;
	v0 =	vadd.f32 v57, v50;
	v59 =	vld [tilespmem:s28+$0x8C60];
	(pc) =	sbr.rel @p0 .LBB2_5-.Ltmp1, $4  }
0x200: {  	[tilespmem:s28+$0x8C00] =	vst v55;
	v55 =	vadd.f32 v58, v51;
	v58 =	vld [tilespmem:s28+$0x8C70]  }
0x201: {  	[tilespmem:s28+$0x8C10] =	vst v0;
	v0 =	vadd.f32 v60, v52;
	v57 =	vld [tilespmem:s28+$0x9000]  }
0x202: {  	[tilespmem:s28+$0x8C20] =	vst v55;
	v61 =	vadd.f32 v61, v53;
	v55 =	vld [tilespmem:s28+$0x9010]  }
0x203: {  	s29 =	sadd.s32 $0x1, s29;
	[tilespmem:s28+$0x8C30] =	vst v0;
	v60 =	vadd.f32 v56, v54;
	v56 =	vld [tilespmem:s28+$0x9020]  }
0x204: {  	s26 =	sor.u32 $0x20, s25  }
0x205: {  	v7 =	vmov s26  }
0x206: {  	v7 =	vshll.u32 v7, $0x7  }
0x207: {  	v7 =	vor.u32 v4, v7  }
0x208: {  	[tilespmem:s28+$0x8C40] =	vst v61;
	v0 =	vld [tilespmem:s28+$0x9030];
	v8 =	vadd.f32 v59, v49;
	v7 =	vadd.s32 v6, v7  }
0x209: {  	v9 =	vld [tilespmem:s28+$0x9040];
	[tilespmem:s28+$0x8C50] =	vst v60;
	v10 =	vadd.f32 v58, v44;
	v7 =	vshrl.u32 v7, $0x3  }
0x20a: {  	[tilespmem:s28+$0x8C60] =	vst v8;
	v8 =	vld [tilespmem:s28+$0x9050];
	v11 =	vadd.f32 v57, v39;
	v7 =	vmul.u32 $0x30, v7  }
0x20b: {  	v12 =	vld [tilespmem:s28+$0x9060];
	[tilespmem:s28+$0x8C70] =	vst v10;
	v10 =	vadd.f32 v55, v37  }
0x20c: {  	v13 =	vld [tilespmem:s28+$0x9070];
	[tilespmem:s28+$0x9000] =	vst v11;
	v11 =	vadd.f32 v56, v35;
	v7 =	vor.u32 v5, v7  }
0x20d: {  	[tilespmem:s28+$0x9010] =	vst v10;
	v0 =	vadd.f32 v0, v27;
	v10 =	vperm.xlane v7, v1  }
0x20e: {  	v9 =	vadd.f32 v9, v28;
	[tilespmem:s28+$0x9020] =	vst v11  }
0x20f: {  	[tilespmem:s28+$0x9030] =	vst v0;
	v0 =	vadd.f32 v8, v33;
	v8 =	vadd.s32 v2, v10  }
0x210: {  	s30 =	sor.u32 $0x30, s25;
	[tilespmem:s28+$0x9040] =	vst v9;
	v9 =	vadd.f32 v12, v30  }
0x211: {  	[tilespmem:s28+$0x9050] =	vst v0;
	v0 =	vadd.f32 v13, v31;
	v10 =	vmov s30  }
0x212: {  	[tilespmem:s28+$0x9060] =	vst v9;
	v9 =	vshll.u32 v10, $0x7  }
0x213: {  	s31 =	simm.s32 $0x7C00;
	[tilespmem:s28+$0x9070] =	vst v0;
	v0 =	vperm.xlane v7, v3;
	v7 =	vor.u32 v4, v9  }
0x214: {  	v7 =	vadd.s32 v6, v7;
	[hbm4b:s2+s4] =	stream.indirect_vreg.scatter [tilespmem:s31], [sflag:$0x2], $0x80, v8, vm0, $0xb8;
	[tilespmem:$0x19C00] =	vst v63  }
0x215: {  	s26 =	simm.s32 $0x8400;
	v0 =	vadd.s32 v2, v0;
	v7 =	vshrl.u32 v7, $0x3  }
0x216: {  	v7 =	vmul.u32 $0x30, v7;
	[hbm4b:s10+s4] =	stream.indirect_vreg.scatter [tilespmem:s26], [sflag:$0x2], $0x80, v8, vm0, $0xb8;
	[tilespmem:$0x19C00] =	vst v63  }
0x217: {  	s30 =	simm.s32 $0x8C00  }
0x218: {  	v7 =	vor.u32 v5, v7;
	[hbm4b:s11+s4] =	stream.indirect_vreg.scatter [tilespmem:s30], [sflag:$0x2], $0x80, v8, vm0, $0xb8;
	[tilespmem:$0x19C00] =	vst v63  }
0x219: {  	s31 =	simm.s32 $0x9400;
	v8 =	vperm.xlane v7, v1  }
0x21a: {  	[hbm4b:s2+s4] =	stream.indirect_vreg.scatter [tilespmem:s31], [sflag:$0x2], $0x80, v0, vm0, $0xb8;
	[tilespmem:$0x19C00] =	vst v63  }
0x21b: {  	s26 =	simm.s32 $0x9C00;
	v8 =	vadd.s32 v2, v8  }
0x21c: {  	[hbm4b:s10+s4] =	stream.indirect_vreg.scatter [tilespmem:s26], [sflag:$0x2], $0x80, v0, vm0, $0xb8;
	[tilespmem:$0x19C00] =	vst v63  }
0x21d: {  	s30 =	simm.s32 $0xA400  }
0x21e: {  	[hbm4b:s11+s4] =	stream.indirect_vreg.scatter [tilespmem:s30], [sflag:$0x2], $0x80, v0, vm0, $0xb8;
	[tilespmem:$0x19C00] =	vst v63  }
0x21f: {  	s31 =	simm.s32 $0xAC00;
	v0 =	vperm.xlane v7, v3  }
0x220: {  	[hbm4b:s2+s4] =	stream.indirect_vreg.scatter [tilespmem:s31], [sflag:$0x2], $0x80, v8, vm0, $0xb8;
	[tilespmem:$0x19C00] =	vst v63  }
0x221: {  	s26 =	simm.s32 $0xB400;
	v0 =	vadd.s32 v2, v0  }
0x222: {  	[hbm4b:s10+s4] =	stream.indirect_vreg.scatter [tilespmem:s26], [sflag:$0x2], $0x80, v8, vm0, $0xb8;
	[tilespmem:$0x19C00] =	vst v63  }
0x223: {  	s30 =	simm.s32 $0xBC00  }
0x224: {  	[hbm4b:s11+s4] =	stream.indirect_vreg.scatter [tilespmem:s30], [sflag:$0x2], $0x80, v8, vm0, $0xb8;
	[tilespmem:$0x19C00] =	vst v63  }
0x225: {  	s31 =	simm.s32 $0xC400  }
0x226: {  	[hbm4b:s2+s4] =	stream.indirect_vreg.scatter [tilespmem:s31], [sflag:$0x2], $0x80, v0, vm0, $0xb8;
	[tilespmem:$0x19C00] =	vst v63  }
0x227: {  	s26 =	simm.s32 $0xCC00  }
0x228: {  	[hbm4b:s10+s4] =	stream.indirect_vreg.scatter [tilespmem:s26], [sflag:$0x2], $0x80, v0, vm0, $0xb8;
	[tilespmem:$0x19C00] =	vst v63  }
0x229: {  	s30 =	simm.s32 $0xD400  }
0x22a: {  	[hbm4b:s11+s4] =	stream.indirect_vreg.scatter [tilespmem:s30], [sflag:$0x2], $0x80, v0, vm0, $0xb8;
	[tilespmem:$0x19C00] =	vst v63  }
0x22b: {  	_ =	swait.ge [sflag:s18], $0x6000  }
0x22c: {  	[sflag:s18] =	ssyncset.done $0x0  }
0x22d: {  	[sflag:s18] =	ssyncadd.s32 $0xFFFFA000  }
0x22e: {  	p0 =	seq.s32 s21, $0x1F;
	_ =	swait.ge [sflag:s20], $0x6000  }
0x22f: {  	s25 =	sshll.u32 @!p0 s21, $0x7;
	[sflag:s20] =	ssyncset.done $0x0  }
0x230: {  	s25 =	sand.u32 @!p0 $0x3FFFFF80, s25;
	[sflag:s20] =	ssyncadd.s32 $0xFFFFA000  }
0x231: {  	v0 =	vld @!p0 [tilespmem:s25+$0x80];
	_ =	sdelay $0x4  }
0x232: {  	v7 =	vshrl.u32 @!p0 v0, $0x3  }
0x233: {  	v7 =	vmul.u32 @!p0 $0x30, v7  }
0x234: {  	v8 =	vlaneseq.u32 @!p0;
	v0 =	vand.u32 @!p0 $0x7, v0  }
0x235: {  	v9 =	vshrl.u32 @!p0 v8, $0x3;
	v0 =	vor.u32 @!p0 v0, v7;
	v7 =	vand.u32 @!p0 $0x7, v8  }
0x236: {  	v9 =	vmul.u32 @!p0 $0x8, v9;
	v10 =	vperm.xlane @!p0 v0, v7;
	_ =	sdelay $0x1  }
0x237: {  	v10 =	vadd.s32 @!p0 v9, v10;
	_ =	sdelay $0x2  }
0x238: {  	v8 =	vor.u32 @!p0 $0x8, v8  }
0x239: {  	vm1 =	vmmov @!p0 $0xffff;
	s28 =	simm.s32 @!p0 $0x1C00;
	s26 =	simm.s32 @!p0 $0x0;
	v0 =	vperm.xlane @!p0 v0, v8  }
0x23a: {  	[tilespmem:s28], [sflag:$0x1] =	stream.indirect_vreg.gather @!p0 [hbm4b:s1+s26], $0x80, v10, vm1, $0xb8;
	[tilespmem:$0x19C00] =	vst v63  }
0x23b: {  	v0 =	vadd.s32 @!p0 v9, v0;
	s28 =	simm.s32 @!p0 $0x2400  }
0x23c: {  	[tilespmem:s28], [sflag:$0x1] =	stream.indirect_vreg.gather @!p0 [hbm4b:s8+s26], $0x80, v10, vm1, $0xb8;
	[tilespmem:$0x19C00] =	vst v63  }
0x23d: {  	s28 =	simm.s32 @!p0 $0x2C00  }
0x23e: {  	[tilespmem:s28], [sflag:$0x1] =	stream.indirect_vreg.gather @!p0 [hbm4b:s9+s26], $0x80, v10, vm1, $0xb8;
	[tilespmem:$0x19C00] =	vst v63  }
0x23f: {  	s28 =	simm.s32 @!p0 $0x3400  }
0x240: {  	[tilespmem:s28], [sflag:$0x1] =	stream.indirect_vreg.gather @!p0 [hbm4b:s1+s26], $0x80, v0, vm1, $0xb8;
	[tilespmem:$0x19C00] =	vst v63  }
0x241: {  	s28 =	simm.s32 @!p0 $0x3C00  }
0x242: {  	[tilespmem:s28], [sflag:$0x1] =	stream.indirect_vreg.gather @!p0 [hbm4b:s8+s26], $0x80, v0, vm1, $0xb8;
	[tilespmem:$0x19C00] =	vst v63  }
0x243: {  	s28 =	simm.s32 @!p0 $0x4400  }
0x244: {  	[tilespmem:s28], [sflag:$0x1] =	stream.indirect_vreg.gather @!p0 [hbm4b:s9+s26], $0x80, v0, vm1, $0xb8;
	[tilespmem:$0x19C00] =	vst v63  }
0x245: {  	v0 =	vld @!p0 [tilespmem:s25+$0x90];
	_ =	sdelay $0x4  }
0x246: {  	v10 =	vshrl.u32 @!p0 v0, $0x3  }
0x247: {  	v10 =	vmul.u32 @!p0 $0x30, v10  }
0x248: {  	v0 =	vand.u32 @!p0 $0x7, v0  }
0x249: {  	v0 =	vor.u32 @!p0 v0, v10  }
0x24a: {  	v7 =	vperm.xlane @!p0 v0, v7;
	_ =	sdelay $0x1  }
0x24b: {  	v7 =	vadd.s32 @!p0 v9, v7;
	_ =	sdelay $0x3  }
0x24c: {  	s28 =	simm.s32 @!p0 $0x4C00;
	v0 =	vperm.xlane @!p0 v0, v8  }
0x24d: {  	[tilespmem:s28], [sflag:$0x1] =	stream.indirect_vreg.gather @!p0 [hbm4b:s1+s26], $0x80, v7, vm1, $0xb8;
	[tilespmem:$0x19C00] =	vst v63  }
0x24e: {  	v0 =	vadd.s32 @!p0 v9, v0;
	s28 =	simm.s32 @!p0 $0x5400  }
0x24f: {  	[tilespmem:s28], [sflag:$0x1] =	stream.indirect_vreg.gather @!p0 [hbm4b:s8+s26], $0x80, v7, vm1, $0xb8;
	[tilespmem:$0x19C00] =	vst v63  }
0x250: {  	s28 =	simm.s32 @!p0 $0x5C00  }
0x251: {  	[tilespmem:s28], [sflag:$0x1] =	stream.indirect_vreg.gather @!p0 [hbm4b:s9+s26], $0x80, v7, vm1, $0xb8;
	[tilespmem:$0x19C00] =	vst v63  }
0x252: {  	s28 =	simm.s32 @!p0 $0x6400  }
0x253: {  	[tilespmem:s28], [sflag:$0x1] =	stream.indirect_vreg.gather @!p0 [hbm4b:s1+s26], $0x80, v0, vm1, $0xb8;
	[tilespmem:$0x19C00] =	vst v63  }
0x254: {  	s28 =	simm.s32 @!p0 $0x6C00  }
0x255: {  	[tilespmem:s28], [sflag:$0x1] =	stream.indirect_vreg.gather @!p0 [hbm4b:s8+s26], $0x80, v0, vm1, $0xb8;
	[tilespmem:$0x19C00] =	vst v63  }
0x256: {  	s28 =	simm.s32 @!p0 $0x7400  }
0x257: {  	[tilespmem:s28], [sflag:$0x1] =	stream.indirect_vreg.gather @!p0 [hbm4b:s9+s26], $0x80, v0, vm1, $0xb8;
	[tilespmem:$0x19C00] =	vst v63  }
0x258: {  	v7 =	vld [tilespmem:s22+$0x1000]  }
0x259: {  	v8 =	vld [tilespmem:s22+$0x1010]  }
0x25a: {  	v9 =	vld [tilespmem:s22+$0x1020]  }
0x25b: {  	v10 =	vld [tilespmem:s22+$0x1030]  }
0x25c: {  	v11 =	vld [tilespmem:s22+$0x1040]  }
0x25d: {  	v12 =	vld [tilespmem:s22+$0x1050]  }
0x25e: {  	v13 =	vld [tilespmem:s22+$0x1060]  }
0x25f: {  	v14 =	vld [tilespmem:s22+$0x1070]  }
0x260: {  	v15 =	vld [tilespmem:s22+$0x1200]  }
0x261: {  	v16 =	vld [tilespmem:s22+$0x1210]  }
0x262: {  	v17 =	vld [tilespmem:s22+$0x1220]  }
0x263: {  	v18 =	vld [tilespmem:s22+$0x1230]  }
0x264: {  	v19 =	vld [tilespmem:s22+$0x1240]  }
0x265: {  	v20 =	vld [tilespmem:s22+$0x1250]  }
0x266: {  	v21 =	vld [tilespmem:s22+$0x1260]  }
0x267: {  	v22 =	vld [tilespmem:s22+$0x1270]  }
0x268: {  	v23 =	vld [tilespmem:s22+$0x1400]  }
0x269: {  	v24 =	vld [tilespmem:s22+$0x1410]  }
0x26a: {  	v25 =	vld [tilespmem:s22+$0x1420]  }
0x26b: {  	v26 =	vld [tilespmem:s22+$0x1430]  }
0x26c: {  	v27 =	vld [tilespmem:s22+$0x1440]  }
0x26d: {  	v30 =	vld [tilespmem:s22+$0x1450]  }
0x26e: {  	v33 =	vld [tilespmem:s22+$0x1460]  }
0x26f: {  	v36 =	vld [tilespmem:s22+$0x1470]  }
0x270: {  	v38 =	vld [tilespmem:s22+$0x1600]  }
0x271: {  	v40 =	vld [tilespmem:s22+$0x1610]  }
0x272: {  	v41 =	vld [tilespmem:s22+$0x1620]  }
0x273: {  	v42 =	vld [tilespmem:s22+$0x1630]  }
0x274: {  	v43 =	vld [tilespmem:s22+$0x1640]  }
0x275: {  	v45 =	vld [tilespmem:s22+$0x1650]  }
0x276: {  	v46 =	vld [tilespmem:s22+$0x1660]  }
0x277: {  	v47 =	vld [tilespmem:s22+$0x1670]  }
0x278: {  	v48 =	vld [tilespmem:s22+$0x1800]  }
0x279: {  	v50 =	vld [tilespmem:s22+$0x1810]  }
0x27a: {  	v51 =	vld [tilespmem:s22+$0x1820]  }
0x27b: {  	v52 =	vld [tilespmem:s22+$0x1830]  }
0x27c: {  	v53 =	vld [tilespmem:s22+$0x1840]  }
0x27d: {  	v54 =	vld [tilespmem:s22+$0x1850]  }
0x27e: {  	v49 =	vld [tilespmem:s22+$0x1860]  }
0x27f: {  	v44 =	vld [tilespmem:s22+$0x1870]  }
0x280: {  	v39 =	vld [tilespmem:s22+$0x1A00]  }
0x281: {  	v37 =	vld [tilespmem:s22+$0x1A10]  }
0x282: {  	s31 =	simm.s32 $0x0;
	v34 =	vld [tilespmem:s22+$0x1A20]  }
0x283: {  	s26 =	smul.u32 $0x6000, s31;
	v28 =	vld [tilespmem:s22+$0x1A30]  }
0x284: {  	s28 =	simm.s32 $0x0;
	v29 =	vld [tilespmem:s22+$0x1A40]  }
0x285: {  	s29 =	sand.u32 $0x380, s28;
	v35 =	vld [tilespmem:s22+$0x1A50];
	s26 =	sshra.s32 s26, $0x2  }
0x286: {  	v31 =	vld [tilespmem:s22+$0x1A60];
	s26 =	sor.u32 s29, s26  }
0x287: {  	v0 =	vld [tilespmem:s26+$0xDC00]  }
0x288: {  	v32 =	vld [tilespmem:s22+$0x1A70]  }
0x289: {  	v60 =	vld [tilespmem:s26+$0xDC20]  }
0x28a: {  	v61 =	vld [tilespmem:s26+$0xDC30]  }
0x28b: {  	v58 =	vld [tilespmem:s26+$0xDC40]  }
0x28c: {  	v63 =	vld [tilespmem:s26+$0xDC10];
	v0 =	vadd.f32 v0, v7  }
0x28d: {  	v59 =	vld [tilespmem:s26+$0xDC60]  }
0x28e: {  	v56 =	vadd.f32 v60, v9;
	[tilespmem:s26+$0xDC00] =	vst v0;
	v0 =	vld [tilespmem:s26+$0xDC50]  }
0x28f: {  	v57 =	vadd.f32 v61, v10;
	v60 =	vld [tilespmem:s26+$0xDC70]  }
0x290: {  	v58 =	vadd.f32 v58, v11;
	[tilespmem:s26+$0xDC20] =	vst v56;
	v56 =	vld [tilespmem:s26+$0xE010]  }
0x291: {  	v55 =	vadd.f32 v63, v8;
	[tilespmem:s26+$0xDC30] =	vst v57;
	v57 =	vld [tilespmem:s26+$0xE020]  }
0x292: {  	v59 =	vadd.f32 v59, v13;
	[tilespmem:s26+$0xDC40] =	vst v58;
	v58 =	vld [tilespmem:s26+$0xE030]  }
0x293: {  	[tilespmem:s26+$0xDC10] =	vst v55;
	v55 =	vld [tilespmem:s26+$0xE000];
	v0 =	vadd.f32 v0, v12  }
0x294: {  	[tilespmem:s26+$0xDC60] =	vst v59;
	v59 =	vld [tilespmem:s26+$0xE050]  }
0x295: {  	v60 =	vadd.f32 v60, v14;
	[tilespmem:s26+$0xDC50] =	vst v0;
	v0 =	vld [tilespmem:s26+$0xE040]  }
0x296: {  	v56 =	vadd.f32 v56, v16;
	v62 =	vadd.f32 v57, v17;
	v57 =	vld [tilespmem:s26+$0xE060]  }
0x297: {  	[tilespmem:s26+$0xDC70] =	vst v60;
	v58 =	vadd.f32 v58, v18;
	v60 =	vld [tilespmem:s26+$0xE070]  }
0x298: {  	v55 =	vadd.f32 v55, v15;
	[tilespmem:s26+$0xE010] =	vst v56;
	v56 =	vld [tilespmem:s26+$0xE400]  }
0x299: {  	v59 =	vadd.f32 v59, v20;
	[tilespmem:s26+$0xE030] =	vst v58;
	v58 =	vld [tilespmem:s26+$0xE420]  }
0x29a: {  	[tilespmem:s26+$0xE000] =	vst v55;
	v55 =	vld [tilespmem:s26+$0xE410];
	v0 =	vadd.f32 v0, v19  }
0x29b: {  	[tilespmem:s26+$0xE050] =	vst v59;
	v59 =	vld [tilespmem:s26+$0xE440];
	v57 =	vadd.f32 v57, v21  }
0x29c: {  	[tilespmem:s26+$0xE040] =	vst v0;
	v0 =	vld [tilespmem:s26+$0xE430]  }
0x29d: {  	v60 =	vadd.f32 v60, v22;
	[tilespmem:s26+$0xE060] =	vst v57;
	v57 =	vld [tilespmem:s26+$0xE450]  }
0x29e: {  	[tilespmem:s26+$0xE020] =	vst v62;
	v56 =	vadd.f32 v56, v23;
	v63 =	vadd.f32 v58, v25;
	v58 =	vld [tilespmem:s26+$0xE460]  }
0x29f: {  	[tilespmem:s26+$0xE070] =	vst v60;
	v55 =	vadd.f32 v55, v24;
	v60 =	vld [tilespmem:s26+$0xE470]  }
0x2a0: {  	v59 =	vadd.f32 v59, v27;
	[tilespmem:s26+$0xE400] =	vst v56;
	v56 =	vld [tilespmem:s26+$0xE810]  }
0x2a1: {  	[tilespmem:s26+$0xE410] =	vst v55;
	v55 =	vld [tilespmem:s26+$0xE800];
	v0 =	vadd.f32 v0, v26  }
0x2a2: {  	[tilespmem:s26+$0xE440] =	vst v59;
	v59 =	vld [tilespmem:s26+$0xE830];
	v57 =	vadd.f32 v57, v30  }
0x2a3: {  	v58 =	vadd.f32 v58, v33;
	[tilespmem:s26+$0xE430] =	vst v0;
	v0 =	vld [tilespmem:s26+$0xE820]  }
0x2a4: {  	v60 =	vadd.f32 v60, v36;
	[tilespmem:s26+$0xE450] =	vst v57;
	v57 =	vld [tilespmem:s26+$0xE840]  }
0x2a5: {  	[tilespmem:s26+$0xE460] =	vst v58;
	v58 =	vld [tilespmem:s26+$0xE850];
	v56 =	vadd.f32 v56, v40  }
0x2a6: {  	v55 =	vadd.f32 v55, v38;
	[tilespmem:s26+$0xE470] =	vst v60;
	v60 =	vld [tilespmem:s26+$0xE870]  }
0x2a7: {  	v59 =	vadd.f32 v59, v42;
	[tilespmem:s26+$0xE810] =	vst v56;
	v56 =	vld [tilespmem:s26+$0xE860]  }
0x2a8: {  	[tilespmem:s26+$0xE800] =	vst v55;
	v55 =	vld [tilespmem:s26+$0xEC00];
	v0 =	vadd.f32 v0, v41  }
0x2a9: {  	[tilespmem:s26+$0xE830] =	vst v59;
	v59 =	vld [tilespmem:s26+$0xEC20]  }
0x2aa: {  	v57 =	vadd.f32 v57, v43;
	[tilespmem:s26+$0xE820] =	vst v0;
	v0 =	vld [tilespmem:s26+$0xEC10]  }
0x2ab: {  	[tilespmem:s26+$0xE420] =	vst v63;
	v58 =	vadd.f32 v58, v45  }
0x2ac: {  	v61 =	vld [tilespmem:s26+$0xEC30];
	[tilespmem:s26+$0xE840] =	vst v57;
	v56 =	vadd.f32 v56, v46  }
0x2ad: {  	v62 =	vld [tilespmem:s26+$0xEC40];
	v60 =	vadd.f32 v60, v47;
	[tilespmem:s26+$0xE850] =	vst v58  }
0x2ae: {  	v55 =	vadd.f32 v55, v48;
	[tilespmem:s26+$0xE860] =	vst v56;
	v56 =	vld [tilespmem:s26+$0xEC50]  }
0x2af: {  	[tilespmem:s26+$0xE870] =	vst v60;
	v63 =	vadd.f32 v59, v51;
	v59 =	vld [tilespmem:s26+$0xEC60];
	v0 =	vadd.f32 v0, v50  }
0x2b0: {  	v58 =	vld [tilespmem:s26+$0xEC70];
	[tilespmem:s26+$0xEC00] =	vst v55  }
0x2b1: {  	v57 =	vld [tilespmem:s26+$0xF000];
	[tilespmem:s26+$0xEC10] =	vst v0;
	v0 =	vadd.f32 v61, v52  }
0x2b2: {  	[tilespmem:s26+$0xEC20] =	vst v63;
	v55 =	vld [tilespmem:s26+$0xF010];
	v61 =	vadd.f32 v62, v53  }
0x2b3: {  	s29 =	simm.s32 $0x1;
	v60 =	vadd.f32 v56, v54;
	v56 =	vld [tilespmem:s26+$0xF020];
	[tilespmem:s26+$0xEC30] =	vst v0  }
.LBB2_7:
0x2b4: {  	s30 =	sshrl.u32 s29, $0x3;
	p1 =	sne.s32 s29, $0x1F;
	[tilespmem:s26+$0xEC40] =	vst v61;
	v0 =	vadd.f32 v59, v49;
	v59 =	vld [tilespmem:s26+$0xF030]  }
0x2b5: {  	s30 =	smul.u32 $0x6000, s30;
	[tilespmem:s26+$0xEC50] =	vst v60;
	v58 =	vadd.f32 v58, v44;
	v60 =	vld [tilespmem:s26+$0xF040]  }
0x2b6: {  	s28 =	sadd.s32 $0x80, s28;
	[tilespmem:s26+$0xEC60] =	vst v0;
	v0 =	vadd.f32 v57, v39;
	v57 =	vld [tilespmem:s26+$0xF050]  }
0x2b7: {  	s31 =	sand.u32 $0x380, s28;
	s30 =	sshra.s32 s30, $0x2;
	[tilespmem:s26+$0xEC70] =	vst v58;
	v55 =	vadd.f32 v55, v37;
	v58 =	vld [tilespmem:s26+$0xF060]  }
0x2b8: {  	s30 =	sor.u32 s31, s30;
	[tilespmem:s26+$0xF000] =	vst v0;
	v0 =	vadd.f32 v56, v34;
	v56 =	vld [tilespmem:s26+$0xF070]  }
0x2b9: {  	v61 =	vld [tilespmem:s30+$0xDC00];
	[tilespmem:s26+$0xF010] =	vst v55;
	v55 =	vadd.f32 v59, v28  }
0x2ba: {  	v59 =	vld [tilespmem:s30+$0xDC10];
	[tilespmem:s26+$0xF020] =	vst v0;
	v0 =	vadd.f32 v60, v29  }
0x2bb: {  	v60 =	vld [tilespmem:s30+$0xDC20];
	[tilespmem:s26+$0xF030] =	vst v55;
	v55 =	vadd.f32 v57, v35  }
0x2bc: {  	v57 =	vld [tilespmem:s30+$0xDC30];
	[tilespmem:s26+$0xF040] =	vst v0;
	v0 =	vadd.f32 v58, v31  }
0x2bd: {  	v58 =	vld [tilespmem:s30+$0xDC40];
	[tilespmem:s26+$0xF050] =	vst v55;
	v55 =	vadd.f32 v56, v32  }
0x2be: {  	v56 =	vadd.f32 v61, v7;
	v61 =	vld [tilespmem:s30+$0xDC50];
	[tilespmem:s26+$0xF060] =	vst v0  }
0x2bf: {  	v0 =	vadd.f32 v59, v8;
	v59 =	vld [tilespmem:s30+$0xDC60];
	[tilespmem:s26+$0xF070] =	vst v55;
	s26 =	smov.u32 s30  }
0x2c0: {  	[tilespmem:s26+$0xDC00] =	vst v56;
	v55 =	vadd.f32 v60, v9;
	v56 =	vld [tilespmem:s26+$0xDC70]  }
0x2c1: {  	[tilespmem:s26+$0xDC10] =	vst v0;
	v0 =	vadd.f32 v57, v10;
	v57 =	vld [tilespmem:s26+$0xE000]  }
0x2c2: {  	[tilespmem:s26+$0xDC20] =	vst v55;
	v55 =	vadd.f32 v58, v11;
	v58 =	vld [tilespmem:s26+$0xE010]  }
0x2c3: {  	[tilespmem:s26+$0xDC30] =	vst v0;
	v0 =	vadd.f32 v61, v12;
	v60 =	vld [tilespmem:s26+$0xE020]  }
0x2c4: {  	[tilespmem:s26+$0xDC40] =	vst v55;
	v55 =	vadd.f32 v59, v13;
	v59 =	vld [tilespmem:s26+$0xE030]  }
0x2c5: {  	[tilespmem:s26+$0xDC50] =	vst v0;
	v0 =	vadd.f32 v56, v14;
	v56 =	vld [tilespmem:s26+$0xE040]  }
0x2c6: {  	[tilespmem:s26+$0xDC60] =	vst v55;
	v55 =	vadd.f32 v57, v15;
	v57 =	vld [tilespmem:s26+$0xE050]  }
0x2c7: {  	[tilespmem:s26+$0xDC70] =	vst v0;
	v0 =	vadd.f32 v58, v16;
	v58 =	vld [tilespmem:s26+$0xE060]  }
0x2c8: {  	[tilespmem:s26+$0xE000] =	vst v55;
	v55 =	vadd.f32 v60, v17;
	v60 =	vld [tilespmem:s26+$0xE070]  }
0x2c9: {  	[tilespmem:s26+$0xE010] =	vst v0;
	v0 =	vadd.f32 v59, v18;
	v59 =	vld [tilespmem:s26+$0xE400]  }
0x2ca: {  	[tilespmem:s26+$0xE020] =	vst v55;
	v55 =	vadd.f32 v56, v19;
	v56 =	vld [tilespmem:s26+$0xE410]  }
0x2cb: {  	[tilespmem:s26+$0xE030] =	vst v0;
	v0 =	vadd.f32 v57, v20;
	v57 =	vld [tilespmem:s26+$0xE420]  }
0x2cc: {  	[tilespmem:s26+$0xE040] =	vst v55;
	v55 =	vadd.f32 v58, v21;
	v58 =	vld [tilespmem:s26+$0xE430]  }
0x2cd: {  	[tilespmem:s26+$0xE050] =	vst v0;
	v0 =	vadd.f32 v60, v22;
	v60 =	vld [tilespmem:s26+$0xE440]  }
0x2ce: {  	[tilespmem:s26+$0xE060] =	vst v55;
	v55 =	vadd.f32 v59, v23;
	v59 =	vld [tilespmem:s26+$0xE450]  }
0x2cf: {  	[tilespmem:s26+$0xE070] =	vst v0;
	v0 =	vadd.f32 v56, v24;
	v56 =	vld [tilespmem:s26+$0xE460]  }
0x2d0: {  	[tilespmem:s26+$0xE400] =	vst v55;
	v55 =	vadd.f32 v57, v25;
	v57 =	vld [tilespmem:s26+$0xE470]  }
0x2d1: {  	[tilespmem:s26+$0xE410] =	vst v0;
	v0 =	vadd.f32 v58, v26;
	v58 =	vld [tilespmem:s26+$0xE800]  }
0x2d2: {  	[tilespmem:s26+$0xE420] =	vst v55;
	v55 =	vadd.f32 v60, v27;
	v60 =	vld [tilespmem:s26+$0xE810]  }
0x2d3: {  	[tilespmem:s26+$0xE430] =	vst v0;
	v0 =	vadd.f32 v59, v30;
	v59 =	vld [tilespmem:s26+$0xE820]  }
0x2d4: {  	[tilespmem:s26+$0xE440] =	vst v55;
	v55 =	vadd.f32 v56, v33;
	v56 =	vld [tilespmem:s26+$0xE830]  }
0x2d5: {  	[tilespmem:s26+$0xE450] =	vst v0;
	v0 =	vadd.f32 v57, v36;
	v57 =	vld [tilespmem:s26+$0xE840]  }
0x2d6: {  	[tilespmem:s26+$0xE460] =	vst v55;
	v55 =	vadd.f32 v58, v38;
	v58 =	vld [tilespmem:s26+$0xE850]  }
0x2d7: {  	[tilespmem:s26+$0xE470] =	vst v0;
	v0 =	vadd.f32 v60, v40;
	v60 =	vld [tilespmem:s26+$0xE860]  }
0x2d8: {  	[tilespmem:s26+$0xE800] =	vst v55;
	v55 =	vadd.f32 v59, v41;
	v59 =	vld [tilespmem:s26+$0xE870]  }
0x2d9: {  	[tilespmem:s26+$0xE810] =	vst v0;
	v0 =	vadd.f32 v56, v42;
	v56 =	vld [tilespmem:s26+$0xEC00]  }
0x2da: {  	[tilespmem:s26+$0xE820] =	vst v55;
	v55 =	vadd.f32 v57, v43;
	v57 =	vld [tilespmem:s26+$0xEC10]  }
0x2db: {  	[tilespmem:s26+$0xE830] =	vst v0;
	v0 =	vadd.f32 v58, v45;
	v58 =	vld [tilespmem:s26+$0xEC20]  }
0x2dc: {  	[tilespmem:s26+$0xE840] =	vst v55;
	v55 =	vadd.f32 v60, v46;
	v60 =	vld [tilespmem:s26+$0xEC30]  }
0x2dd: {  	[tilespmem:s26+$0xE850] =	vst v0;
	v0 =	vadd.f32 v59, v47;
	v61 =	vld [tilespmem:s26+$0xEC40]  }
0x2de: {  	[tilespmem:s26+$0xE860] =	vst v55;
	v55 =	vadd.f32 v56, v48;
	v56 =	vld [tilespmem:s26+$0xEC50]  }
.Ltmp2:
0x2df: {  	[tilespmem:s26+$0xE870] =	vst v0;
	v0 =	vadd.f32 v57, v50;
	v59 =	vld [tilespmem:s26+$0xEC60];
	(pc) =	sbr.rel @p1 .LBB2_7-.Ltmp2, $4  }
0x2e0: {  	[tilespmem:s26+$0xEC00] =	vst v55;
	v55 =	vadd.f32 v58, v51;
	v58 =	vld [tilespmem:s26+$0xEC70]  }
0x2e1: {  	[tilespmem:s26+$0xEC10] =	vst v0;
	v0 =	vadd.f32 v60, v52;
	v57 =	vld [tilespmem:s26+$0xF000]  }
0x2e2: {  	[tilespmem:s26+$0xEC20] =	vst v55;
	v61 =	vadd.f32 v61, v53;
	v55 =	vld [tilespmem:s26+$0xF010]  }
0x2e3: {  	s29 =	sadd.s32 $0x1, s29;
	[tilespmem:s26+$0xEC30] =	vst v0;
	v60 =	vadd.f32 v56, v54;
	v56 =	vld [tilespmem:s26+$0xF020]  }
0x2e4: {  	s24 =	sand.u32 $0x3C0, s24  }
0x2e5: {  	v7 =	vmov s24  }
0x2e6: {  	v7 =	vshll.u32 v7, $0x7  }
0x2e7: {  	v7 =	vor.u32 v4, v7  }
0x2e8: {  	[tilespmem:s26+$0xEC40] =	vst v61;
	v0 =	vld [tilespmem:s26+$0xF030];
	v8 =	vadd.f32 v59, v49;
	v7 =	vadd.s32 v6, v7  }
0x2e9: {  	v9 =	vld [tilespmem:s26+$0xF040];
	[tilespmem:s26+$0xEC50] =	vst v60;
	v10 =	vadd.f32 v58, v44;
	v7 =	vshrl.u32 v7, $0x3  }
0x2ea: {  	[tilespmem:s26+$0xEC60] =	vst v8;
	v8 =	vld [tilespmem:s26+$0xF050];
	v11 =	vadd.f32 v57, v39;
	v7 =	vmul.u32 $0x30, v7  }
0x2eb: {  	v12 =	vld [tilespmem:s26+$0xF060];
	[tilespmem:s26+$0xEC70] =	vst v10;
	v10 =	vadd.f32 v55, v37  }
0x2ec: {  	v13 =	vld [tilespmem:s26+$0xF070];
	[tilespmem:s26+$0xF000] =	vst v11;
	v11 =	vadd.f32 v56, v34;
	v7 =	vor.u32 v5, v7  }
0x2ed: {  	[tilespmem:s26+$0xF010] =	vst v10;
	v0 =	vadd.f32 v0, v28;
	v10 =	vperm.xlane v7, v1  }
0x2ee: {  	v9 =	vadd.f32 v9, v29;
	[tilespmem:s26+$0xF020] =	vst v11  }
0x2ef: {  	[tilespmem:s26+$0xF030] =	vst v0;
	v0 =	vadd.f32 v8, v35;
	v8 =	vadd.s32 v2, v10  }
0x2f0: {  	s24 =	sor.u32 $0x10, s24;
	[tilespmem:s26+$0xF040] =	vst v9;
	v9 =	vadd.f32 v12, v31  }
0x2f1: {  	[tilespmem:s26+$0xF050] =	vst v0;
	v0 =	vadd.f32 v13, v32;
	v10 =	vmov s24  }
0x2f2: {  	[tilespmem:s26+$0xF060] =	vst v9;
	v9 =	vshll.u32 v10, $0x7  }
0x2f3: {  	s30 =	simm.s32 $0xDC00;
	[tilespmem:s26+$0xF070] =	vst v0;
	v0 =	vperm.xlane v7, v3;
	v7 =	vor.u32 v4, v9  }
0x2f4: {  	v7 =	vadd.s32 v6, v7;
	[hbm4b:s2+s4] =	stream.indirect_vreg.scatter [tilespmem:s30], [sflag:$0x2], $0x80, v8, vm0, $0xb8;
	[tilespmem:$0x19C00] =	vst v63  }
0x2f5: {  	s31 =	simm.s32 $0xE400;
	v0 =	vadd.s32 v2, v0;
	v7 =	vshrl.u32 v7, $0x3  }
0x2f6: {  	v7 =	vmul.u32 $0x30, v7;
	[hbm4b:s10+s4] =	stream.indirect_vreg.scatter [tilespmem:s31], [sflag:$0x2], $0x80, v8, vm0, $0xb8;
	[tilespmem:$0x19C00] =	vst v63  }
0x2f7: {  	s26 =	simm.s32 $0xEC00  }
0x2f8: {  	v7 =	vor.u32 v5, v7;
	[hbm4b:s11+s4] =	stream.indirect_vreg.scatter [tilespmem:s26], [sflag:$0x2], $0x80, v8, vm0, $0xb8;
	[tilespmem:$0x19C00] =	vst v63  }
0x2f9: {  	s28 =	simm.s32 $0xF400;
	v8 =	vperm.xlane v7, v1  }
0x2fa: {  	[hbm4b:s2+s4] =	stream.indirect_vreg.scatter [tilespmem:s28], [sflag:$0x2], $0x80, v0, vm0, $0xb8;
	[tilespmem:$0x19C00] =	vst v63  }
0x2fb: {  	s29 =	simm.s32 $0xFC00;
	v8 =	vadd.s32 v2, v8  }
0x2fc: {  	[hbm4b:s10+s4] =	stream.indirect_vreg.scatter [tilespmem:s29], [sflag:$0x2], $0x80, v0, vm0, $0xb8;
	[tilespmem:$0x19C00] =	vst v63  }
0x2fd: {  	s26 =	simm.s32 $0x10400  }
0x2fe: {  	[hbm4b:s11+s4] =	stream.indirect_vreg.scatter [tilespmem:s26], [sflag:$0x2], $0x80, v0, vm0, $0xb8;
	[tilespmem:$0x19C00] =	vst v63  }
0x2ff: {  	s28 =	simm.s32 $0x10C00;
	v0 =	vperm.xlane v7, v3  }
0x300: {  	[hbm4b:s2+s4] =	stream.indirect_vreg.scatter [tilespmem:s28], [sflag:$0x2], $0x80, v8, vm0, $0xb8;
	[tilespmem:$0x19C00] =	vst v63  }
0x301: {  	s29 =	simm.s32 $0x11400;
	v0 =	vadd.s32 v2, v0  }
0x302: {  	[hbm4b:s10+s4] =	stream.indirect_vreg.scatter [tilespmem:s29], [sflag:$0x2], $0x80, v8, vm0, $0xb8;
	[tilespmem:$0x19C00] =	vst v63  }
0x303: {  	s26 =	simm.s32 $0x11C00  }
0x304: {  	[hbm4b:s11+s4] =	stream.indirect_vreg.scatter [tilespmem:s26], [sflag:$0x2], $0x80, v8, vm0, $0xb8;
	[tilespmem:$0x19C00] =	vst v63  }
0x305: {  	s28 =	simm.s32 $0x12400  }
0x306: {  	[hbm4b:s2+s4] =	stream.indirect_vreg.scatter [tilespmem:s28], [sflag:$0x2], $0x80, v0, vm0, $0xb8;
	[tilespmem:$0x19C00] =	vst v63  }
0x307: {  	s29 =	simm.s32 $0x12C00  }
0x308: {  	[hbm4b:s10+s4] =	stream.indirect_vreg.scatter [tilespmem:s29], [sflag:$0x2], $0x80, v0, vm0, $0xb8;
	[tilespmem:$0x19C00] =	vst v63  }
0x309: {  	s26 =	simm.s32 $0x13400  }
0x30a: {  	[hbm4b:s11+s4] =	stream.indirect_vreg.scatter [tilespmem:s26], [sflag:$0x2], $0x80, v0, vm0, $0xb8;
	[tilespmem:$0x19C00] =	vst v63  }
0x30b: {  	_ =	swait.ge [sflag:s18], $0x6000  }
0x30c: {  	[sflag:s18] =	ssyncset.done $0x0  }
0x30d: {  	[sflag:s18] =	ssyncadd.s32 $0xFFFFA000  }
0x30e: {  	_ =	swait.ge [sflag:s20], $0x6000  }
0x30f: {  	[sflag:s20] =	ssyncset.done $0x0  }
0x310: {  	[sflag:s20] =	ssyncadd.s32 $0xFFFFA000  }
0x311: {  	v0 =	vld @!p0 [tilespmem:s25+$0xA0];
	_ =	sdelay $0x4  }
0x312: {  	v7 =	vshrl.u32 @!p0 v0, $0x3  }
0x313: {  	v7 =	vmul.u32 @!p0 $0x30, v7  }
0x314: {  	v8 =	vlaneseq.u32 @!p0;
	v0 =	vand.u32 @!p0 $0x7, v0  }
0x315: {  	v9 =	vshrl.u32 @!p0 v8, $0x3;
	v0 =	vor.u32 @!p0 v0, v7;
	v7 =	vand.u32 @!p0 $0x7, v8  }
0x316: {  	v9 =	vmul.u32 @!p0 $0x8, v9;
	v10 =	vperm.xlane @!p0 v0, v7;
	_ =	sdelay $0x1  }
0x317: {  	v10 =	vadd.s32 @!p0 v9, v10;
	_ =	sdelay $0x2  }
0x318: {  	v8 =	vor.u32 @!p0 $0x8, v8  }
0x319: {  	s24 =	simm.s32 @!p0 $0x0;
	s26 =	simm.s32 @!p0 $0x7C00;
	v0 =	vperm.xlane @!p0 v0, v8  }
0x31a: {  	[tilespmem:s26], [sflag:$0x1] =	stream.indirect_vreg.gather @!p0 [hbm4b:s1+s24], $0x80, v10, vm1, $0xb8;
	[tilespmem:$0x19C00] =	vst v63  }
0x31b: {  	v0 =	vadd.s32 @!p0 v9, v0;
	s26 =	simm.s32 @!p0 $0x8400  }
0x31c: {  	[tilespmem:s26], [sflag:$0x1] =	stream.indirect_vreg.gather @!p0 [hbm4b:s8+s24], $0x80, v10, vm1, $0xb8;
	[tilespmem:$0x19C00] =	vst v63  }
0x31d: {  	s26 =	simm.s32 @!p0 $0x8C00  }
0x31e: {  	[tilespmem:s26], [sflag:$0x1] =	stream.indirect_vreg.gather @!p0 [hbm4b:s9+s24], $0x80, v10, vm1, $0xb8;
	[tilespmem:$0x19C00] =	vst v63  }
0x31f: {  	s26 =	simm.s32 @!p0 $0x9400  }
0x320: {  	[tilespmem:s26], [sflag:$0x1] =	stream.indirect_vreg.gather @!p0 [hbm4b:s1+s24], $0x80, v0, vm1, $0xb8;
	[tilespmem:$0x19C00] =	vst v63  }
0x321: {  	s26 =	simm.s32 @!p0 $0x9C00  }
0x322: {  	[tilespmem:s26], [sflag:$0x1] =	stream.indirect_vreg.gather @!p0 [hbm4b:s8+s24], $0x80, v0, vm1, $0xb8;
	[tilespmem:$0x19C00] =	vst v63  }
0x323: {  	s26 =	simm.s32 @!p0 $0xA400  }
0x324: {  	[tilespmem:s26], [sflag:$0x1] =	stream.indirect_vreg.gather @!p0 [hbm4b:s9+s24], $0x80, v0, vm1, $0xb8;
	[tilespmem:$0x19C00] =	vst v63  }
0x325: {  	v0 =	vld @!p0 [tilespmem:s25+$0xB0];
	_ =	sdelay $0x4  }
0x326: {  	v10 =	vshrl.u32 @!p0 v0, $0x3  }
0x327: {  	v10 =	vmul.u32 @!p0 $0x30, v10  }
0x328: {  	v0 =	vand.u32 @!p0 $0x7, v0  }
0x329: {  	v0 =	vor.u32 @!p0 v0, v10  }
0x32a: {  	v7 =	vperm.xlane @!p0 v0, v7;
	_ =	sdelay $0x1  }
0x32b: {  	v7 =	vadd.s32 @!p0 v9, v7;
	_ =	sdelay $0x3  }
0x32c: {  	s25 =	simm.s32 @!p0 $0xAC00;
	v0 =	vperm.xlane @!p0 v0, v8  }
0x32d: {  	[tilespmem:s25], [sflag:$0x1] =	stream.indirect_vreg.gather @!p0 [hbm4b:s1+s24], $0x80, v7, vm1, $0xb8;
	[tilespmem:$0x19C00] =	vst v63  }
0x32e: {  	v0 =	vadd.s32 @!p0 v9, v0;
	s25 =	simm.s32 @!p0 $0xB400  }
0x32f: {  	[tilespmem:s25], [sflag:$0x1] =	stream.indirect_vreg.gather @!p0 [hbm4b:s8+s24], $0x80, v7, vm1, $0xb8;
	[tilespmem:$0x19C00] =	vst v63  }
0x330: {  	s25 =	simm.s32 @!p0 $0xBC00  }
0x331: {  	[tilespmem:s25], [sflag:$0x1] =	stream.indirect_vreg.gather @!p0 [hbm4b:s9+s24], $0x80, v7, vm1, $0xb8;
	[tilespmem:$0x19C00] =	vst v63  }
0x332: {  	s25 =	simm.s32 @!p0 $0xC400  }
0x333: {  	[tilespmem:s25], [sflag:$0x1] =	stream.indirect_vreg.gather @!p0 [hbm4b:s1+s24], $0x80, v0, vm1, $0xb8;
	[tilespmem:$0x19C00] =	vst v63  }
0x334: {  	s25 =	simm.s32 @!p0 $0xCC00  }
0x335: {  	[tilespmem:s25], [sflag:$0x1] =	stream.indirect_vreg.gather @!p0 [hbm4b:s8+s24], $0x80, v0, vm1, $0xb8;
	[tilespmem:$0x19C00] =	vst v63  }
0x336: {  	s25 =	simm.s32 @!p0 $0xD400  }
0x337: {  	[tilespmem:s25], [sflag:$0x1] =	stream.indirect_vreg.gather @!p0 [hbm4b:s9+s24], $0x80, v0, vm1, $0xb8;
	[tilespmem:$0x19C00] =	vst v63  }
0x338: {  	v13 =	vld [tilespmem:s22+$0x1000]  }
0x339: {  	v15 =	vld [tilespmem:s22+$0x1010]  }
0x33a: {  	v17 =	vld [tilespmem:s22+$0x1020]  }
0x33b: {  	v18 =	vld [tilespmem:s22+$0x1030]  }
0x33c: {  	v20 =	vld [tilespmem:s22+$0x1040]  }
0x33d: {  	v22 =	vld [tilespmem:s22+$0x1050]  }
0x33e: {  	v24 =	vld [tilespmem:s22+$0x1060]  }
0x33f: {  	v25 =	vld [tilespmem:s22+$0x1070]  }
0x340: {  	v26 =	vld [tilespmem:s22+$0x1200]  }
0x341: {  	v27 =	vld [tilespmem:s22+$0x1210]  }
0x342: {  	v28 =	vld [tilespmem:s22+$0x1220]  }
0x343: {  	v29 =	vld [tilespmem:s22+$0x1230]  }
0x344: {  	v30 =	vld [tilespmem:s22+$0x1240]  }
0x345: {  	v31 =	vld [tilespmem:s22+$0x1250]  }
0x346: {  	v33 =	vld [tilespmem:s22+$0x1260]  }
0x347: {  	v35 =	vld [tilespmem:s22+$0x1270]  }
0x348: {  	v36 =	vld [tilespmem:s22+$0x1400]  }
0x349: {  	v38 =	vld [tilespmem:s22+$0x1410]  }
0x34a: {  	v40 =	vld [tilespmem:s22+$0x1420]  }
0x34b: {  	v42 =	vld [tilespmem:s22+$0x1430]  }
0x34c: {  	v43 =	vld [tilespmem:s22+$0x1440]  }
0x34d: {  	v45 =	vld [tilespmem:s22+$0x1450]  }
0x34e: {  	v46 =	vld [tilespmem:s22+$0x1460]  }
0x34f: {  	v49 =	vld [tilespmem:s22+$0x1470]  }
0x350: {  	v50 =	vld [tilespmem:s22+$0x1600]  }
0x351: {  	v47 =	vld [tilespmem:s22+$0x1610]  }
0x352: {  	v48 =	vld [tilespmem:s22+$0x1620]  }
0x353: {  	v44 =	vld [tilespmem:s22+$0x1630]  }
0x354: {  	v51 =	vld [tilespmem:s22+$0x1640]  }
0x355: {  	v52 =	vld [tilespmem:s22+$0x1650]  }
0x356: {  	v54 =	vld [tilespmem:s22+$0x1660]  }
0x357: {  	v53 =	vld [tilespmem:s22+$0x1670]  }
0x358: {  	v41 =	vld [tilespmem:s22+$0x1800]  }
0x359: {  	v23 =	vld [tilespmem:s22+$0x1810]  }
0x35a: {  	v21 =	vld [tilespmem:s22+$0x1820]  }
0x35b: {  	v19 =	vld [tilespmem:s22+$0x1830]  }
0x35c: {  	v39 =	vld [tilespmem:s22+$0x1840]  }
0x35d: {  	v37 =	vld [tilespmem:s22+$0x1850]  }
0x35e: {  	v34 =	vld [tilespmem:s22+$0x1860]  }
0x35f: {  	v32 =	vld [tilespmem:s22+$0x1870]  }
0x360: {  	s28 =	simm.s32 $0x0;
	v12 =	vld [tilespmem:s22+$0x1A00]  }
0x361: {  	s24 =	smul.u32 $0x6000, s28;
	v7 =	vld [tilespmem:s22+$0x1A10]  }
0x362: {  	s25 =	simm.s32 $0x0;
	v8 =	vld [tilespmem:s22+$0x1A20]  }
0x363: {  	v9 =	vld [tilespmem:s22+$0x1A30];
	s29 =	sand.u32 $0x380, s25;
	s24 =	sshra.s32 s24, $0x2  }
0x364: {  	v10 =	vld [tilespmem:s22+$0x1A40];
	s24 =	sor.u32 s29, s24  }
0x365: {  	v0 =	vld [tilespmem:s24+$0x13C00]  }
0x366: {  	v16 =	vld [tilespmem:s22+$0x1A50]  }
0x367: {  	v14 =	vld [tilespmem:s22+$0x1A60]  }
0x368: {  	v11 =	vld [tilespmem:s22+$0x1A70];
	s26 =	sadd.s32 $0x13C00, s24  }
0x369: {  	v62 =	vld [tilespmem:s26+$0x70]  }
0x36a: {  	v56 =	vld [tilespmem:s26+$0x60];
	v0 =	vadd.f32 v0, v13  }
0x36b: {  	v57 =	vld [tilespmem:s26+$0x50]  }
0x36c: {  	[tilespmem:s24+$0x13C00] =	vst v0;
	v0 =	vld [tilespmem:s26+$0x40]  }
0x36d: {  	v58 =	vld [tilespmem:s26+$0x20]  }
0x36e: {  	v55 =	vadd.f32 v62, v25;
	v59 =	vld [tilespmem:s26+$0x10]  }
0x36f: {  	v56 =	vadd.f32 v56, v24;
	v60 =	vld [tilespmem:s26+$0x30]  }
0x370: {  	v57 =	vadd.f32 v57, v22;
	[tilespmem:s26+$0x70] =	vst v55  }
0x371: {  	[tilespmem:s26+$0x60] =	vst v56;
	v0 =	vadd.f32 v0, v20  }
0x372: {  	[tilespmem:s26+$0x50] =	vst v57;
	v63 =	vadd.f32 v58, v17  }
0x373: {  	v61 =	vadd.f32 v59, v15;
	[tilespmem:s26+$0x40] =	vst v0  }
0x374: {  	v0 =	vadd.f32 v60, v18;
	[tilespmem:s26+$0x20] =	vst v63  }
0x375: {  	[tilespmem:s26+$0x10] =	vst v61  }
0x376: {  	[tilespmem:s26+$0x30] =	vst v0  }
0x377: {  	v0 =	vld [tilespmem:s24+$0x14000];
	_ =	sdelay $0x2  }
0x378: {  	s28 =	sadd.s32 $0x14000, s24  }
0x379: {  	v55 =	vld [tilespmem:s28+$0x70]  }
0x37a: {  	v56 =	vld [tilespmem:s28+$0x60];
	v0 =	vadd.f32 v0, v26  }
0x37b: {  	v57 =	vld [tilespmem:s28+$0x50]  }
0x37c: {  	[tilespmem:s24+$0x14000] =	vst v0;
	v0 =	vld [tilespmem:s28+$0x40]  }
0x37d: {  	v58 =	vld [tilespmem:s28+$0x10]  }
0x37e: {  	v55 =	vadd.f32 v55, v35;
	v59 =	vld [tilespmem:s28+$0x20]  }
0x37f: {  	v56 =	vadd.f32 v56, v33;
	v60 =	vld [tilespmem:s28+$0x30]  }
0x380: {  	v57 =	vadd.f32 v57, v31;
	[tilespmem:s28+$0x70] =	vst v55  }
0x381: {  	[tilespmem:s28+$0x60] =	vst v56;
	v0 =	vadd.f32 v0, v30  }
0x382: {  	[tilespmem:s28+$0x50] =	vst v57;
	v62 =	vadd.f32 v58, v27  }
0x383: {  	v63 =	vadd.f32 v59, v28;
	[tilespmem:s28+$0x40] =	vst v0  }
0x384: {  	v0 =	vadd.f32 v60, v29;
	[tilespmem:s28+$0x10] =	vst v62  }
0x385: {  	[tilespmem:s28+$0x20] =	vst v63  }
0x386: {  	[tilespmem:s28+$0x30] =	vst v0  }
0x387: {  	v0 =	vld [tilespmem:s24+$0x14400];
	_ =	sdelay $0x2  }
0x388: {  	s29 =	sadd.s32 $0x14400, s24  }
0x389: {  	v55 =	vld [tilespmem:s29+$0x40]  }
0x38a: {  	v56 =	vld [tilespmem:s29+$0x50];
	v0 =	vadd.f32 v0, v36  }
0x38b: {  	v57 =	vld [tilespmem:s29+$0x60]  }
0x38c: {  	v58 =	vld [tilespmem:s29+$0x70];
	[tilespmem:s24+$0x14400] =	vst v0  }
0x38d: {  	v0 =	vld [tilespmem:s29+$0x30]  }
0x38e: {  	v55 =	vadd.f32 v55, v43;
	v59 =	vld [tilespmem:s29+$0x10]  }
0x38f: {  	v56 =	vadd.f32 v56, v45;
	v60 =	vld [tilespmem:s29+$0x20]  }
0x390: {  	v61 =	vadd.f32 v57, v46;
	[tilespmem:s29+$0x40] =	vst v55  }
0x391: {  	v62 =	vadd.f32 v58, v49;
	[tilespmem:s29+$0x50] =	vst v56  }
0x392: {  	[tilespmem:s29+$0x60] =	vst v61;
	v0 =	vadd.f32 v0, v42  }
0x393: {  	[tilespmem:s29+$0x70] =	vst v62;
	v63 =	vadd.f32 v59, v38  }
0x394: {  	v60 =	vadd.f32 v60, v40;
	[tilespmem:s29+$0x30] =	vst v0  }
0x395: {  	[tilespmem:s29+$0x10] =	vst v63  }
0x396: {  	[tilespmem:s29+$0x20] =	vst v60  }
0x397: {  	s26 =	sadd.s32 $0x14800, s24;
	v0 =	vld [tilespmem:s24+$0x14800]  }
0x398: {  	v56 =	vld [tilespmem:s26+$0x40]  }
0x399: {  	v62 =	vld [tilespmem:s26+$0x60]  }
0x39a: {  	v61 =	vld [tilespmem:s26+$0x50];
	_ =	sdelay $0x1  }
0x39b: {  	v0 =	vadd.f32 v0, v50  }
0x39c: {  	v63 =	vadd.f32 v56, v51  }
0x39d: {  	v55 =	vld [tilespmem:s26+$0x70];
	v59 =	vadd.f32 v62, v54;
	[tilespmem:s24+$0x14800] =	vst v0  }
0x39e: {  	v0 =	vadd.f32 v61, v52;
	[tilespmem:s26+$0x40] =	vst v63;
	v56 =	vld [tilespmem:s26+$0x10]  }
0x39f: {  	[tilespmem:s26+$0x60] =	vst v59;
	v58 =	vld [tilespmem:s26+$0x20]  }
0x3a0: {  	s22 =	simm.s32 $0x1;
	v57 =	vld [tilespmem:s26+$0x30];
	[tilespmem:s26+$0x50] =	vst v0  }
.LBB2_9:
0x3a1: {  	p0 =	sne.s32 s22, $0x1F  }
0x3a2: {  	s25 =	sadd.s32 $0x80, s25;
	s28 =	smov.u32 s22;
	s22 =	sadd.s32 $0x1, s22  }
0x3a3: {  	v0 =	vadd.f32 v55, v53  }
0x3a4: {  	v55 =	vadd.f32 v56, v47  }
0x3a5: {  	v56 =	vadd.f32 v58, v48;
	[tilespmem:s26+$0x70] =	vst v0  }
0x3a6: {  	[tilespmem:s26+$0x10] =	vst v55;
	v0 =	vadd.f32 v57, v44  }
0x3a7: {  	[tilespmem:s26+$0x20] =	vst v56  }
0x3a8: {  	[tilespmem:s26+$0x30] =	vst v0  }
0x3a9: {  	s29 =	sadd.s32 $0x14C00, s24;
	v0 =	vld [tilespmem:s24+$0x14C00]  }
0x3aa: {  	s26 =	sshrl.u32 s28, $0x3;
	v55 =	vld [tilespmem:s29+$0x40]  }
0x3ab: {  	s26 =	smul.u32 $0x6000, s26;
	v56 =	vld [tilespmem:s29+$0x50]  }
0x3ac: {  	v57 =	vld [tilespmem:s29+$0x60]  }
0x3ad: {  	s28 =	sand.u32 $0x380, s25;
	s26 =	sshra.s32 s26, $0x2;
	v58 =	vld [tilespmem:s29+$0x70]  }
0x3ae: {  	s28 =	sor.u32 s28, s26;
	v0 =	vadd.f32 v0, v41  }
0x3af: {  	v55 =	vadd.f32 v55, v39  }
0x3b0: {  	[tilespmem:s24+$0x14C00] =	vst v0;
	v0 =	vadd.f32 v56, v37  }
0x3b1: {  	v56 =	vld [tilespmem:s29+$0x10];
	[tilespmem:s29+$0x40] =	vst v55;
	v55 =	vadd.f32 v57, v34  }
0x3b2: {  	v57 =	vld [tilespmem:s29+$0x20];
	[tilespmem:s29+$0x50] =	vst v0;
	v0 =	vadd.f32 v58, v32  }
0x3b3: {  	v58 =	vld [tilespmem:s29+$0x30];
	[tilespmem:s29+$0x60] =	vst v55  }
0x3b4: {  	[tilespmem:s29+$0x70] =	vst v0;
	_ =	sdelay $0x1  }
0x3b5: {  	s26 =	sadd.s32 $0x13C00, s28;
	v0 =	vadd.f32 v56, v23  }
0x3b6: {  	v55 =	vadd.f32 v57, v21  }
0x3b7: {  	[tilespmem:s29+$0x10] =	vst v0;
	v0 =	vadd.f32 v58, v19  }
0x3b8: {  	[tilespmem:s29+$0x20] =	vst v55  }
0x3b9: {  	[tilespmem:s29+$0x30] =	vst v0  }
0x3ba: {  	s29 =	sadd.s32 $0x15000, s24;
	v0 =	vld [tilespmem:s24+$0x15000]  }
0x3bb: {  	v55 =	vld [tilespmem:s29+$0x50]  }
0x3bc: {  	v56 =	vld [tilespmem:s29+$0x60]  }
0x3bd: {  	v57 =	vld [tilespmem:s29+$0x70]  }
0x3be: {  	v58 =	vld [tilespmem:s29+$0x40]  }
0x3bf: {  	v0 =	vadd.f32 v0, v12  }
0x3c0: {  	v55 =	vadd.f32 v55, v16  }
0x3c1: {  	[tilespmem:s24+$0x15000] =	vst v0;
	v0 =	vadd.f32 v56, v14;
	s24 =	smov.u32 s28  }
0x3c2: {  	v56 =	vld [tilespmem:s29+$0x30];
	[tilespmem:s29+$0x50] =	vst v55;
	v55 =	vadd.f32 v57, v11  }
0x3c3: {  	v57 =	vld [tilespmem:s29+$0x20];
	v58 =	vadd.f32 v58, v10;
	[tilespmem:s29+$0x60] =	vst v0  }
0x3c4: {  	v0 =	vld [tilespmem:s29+$0x10];
	[tilespmem:s29+$0x70] =	vst v55  }
0x3c5: {  	[tilespmem:s29+$0x40] =	vst v58;
	_ =	sdelay $0x1  }
0x3c6: {  	v55 =	vadd.f32 v56, v9  }
0x3c7: {  	v56 =	vadd.f32 v57, v8  }
0x3c8: {  	v0 =	vadd.f32 v0, v7;
	[tilespmem:s29+$0x30] =	vst v55  }
0x3c9: {  	[tilespmem:s29+$0x20] =	vst v56  }
0x3ca: {  	[tilespmem:s29+$0x10] =	vst v0  }
0x3cb: {  	v0 =	vld [tilespmem:s24+$0x13C00];
	_ =	sdelay $0x3  }
0x3cc: {  	v55 =	vld [tilespmem:s26+$0x70]  }
0x3cd: {  	v0 =	vadd.f32 v0, v13;
	v56 =	vld [tilespmem:s26+$0x60]  }
0x3ce: {  	v57 =	vld [tilespmem:s26+$0x50]  }
0x3cf: {  	[tilespmem:s24+$0x13C00] =	vst v0;
	v0 =	vld [tilespmem:s26+$0x40]  }
0x3d0: {  	v58 =	vld [tilespmem:s26+$0x20]  }
0x3d1: {  	v59 =	vld [tilespmem:s26+$0x10];
	v55 =	vadd.f32 v55, v25  }
0x3d2: {  	v60 =	vld [tilespmem:s26+$0x30];
	v56 =	vadd.f32 v56, v24  }
0x3d3: {  	v57 =	vadd.f32 v57, v22;
	[tilespmem:s26+$0x70] =	vst v55  }
0x3d4: {  	v0 =	vadd.f32 v0, v20;
	[tilespmem:s26+$0x60] =	vst v56  }
0x3d5: {  	v55 =	vadd.f32 v58, v17;
	[tilespmem:s26+$0x50] =	vst v57  }
0x3d6: {  	v56 =	vadd.f32 v59, v15;
	[tilespmem:s26+$0x40] =	vst v0  }
0x3d7: {  	[tilespmem:s26+$0x20] =	vst v55;
	v0 =	vadd.f32 v60, v18  }
0x3d8: {  	[tilespmem:s26+$0x10] =	vst v56  }
0x3d9: {  	[tilespmem:s26+$0x30] =	vst v0  }
0x3da: {  	v0 =	vld [tilespmem:s24+$0x14000];
	_ =	sdelay $0x2  }
0x3db: {  	s26 =	sadd.s32 $0x14000, s24  }
0x3dc: {  	v55 =	vld [tilespmem:s26+$0x70]  }
0x3dd: {  	v0 =	vadd.f32 v0, v26;
	v56 =	vld [tilespmem:s26+$0x60]  }
0x3de: {  	v57 =	vld [tilespmem:s26+$0x50]  }
0x3df: {  	[tilespmem:s24+$0x14000] =	vst v0;
	v0 =	vld [tilespmem:s26+$0x40]  }
0x3e0: {  	v58 =	vld [tilespmem:s26+$0x10]  }
0x3e1: {  	v59 =	vld [tilespmem:s26+$0x20];
	v55 =	vadd.f32 v55, v35  }
0x3e2: {  	v60 =	vld [tilespmem:s26+$0x30];
	v56 =	vadd.f32 v56, v33  }
0x3e3: {  	v57 =	vadd.f32 v57, v31;
	[tilespmem:s26+$0x70] =	vst v55  }
0x3e4: {  	v0 =	vadd.f32 v0, v30;
	[tilespmem:s26+$0x60] =	vst v56  }
0x3e5: {  	v55 =	vadd.f32 v58, v27;
	[tilespmem:s26+$0x50] =	vst v57  }
0x3e6: {  	v56 =	vadd.f32 v59, v28;
	[tilespmem:s26+$0x40] =	vst v0  }
0x3e7: {  	[tilespmem:s26+$0x10] =	vst v55;
	v0 =	vadd.f32 v60, v29  }
0x3e8: {  	[tilespmem:s26+$0x20] =	vst v56  }
0x3e9: {  	[tilespmem:s26+$0x30] =	vst v0  }
0x3ea: {  	s26 =	sadd.s32 $0x14400, s24;
	v0 =	vld [tilespmem:s24+$0x14400]  }
0x3eb: {  	v55 =	vld [tilespmem:s26+$0x40]  }
0x3ec: {  	v56 =	vld [tilespmem:s26+$0x50]  }
0x3ed: {  	v57 =	vld [tilespmem:s26+$0x60]  }
0x3ee: {  	v58 =	vld [tilespmem:s26+$0x70]  }
0x3ef: {  	v0 =	vadd.f32 v0, v36  }
0x3f0: {  	v55 =	vadd.f32 v55, v43  }
0x3f1: {  	[tilespmem:s24+$0x14400] =	vst v0;
	v0 =	vadd.f32 v56, v45  }
0x3f2: {  	v56 =	vld [tilespmem:s26+$0x30];
	[tilespmem:s26+$0x40] =	vst v55;
	v55 =	vadd.f32 v57, v46  }
0x3f3: {  	v57 =	vld [tilespmem:s26+$0x10];
	[tilespmem:s26+$0x50] =	vst v0;
	v0 =	vadd.f32 v58, v49  }
0x3f4: {  	v58 =	vld [tilespmem:s26+$0x20];
	[tilespmem:s26+$0x60] =	vst v55  }
0x3f5: {  	[tilespmem:s26+$0x70] =	vst v0;
	_ =	sdelay $0x1  }
0x3f6: {  	v0 =	vadd.f32 v56, v42  }
0x3f7: {  	v55 =	vadd.f32 v57, v38  }
0x3f8: {  	v56 =	vadd.f32 v58, v40;
	[tilespmem:s26+$0x30] =	vst v0  }
0x3f9: {  	[tilespmem:s26+$0x10] =	vst v55  }
0x3fa: {  	[tilespmem:s26+$0x20] =	vst v56  }
0x3fb: {  	s26 =	sadd.s32 $0x14800, s24;
	v0 =	vld [tilespmem:s24+$0x14800]  }
0x3fc: {  	v56 =	vld [tilespmem:s26+$0x40]  }
0x3fd: {  	v57 =	vld [tilespmem:s26+$0x50]  }
0x3fe: {  	v58 =	vld [tilespmem:s26+$0x60]  }
0x3ff: {  	v55 =	vld [tilespmem:s26+$0x70]  }
0x400: {  	v0 =	vadd.f32 v0, v50  }
.Ltmp3:
0x401: {  	v59 =	vadd.f32 v56, v51;
	(pc) =	sbr.rel @p0 .LBB2_9-.Ltmp3, $4  }
0x402: {  	[tilespmem:s24+$0x14800] =	vst v0;
	v0 =	vadd.f32 v57, v52  }
0x403: {  	v56 =	vld [tilespmem:s26+$0x10];
	[tilespmem:s26+$0x40] =	vst v59;
	v59 =	vadd.f32 v58, v54  }
0x404: {  	v58 =	vld [tilespmem:s26+$0x20];
	[tilespmem:s26+$0x50] =	vst v0  }
0x405: {  	v57 =	vld [tilespmem:s26+$0x30];
	[tilespmem:s26+$0x60] =	vst v59  }
0x406: {  	_ = 	snop  }
0x407: {  	v0 =	vadd.f32 v55, v53  }
0x408: {  	v13 =	vadd.f32 v56, v47  }
0x409: {  	[tilespmem:s26+$0x70] =	vst v0;
	v15 =	vadd.f32 v58, v48  }
0x40a: {  	[tilespmem:s26+$0x10] =	vst v13;
	v0 =	vadd.f32 v57, v44  }
0x40b: {  	[tilespmem:s26+$0x20] =	vst v15  }
0x40c: {  	[tilespmem:s26+$0x30] =	vst v0  }
0x40d: {  	v0 =	vld [tilespmem:s24+$0x14C00];
	_ =	sdelay $0x2  }
0x40e: {  	s22 =	sadd.s32 $0x14C00, s24  }
0x40f: {  	v13 =	vld [tilespmem:s22+$0x40]  }
0x410: {  	v15 =	vld [tilespmem:s22+$0x50];
	v0 =	vadd.f32 v0, v41  }
0x411: {  	v17 =	vld [tilespmem:s22+$0x60]  }
0x412: {  	v18 =	vld [tilespmem:s22+$0x70];
	[tilespmem:s24+$0x14C00] =	vst v0  }
0x413: {  	v0 =	vld [tilespmem:s22+$0x10]  }
0x414: {  	v13 =	vadd.f32 v13, v39;
	v20 =	vld [tilespmem:s22+$0x20]  }
0x415: {  	v15 =	vadd.f32 v15, v37;
	v22 =	vld [tilespmem:s22+$0x30]  }
0x416: {  	v49 =	vadd.f32 v17, v34;
	[tilespmem:s22+$0x40] =	vst v13  }
0x417: {  	v50 =	vadd.f32 v18, v32;
	[tilespmem:s22+$0x50] =	vst v15  }
0x418: {  	[tilespmem:s22+$0x60] =	vst v49;
	v0 =	vadd.f32 v0, v23  }
0x419: {  	[tilespmem:s22+$0x70] =	vst v50;
	v51 =	vadd.f32 v20, v21  }
0x41a: {  	[tilespmem:s22+$0x10] =	vst v0;
	v0 =	vadd.f32 v22, v19  }
0x41b: {  	[tilespmem:s22+$0x20] =	vst v51  }
0x41c: {  	[tilespmem:s22+$0x30] =	vst v0  }
0x41d: {  	v0 =	vld [tilespmem:s24+$0x15000];
	_ =	sdelay $0x1  }
0x41e: {  	s28 =	sand.u32 $0x3E0, s23  }
0x41f: {  	s29 =	sadd.s32 $0x15000, s24;
	v52 =	vmov s28  }
0x420: {  	v13 =	vshll.u32 v52, $0x7;
	v15 =	vld [tilespmem:s29+$0x50]  }
0x421: {  	v54 =	vor.u32 v4, v13;
	v53 =	vld [tilespmem:s29+$0x60];
	v0 =	vadd.f32 v0, v12  }
0x422: {  	v55 =	vld [tilespmem:s29+$0x70];
	v12 =	vadd.s32 v6, v54  }
0x423: {  	v56 =	vld [tilespmem:s29+$0x40];
	[tilespmem:s24+$0x15000] =	vst v0;
	v0 =	vshrl.u32 v12, $0x3  }
0x424: {  	v57 =	vld [tilespmem:s29+$0x30];
	v0 =	vmul.u32 $0x30, v0  }
0x425: {  	v15 =	vadd.f32 v15, v16;
	v58 =	vld [tilespmem:s29+$0x20]  }
0x426: {  	v14 =	vadd.f32 v53, v14;
	v59 =	vld [tilespmem:s29+$0x10];
	v0 =	vor.u32 v5, v0  }
0x427: {  	v11 =	vadd.f32 v55, v11;
	[tilespmem:s29+$0x50] =	vst v15;
	v60 =	vperm.xlane v0, v1  }
0x428: {  	v10 =	vadd.f32 v56, v10;
	[tilespmem:s29+$0x60] =	vst v14  }
0x429: {  	[tilespmem:s29+$0x70] =	vst v11;
	v9 =	vadd.f32 v57, v9;
	v61 =	vadd.s32 v2, v60  }
0x42a: {  	s22 =	sor.u32 $0x10, s28;
	[tilespmem:s29+$0x40] =	vst v10;
	v8 =	vadd.f32 v58, v8  }
0x42b: {  	v62 =	vmov s22;
	v7 =	vadd.f32 v59, v7;
	[tilespmem:s29+$0x30] =	vst v9  }
0x42c: {  	v63 =	vshll.u32 v62, $0x7;
	[tilespmem:s29+$0x20] =	vst v8  }
0x42d: {  	v4 =	vor.u32 v4, v63;
	v0 =	vperm.xlane v0, v3;
	[tilespmem:s29+$0x10] =	vst v7  }
0x42e: {  	v4 =	vadd.s32 v6, v4;
	[hbm4b:s2+s4] =	stream.indirect_vreg.scatter [tilespmem:s0], [sflag:$0x2], $0x80, v61, vm0, $0xb8;
	[tilespmem:$0x19C00] =	vst v63  }
0x42f: {  	v4 =	vshrl.u32 v4, $0x3;
	v0 =	vadd.s32 v2, v0  }
0x430: {  	v4 =	vmul.u32 $0x30, v4;
	[hbm4b:s10+s4] =	stream.indirect_vreg.scatter [tilespmem:s3], [sflag:$0x2], $0x80, v61, vm0, $0xb8;
	[tilespmem:$0x19C00] =	vst v63  }
0x431: {  	_ = 	snop  }
0x432: {  	v4 =	vor.u32 v5, v4;
	[hbm4b:s11+s4] =	stream.indirect_vreg.scatter [tilespmem:s14], [sflag:$0x2], $0x80, v61, vm0, $0xb8;
	[tilespmem:$0x19C00] =	vst v63  }
0x433: {  	v5 =	vperm.xlane v4, v1  }
0x434: {  	[hbm4b:s2+s4] =	stream.indirect_vreg.scatter [tilespmem:s15], [sflag:$0x2], $0x80, v0, vm0, $0xb8;
	[tilespmem:$0x19C00] =	vst v63  }
0x435: {  	v5 =	vadd.s32 v2, v5  }
0x436: {  	[hbm4b:s10+s4] =	stream.indirect_vreg.scatter [tilespmem:s16], [sflag:$0x2], $0x80, v0, vm0, $0xb8;
	[tilespmem:$0x19C00] =	vst v63  }
0x437: {  	_ = 	snop  }
0x438: {  	[hbm4b:s11+s4] =	stream.indirect_vreg.scatter [tilespmem:s5], [sflag:$0x2], $0x80, v0, vm0, $0xb8;
	[tilespmem:$0x19C00] =	vst v63  }
0x439: {  	v0 =	vperm.xlane v4, v3  }
0x43a: {  	[hbm4b:s2+s4] =	stream.indirect_vreg.scatter [tilespmem:s7], [sflag:$0x2], $0x80, v5, vm0, $0xb8;
	[tilespmem:$0x19C00] =	vst v63  }
0x43b: {  	v0 =	vadd.s32 v2, v0  }
0x43c: {  	[hbm4b:s10+s4] =	stream.indirect_vreg.scatter [tilespmem:s12], [sflag:$0x2], $0x80, v5, vm0, $0xb8;
	[tilespmem:$0x19C00] =	vst v63  }
0x43d: {  	s21 =	sadd.s32 $0x1, s21  }
0x43e: {  	[hbm4b:s11+s4] =	stream.indirect_vreg.scatter [tilespmem:s13], [sflag:$0x2], $0x80, v5, vm0, $0xb8;
	[tilespmem:$0x19C00] =	vst v63  }
0x43f: {  	p0 =	sne.s32 s21, $0x20  }
0x440: {  	[hbm4b:s2+s4] =	stream.indirect_vreg.scatter [tilespmem:s17], [sflag:$0x2], $0x80, v0, vm0, $0xb8;
	[tilespmem:$0x19C00] =	vst v63  }
.Ltmp4:
0x441: {  	_ = 	snop;
	(pc) =	sbr.rel @p0 .LBB2_2-.Ltmp4, $4  }
0x442: {  	_ = 	snop  }
0x443: {  	[hbm4b:s10+s4] =	stream.indirect_vreg.scatter [tilespmem:s6], [sflag:$0x2], $0x80, v0, vm0, $0xb8;
	[tilespmem:$0x19C00] =	vst v63  }
0x444: {  	_ = 	snop  }
0x445: {  	[hbm4b:s11+s4] =	stream.indirect_vreg.scatter [tilespmem:s19], [sflag:$0x2], $0x80, v0, vm0, $0xb8;
	[tilespmem:$0x19C00] =	vst v63  }
0x446: {  	_ =	swait.ge [sflag:s20], $0x6000  }
0x447: {  	[sflag:s20] =	ssyncset.done $0x0  }
0x448: {  	[sflag:s20] =	ssyncadd.s32 $0xFFFFA000  }
0x449: {  	_ =	swait.ge [sflag:s20], $0x6000  }
0x44a: {  	s22 =	rddreg [dreg:$0x9]  }
0x44b: {  	s21 =	rddreg [dreg:$0x8];
	s22 =	sadd.s32 $0x1, s22  }
0x44c: {  	p0 =	sne.s32 s22, s21  }
.Ltmp5:
0x44d: {  	_ = 	snop;
	(pc) =	sbr.rel @p0 .LBB2_1-.Ltmp5, $3  }
0x44e: {  	_ =	sdelay $0x1  }
0x44f: {  	[sflag:s20] =	ssyncset.done $0x0  }
0x450: {  	[sflag:s20] =	ssyncadd.s32 $0xFFFFA000  }
0x451: {  	_ =	sfence.sel $0x180000  }
0x452: {  	[bflag:$0x0] =	sbarrier.arrive $0xFFFF  }
0x453: {  	_ =	strace $0x90000047  }
0x454: {  	s0 =	stileid.u32;
	[bflag:$0x2] =	sbarrier.arrive $0xFFFF  }
0x455: {  	p0 =	sne.s32 s0, $0x0;
	s0 =	rddreg [dreg:$0x4]  }
0x456: {  	s0 =	sadd.s32 @!p0 $0x100000, s0  }
0x457: {  	[sflag:s0] =	ssyncadd.tile.s32 @!p0 $0x1;
	_ =	shalt  }
.Lfunc_end2:
_tile_overlayer_lowered:
.L_overlay_start_2:
0x458: {  	(tag) =	ssettag $0x2  }
0x459: {  	s0 =	rddreg [dreg:$0x0];
	s2 =	stileid.u32  }
0x45a: {  	s1 =	rddreg [dreg:$0x1];
	p0 =	sne.s32 s2, $0x0  }
0x45b: {  	s3 =	rddreg [dreg:$0x2];
	[bflag:$0x3] =	sbarrier.arrive $0xFFFF;
	s2 =	simm.s32 @!p0 $0x1C03  }
0x45c: {  	[timem:s3], [sflag:s2] =	dma.local @!p0 [hbm:s0], s1  }
0x45d: {  	s0 =	simm.s32 @!p0 $0x3  }
0x45e: {  	_ =	swait.ge @!p0 [sflag:s0], s1  }
0x45f: {  	s1 =	ssub.s32 @!p0 $0x0, s1;
	[sflag:s0] =	ssyncset.done @!p0 $0x0  }
0x460: {  	[sflag:s0] =	ssyncadd.s32 @!p0 s1  }
0x461: {  	[bflag:$0x3] =	sbarrier.arrive $0xFFFF  }
0x462: {  	_ =	shalt  }

</sc_bundles>
